<compile_context>
chip_gen: v7x
topology: tpu7x:2x2x1
jax: 0.10.2.dev20260603
libtpu: 0.0.44.dev20260713+nightly
codegen_flags: <defaults>
</compile_context>

<pallas_src>
import functools

import jax
import jax.numpy as jnp
import numpy as np
from jax import lax
from jax.experimental import pallas as pl
from jax.experimental.pallas import tpu as pltpu
from jax.experimental.pallas import tpu_sc as plsc

N = 10000
E = 320000
D = 128
ET = E + N

NC = 2
NS = 16
NW = NC * NS
CHUNK = 128
CPW = 82
TOT = NW * CPW * CHUNK
NP = CPW // 2

R = 10112
PT = R // NW * NC
DEGW = 32

_PERM = np.zeros((D,), np.int32)
for _c in range(2):
    _PERM[64 * _c:64 * _c + 32] = 32 * _c + np.arange(32)
    _PERM[64 * _c + 32:64 * _c + 64] = D // 2 + 32 * _c + np.arange(32)

_SCALE1 = float(2 ** 11)
_SCALE2 = float(2 ** 13)


def _mesh():
    return plsc.VectorSubcoreMesh(
        core_axis_name="c", subcore_axis_name="s", num_cores=NC,
        num_subcores=NS)


def _make_deg_kernel():
    @functools.partial(
        pl.kernel,
        out_type=jax.ShapeDtypeStruct((NC, R, DEGW), jnp.int16),
        mesh=_mesh(),
        scratch_types=[
            pltpu.VMEM((CHUNK, DEGW), jnp.int16),
            pltpu.VMEM((CHUNK, DEGW), jnp.int16),
            pltpu.VMEM((2, CHUNK), jnp.int32),
            pltpu.VMEM_SHARED((R, DEGW), jnp.int16),
            pltpu.SemaphoreType.DMA,
            pltpu.SemaphoreType.DMA,
        ],
        compiler_params=pltpu.CompilerParams(use_tc_tiling_on_sc=False),
    )
    def deg_kernel(dst_hbm, out_hbm, ones_v, zeros_v, idx_v, acc,
                   ssemA, ssemB):
        cid = lax.axis_index("c")
        sid = lax.axis_index("s")
        wid = cid * NS + sid

        def init_body(i, _):
            for c in range(DEGW // 32):
                ones_v[i, pl.ds(c * 32, 32)] = jnp.full((32,), 1,
                                                        jnp.int16)
                zeros_v[i, pl.ds(c * 32, 32)] = jnp.zeros((32,), jnp.int16)
            return 0
        lax.fori_loop(0, CHUNK, init_body, 0)

        row0 = sid * PT
        for k in range(PT // CHUNK):
            pltpu.sync_copy(zeros_v, acc.at[pl.ds(row0 + k * CHUNK, CHUNK)])
        pltpu.sync_copy(zeros_v.at[pl.ds(0, PT - PT // CHUNK * CHUNK)],
                        acc.at[pl.ds(row0 + PT // CHUNK * CHUNK,
                                     PT - PT // CHUNK * CHUNK)])
        plsc.subcore_barrier()

        e0 = pl.multiple_of(wid * CPW * CHUNK, CHUNK)
        pltpu.sync_copy(dst_hbm.at[pl.ds(e0, CHUNK)], idx_v.at[0])

        def body(k, _):
            base = pl.multiple_of((wid * CPW + 2 * k) * CHUNK, CHUNK)
            pltpu.sync_copy(dst_hbm.at[pl.ds(base + CHUNK, CHUNK)],
                            idx_v.at[1])
            cpA = pltpu.async_copy(ones_v, acc.at[idx_v.at[0]], ssemA,
                                   add=True)
            cpB = pltpu.async_copy(ones_v, acc.at[idx_v.at[1]], ssemB,
                                   add=True)
            cpA.wait()

            @pl.when(k < NP - 1)
            def _prefetch():
                pltpu.sync_copy(dst_hbm.at[pl.ds(base + 2 * CHUNK, CHUNK)],
                                idx_v.at[0])
            cpB.wait()
            return 0
        lax.fori_loop(0, NP, body, 0)

        plsc.subcore_barrier()
        pltpu.sync_copy(acc.at[pl.ds(row0, PT)],
                        out_hbm.at[cid, pl.ds(row0, PT)])

    return deg_kernel


CPW2 = -(-ET // (NS * CHUNK))
NP2 = CPW2 // 2
WH = D // 4


def _make_agg_kernel():
    @functools.partial(
        pl.kernel,
        out_type=jax.ShapeDtypeStruct((NC, R, D // 2), jnp.float32),
        mesh=_mesh(),
        scratch_types=[
            pltpu.VMEM((2, CHUNK, WH), jnp.int32),
            pltpu.VMEM((2, CHUNK, D // 2), jnp.float32),
            pltpu.VMEM((2, CHUNK), jnp.int32),
            pltpu.VMEM((2, 2, CHUNK), jnp.int32),
            pltpu.VMEM_SHARED((R, WH), jnp.int32),
            pltpu.VMEM_SHARED((R, D // 2), jnp.float32),
            pltpu.SemaphoreType.DMA,
            pltpu.SemaphoreType.DMA,
            pltpu.SemaphoreType.DMA,
            pltpu.SemaphoreType.DMA,
        ],
        compiler_params=pltpu.CompilerParams(use_tc_tiling_on_sc=False),
    )
    def agg_kernel(g_hbm, src_hbm, dst_hbm, out_hbm,
                   prows_v, frows_v, sidx_v, didx_v, g_sp, acc,
                   gsemA, gsemB, ssemA, ssemB):
        cid = lax.axis_index("c")
        sid = lax.axis_index("s")

        row0 = sid * PT
        pltpu.sync_copy(g_hbm.at[cid, pl.ds(row0, PT)],
                        g_sp.at[pl.ds(row0, PT)])

        def zbody(i, _):
            for c in range(D // 32):
                frows_v[0, i, pl.ds(c * 16, 16)] = jnp.zeros((16,),
                                                             jnp.float32)
            return 0
        lax.fori_loop(0, CHUNK, zbody, 0)

        rem = PT - PT // CHUNK * CHUNK
        for k in range(PT // CHUNK):
            pltpu.sync_copy(frows_v.at[0],
                            acc.at[pl.ds(row0 + k * CHUNK, CHUNK)])
        pltpu.sync_copy(frows_v.at[0, pl.ds(0, rem)],
                        acc.at[pl.ds(row0 + PT // CHUNK * CHUNK, rem)])
        plsc.subcore_barrier()

        def unpack(b):
            @plsc.parallel_loop(0, CHUNK, unroll=8)
            def ubody(i):
                for c in range(WH // 16):
                    w = prows_v[b, i, pl.ds(16 * c, 16)]
                    frows_v[b, i, pl.ds(16 * c, 16)] = (
                        (w << 16) >> 16).astype(jnp.float32)
                    frows_v[b, i, pl.ds(WH + 16 * c, 16)] = (
                        w >> 16).astype(jnp.float32)

        e0 = pl.multiple_of(sid * CPW2 * CHUNK, CHUNK)
        pltpu.sync_copy(src_hbm.at[pl.ds(e0, CHUNK)], sidx_v.at[0])
        pltpu.sync_copy(dst_hbm.at[pl.ds(e0, CHUNK)], didx_v.at[0, 0])
        pltpu.async_copy(g_sp.at[sidx_v.at[0]], prows_v.at[0], gsemA)

        def body(k, _):
            p = k & 1
            base = pl.multiple_of((sid * CPW2 + 2 * k) * CHUNK, CHUNK)
            pltpu.sync_copy(src_hbm.at[pl.ds(base + CHUNK, CHUNK)],
                            sidx_v.at[1])
            pltpu.sync_copy(dst_hbm.at[pl.ds(base + CHUNK, CHUNK)],
                            didx_v.at[1, p])
            pltpu.async_copy(g_sp.at[sidx_v.at[1]], prows_v.at[1], gsemB)

            pltpu.make_async_copy(g_sp.at[sidx_v.at[0]], prows_v.at[0],
                                  gsemA).wait()

            @pl.when(k > 0)
            def _drainA():
                pltpu.make_async_copy(frows_v.at[0],
                                      acc.at[didx_v.at[0, 1 - p]],
                                      ssemA).wait()
            unpack(0)
            pltpu.async_copy(frows_v.at[0], acc.at[didx_v.at[0, p]],
                             ssemA, add=True)

            @pl.when(k < NP2 - 1)
            def _prefetch():
                pltpu.sync_copy(src_hbm.at[pl.ds(base + 2 * CHUNK, CHUNK)],
                                sidx_v.at[0])
                pltpu.sync_copy(dst_hbm.at[pl.ds(base + 2 * CHUNK, CHUNK)],
                                didx_v.at[0, 1 - p])
                pltpu.async_copy(g_sp.at[sidx_v.at[0]], prows_v.at[0],
                                 gsemA)

            pltpu.make_async_copy(g_sp.at[sidx_v.at[1]], prows_v.at[1],
                                  gsemB).wait()

            @pl.when(k > 0)
            def _drainB():
                pltpu.make_async_copy(frows_v.at[1],
                                      acc.at[didx_v.at[1, 1 - p]],
                                      ssemB).wait()
            unpack(1)
            pltpu.async_copy(frows_v.at[1], acc.at[didx_v.at[1, p]],
                             ssemB, add=True)
            return 0
        lax.fori_loop(0, NP2, body, 0)

        lastp = (NP2 - 1) & 1
        pltpu.make_async_copy(frows_v.at[0], acc.at[didx_v.at[0, lastp]],
                              ssemA).wait()
        pltpu.make_async_copy(frows_v.at[1], acc.at[didx_v.at[1, lastp]],
                              ssemB).wait()

        plsc.subcore_barrier()
        pltpu.sync_copy(acc.at[pl.ds(row0, PT)],
                        out_hbm.at[cid, pl.ds(row0, PT)])

    return agg_kernel


def _dinv_block(degp):
    deg = (degp[0, :, 0:1] + degp[1, :, 0:1]).astype(jnp.float32)
    return jnp.where(deg > 0.0, lax.rsqrt(jnp.maximum(deg, 1e-12)), 0.0)


def _pack_s16(g, scale):
    q = jnp.clip(jnp.round(g * scale), -32768.0, 32767.0).astype(jnp.int32)
    lo = q[:, :D // 2] & 0xFFFF
    hi = q[:, D // 2:] << 16
    return hi | lo


def _tc1_body(degp_ref, x_ref, w_ref, g_ref):
    dinv = _dinv_block(degp_ref[...])
    h = jnp.dot(x_ref[...], w_ref[...], preferred_element_type=jnp.float32)
    w = _pack_s16(h * dinv, _SCALE1)
    g_ref[0] = w[:, :WH]
    g_ref[1] = w[:, WH:]


def _tc2_body(aggp_ref, degp_ref, b1p_ref, w2p_ref, g_ref):
    dinv = _dinv_block(degp_ref[...])
    s = jnp.concatenate([aggp_ref[0], aggp_ref[1]], axis=1) * (1.0 / _SCALE1)
    h1 = jnp.maximum(s * dinv + b1p_ref[...], 0.0)
    w = _pack_s16(
        jnp.dot(h1, w2p_ref[...], preferred_element_type=jnp.float32) * dinv,
        _SCALE2)
    g_ref[0] = w[:, :WH]
    g_ref[1] = w[:, WH:]


def _tc3_body(aggp_ref, degp_ref, b2_ref, pinv_ref, out_ref):
    dinv = _dinv_block(degp_ref[...])
    s = jnp.concatenate([aggp_ref[0], aggp_ref[1]], axis=1)
    s = s * (dinv * (1.0 / _SCALE2))
    out_ref[...] = jnp.dot(s, pinv_ref[...],
                           preferred_element_type=jnp.float32) + b2_ref[...]


_TB = 1264


def _degp_spec():
    return pl.BlockSpec((NC, _TB, DEGW), lambda i: (0, i, 0))


def _aggp_spec():
    return pl.BlockSpec((NC, _TB, D // 2), lambda i: (0, i, 0))


def _row_spec():
    return pl.BlockSpec((_TB, D), lambda i: (i, 0))


def _full_spec():
    return pl.BlockSpec((D, D), lambda i: (0, 0))


def _bias_spec():
    return pl.BlockSpec((1, D), lambda i: (0, 0))


def _packed_spec():
    return pl.BlockSpec((NC, _TB, WH), lambda i: (0, i, 0))


def _tc1(degp, x_pad, W1):
    return pl.pallas_call(
        _tc1_body,
        out_shape=jax.ShapeDtypeStruct((NC, R, WH), jnp.int32),
        grid=(R // _TB,),
        in_specs=[_degp_spec(), _row_spec(), _full_spec()],
        out_specs=_packed_spec(),
    )(degp, x_pad, W1)


def _tc2(aggp, degp, b1p, W2p):
    return pl.pallas_call(
        _tc2_body,
        out_shape=jax.ShapeDtypeStruct((NC, R, WH), jnp.int32),
        grid=(R // _TB,),
        in_specs=[_aggp_spec(), _degp_spec(), _bias_spec(), _full_spec()],
        out_specs=_packed_spec(),
    )(aggp, degp, b1p, W2p)


def _tc3(aggp, degp, b2, pinv):
    return pl.pallas_call(
        _tc3_body,
        out_shape=jax.ShapeDtypeStruct((R, D), jnp.float32),
        grid=(R // _TB,),
        in_specs=[_aggp_spec(), _degp_spec(), _bias_spec(), _full_spec()],
        out_specs=_row_spec(),
    )(aggp, degp, b2, pinv)


def kernel(x, edge_index, W1, b1, W2, b2):
    loop = jnp.arange(N, dtype=jnp.int32)
    src = jnp.concatenate([edge_index[0].astype(jnp.int32), loop])
    dst = jnp.concatenate([edge_index[1].astype(jnp.int32), loop])
    src = jnp.pad(src, (0, TOT - ET))
    dst = jnp.pad(dst, (0, TOT - ET), constant_values=N)
    x_pad = jnp.pad(x, ((0, R - N), (0, 0)))

    perm = jnp.asarray(_PERM)
    pinv = jnp.asarray(
        (np.arange(D)[None, :] == _PERM[:, None]).astype(np.float32))

    degp = _make_deg_kernel()(dst)
    g1 = _tc1(degp, x_pad, W1)
    aggp1 = _make_agg_kernel()(g1, src, dst)
    g2 = _tc2(aggp1, degp, b1[perm].reshape(1, D), W2[perm, :])
    aggp2 = _make_agg_kernel()(g2, src, dst)
    out = _tc3(aggp2, degp, b2.reshape(1, D), pinv)
    return out[:N]

# --- scband reference (transcript-rebuilt; emitter-appended) ---
"""Pipeline reference for scband-gcn-7997229105681 (READ-ONLY COPY).

The authoritative reference and input builder live on the scoring server;
editing this copy changes nothing except your own understanding.
"""

import jax, jax.numpy as jnp
import numpy as np

N = 10000
E = 320000
D_IN = 128
D_HID = 128
D_OUT = 128


def setup_inputs(seed: int = 0):
    key = jax.random.key(seed)
    k1, k2, k3, k4, k5, k6 = jax.random.split(key, 6)
    x = jax.random.normal(k1, (N, D_IN), dtype=jnp.float32)
    edge_index = jax.random.randint(k2, (2, E), 0, N).astype(jnp.int64)
    # GCNConv params: lin weight (glorot) + bias (zeros-like init, use small normal)
    s1 = np.sqrt(6.0 / (D_IN + D_HID)).astype(np.float32)
    s2 = np.sqrt(6.0 / (D_HID + D_OUT)).astype(np.float32)
    W1 = jax.random.uniform(k3, (D_IN, D_HID), dtype=jnp.float32, minval=-s1, maxval=s1)
    b1 = jnp.zeros((D_HID,), dtype=jnp.float32)
    W2 = jax.random.uniform(k4, (D_HID, D_OUT), dtype=jnp.float32, minval=-s2, maxval=s2)
    b2 = jnp.zeros((D_OUT,), dtype=jnp.float32)
    return {"x": x, "edge_index": edge_index, "W1": W1, "b1": b1, "W2": W2, "b2": b2}


def _gcn_conv(x, src, dst, W, b):
    # symmetric normalization with self-loops already appended to src/dst
    deg = jnp.zeros((N,), dtype=x.dtype).at[dst].add(jnp.ones(src.shape[0], dtype=x.dtype))
    dinv = jnp.where(deg > 0, jax.lax.rsqrt(jnp.maximum(deg, 1e-12)), 0.0)
    norm = dinv[src] * dinv[dst]
    h = x @ W
    msg = jnp.take(h, src, axis=0) * norm[:, None]
    out = jnp.zeros((N, W.shape[1]), dtype=x.dtype).at[dst].add(msg)
    return out + b


def reference(x, edge_index, W1, b1, W2, b2):
    loop = jnp.arange(N, dtype=edge_index.dtype)
    src = jnp.concatenate([edge_index[0], loop])
    dst = jnp.concatenate([edge_index[1], loop])
    h = _gcn_conv(x, src, dst, W1, b1)
    h = jax.nn.relu(h)
    out = _gcn_conv(h, src, dst, W2, b2)
    return out

if __name__ == "__main__":
    import jax
    _d = setup_inputs()
    print(jax.jit(kernel)(*tuple(_d.values())))

</pallas_src>

<mosaic_0001>
#map = affine_map<(d0, d1) -> (0)>
#map1 = affine_map<(d0, d1) -> (0, 0, 0)>
module attributes {stable_mosaic.version = 14 : i64} {
  func.func @deg_kernel(%arg0: i32, %arg1: i32, %arg2: memref<335872xi32, #tpu.memory_space<hbm>>, %arg3: memref<2x10112x32xi16, #tpu.memory_space<hbm>>, %arg4: memref<128x32xi16, #tpu.memory_space<vmem>>, %arg5: memref<128x32xi16, #tpu.memory_space<vmem>>, %arg6: memref<2x128xi32, #tpu.memory_space<vmem>>, %arg7: memref<10112x32xi16, #tpu.memory_space<vmem_shared>>, %arg8: memref<!tpu.dma_semaphore, #tpu.memory_space<semaphore_mem>>, %arg9: memref<!tpu.dma_semaphore, #tpu.memory_space<semaphore_mem>>) attributes {dimension_semantics = [#tpu.dimension_semantics<core_parallel>, #tpu.dimension_semantics<subcore_parallel>], iteration_bounds = array<i64: 2, 16>, scalar_prefetch = 0 : i64, scratch_operands = 6 : i64, tpu.core_type = #tpu.core_type<sc_vector_subcore>, window_params = [{transform_indices = #map}, {transform_indices = #map1}]} {
    %mul3A = arith.constant 16 : i32
    %mul3A_0 = arith.muli %arg0, %mul3A : i32
    %add3A = arith.addi %mul3A_0, %arg1 : i32
    %scan3A = arith.constant 0 : i32
    %scan3A_1 = arith.constant 0 : i32
    %scan3A_2 = arith.constant 128 : i32
    %scan3A_3 = arith.addi %scan3A_1, %scan3A_2 : i32
    %scan3A_4 = arith.constant 1 : i32
    %scan3A_5 = scf.for %scan3A_31 = %scan3A_1 to %scan3A_3 step %scan3A_4 iter_args(%scan3A_32 = %scan3A) -> (i32)  : i32 {
      %broadcast_in_dim3A = arith.constant 1 : i16
      %broadcast_in_dim3A_33 = vector.broadcast %broadcast_in_dim3A : i16 to vector<32xi16>
      %swap3A = arith.index_cast %scan3A_31 : i32 to index
      %swap3A_34 = arith.constant 0 : index
      %swap3A_35 = tpu.vector_load %arg4[%swap3A, %swap3A_34] {strides = array<i32>} : memref<128x32xi16, #tpu.memory_space<vmem>>, vector<1x32xi16>,
      %swap3A_36 = vector.shape_cast %swap3A_35 : vector<1x32xi16> to vector<32xi16>
      %swap3A_37 = vector.shape_cast %broadcast_in_dim3A_33 : vector<32xi16> to vector<1x32xi16>
      tpu.vector_store %arg4[%swap3A, %swap3A_34], %swap3A_37 {strides = array<i32>} : memref<128x32xi16, #tpu.memory_space<vmem>>, vector<1x32xi16>,
      %broadcast_in_dim3A_38 = arith.constant 0 : i16
      %broadcast_in_dim3A_39 = vector.broadcast %broadcast_in_dim3A_38 : i16 to vector<32xi16>
      %swap3A_40 = arith.index_cast %scan3A_31 : i32 to index
      %swap3A_41 = arith.constant 0 : index
      %swap3A_42 = tpu.vector_load %arg5[%swap3A_40, %swap3A_41] {strides = array<i32>} : memref<128x32xi16, #tpu.memory_space<vmem>>, vector<1x32xi16>,
      %swap3A_43 = vector.shape_cast %swap3A_42 : vector<1x32xi16> to vector<32xi16>
      %swap3A_44 = vector.shape_cast %broadcast_in_dim3A_39 : vector<32xi16> to vector<1x32xi16>
      tpu.vector_store %arg5[%swap3A_40, %swap3A_41], %swap3A_44 {strides = array<i32>} : memref<128x32xi16, #tpu.memory_space<vmem>>, vector<1x32xi16>,
      %scan3A_45 = arith.constant 0 : i32
      scf.yield %scan3A_45 : i32
    }
    %scan3A_6 = arith.constant 128 : i32
    %mul3A_7 = arith.constant 632 : i32
    %mul3A_8 = arith.muli %arg1, %mul3A_7 : i32
    %add3A_9 = arith.constant 0 : i32
    %add3A_10 = arith.addi %mul3A_8, %add3A_9 : i32
    "tpu.region"() ({
      %run_scoped3A_31 = tpu.sem_alloc : memref<!tpu.dma_semaphore, #tpu.memory_space<semaphore_mem>>
      %dma_start3A = arith.constant 0 : i32
      %dma_start3A_32 = tpu.memref_slice %arg7[%add3A_10, %dma_start3A] : memref<10112x32xi16, #tpu.memory_space<vmem_shared>> -> memref<128x32xi16, #tpu.memory_space<vmem_shared>>
      %dma_start3A_33 = arith.constant 0 : i32
      %dma_start3A_34 = tpu.memref_slice %arg7[%add3A_10, %dma_start3A_33] : memref<10112x32xi16, #tpu.memory_space<vmem_shared>> -> memref<128x32xi16, #tpu.memory_space<vmem_shared>>
      tpu.enqueue_dma source(%arg5 : memref<128x32xi16, #tpu.memory_space<vmem>>) target(%dma_start3A_34 : memref<128x32xi16, #tpu.memory_space<vmem_shared>>) target_semaphore(%run_scoped3A_31 : memref<!tpu.dma_semaphore, #tpu.memory_space<semaphore_mem>>)
      %dma_wait3A = arith.constant 0 : i32
      %dma_wait3A_35 = tpu.memref_slice %arg7[%add3A_10, %dma_wait3A] : memref<10112x32xi16, #tpu.memory_space<vmem_shared>> -> memref<128x32xi16, #tpu.memory_space<vmem_shared>>
      %dma_wait3A_36 = arith.constant 0 : i32
      %dma_wait3A_37 = tpu.memref_slice %arg7[%add3A_10, %dma_wait3A_36] : memref<10112x32xi16, #tpu.memory_space<vmem_shared>> -> memref<128x32xi16, #tpu.memory_space<vmem_shared>>
      tpu.wait_dma2 semaphore(%run_scoped3A_31 : memref<!tpu.dma_semaphore, #tpu.memory_space<semaphore_mem>>) src(%arg5 : memref<128x32xi16, #tpu.memory_space<vmem>>) dst(%dma_wait3A_37 : memref<128x32xi16, #tpu.memory_space<vmem_shared>>)
      tpu.yield
    }) : () -> ()
    %add3A_11 = arith.constant 128 : i32
    %add3A_12 = arith.addi %mul3A_8, %add3A_11 : i32
    "tpu.region"() ({
      %run_scoped3A_31 = tpu.sem_alloc : memref<!tpu.dma_semaphore, #tpu.memory_space<semaphore_mem>>
      %dma_start3A = arith.constant 0 : i32
      %dma_start3A_32 = tpu.memref_slice %arg7[%add3A_12, %dma_start3A] : memref<10112x32xi16, #tpu.memory_space<vmem_shared>> -> memref<128x32xi16, #tpu.memory_space<vmem_shared>>
      %dma_start3A_33 = arith.constant 0 : i32
      %dma_start3A_34 = tpu.memref_slice %arg7[%add3A_12, %dma_start3A_33] : memref<10112x32xi16, #tpu.memory_space<vmem_shared>> -> memref<128x32xi16, #tpu.memory_space<vmem_shared>>
      tpu.enqueue_dma source(%arg5 : memref<128x32xi16, #tpu.memory_space<vmem>>) target(%dma_start3A_34 : memref<128x32xi16, #tpu.memory_space<vmem_shared>>) target_semaphore(%run_scoped3A_31 : memref<!tpu.dma_semaphore, #tpu.memory_space<semaphore_mem>>)
      %dma_wait3A = arith.constant 0 : i32
      %dma_wait3A_35 = tpu.memref_slice %arg7[%add3A_12, %dma_wait3A] : memref<10112x32xi16, #tpu.memory_space<vmem_shared>> -> memref<128x32xi16, #tpu.memory_space<vmem_shared>>
      %dma_wait3A_36 = arith.constant 0 : i32
      %dma_wait3A_37 = tpu.memref_slice %arg7[%add3A_12, %dma_wait3A_36] : memref<10112x32xi16, #tpu.memory_space<vmem_shared>> -> memref<128x32xi16, #tpu.memory_space<vmem_shared>>
      tpu.wait_dma2 semaphore(%run_scoped3A_31 : memref<!tpu.dma_semaphore, #tpu.memory_space<semaphore_mem>>) src(%arg5 : memref<128x32xi16, #tpu.memory_space<vmem>>) dst(%dma_wait3A_37 : memref<128x32xi16, #tpu.memory_space<vmem_shared>>)
      tpu.yield
    }) : () -> ()
    %add3A_13 = arith.constant 256 : i32
    %add3A_14 = arith.addi %mul3A_8, %add3A_13 : i32
    "tpu.region"() ({
      %run_scoped3A_31 = tpu.sem_alloc : memref<!tpu.dma_semaphore, #tpu.memory_space<semaphore_mem>>
      %dma_start3A = arith.constant 0 : i32
      %dma_start3A_32 = tpu.memref_slice %arg7[%add3A_14, %dma_start3A] : memref<10112x32xi16, #tpu.memory_space<vmem_shared>> -> memref<128x32xi16, #tpu.memory_space<vmem_shared>>
      %dma_start3A_33 = arith.constant 0 : i32
      %dma_start3A_34 = tpu.memref_slice %arg7[%add3A_14, %dma_start3A_33] : memref<10112x32xi16, #tpu.memory_space<vmem_shared>> -> memref<128x32xi16, #tpu.memory_space<vmem_shared>>
      tpu.enqueue_dma source(%arg5 : memref<128x32xi16, #tpu.memory_space<vmem>>) target(%dma_start3A_34 : memref<128x32xi16, #tpu.memory_space<vmem_shared>>) target_semaphore(%run_scoped3A_31 : memref<!tpu.dma_semaphore, #tpu.memory_space<semaphore_mem>>)
      %dma_wait3A = arith.constant 0 : i32
      %dma_wait3A_35 = tpu.memref_slice %arg7[%add3A_14, %dma_wait3A] : memref<10112x32xi16, #tpu.memory_space<vmem_shared>> -> memref<128x32xi16, #tpu.memory_space<vmem_shared>>
      %dma_wait3A_36 = arith.constant 0 : i32
      %dma_wait3A_37 = tpu.memref_slice %arg7[%add3A_14, %dma_wait3A_36] : memref<10112x32xi16, #tpu.memory_space<vmem_shared>> -> memref<128x32xi16, #tpu.memory_space<vmem_shared>>
      tpu.wait_dma2 semaphore(%run_scoped3A_31 : memref<!tpu.dma_semaphore, #tpu.memory_space<semaphore_mem>>) src(%arg5 : memref<128x32xi16, #tpu.memory_space<vmem>>) dst(%dma_wait3A_37 : memref<128x32xi16, #tpu.memory_space<vmem_shared>>)
      tpu.yield
    }) : () -> ()
    %add3A_15 = arith.constant 384 : i32
    %add3A_16 = arith.addi %mul3A_8, %add3A_15 : i32
    "tpu.region"() ({
      %run_scoped3A_31 = tpu.sem_alloc : memref<!tpu.dma_semaphore, #tpu.memory_space<semaphore_mem>>
      %dma_start3A = arith.constant 0 : i32
      %dma_start3A_32 = tpu.memref_slice %arg7[%add3A_16, %dma_start3A] : memref<10112x32xi16, #tpu.memory_space<vmem_shared>> -> memref<128x32xi16, #tpu.memory_space<vmem_shared>>
      %dma_start3A_33 = arith.constant 0 : i32
      %dma_start3A_34 = tpu.memref_slice %arg7[%add3A_16, %dma_start3A_33] : memref<10112x32xi16, #tpu.memory_space<vmem_shared>> -> memref<128x32xi16, #tpu.memory_space<vmem_shared>>
      tpu.enqueue_dma source(%arg5 : memref<128x32xi16, #tpu.memory_space<vmem>>) target(%dma_start3A_34 : memref<128x32xi16, #tpu.memory_space<vmem_shared>>) target_semaphore(%run_scoped3A_31 : memref<!tpu.dma_semaphore, #tpu.memory_space<semaphore_mem>>)
      %dma_wait3A = arith.constant 0 : i32
      %dma_wait3A_35 = tpu.memref_slice %arg7[%add3A_16, %dma_wait3A] : memref<10112x32xi16, #tpu.memory_space<vmem_shared>> -> memref<128x32xi16, #tpu.memory_space<vmem_shared>>
      %dma_wait3A_36 = arith.constant 0 : i32
      %dma_wait3A_37 = tpu.memref_slice %arg7[%add3A_16, %dma_wait3A_36] : memref<10112x32xi16, #tpu.memory_space<vmem_shared>> -> memref<128x32xi16, #tpu.memory_space<vmem_shared>>
      tpu.wait_dma2 semaphore(%run_scoped3A_31 : memref<!tpu.dma_semaphore, #tpu.memory_space<semaphore_mem>>) src(%arg5 : memref<128x32xi16, #tpu.memory_space<vmem>>) dst(%dma_wait3A_37 : memref<128x32xi16, #tpu.memory_space<vmem_shared>>)
      tpu.yield
    }) : () -> ()
    %add3A_17 = arith.constant 512 : i32
    %add3A_18 = arith.addi %mul3A_8, %add3A_17 : i32
    "tpu.region"() ({
      %run_scoped3A_31 = tpu.sem_alloc : memref<!tpu.dma_semaphore, #tpu.memory_space<semaphore_mem>>
      %dma_start3A = arith.constant 0 : i32
      %dma_start3A_32 = arith.constant 0 : i32
      %dma_start3A_33 = tpu.memref_slice %arg5[%dma_start3A, %dma_start3A_32] : memref<128x32xi16, #tpu.memory_space<vmem>> -> memref<120x32xi16, #tpu.memory_space<vmem>>
      %dma_start3A_34 = arith.constant 0 : i32
      %dma_start3A_35 = tpu.memref_slice %arg7[%add3A_18, %dma_start3A_34] : memref<10112x32xi16, #tpu.memory_space<vmem_shared>> -> memref<120x32xi16, #tpu.memory_space<vmem_shared>>
      %dma_start3A_36 = arith.constant 0 : i32
      %dma_start3A_37 = tpu.memref_slice %arg7[%add3A_18, %dma_start3A_36] : memref<10112x32xi16, #tpu.memory_space<vmem_shared>> -> memref<120x32xi16, #tpu.memory_space<vmem_shared>>
      %dma_start3A_38 = arith.constant 0 : i32
      %dma_start3A_39 = arith.constant 0 : i32
      %dma_start3A_40 = tpu.memref_slice %arg5[%dma_start3A_38, %dma_start3A_39] : memref<128x32xi16, #tpu.memory_space<vmem>> -> memref<120x32xi16, #tpu.memory_space<vmem>>
      tpu.enqueue_dma source(%dma_start3A_40 : memref<120x32xi16, #tpu.memory_space<vmem>>) target(%dma_start3A_37 : memref<120x32xi16, #tpu.memory_space<vmem_shared>>) target_semaphore(%run_scoped3A_31 : memref<!tpu.dma_semaphore, #tpu.memory_space<semaphore_mem>>)
      %dma_wait3A = arith.constant 0 : i32
      %dma_wait3A_41 = arith.constant 0 : i32
      %dma_wait3A_42 = tpu.memref_slice %arg5[%dma_wait3A, %dma_wait3A_41] : memref<128x32xi16, #tpu.memory_space<vmem>> -> memref<120x32xi16, #tpu.memory_space<vmem>>
      %dma_wait3A_43 = arith.constant 0 : i32
      %dma_wait3A_44 = tpu.memref_slice %arg7[%add3A_18, %dma_wait3A_43] : memref<10112x32xi16, #tpu.memory_space<vmem_shared>> -> memref<120x32xi16, #tpu.memory_space<vmem_shared>>
      %dma_wait3A_45 = arith.constant 0 : i32
      %dma_wait3A_46 = tpu.memref_slice %arg7[%add3A_18, %dma_wait3A_45] : memref<10112x32xi16, #tpu.memory_space<vmem_shared>> -> memref<120x32xi16, #tpu.memory_space<vmem_shared>>
      %dma_wait3A_47 = arith.constant 0 : i32
      %dma_wait3A_48 = arith.constant 0 : i32
      %dma_wait3A_49 = tpu.memref_slice %arg5[%dma_wait3A_47, %dma_wait3A_48] : memref<128x32xi16, #tpu.memory_space<vmem>> -> memref<120x32xi16, #tpu.memory_space<vmem>>
      tpu.wait_dma2 semaphore(%run_scoped3A_31 : memref<!tpu.dma_semaphore, #tpu.memory_space<semaphore_mem>>) src(%dma_wait3A_49 : memref<120x32xi16, #tpu.memory_space<vmem>>) dst(%dma_wait3A_46 : memref<120x32xi16, #tpu.memory_space<vmem_shared>>)
      tpu.yield
    }) : () -> ()
    %barrier3A = arith.constant 0 : index
    tpu.barrier barrier_id(%barrier3A)
    %mul3A_19 = arith.constant 82 : i32
    %mul3A_20 = arith.muli %add3A, %mul3A_19 : i32
    %mul3A_21 = arith.constant 128 : i32
    %mul3A_22 = arith.muli %mul3A_20, %mul3A_21 : i32
    %multiple_of3A = tpu.assume_multiple %mul3A_22, 128 : i32
    %run_scoped3A = arith.constant 0 : i32
    "tpu.region"() ({
      %run_scoped3A_31 = tpu.sem_alloc : memref<!tpu.dma_semaphore, #tpu.memory_space<semaphore_mem>>
      %dma_start3A = arith.constant 0 : i32
      %dma_start3A_32 = tpu.memref_slice %arg6[%run_scoped3A, %dma_start3A] : memref<2x128xi32, #tpu.memory_space<vmem>> -> memref<1x128xi32, #tpu.memory_space<vmem>>
      %dma_start3A_33 = tpu.memref_squeeze %dma_start3A_32 : memref<1x128xi32, #tpu.memory_space<vmem>> -> memref<128xi32, #tpu.memory_space<vmem>>
      %dma_start3A_34 = tpu.memref_slice %arg2[%multiple_of3A] : memref<335872xi32, #tpu.memory_space<hbm>> -> memref<128xi32, #tpu.memory_space<hbm>>
      %dma_start3A_35 = arith.constant 0 : i32
      %dma_start3A_36 = tpu.memref_slice %arg6[%run_scoped3A, %dma_start3A_35] : memref<2x128xi32, #tpu.memory_space<vmem>> -> memref<1x128xi32, #tpu.memory_space<vmem>>
      %dma_start3A_37 = tpu.memref_squeeze %dma_start3A_36 : memref<1x128xi32, #tpu.memory_space<vmem>> -> memref<128xi32, #tpu.memory_space<vmem>>
      %dma_start3A_38 = tpu.memref_slice %arg2[%multiple_of3A] : memref<335872xi32, #tpu.memory_space<hbm>> -> memref<128xi32, #tpu.memory_space<hbm>>
      tpu.enqueue_dma source(%dma_start3A_38 : memref<128xi32, #tpu.memory_space<hbm>>) target(%dma_start3A_37 : memref<128xi32, #tpu.memory_space<vmem>>) target_semaphore(%run_scoped3A_31 : memref<!tpu.dma_semaphore, #tpu.memory_space<semaphore_mem>>)
      %dma_wait3A = arith.constant 0 : i32
      %dma_wait3A_39 = tpu.memref_slice %arg6[%run_scoped3A, %dma_wait3A] : memref<2x128xi32, #tpu.memory_space<vmem>> -> memref<1x128xi32, #tpu.memory_space<vmem>>
      %dma_wait3A_40 = tpu.memref_squeeze %dma_wait3A_39 : memref<1x128xi32, #tpu.memory_space<vmem>> -> memref<128xi32, #tpu.memory_space<vmem>>
      %dma_wait3A_41 = tpu.memref_slice %arg2[%multiple_of3A] : memref<335872xi32, #tpu.memory_space<hbm>> -> memref<128xi32, #tpu.memory_space<hbm>>
      %dma_wait3A_42 = arith.constant 0 : i32
      %dma_wait3A_43 = tpu.memref_slice %arg6[%run_scoped3A, %dma_wait3A_42] : memref<2x128xi32, #tpu.memory_space<vmem>> -> memref<1x128xi32, #tpu.memory_space<vmem>>
      %dma_wait3A_44 = tpu.memref_squeeze %dma_wait3A_43 : memref<1x128xi32, #tpu.memory_space<vmem>> -> memref<128xi32, #tpu.memory_space<vmem>>
      %dma_wait3A_45 = tpu.memref_slice %arg2[%multiple_of3A] : memref<335872xi32, #tpu.memory_space<hbm>> -> memref<128xi32, #tpu.memory_space<hbm>>
      tpu.wait_dma2 semaphore(%run_scoped3A_31 : memref<!tpu.dma_semaphore, #tpu.memory_space<semaphore_mem>>) src(%dma_wait3A_45 : memref<128xi32, #tpu.memory_space<hbm>>) dst(%dma_wait3A_44 : memref<128xi32, #tpu.memory_space<vmem>>)
      tpu.yield
    }) : () -> ()
    %scan3A_23 = arith.constant 0 : i32
    %scan3A_24 = arith.constant 0 : i32
    %scan3A_25 = arith.constant 41 : i32
    %scan3A_26 = arith.addi %scan3A_24, %scan3A_25 : i32
    %scan3A_27 = arith.constant 1 : i32
    %scan3A_28 = scf.for %scan3A_31 = %scan3A_24 to %scan3A_26 step %scan3A_27 iter_args(%scan3A_32 = %scan3A_23) -> (i32)  : i32 {
      %mul3A_33 = arith.constant 82 : i32
      %mul3A_34 = arith.muli %add3A, %mul3A_33 : i32
      %mul3A_35 = arith.constant 2 : i32
      %mul3A_36 = arith.muli %mul3A_35, %scan3A_31 : i32
      %add3A_37 = arith.addi %mul3A_34, %mul3A_36 : i32
      %mul3A_38 = arith.constant 128 : i32
      %mul3A_39 = arith.muli %add3A_37, %mul3A_38 : i32
      %multiple_of3A_40 = tpu.assume_multiple %mul3A_39, 128 : i32
      %add3A_41 = arith.constant 128 : i32
      %add3A_42 = arith.addi %multiple_of3A_40, %add3A_41 : i32
      %run_scoped3A_43 = arith.constant 1 : i32
      "tpu.region"() ({
        %run_scoped3A_73 = tpu.sem_alloc : memref<!tpu.dma_semaphore, #tpu.memory_space<semaphore_mem>>
        %dma_start3A_74 = arith.constant 0 : i32
        %dma_start3A_75 = tpu.memref_slice %arg6[%run_scoped3A_43, %dma_start3A_74] : memref<2x128xi32, #tpu.memory_space<vmem>> -> memref<1x128xi32, #tpu.memory_space<vmem>>
        %dma_start3A_76 = tpu.memref_squeeze %dma_start3A_75 : memref<1x128xi32, #tpu.memory_space<vmem>> -> memref<128xi32, #tpu.memory_space<vmem>>
        %dma_start3A_77 = tpu.memref_slice %arg2[%add3A_42] : memref<335872xi32, #tpu.memory_space<hbm>> -> memref<128xi32, #tpu.memory_space<hbm>>
        %dma_start3A_78 = arith.constant 0 : i32
        %dma_start3A_79 = tpu.memref_slice %arg6[%run_scoped3A_43, %dma_start3A_78] : memref<2x128xi32, #tpu.memory_space<vmem>> -> memref<1x128xi32, #tpu.memory_space<vmem>>
        %dma_start3A_80 = tpu.memref_squeeze %dma_start3A_79 : memref<1x128xi32, #tpu.memory_space<vmem>> -> memref<128xi32, #tpu.memory_space<vmem>>
        %dma_start3A_81 = tpu.memref_slice %arg2[%add3A_42] : memref<335872xi32, #tpu.memory_space<hbm>> -> memref<128xi32, #tpu.memory_space<hbm>>
        tpu.enqueue_dma source(%dma_start3A_81 : memref<128xi32, #tpu.memory_space<hbm>>) target(%dma_start3A_80 : memref<128xi32, #tpu.memory_space<vmem>>) target_semaphore(%run_scoped3A_73 : memref<!tpu.dma_semaphore, #tpu.memory_space<semaphore_mem>>)
        %dma_wait3A_82 = arith.constant 0 : i32
        %dma_wait3A_83 = tpu.memref_slice %arg6[%run_scoped3A_43, %dma_wait3A_82] : memref<2x128xi32, #tpu.memory_space<vmem>> -> memref<1x128xi32, #tpu.memory_space<vmem>>
        %dma_wait3A_84 = tpu.memref_squeeze %dma_wait3A_83 : memref<1x128xi32, #tpu.memory_space<vmem>> -> memref<128xi32, #tpu.memory_space<vmem>>
        %dma_wait3A_85 = tpu.memref_slice %arg2[%add3A_42] : memref<335872xi32, #tpu.memory_space<hbm>> -> memref<128xi32, #tpu.memory_space<hbm>>
        %dma_wait3A_86 = arith.constant 0 : i32
        %dma_wait3A_87 = tpu.memref_slice %arg6[%run_scoped3A_43, %dma_wait3A_86] : memref<2x128xi32, #tpu.memory_space<vmem>> -> memref<1x128xi32, #tpu.memory_space<vmem>>
        %dma_wait3A_88 = tpu.memref_squeeze %dma_wait3A_87 : memref<1x128xi32, #tpu.memory_space<vmem>> -> memref<128xi32, #tpu.memory_space<vmem>>
        %dma_wait3A_89 = tpu.memref_slice %arg2[%add3A_42] : memref<335872xi32, #tpu.memory_space<hbm>> -> memref<128xi32, #tpu.memory_space<hbm>>
        tpu.wait_dma2 semaphore(%run_scoped3A_73 : memref<!tpu.dma_semaphore, #tpu.memory_space<semaphore_mem>>) src(%dma_wait3A_89 : memref<128xi32, #tpu.memory_space<hbm>>) dst(%dma_wait3A_88 : memref<128xi32, #tpu.memory_space<vmem>>)
        tpu.yield
      }) : () -> ()
      %dma_start3A = arith.constant 0 : i32
      %dma_start3A_44 = arith.constant 0 : i32
      %dma_start3A_45 = tpu.memref_slice %arg6[%dma_start3A, %dma_start3A_44] : memref<2x128xi32, #tpu.memory_space<vmem>> -> memref<1x128xi32, #tpu.memory_space<vmem>>
      %dma_start3A_46 = tpu.memref_squeeze %dma_start3A_45 : memref<1x128xi32, #tpu.memory_space<vmem>> -> memref<128xi32, #tpu.memory_space<vmem>>
      %dma_start3A_47 = arith.constant 0 : i32
      %dma_start3A_48 = arith.constant 0 : i32
      %dma_start3A_49 = tpu.memref_slice %arg7[%dma_start3A_47, %dma_start3A_48] : memref<10112x32xi16, #tpu.memory_space<vmem_shared>> -> memref<10112x32xi16, #tpu.memory_space<vmem_shared>>
      tpu.enqueue_indirect_dma source(%arg4 : memref<128x32xi16, #tpu.memory_space<vmem>>) target(%dma_start3A_49 : memref<10112x32xi16, #tpu.memory_space<vmem_shared>>) offsets(%dma_start3A_46 : memref<128xi32, #tpu.memory_space<vmem>>) semaphore(%arg8 : memref<!tpu.dma_semaphore, #tpu.memory_space<semaphore_mem>>) {add = true}
      %dma_start3A_50 = arith.constant 1 : i32
      %dma_start3A_51 = arith.constant 0 : i32
      %dma_start3A_52 = tpu.memref_slice %arg6[%dma_start3A_50, %dma_start3A_51] : memref<2x128xi32, #tpu.memory_space<vmem>> -> memref<1x128xi32, #tpu.memory_space<vmem>>
      %dma_start3A_53 = tpu.memref_squeeze %dma_start3A_52 : memref<1x128xi32, #tpu.memory_space<vmem>> -> memref<128xi32, #tpu.memory_space<vmem>>
      %dma_start3A_54 = arith.constant 0 : i32
      %dma_start3A_55 = arith.constant 0 : i32
      %dma_start3A_56 = tpu.memref_slice %arg7[%dma_start3A_54, %dma_start3A_55] : memref<10112x32xi16, #tpu.memory_space<vmem_shared>> -> memref<10112x32xi16, #tpu.memory_space<vmem_shared>>
      tpu.enqueue_indirect_dma source(%arg4 : memref<128x32xi16, #tpu.memory_space<vmem>>) target(%dma_start3A_56 : memref<10112x32xi16, #tpu.memory_space<vmem_shared>>) offsets(%dma_start3A_53 : memref<128xi32, #tpu.memory_space<vmem>>) semaphore(%arg9 : memref<!tpu.dma_semaphore, #tpu.memory_space<semaphore_mem>>) {add = true}
      %dma_wait3A = arith.constant 0 : i32
      %dma_wait3A_57 = arith.constant 0 : i32
      %dma_wait3A_58 = tpu.memref_slice %arg6[%dma_wait3A, %dma_wait3A_57] : memref<2x128xi32, #tpu.memory_space<vmem>> -> memref<1x128xi32, #tpu.memory_space<vmem>>
      %dma_wait3A_59 = tpu.memref_squeeze %dma_wait3A_58 : memref<1x128xi32, #tpu.memory_space<vmem>> -> memref<128xi32, #tpu.memory_space<vmem>>
      %dma_wait3A_60 = arith.constant 0 : i32
      %dma_wait3A_61 = arith.constant 0 : i32
      %dma_wait3A_62 = tpu.memref_slice %arg7[%dma_wait3A_60, %dma_wait3A_61] : memref<10112x32xi16, #tpu.memory_space<vmem_shared>> -> memref<10112x32xi16, #tpu.memory_space<vmem_shared>>
      tpu.wait_indirect_dma semaphore(%arg8 : memref<!tpu.dma_semaphore, #tpu.memory_space<semaphore_mem>>) src(%arg4 : memref<128x32xi16, #tpu.memory_space<vmem>>) dst(%dma_wait3A_62 : memref<10112x32xi16, #tpu.memory_space<vmem_shared>>)
      %lt3A = arith.constant 40 : i32
      %lt3A_63 = arith.cmpi slt, %scan3A_31, %lt3A : i32
      %convert_element_type3A = arith.extui %lt3A_63 : i1 to i32
      %cond3A = arith.constant 0 : i32
      %cond3A_64 = arith.cmpi ne, %convert_element_type3A, %cond3A : i32
      scf.if %cond3A_64 {
        %add3A_73 = arith.constant 256 : i32
        %add3A_74 = arith.addi %multiple_of3A_40, %add3A_73 : i32
        %run_scoped3A_75 = arith.constant 0 : i32
        "tpu.region"() ({
          %run_scoped3A_76 = tpu.sem_alloc : memref<!tpu.dma_semaphore, #tpu.memory_space<semaphore_mem>>
          %dma_start3A_77 = arith.constant 0 : i32
          %dma_start3A_78 = tpu.memref_slice %arg6[%run_scoped3A_75, %dma_start3A_77] : memref<2x128xi32, #tpu.memory_space<vmem>> -> memref<1x128xi32, #tpu.memory_space<vmem>>
          %dma_start3A_79 = tpu.memref_squeeze %dma_start3A_78 : memref<1x128xi32, #tpu.memory_space<vmem>> -> memref<128xi32, #tpu.memory_space<vmem>>
          %dma_start3A_80 = tpu.memref_slice %arg2[%add3A_74] : memref<335872xi32, #tpu.memory_space<hbm>> -> memref<128xi32, #tpu.memory_space<hbm>>
          %dma_start3A_81 = arith.constant 0 : i32
          %dma_start3A_82 = tpu.memref_slice %arg6[%run_scoped3A_75, %dma_start3A_81] : memref<2x128xi32, #tpu.memory_space<vmem>> -> memref<1x128xi32, #tpu.memory_space<vmem>>
          %dma_start3A_83 = tpu.memref_squeeze %dma_start3A_82 : memref<1x128xi32, #tpu.memory_space<vmem>> -> memref<128xi32, #tpu.memory_space<vmem>>
          %dma_start3A_84 = tpu.memref_slice %arg2[%add3A_74] : memref<335872xi32, #tpu.memory_space<hbm>> -> memref<128xi32, #tpu.memory_space<hbm>>
          tpu.enqueue_dma source(%dma_start3A_84 : memref<128xi32, #tpu.memory_space<hbm>>) target(%dma_start3A_83 : memref<128xi32, #tpu.memory_space<vmem>>) target_semaphore(%run_scoped3A_76 : memref<!tpu.dma_semaphore, #tpu.memory_space<semaphore_mem>>)
          %dma_wait3A_85 = arith.constant 0 : i32
          %dma_wait3A_86 = tpu.memref_slice %arg6[%run_scoped3A_75, %dma_wait3A_85] : memref<2x128xi32, #tpu.memory_space<vmem>> -> memref<1x128xi32, #tpu.memory_space<vmem>>
          %dma_wait3A_87 = tpu.memref_squeeze %dma_wait3A_86 : memref<1x128xi32, #tpu.memory_space<vmem>> -> memref<128xi32, #tpu.memory_space<vmem>>
          %dma_wait3A_88 = tpu.memref_slice %arg2[%add3A_74] : memref<335872xi32, #tpu.memory_space<hbm>> -> memref<128xi32, #tpu.memory_space<hbm>>
          %dma_wait3A_89 = arith.constant 0 : i32
          %dma_wait3A_90 = tpu.memref_slice %arg6[%run_scoped3A_75, %dma_wait3A_89] : memref<2x128xi32, #tpu.memory_space<vmem>> -> memref<1x128xi32, #tpu.memory_space<vmem>>
          %dma_wait3A_91 = tpu.memref_squeeze %dma_wait3A_90 : memref<1x128xi32, #tpu.memory_space<vmem>> -> memref<128xi32, #tpu.memory_space<vmem>>
          %dma_wait3A_92 = tpu.memref_slice %arg2[%add3A_74] : memref<335872xi32, #tpu.memory_space<hbm>> -> memref<128xi32, #tpu.memory_space<hbm>>
          tpu.wait_dma2 semaphore(%run_scoped3A_76 : memref<!tpu.dma_semaphore, #tpu.memory_space<semaphore_mem>>) src(%dma_wait3A_92 : memref<128xi32, #tpu.memory_space<hbm>>) dst(%dma_wait3A_91 : memref<128xi32, #tpu.memory_space<vmem>>)
          tpu.yield
        }) : () -> ()
      } else {
      }
      %dma_wait3A_65 = arith.constant 1 : i32
      %dma_wait3A_66 = arith.constant 0 : i32
      %dma_wait3A_67 = tpu.memref_slice %arg6[%dma_wait3A_65, %dma_wait3A_66] : memref<2x128xi32, #tpu.memory_space<vmem>> -> memref<1x128xi32, #tpu.memory_space<vmem>>
      %dma_wait3A_68 = tpu.memref_squeeze %dma_wait3A_67 : memref<1x128xi32, #tpu.memory_space<vmem>> -> memref<128xi32, #tpu.memory_space<vmem>>
      %dma_wait3A_69 = arith.constant 0 : i32
      %dma_wait3A_70 = arith.constant 0 : i32
      %dma_wait3A_71 = tpu.memref_slice %arg7[%dma_wait3A_69, %dma_wait3A_70] : memref<10112x32xi16, #tpu.memory_space<vmem_shared>> -> memref<10112x32xi16, #tpu.memory_space<vmem_shared>>
      tpu.wait_indirect_dma semaphore(%arg9 : memref<!tpu.dma_semaphore, #tpu.memory_space<semaphore_mem>>) src(%arg4 : memref<128x32xi16, #tpu.memory_space<vmem>>) dst(%dma_wait3A_71 : memref<10112x32xi16, #tpu.memory_space<vmem_shared>>)
      %scan3A_72 = arith.constant 0 : i32
      scf.yield %scan3A_72 : i32
    }
    %scan3A_29 = arith.constant 41 : i32
    %barrier3A_30 = arith.constant 0 : index
    tpu.barrier barrier_id(%barrier3A_30)
    "tpu.region"() ({
      %run_scoped3A_31 = tpu.sem_alloc : memref<!tpu.dma_semaphore, #tpu.memory_space<semaphore_mem>>
      %dma_start3A = arith.constant 0 : i32
      %dma_start3A_32 = tpu.memref_slice %arg3[%arg0, %mul3A_8, %dma_start3A] : memref<2x10112x32xi16, #tpu.memory_space<hbm>> -> memref<1x632x32xi16, #tpu.memory_space<hbm>>
      %dma_start3A_33 = tpu.memref_squeeze %dma_start3A_32 : memref<1x632x32xi16, #tpu.memory_space<hbm>> -> memref<632x32xi16, #tpu.memory_space<hbm>>
      %dma_start3A_34 = arith.constant 0 : i32
      %dma_start3A_35 = tpu.memref_slice %arg7[%mul3A_8, %dma_start3A_34] : memref<10112x32xi16, #tpu.memory_space<vmem_shared>> -> memref<632x32xi16, #tpu.memory_space<vmem_shared>>
      tpu.enqueue_dma source(%dma_start3A_35 : memref<632x32xi16, #tpu.memory_space<vmem_shared>>) target(%dma_start3A_33 : memref<632x32xi16, #tpu.memory_space<hbm>>) target_semaphore(%run_scoped3A_31 : memref<!tpu.dma_semaphore, #tpu.memory_space<semaphore_mem>>)
      %dma_wait3A = arith.constant 0 : i32
      %dma_wait3A_36 = tpu.memref_slice %arg3[%arg0, %mul3A_8, %dma_wait3A] : memref<2x10112x32xi16, #tpu.memory_space<hbm>> -> memref<1x632x32xi16, #tpu.memory_space<hbm>>
      %dma_wait3A_37 = tpu.memref_squeeze %dma_wait3A_36 : memref<1x632x32xi16, #tpu.memory_space<hbm>> -> memref<632x32xi16, #tpu.memory_space<hbm>>
      %dma_wait3A_38 = arith.constant 0 : i32
      %dma_wait3A_39 = tpu.memref_slice %arg7[%mul3A_8, %dma_wait3A_38] : memref<10112x32xi16, #tpu.memory_space<vmem_shared>> -> memref<632x32xi16, #tpu.memory_space<vmem_shared>>
      tpu.wait_dma2 semaphore(%run_scoped3A_31 : memref<!tpu.dma_semaphore, #tpu.memory_space<semaphore_mem>>) src(%dma_wait3A_39 : memref<632x32xi16, #tpu.memory_space<vmem_shared>>) dst(%dma_wait3A_37 : memref<632x32xi16, #tpu.memory_space<hbm>>)
      tpu.yield
    }) : () -> ()
    return
  }
}

#map = affine_map<(d0, d1) -> (0, 0, 0)>
#map1 = affine_map<(d0, d1) -> (0)>
module attributes {stable_mosaic.version = 14 : i64} {
  func.func @agg_kernel(%arg0: i32, %arg1: i32, %arg2: memref<2x10112x32xi32, #tpu.memory_space<hbm>>, %arg3: memref<335872xi32, #tpu.memory_space<hbm>>, %arg4: memref<335872xi32, #tpu.memory_space<hbm>>, %arg5: memref<2x10112x64xf32, #tpu.memory_space<hbm>>, %arg6: memref<2x128x32xi32, #tpu.memory_space<vmem>>, %arg7: memref<2x128x64xf32, #tpu.memory_space<vmem>>, %arg8: memref<2x128xi32, #tpu.memory_space<vmem>>, %arg9: memref<2x2x128xi32, #tpu.memory_space<vmem>>, %arg10: memref<10112x32xi32, #tpu.memory_space<vmem_shared>>, %arg11: memref<10112x64xf32, #tpu.memory_space<vmem_shared>>, %arg12: memref<!tpu.dma_semaphore, #tpu.memory_space<semaphore_mem>>, %arg13: memref<!tpu.dma_semaphore, #tpu.memory_space<semaphore_mem>>, %arg14: memref<!tpu.dma_semaphore, #tpu.memory_space<semaphore_mem>>, %arg15: memref<!tpu.dma_semaphore, #tpu.memory_space<semaphore_mem>>) attributes {dimension_semantics = [#tpu.dimension_semantics<core_parallel>, #tpu.dimension_semantics<subcore_parallel>], iteration_bounds = array<i64: 2, 16>, scalar_prefetch = 0 : i64, scratch_operands = 10 : i64, tpu.core_type = #tpu.core_type<sc_vector_subcore>, window_params = [{transform_indices = #map}, {transform_indices = #map1}, {transform_indices = #map1}, {transform_indices = #map}]} {
    %mul3A = arith.constant 632 : i32
    %mul3A_0 = arith.muli %arg1, %mul3A : i32
    "tpu.region"() ({
      %run_scoped3A_71 = tpu.sem_alloc : memref<!tpu.dma_semaphore, #tpu.memory_space<semaphore_mem>>
      %dma_start3A_72 = arith.constant 0 : i32
      %dma_start3A_73 = tpu.memref_slice %arg10[%mul3A_0, %dma_start3A_72] : memref<10112x32xi32, #tpu.memory_space<vmem_shared>> -> memref<632x32xi32, #tpu.memory_space<vmem_shared>>
      %dma_start3A_74 = arith.constant 0 : i32
      %dma_start3A_75 = tpu.memref_slice %arg2[%arg0, %mul3A_0, %dma_start3A_74] : memref<2x10112x32xi32, #tpu.memory_space<hbm>> -> memref<1x632x32xi32, #tpu.memory_space<hbm>>
      %dma_start3A_76 = tpu.memref_squeeze %dma_start3A_75 : memref<1x632x32xi32, #tpu.memory_space<hbm>> -> memref<632x32xi32, #tpu.memory_space<hbm>>
      tpu.enqueue_dma source(%dma_start3A_76 : memref<632x32xi32, #tpu.memory_space<hbm>>) target(%dma_start3A_73 : memref<632x32xi32, #tpu.memory_space<vmem_shared>>) target_semaphore(%run_scoped3A_71 : memref<!tpu.dma_semaphore, #tpu.memory_space<semaphore_mem>>)
      %dma_wait3A_77 = arith.constant 0 : i32
      %dma_wait3A_78 = tpu.memref_slice %arg10[%mul3A_0, %dma_wait3A_77] : memref<10112x32xi32, #tpu.memory_space<vmem_shared>> -> memref<632x32xi32, #tpu.memory_space<vmem_shared>>
      %dma_wait3A_79 = arith.constant 0 : i32
      %dma_wait3A_80 = tpu.memref_slice %arg2[%arg0, %mul3A_0, %dma_wait3A_79] : memref<2x10112x32xi32, #tpu.memory_space<hbm>> -> memref<1x632x32xi32, #tpu.memory_space<hbm>>
      %dma_wait3A_81 = tpu.memref_squeeze %dma_wait3A_80 : memref<1x632x32xi32, #tpu.memory_space<hbm>> -> memref<632x32xi32, #tpu.memory_space<hbm>>
      tpu.wait_dma2 semaphore(%run_scoped3A_71 : memref<!tpu.dma_semaphore, #tpu.memory_space<semaphore_mem>>) src(%dma_wait3A_81 : memref<632x32xi32, #tpu.memory_space<hbm>>) dst(%dma_wait3A_78 : memref<632x32xi32, #tpu.memory_space<vmem_shared>>)
      tpu.yield
    }) : () -> ()
    %scan3A = arith.constant 0 : i32
    %scan3A_1 = arith.constant 0 : i32
    %scan3A_2 = arith.constant 128 : i32
    %scan3A_3 = arith.addi %scan3A_1, %scan3A_2 : i32
    %scan3A_4 = arith.constant 1 : i32
    %scan3A_5 = scf.for %scan3A_71 = %scan3A_1 to %scan3A_3 step %scan3A_4 iter_args(%scan3A_72 = %scan3A) -> (i32)  : i32 {
      %broadcast_in_dim3A = arith.constant 0.000000e+00 : f32
      %broadcast_in_dim3A_73 = vector.broadcast %broadcast_in_dim3A : f32 to vector<16xf32>
      %swap3A = arith.constant 0 : i32
      %swap3A_74 = arith.index_cast %swap3A : i32 to index
      %swap3A_75 = arith.index_cast %scan3A_71 : i32 to index
      %swap3A_76 = arith.constant 0 : index
      %swap3A_77 = tpu.vector_load %arg7[%swap3A_74, %swap3A_75, %swap3A_76] {strides = array<i32>} : memref<2x128x64xf32, #tpu.memory_space<vmem>>, vector<1x1x16xf32>,
      %swap3A_78 = vector.shape_cast %swap3A_77 : vector<1x1x16xf32> to vector<16xf32>
      %swap3A_79 = vector.shape_cast %broadcast_in_dim3A_73 : vector<16xf32> to vector<1x1x16xf32>
      tpu.vector_store %arg7[%swap3A_74, %swap3A_75, %swap3A_76], %swap3A_79 {strides = array<i32>} : memref<2x128x64xf32, #tpu.memory_space<vmem>>, vector<1x1x16xf32>,
      %broadcast_in_dim3A_80 = arith.constant 0.000000e+00 : f32
      %broadcast_in_dim3A_81 = vector.broadcast %broadcast_in_dim3A_80 : f32 to vector<16xf32>
      %swap3A_82 = arith.constant 0 : i32
      %swap3A_83 = arith.index_cast %swap3A_82 : i32 to index
      %swap3A_84 = arith.index_cast %scan3A_71 : i32 to index
      %swap3A_85 = arith.constant 16 : index
      %swap3A_86 = tpu.vector_load %arg7[%swap3A_83, %swap3A_84, %swap3A_85] {strides = array<i32>} : memref<2x128x64xf32, #tpu.memory_space<vmem>>, vector<1x1x16xf32>,
      %swap3A_87 = vector.shape_cast %swap3A_86 : vector<1x1x16xf32> to vector<16xf32>
      %swap3A_88 = vector.shape_cast %broadcast_in_dim3A_81 : vector<16xf32> to vector<1x1x16xf32>
      tpu.vector_store %arg7[%swap3A_83, %swap3A_84, %swap3A_85], %swap3A_88 {strides = array<i32>} : memref<2x128x64xf32, #tpu.memory_space<vmem>>, vector<1x1x16xf32>,
      %broadcast_in_dim3A_89 = arith.constant 0.000000e+00 : f32
      %broadcast_in_dim3A_90 = vector.broadcast %broadcast_in_dim3A_89 : f32 to vector<16xf32>
      %swap3A_91 = arith.constant 0 : i32
      %swap3A_92 = arith.index_cast %swap3A_91 : i32 to index
      %swap3A_93 = arith.index_cast %scan3A_71 : i32 to index
      %swap3A_94 = arith.constant 32 : index
      %swap3A_95 = tpu.vector_load %arg7[%swap3A_92, %swap3A_93, %swap3A_94] {strides = array<i32>} : memref<2x128x64xf32, #tpu.memory_space<vmem>>, vector<1x1x16xf32>,
      %swap3A_96 = vector.shape_cast %swap3A_95 : vector<1x1x16xf32> to vector<16xf32>
      %swap3A_97 = vector.shape_cast %broadcast_in_dim3A_90 : vector<16xf32> to vector<1x1x16xf32>
      tpu.vector_store %arg7[%swap3A_92, %swap3A_93, %swap3A_94], %swap3A_97 {strides = array<i32>} : memref<2x128x64xf32, #tpu.memory_space<vmem>>, vector<1x1x16xf32>,
      %broadcast_in_dim3A_98 = arith.constant 0.000000e+00 : f32
      %broadcast_in_dim3A_99 = vector.broadcast %broadcast_in_dim3A_98 : f32 to vector<16xf32>
      %swap3A_100 = arith.constant 0 : i32
      %swap3A_101 = arith.index_cast %swap3A_100 : i32 to index
      %swap3A_102 = arith.index_cast %scan3A_71 : i32 to index
      %swap3A_103 = arith.constant 48 : index
      %swap3A_104 = tpu.vector_load %arg7[%swap3A_101, %swap3A_102, %swap3A_103] {strides = array<i32>} : memref<2x128x64xf32, #tpu.memory_space<vmem>>, vector<1x1x16xf32>,
      %swap3A_105 = vector.shape_cast %swap3A_104 : vector<1x1x16xf32> to vector<16xf32>
      %swap3A_106 = vector.shape_cast %broadcast_in_dim3A_99 : vector<16xf32> to vector<1x1x16xf32>
      tpu.vector_store %arg7[%swap3A_101, %swap3A_102, %swap3A_103], %swap3A_106 {strides = array<i32>} : memref<2x128x64xf32, #tpu.memory_space<vmem>>, vector<1x1x16xf32>,
      %scan3A_107 = arith.constant 0 : i32
      scf.yield %scan3A_107 : i32
    }
    %scan3A_6 = arith.constant 128 : i32
    %add3A = arith.constant 0 : i32
    %add3A_7 = arith.addi %mul3A_0, %add3A : i32
    %run_scoped3A = arith.constant 0 : i32
    "tpu.region"() ({
      %run_scoped3A_71 = tpu.sem_alloc : memref<!tpu.dma_semaphore, #tpu.memory_space<semaphore_mem>>
      %dma_start3A_72 = arith.constant 0 : i32
      %dma_start3A_73 = arith.constant 0 : i32
      %dma_start3A_74 = tpu.memref_slice %arg7[%run_scoped3A, %dma_start3A_72, %dma_start3A_73] : memref<2x128x64xf32, #tpu.memory_space<vmem>> -> memref<1x128x64xf32, #tpu.memory_space<vmem>>
      %dma_start3A_75 = tpu.memref_squeeze %dma_start3A_74 : memref<1x128x64xf32, #tpu.memory_space<vmem>> -> memref<128x64xf32, #tpu.memory_space<vmem>>
      %dma_start3A_76 = arith.constant 0 : i32
      %dma_start3A_77 = tpu.memref_slice %arg11[%add3A_7, %dma_start3A_76] : memref<10112x64xf32, #tpu.memory_space<vmem_shared>> -> memref<128x64xf32, #tpu.memory_space<vmem_shared>>
      %dma_start3A_78 = arith.constant 0 : i32
      %dma_start3A_79 = tpu.memref_slice %arg11[%add3A_7, %dma_start3A_78] : memref<10112x64xf32, #tpu.memory_space<vmem_shared>> -> memref<128x64xf32, #tpu.memory_space<vmem_shared>>
      %dma_start3A_80 = arith.constant 0 : i32
      %dma_start3A_81 = arith.constant 0 : i32
      %dma_start3A_82 = tpu.memref_slice %arg7[%run_scoped3A, %dma_start3A_80, %dma_start3A_81] : memref<2x128x64xf32, #tpu.memory_space<vmem>> -> memref<1x128x64xf32, #tpu.memory_space<vmem>>
      %dma_start3A_83 = tpu.memref_squeeze %dma_start3A_82 : memref<1x128x64xf32, #tpu.memory_space<vmem>> -> memref<128x64xf32, #tpu.memory_space<vmem>>
      tpu.enqueue_dma source(%dma_start3A_83 : memref<128x64xf32, #tpu.memory_space<vmem>>) target(%dma_start3A_79 : memref<128x64xf32, #tpu.memory_space<vmem_shared>>) target_semaphore(%run_scoped3A_71 : memref<!tpu.dma_semaphore, #tpu.memory_space<semaphore_mem>>)
      %dma_wait3A_84 = arith.constant 0 : i32
      %dma_wait3A_85 = arith.constant 0 : i32
      %dma_wait3A_86 = tpu.memref_slice %arg7[%run_scoped3A, %dma_wait3A_84, %dma_wait3A_85] : memref<2x128x64xf32, #tpu.memory_space<vmem>> -> memref<1x128x64xf32, #tpu.memory_space<vmem>>
      %dma_wait3A_87 = tpu.memref_squeeze %dma_wait3A_86 : memref<1x128x64xf32, #tpu.memory_space<vmem>> -> memref<128x64xf32, #tpu.memory_space<vmem>>
      %dma_wait3A_88 = arith.constant 0 : i32
      %dma_wait3A_89 = tpu.memref_slice %arg11[%add3A_7, %dma_wait3A_88] : memref<10112x64xf32, #tpu.memory_space<vmem_shared>> -> memref<128x64xf32, #tpu.memory_space<vmem_shared>>
      %dma_wait3A_90 = arith.constant 0 : i32
      %dma_wait3A_91 = tpu.memref_slice %arg11[%add3A_7, %dma_wait3A_90] : memref<10112x64xf32, #tpu.memory_space<vmem_shared>> -> memref<128x64xf32, #tpu.memory_space<vmem_shared>>
      %dma_wait3A_92 = arith.constant 0 : i32
      %dma_wait3A_93 = arith.constant 0 : i32
      %dma_wait3A_94 = tpu.memref_slice %arg7[%run_scoped3A, %dma_wait3A_92, %dma_wait3A_93] : memref<2x128x64xf32, #tpu.memory_space<vmem>> -> memref<1x128x64xf32, #tpu.memory_space<vmem>>
      %dma_wait3A_95 = tpu.memref_squeeze %dma_wait3A_94 : memref<1x128x64xf32, #tpu.memory_space<vmem>> -> memref<128x64xf32, #tpu.memory_space<vmem>>
      tpu.wait_dma2 semaphore(%run_scoped3A_71 : memref<!tpu.dma_semaphore, #tpu.memory_space<semaphore_mem>>) src(%dma_wait3A_95 : memref<128x64xf32, #tpu.memory_space<vmem>>) dst(%dma_wait3A_91 : memref<128x64xf32, #tpu.memory_space<vmem_shared>>)
      tpu.yield
    }) : () -> ()
    %add3A_8 = arith.constant 128 : i32
    %add3A_9 = arith.addi %mul3A_0, %add3A_8 : i32
    %run_scoped3A_10 = arith.constant 0 : i32
    "tpu.region"() ({
      %run_scoped3A_71 = tpu.sem_alloc : memref<!tpu.dma_semaphore, #tpu.memory_space<semaphore_mem>>
      %dma_start3A_72 = arith.constant 0 : i32
      %dma_start3A_73 = arith.constant 0 : i32
      %dma_start3A_74 = tpu.memref_slice %arg7[%run_scoped3A_10, %dma_start3A_72, %dma_start3A_73] : memref<2x128x64xf32, #tpu.memory_space<vmem>> -> memref<1x128x64xf32, #tpu.memory_space<vmem>>
      %dma_start3A_75 = tpu.memref_squeeze %dma_start3A_74 : memref<1x128x64xf32, #tpu.memory_space<vmem>> -> memref<128x64xf32, #tpu.memory_space<vmem>>
      %dma_start3A_76 = arith.constant 0 : i32
      %dma_start3A_77 = tpu.memref_slice %arg11[%add3A_9, %dma_start3A_76] : memref<10112x64xf32, #tpu.memory_space<vmem_shared>> -> memref<128x64xf32, #tpu.memory_space<vmem_shared>>
      %dma_start3A_78 = arith.constant 0 : i32
      %dma_start3A_79 = tpu.memref_slice %arg11[%add3A_9, %dma_start3A_78] : memref<10112x64xf32, #tpu.memory_space<vmem_shared>> -> memref<128x64xf32, #tpu.memory_space<vmem_shared>>
      %dma_start3A_80 = arith.constant 0 : i32
      %dma_start3A_81 = arith.constant 0 : i32
      %dma_start3A_82 = tpu.memref_slice %arg7[%run_scoped3A_10, %dma_start3A_80, %dma_start3A_81] : memref<2x128x64xf32, #tpu.memory_space<vmem>> -> memref<1x128x64xf32, #tpu.memory_space<vmem>>
      %dma_start3A_83 = tpu.memref_squeeze %dma_start3A_82 : memref<1x128x64xf32, #tpu.memory_space<vmem>> -> memref<128x64xf32, #tpu.memory_space<vmem>>
      tpu.enqueue_dma source(%dma_start3A_83 : memref<128x64xf32, #tpu.memory_space<vmem>>) target(%dma_start3A_79 : memref<128x64xf32, #tpu.memory_space<vmem_shared>>) target_semaphore(%run_scoped3A_71 : memref<!tpu.dma_semaphore, #tpu.memory_space<semaphore_mem>>)
      %dma_wait3A_84 = arith.constant 0 : i32
      %dma_wait3A_85 = arith.constant 0 : i32
      %dma_wait3A_86 = tpu.memref_slice %arg7[%run_scoped3A_10, %dma_wait3A_84, %dma_wait3A_85] : memref<2x128x64xf32, #tpu.memory_space<vmem>> -> memref<1x128x64xf32, #tpu.memory_space<vmem>>
      %dma_wait3A_87 = tpu.memref_squeeze %dma_wait3A_86 : memref<1x128x64xf32, #tpu.memory_space<vmem>> -> memref<128x64xf32, #tpu.memory_space<vmem>>
      %dma_wait3A_88 = arith.constant 0 : i32
      %dma_wait3A_89 = tpu.memref_slice %arg11[%add3A_9, %dma_wait3A_88] : memref<10112x64xf32, #tpu.memory_space<vmem_shared>> -> memref<128x64xf32, #tpu.memory_space<vmem_shared>>
      %dma_wait3A_90 = arith.constant 0 : i32
      %dma_wait3A_91 = tpu.memref_slice %arg11[%add3A_9, %dma_wait3A_90] : memref<10112x64xf32, #tpu.memory_space<vmem_shared>> -> memref<128x64xf32, #tpu.memory_space<vmem_shared>>
      %dma_wait3A_92 = arith.constant 0 : i32
      %dma_wait3A_93 = arith.constant 0 : i32
      %dma_wait3A_94 = tpu.memref_slice %arg7[%run_scoped3A_10, %dma_wait3A_92, %dma_wait3A_93] : memref<2x128x64xf32, #tpu.memory_space<vmem>> -> memref<1x128x64xf32, #tpu.memory_space<vmem>>
      %dma_wait3A_95 = tpu.memref_squeeze %dma_wait3A_94 : memref<1x128x64xf32, #tpu.memory_space<vmem>> -> memref<128x64xf32, #tpu.memory_space<vmem>>
      tpu.wait_dma2 semaphore(%run_scoped3A_71 : memref<!tpu.dma_semaphore, #tpu.memory_space<semaphore_mem>>) src(%dma_wait3A_95 : memref<128x64xf32, #tpu.memory_space<vmem>>) dst(%dma_wait3A_91 : memref<128x64xf32, #tpu.memory_space<vmem_shared>>)
      tpu.yield
    }) : () -> ()
    %add3A_11 = arith.constant 256 : i32
    %add3A_12 = arith.addi %mul3A_0, %add3A_11 : i32
    %run_scoped3A_13 = arith.constant 0 : i32
    "tpu.region"() ({
      %run_scoped3A_71 = tpu.sem_alloc : memref<!tpu.dma_semaphore, #tpu.memory_space<semaphore_mem>>
      %dma_start3A_72 = arith.constant 0 : i32
      %dma_start3A_73 = arith.constant 0 : i32
      %dma_start3A_74 = tpu.memref_slice %arg7[%run_scoped3A_13, %dma_start3A_72, %dma_start3A_73] : memref<2x128x64xf32, #tpu.memory_space<vmem>> -> memref<1x128x64xf32, #tpu.memory_space<vmem>>
      %dma_start3A_75 = tpu.memref_squeeze %dma_start3A_74 : memref<1x128x64xf32, #tpu.memory_space<vmem>> -> memref<128x64xf32, #tpu.memory_space<vmem>>
      %dma_start3A_76 = arith.constant 0 : i32
      %dma_start3A_77 = tpu.memref_slice %arg11[%add3A_12, %dma_start3A_76] : memref<10112x64xf32, #tpu.memory_space<vmem_shared>> -> memref<128x64xf32, #tpu.memory_space<vmem_shared>>
      %dma_start3A_78 = arith.constant 0 : i32
      %dma_start3A_79 = tpu.memref_slice %arg11[%add3A_12, %dma_start3A_78] : memref<10112x64xf32, #tpu.memory_space<vmem_shared>> -> memref<128x64xf32, #tpu.memory_space<vmem_shared>>
      %dma_start3A_80 = arith.constant 0 : i32
      %dma_start3A_81 = arith.constant 0 : i32
      %dma_start3A_82 = tpu.memref_slice %arg7[%run_scoped3A_13, %dma_start3A_80, %dma_start3A_81] : memref<2x128x64xf32, #tpu.memory_space<vmem>> -> memref<1x128x64xf32, #tpu.memory_space<vmem>>
      %dma_start3A_83 = tpu.memref_squeeze %dma_start3A_82 : memref<1x128x64xf32, #tpu.memory_space<vmem>> -> memref<128x64xf32, #tpu.memory_space<vmem>>
      tpu.enqueue_dma source(%dma_start3A_83 : memref<128x64xf32, #tpu.memory_space<vmem>>) target(%dma_start3A_79 : memref<128x64xf32, #tpu.memory_space<vmem_shared>>) target_semaphore(%run_scoped3A_71 : memref<!tpu.dma_semaphore, #tpu.memory_space<semaphore_mem>>)
      %dma_wait3A_84 = arith.constant 0 : i32
      %dma_wait3A_85 = arith.constant 0 : i32
      %dma_wait3A_86 = tpu.memref_slice %arg7[%run_scoped3A_13, %dma_wait3A_84, %dma_wait3A_85] : memref<2x128x64xf32, #tpu.memory_space<vmem>> -> memref<1x128x64xf32, #tpu.memory_space<vmem>>
      %dma_wait3A_87 = tpu.memref_squeeze %dma_wait3A_86 : memref<1x128x64xf32, #tpu.memory_space<vmem>> -> memref<128x64xf32, #tpu.memory_space<vmem>>
      %dma_wait3A_88 = arith.constant 0 : i32
      %dma_wait3A_89 = tpu.memref_slice %arg11[%add3A_12, %dma_wait3A_88] : memref<10112x64xf32, #tpu.memory_space<vmem_shared>> -> memref<128x64xf32, #tpu.memory_space<vmem_shared>>
      %dma_wait3A_90 = arith.constant 0 : i32
      %dma_wait3A_91 = tpu.memref_slice %arg11[%add3A_12, %dma_wait3A_90] : memref<10112x64xf32, #tpu.memory_space<vmem_shared>> -> memref<128x64xf32, #tpu.memory_space<vmem_shared>>
      %dma_wait3A_92 = arith.constant 0 : i32
      %dma_wait3A_93 = arith.constant 0 : i32
      %dma_wait3A_94 = tpu.memref_slice %arg7[%run_scoped3A_13, %dma_wait3A_92, %dma_wait3A_93] : memref<2x128x64xf32, #tpu.memory_space<vmem>> -> memref<1x128x64xf32, #tpu.memory_space<vmem>>
      %dma_wait3A_95 = tpu.memref_squeeze %dma_wait3A_94 : memref<1x128x64xf32, #tpu.memory_space<vmem>> -> memref<128x64xf32, #tpu.memory_space<vmem>>
      tpu.wait_dma2 semaphore(%run_scoped3A_71 : memref<!tpu.dma_semaphore, #tpu.memory_space<semaphore_mem>>) src(%dma_wait3A_95 : memref<128x64xf32, #tpu.memory_space<vmem>>) dst(%dma_wait3A_91 : memref<128x64xf32, #tpu.memory_space<vmem_shared>>)
      tpu.yield
    }) : () -> ()
    %add3A_14 = arith.constant 384 : i32
    %add3A_15 = arith.addi %mul3A_0, %add3A_14 : i32
    %run_scoped3A_16 = arith.constant 0 : i32
    "tpu.region"() ({
      %run_scoped3A_71 = tpu.sem_alloc : memref<!tpu.dma_semaphore, #tpu.memory_space<semaphore_mem>>
      %dma_start3A_72 = arith.constant 0 : i32
      %dma_start3A_73 = arith.constant 0 : i32
      %dma_start3A_74 = tpu.memref_slice %arg7[%run_scoped3A_16, %dma_start3A_72, %dma_start3A_73] : memref<2x128x64xf32, #tpu.memory_space<vmem>> -> memref<1x128x64xf32, #tpu.memory_space<vmem>>
      %dma_start3A_75 = tpu.memref_squeeze %dma_start3A_74 : memref<1x128x64xf32, #tpu.memory_space<vmem>> -> memref<128x64xf32, #tpu.memory_space<vmem>>
      %dma_start3A_76 = arith.constant 0 : i32
      %dma_start3A_77 = tpu.memref_slice %arg11[%add3A_15, %dma_start3A_76] : memref<10112x64xf32, #tpu.memory_space<vmem_shared>> -> memref<128x64xf32, #tpu.memory_space<vmem_shared>>
      %dma_start3A_78 = arith.constant 0 : i32
      %dma_start3A_79 = tpu.memref_slice %arg11[%add3A_15, %dma_start3A_78] : memref<10112x64xf32, #tpu.memory_space<vmem_shared>> -> memref<128x64xf32, #tpu.memory_space<vmem_shared>>
      %dma_start3A_80 = arith.constant 0 : i32
      %dma_start3A_81 = arith.constant 0 : i32
      %dma_start3A_82 = tpu.memref_slice %arg7[%run_scoped3A_16, %dma_start3A_80, %dma_start3A_81] : memref<2x128x64xf32, #tpu.memory_space<vmem>> -> memref<1x128x64xf32, #tpu.memory_space<vmem>>
      %dma_start3A_83 = tpu.memref_squeeze %dma_start3A_82 : memref<1x128x64xf32, #tpu.memory_space<vmem>> -> memref<128x64xf32, #tpu.memory_space<vmem>>
      tpu.enqueue_dma source(%dma_start3A_83 : memref<128x64xf32, #tpu.memory_space<vmem>>) target(%dma_start3A_79 : memref<128x64xf32, #tpu.memory_space<vmem_shared>>) target_semaphore(%run_scoped3A_71 : memref<!tpu.dma_semaphore, #tpu.memory_space<semaphore_mem>>)
      %dma_wait3A_84 = arith.constant 0 : i32
      %dma_wait3A_85 = arith.constant 0 : i32
      %dma_wait3A_86 = tpu.memref_slice %arg7[%run_scoped3A_16, %dma_wait3A_84, %dma_wait3A_85] : memref<2x128x64xf32, #tpu.memory_space<vmem>> -> memref<1x128x64xf32, #tpu.memory_space<vmem>>
      %dma_wait3A_87 = tpu.memref_squeeze %dma_wait3A_86 : memref<1x128x64xf32, #tpu.memory_space<vmem>> -> memref<128x64xf32, #tpu.memory_space<vmem>>
      %dma_wait3A_88 = arith.constant 0 : i32
      %dma_wait3A_89 = tpu.memref_slice %arg11[%add3A_15, %dma_wait3A_88] : memref<10112x64xf32, #tpu.memory_space<vmem_shared>> -> memref<128x64xf32, #tpu.memory_space<vmem_shared>>
      %dma_wait3A_90 = arith.constant 0 : i32
      %dma_wait3A_91 = tpu.memref_slice %arg11[%add3A_15, %dma_wait3A_90] : memref<10112x64xf32, #tpu.memory_space<vmem_shared>> -> memref<128x64xf32, #tpu.memory_space<vmem_shared>>
      %dma_wait3A_92 = arith.constant 0 : i32
      %dma_wait3A_93 = arith.constant 0 : i32
      %dma_wait3A_94 = tpu.memref_slice %arg7[%run_scoped3A_16, %dma_wait3A_92, %dma_wait3A_93] : memref<2x128x64xf32, #tpu.memory_space<vmem>> -> memref<1x128x64xf32, #tpu.memory_space<vmem>>
      %dma_wait3A_95 = tpu.memref_squeeze %dma_wait3A_94 : memref<1x128x64xf32, #tpu.memory_space<vmem>> -> memref<128x64xf32, #tpu.memory_space<vmem>>
      tpu.wait_dma2 semaphore(%run_scoped3A_71 : memref<!tpu.dma_semaphore, #tpu.memory_space<semaphore_mem>>) src(%dma_wait3A_95 : memref<128x64xf32, #tpu.memory_space<vmem>>) dst(%dma_wait3A_91 : memref<128x64xf32, #tpu.memory_space<vmem_shared>>)
      tpu.yield
    }) : () -> ()
    %add3A_17 = arith.constant 512 : i32
    %add3A_18 = arith.addi %mul3A_0, %add3A_17 : i32
    %run_scoped3A_19 = arith.constant 0 : i32
    "tpu.region"() ({
      %run_scoped3A_71 = tpu.sem_alloc : memref<!tpu.dma_semaphore, #tpu.memory_space<semaphore_mem>>
      %dma_start3A_72 = arith.constant 0 : i32
      %dma_start3A_73 = arith.constant 0 : i32
      %dma_start3A_74 = tpu.memref_slice %arg7[%run_scoped3A_19, %dma_start3A_72, %dma_start3A_73] : memref<2x128x64xf32, #tpu.memory_space<vmem>> -> memref<1x120x64xf32, #tpu.memory_space<vmem>>
      %dma_start3A_75 = tpu.memref_squeeze %dma_start3A_74 : memref<1x120x64xf32, #tpu.memory_space<vmem>> -> memref<120x64xf32, #tpu.memory_space<vmem>>
      %dma_start3A_76 = arith.constant 0 : i32
      %dma_start3A_77 = tpu.memref_slice %arg11[%add3A_18, %dma_start3A_76] : memref<10112x64xf32, #tpu.memory_space<vmem_shared>> -> memref<120x64xf32, #tpu.memory_space<vmem_shared>>
      %dma_start3A_78 = arith.constant 0 : i32
      %dma_start3A_79 = tpu.memref_slice %arg11[%add3A_18, %dma_start3A_78] : memref<10112x64xf32, #tpu.memory_space<vmem_shared>> -> memref<120x64xf32, #tpu.memory_space<vmem_shared>>
      %dma_start3A_80 = arith.constant 0 : i32
      %dma_start3A_81 = arith.constant 0 : i32
      %dma_start3A_82 = tpu.memref_slice %arg7[%run_scoped3A_19, %dma_start3A_80, %dma_start3A_81] : memref<2x128x64xf32, #tpu.memory_space<vmem>> -> memref<1x120x64xf32, #tpu.memory_space<vmem>>
      %dma_start3A_83 = tpu.memref_squeeze %dma_start3A_82 : memref<1x120x64xf32, #tpu.memory_space<vmem>> -> memref<120x64xf32, #tpu.memory_space<vmem>>
      tpu.enqueue_dma source(%dma_start3A_83 : memref<120x64xf32, #tpu.memory_space<vmem>>) target(%dma_start3A_79 : memref<120x64xf32, #tpu.memory_space<vmem_shared>>) target_semaphore(%run_scoped3A_71 : memref<!tpu.dma_semaphore, #tpu.memory_space<semaphore_mem>>)
      %dma_wait3A_84 = arith.constant 0 : i32
      %dma_wait3A_85 = arith.constant 0 : i32
      %dma_wait3A_86 = tpu.memref_slice %arg7[%run_scoped3A_19, %dma_wait3A_84, %dma_wait3A_85] : memref<2x128x64xf32, #tpu.memory_space<vmem>> -> memref<1x120x64xf32, #tpu.memory_space<vmem>>
      %dma_wait3A_87 = tpu.memref_squeeze %dma_wait3A_86 : memref<1x120x64xf32, #tpu.memory_space<vmem>> -> memref<120x64xf32, #tpu.memory_space<vmem>>
      %dma_wait3A_88 = arith.constant 0 : i32
      %dma_wait3A_89 = tpu.memref_slice %arg11[%add3A_18, %dma_wait3A_88] : memref<10112x64xf32, #tpu.memory_space<vmem_shared>> -> memref<120x64xf32, #tpu.memory_space<vmem_shared>>
      %dma_wait3A_90 = arith.constant 0 : i32
      %dma_wait3A_91 = tpu.memref_slice %arg11[%add3A_18, %dma_wait3A_90] : memref<10112x64xf32, #tpu.memory_space<vmem_shared>> -> memref<120x64xf32, #tpu.memory_space<vmem_shared>>
      %dma_wait3A_92 = arith.constant 0 : i32
      %dma_wait3A_93 = arith.constant 0 : i32
      %dma_wait3A_94 = tpu.memref_slice %arg7[%run_scoped3A_19, %dma_wait3A_92, %dma_wait3A_93] : memref<2x128x64xf32, #tpu.memory_space<vmem>> -> memref<1x120x64xf32, #tpu.memory_space<vmem>>
      %dma_wait3A_95 = tpu.memref_squeeze %dma_wait3A_94 : memref<1x120x64xf32, #tpu.memory_space<vmem>> -> memref<120x64xf32, #tpu.memory_space<vmem>>
      tpu.wait_dma2 semaphore(%run_scoped3A_71 : memref<!tpu.dma_semaphore, #tpu.memory_space<semaphore_mem>>) src(%dma_wait3A_95 : memref<120x64xf32, #tpu.memory_space<vmem>>) dst(%dma_wait3A_91 : memref<120x64xf32, #tpu.memory_space<vmem_shared>>)
      tpu.yield
    }) : () -> ()
    %barrier3A = arith.constant 0 : index
    tpu.barrier barrier_id(%barrier3A)
    %mul3A_20 = arith.constant 162 : i32
    %mul3A_21 = arith.muli %arg1, %mul3A_20 : i32
    %mul3A_22 = arith.constant 128 : i32
    %mul3A_23 = arith.muli %mul3A_21, %mul3A_22 : i32
    %multiple_of3A = tpu.assume_multiple %mul3A_23, 128 : i32
    %run_scoped3A_24 = arith.constant 0 : i32
    "tpu.region"() ({
      %run_scoped3A_71 = tpu.sem_alloc : memref<!tpu.dma_semaphore, #tpu.memory_space<semaphore_mem>>
      %dma_start3A_72 = arith.constant 0 : i32
      %dma_start3A_73 = tpu.memref_slice %arg8[%run_scoped3A_24, %dma_start3A_72] : memref<2x128xi32, #tpu.memory_space<vmem>> -> memref<1x128xi32, #tpu.memory_space<vmem>>
      %dma_start3A_74 = tpu.memref_squeeze %dma_start3A_73 : memref<1x128xi32, #tpu.memory_space<vmem>> -> memref<128xi32, #tpu.memory_space<vmem>>
      %dma_start3A_75 = tpu.memref_slice %arg3[%multiple_of3A] : memref<335872xi32, #tpu.memory_space<hbm>> -> memref<128xi32, #tpu.memory_space<hbm>>
      %dma_start3A_76 = arith.constant 0 : i32
      %dma_start3A_77 = tpu.memref_slice %arg8[%run_scoped3A_24, %dma_start3A_76] : memref<2x128xi32, #tpu.memory_space<vmem>> -> memref<1x128xi32, #tpu.memory_space<vmem>>
      %dma_start3A_78 = tpu.memref_squeeze %dma_start3A_77 : memref<1x128xi32, #tpu.memory_space<vmem>> -> memref<128xi32, #tpu.memory_space<vmem>>
      %dma_start3A_79 = tpu.memref_slice %arg3[%multiple_of3A] : memref<335872xi32, #tpu.memory_space<hbm>> -> memref<128xi32, #tpu.memory_space<hbm>>
      tpu.enqueue_dma source(%dma_start3A_79 : memref<128xi32, #tpu.memory_space<hbm>>) target(%dma_start3A_78 : memref<128xi32, #tpu.memory_space<vmem>>) target_semaphore(%run_scoped3A_71 : memref<!tpu.dma_semaphore, #tpu.memory_space<semaphore_mem>>)
      %dma_wait3A_80 = arith.constant 0 : i32
      %dma_wait3A_81 = tpu.memref_slice %arg8[%run_scoped3A_24, %dma_wait3A_80] : memref<2x128xi32, #tpu.memory_space<vmem>> -> memref<1x128xi32, #tpu.memory_space<vmem>>
      %dma_wait3A_82 = tpu.memref_squeeze %dma_wait3A_81 : memref<1x128xi32, #tpu.memory_space<vmem>> -> memref<128xi32, #tpu.memory_space<vmem>>
      %dma_wait3A_83 = tpu.memref_slice %arg3[%multiple_of3A] : memref<335872xi32, #tpu.memory_space<hbm>> -> memref<128xi32, #tpu.memory_space<hbm>>
      %dma_wait3A_84 = arith.constant 0 : i32
      %dma_wait3A_85 = tpu.memref_slice %arg8[%run_scoped3A_24, %dma_wait3A_84] : memref<2x128xi32, #tpu.memory_space<vmem>> -> memref<1x128xi32, #tpu.memory_space<vmem>>
      %dma_wait3A_86 = tpu.memref_squeeze %dma_wait3A_85 : memref<1x128xi32, #tpu.memory_space<vmem>> -> memref<128xi32, #tpu.memory_space<vmem>>
      %dma_wait3A_87 = tpu.memref_slice %arg3[%multiple_of3A] : memref<335872xi32, #tpu.memory_space<hbm>> -> memref<128xi32, #tpu.memory_space<hbm>>
      tpu.wait_dma2 semaphore(%run_scoped3A_71 : memref<!tpu.dma_semaphore, #tpu.memory_space<semaphore_mem>>) src(%dma_wait3A_87 : memref<128xi32, #tpu.memory_space<hbm>>) dst(%dma_wait3A_86 : memref<128xi32, #tpu.memory_space<vmem>>)
      tpu.yield
    }) : () -> ()
    %run_scoped3A_25 = arith.constant 0 : i32
    %run_scoped3A_26 = arith.constant 0 : i32
    "tpu.region"() ({
      %run_scoped3A_71 = tpu.sem_alloc : memref<!tpu.dma_semaphore, #tpu.memory_space<semaphore_mem>>
      %dma_start3A_72 = arith.constant 0 : i32
      %dma_start3A_73 = tpu.memref_slice %arg9[%run_scoped3A_25, %run_scoped3A_26, %dma_start3A_72] : memref<2x2x128xi32, #tpu.memory_space<vmem>> -> memref<1x1x128xi32, #tpu.memory_space<vmem>>
      %dma_start3A_74 = tpu.memref_squeeze %dma_start3A_73 : memref<1x1x128xi32, #tpu.memory_space<vmem>> -> memref<128xi32, #tpu.memory_space<vmem>>
      %dma_start3A_75 = tpu.memref_slice %arg4[%multiple_of3A] : memref<335872xi32, #tpu.memory_space<hbm>> -> memref<128xi32, #tpu.memory_space<hbm>>
      %dma_start3A_76 = arith.constant 0 : i32
      %dma_start3A_77 = tpu.memref_slice %arg9[%run_scoped3A_25, %run_scoped3A_26, %dma_start3A_76] : memref<2x2x128xi32, #tpu.memory_space<vmem>> -> memref<1x1x128xi32, #tpu.memory_space<vmem>>
      %dma_start3A_78 = tpu.memref_squeeze %dma_start3A_77 : memref<1x1x128xi32, #tpu.memory_space<vmem>> -> memref<128xi32, #tpu.memory_space<vmem>>
      %dma_start3A_79 = tpu.memref_slice %arg4[%multiple_of3A] : memref<335872xi32, #tpu.memory_space<hbm>> -> memref<128xi32, #tpu.memory_space<hbm>>
      tpu.enqueue_dma source(%dma_start3A_79 : memref<128xi32, #tpu.memory_space<hbm>>) target(%dma_start3A_78 : memref<128xi32, #tpu.memory_space<vmem>>) target_semaphore(%run_scoped3A_71 : memref<!tpu.dma_semaphore, #tpu.memory_space<semaphore_mem>>)
      %dma_wait3A_80 = arith.constant 0 : i32
      %dma_wait3A_81 = tpu.memref_slice %arg9[%run_scoped3A_25, %run_scoped3A_26, %dma_wait3A_80] : memref<2x2x128xi32, #tpu.memory_space<vmem>> -> memref<1x1x128xi32, #tpu.memory_space<vmem>>
      %dma_wait3A_82 = tpu.memref_squeeze %dma_wait3A_81 : memref<1x1x128xi32, #tpu.memory_space<vmem>> -> memref<128xi32, #tpu.memory_space<vmem>>
      %dma_wait3A_83 = tpu.memref_slice %arg4[%multiple_of3A] : memref<335872xi32, #tpu.memory_space<hbm>> -> memref<128xi32, #tpu.memory_space<hbm>>
      %dma_wait3A_84 = arith.constant 0 : i32
      %dma_wait3A_85 = tpu.memref_slice %arg9[%run_scoped3A_25, %run_scoped3A_26, %dma_wait3A_84] : memref<2x2x128xi32, #tpu.memory_space<vmem>> -> memref<1x1x128xi32, #tpu.memory_space<vmem>>
      %dma_wait3A_86 = tpu.memref_squeeze %dma_wait3A_85 : memref<1x1x128xi32, #tpu.memory_space<vmem>> -> memref<128xi32, #tpu.memory_space<vmem>>
      %dma_wait3A_87 = tpu.memref_slice %arg4[%multiple_of3A] : memref<335872xi32, #tpu.memory_space<hbm>> -> memref<128xi32, #tpu.memory_space<hbm>>
      tpu.wait_dma2 semaphore(%run_scoped3A_71 : memref<!tpu.dma_semaphore, #tpu.memory_space<semaphore_mem>>) src(%dma_wait3A_87 : memref<128xi32, #tpu.memory_space<hbm>>) dst(%dma_wait3A_86 : memref<128xi32, #tpu.memory_space<vmem>>)
      tpu.yield
    }) : () -> ()
    %dma_start3A = arith.constant 0 : i32
    %dma_start3A_27 = arith.constant 0 : i32
    %dma_start3A_28 = arith.constant 0 : i32
    %dma_start3A_29 = arith.constant 0 : i32
    %dma_start3A_30 = tpu.memref_slice %arg6[%dma_start3A_27, %dma_start3A_28, %dma_start3A_29] : memref<2x128x32xi32, #tpu.memory_space<vmem>> -> memref<1x128x32xi32, #tpu.memory_space<vmem>>
    %dma_start3A_31 = tpu.memref_squeeze %dma_start3A_30 : memref<1x128x32xi32, #tpu.memory_space<vmem>> -> memref<128x32xi32, #tpu.memory_space<vmem>>
    %dma_start3A_32 = arith.constant 0 : i32
    %dma_start3A_33 = tpu.memref_slice %arg8[%dma_start3A, %dma_start3A_32] : memref<2x128xi32, #tpu.memory_space<vmem>> -> memref<1x128xi32, #tpu.memory_space<vmem>>
    %dma_start3A_34 = tpu.memref_squeeze %dma_start3A_33 : memref<1x128xi32, #tpu.memory_space<vmem>> -> memref<128xi32, #tpu.memory_space<vmem>>
    %dma_start3A_35 = arith.constant 0 : i32
    %dma_start3A_36 = arith.constant 0 : i32
    %dma_start3A_37 = tpu.memref_slice %arg10[%dma_start3A_35, %dma_start3A_36] : memref<10112x32xi32, #tpu.memory_space<vmem_shared>> -> memref<10112x32xi32, #tpu.memory_space<vmem_shared>>
    tpu.enqueue_indirect_dma source(%dma_start3A_37 : memref<10112x32xi32, #tpu.memory_space<vmem_shared>>) target(%dma_start3A_31 : memref<128x32xi32, #tpu.memory_space<vmem>>) offsets(%dma_start3A_34 : memref<128xi32, #tpu.memory_space<vmem>>) semaphore(%arg12 : memref<!tpu.dma_semaphore, #tpu.memory_space<semaphore_mem>>)
    %scan3A_38 = arith.constant 0 : i32
    %scan3A_39 = arith.constant 0 : i32
    %scan3A_40 = arith.constant 81 : i32
    %scan3A_41 = arith.addi %scan3A_39, %scan3A_40 : i32
    %scan3A_42 = arith.constant 1 : i32
    %scan3A_43 = scf.for %scan3A_71 = %scan3A_39 to %scan3A_41 step %scan3A_42 iter_args(%scan3A_72 = %scan3A_38) -> (i32)  : i32 {
      %and3A = arith.constant 1 : i32
      %and3A_73 = arith.andi %scan3A_71, %and3A : i32
      %mul3A_74 = arith.constant 162 : i32
      %mul3A_75 = arith.muli %arg1, %mul3A_74 : i32
      %mul3A_76 = arith.constant 2 : i32
      %mul3A_77 = arith.muli %mul3A_76, %scan3A_71 : i32
      %add3A_78 = arith.addi %mul3A_75, %mul3A_77 : i32
      %mul3A_79 = arith.constant 128 : i32
      %mul3A_80 = arith.muli %add3A_78, %mul3A_79 : i32
      %multiple_of3A_81 = tpu.assume_multiple %mul3A_80, 128 : i32
      %add3A_82 = arith.constant 128 : i32
      %add3A_83 = arith.addi %multiple_of3A_81, %add3A_82 : i32
      %run_scoped3A_84 = arith.constant 1 : i32
      "tpu.region"() ({
        %run_scoped3A_165 = tpu.sem_alloc : memref<!tpu.dma_semaphore, #tpu.memory_space<semaphore_mem>>
        %dma_start3A_166 = arith.constant 0 : i32
        %dma_start3A_167 = tpu.memref_slice %arg8[%run_scoped3A_84, %dma_start3A_166] : memref<2x128xi32, #tpu.memory_space<vmem>> -> memref<1x128xi32, #tpu.memory_space<vmem>>
        %dma_start3A_168 = tpu.memref_squeeze %dma_start3A_167 : memref<1x128xi32, #tpu.memory_space<vmem>> -> memref<128xi32, #tpu.memory_space<vmem>>
        %dma_start3A_169 = tpu.memref_slice %arg3[%add3A_83] : memref<335872xi32, #tpu.memory_space<hbm>> -> memref<128xi32, #tpu.memory_space<hbm>>
        %dma_start3A_170 = arith.constant 0 : i32
        %dma_start3A_171 = tpu.memref_slice %arg8[%run_scoped3A_84, %dma_start3A_170] : memref<2x128xi32, #tpu.memory_space<vmem>> -> memref<1x128xi32, #tpu.memory_space<vmem>>
        %dma_start3A_172 = tpu.memref_squeeze %dma_start3A_171 : memref<1x128xi32, #tpu.memory_space<vmem>> -> memref<128xi32, #tpu.memory_space<vmem>>
        %dma_start3A_173 = tpu.memref_slice %arg3[%add3A_83] : memref<335872xi32, #tpu.memory_space<hbm>> -> memref<128xi32, #tpu.memory_space<hbm>>
        tpu.enqueue_dma source(%dma_start3A_173 : memref<128xi32, #tpu.memory_space<hbm>>) target(%dma_start3A_172 : memref<128xi32, #tpu.memory_space<vmem>>) target_semaphore(%run_scoped3A_165 : memref<!tpu.dma_semaphore, #tpu.memory_space<semaphore_mem>>)
        %dma_wait3A_174 = arith.constant 0 : i32
        %dma_wait3A_175 = tpu.memref_slice %arg8[%run_scoped3A_84, %dma_wait3A_174] : memref<2x128xi32, #tpu.memory_space<vmem>> -> memref<1x128xi32, #tpu.memory_space<vmem>>
        %dma_wait3A_176 = tpu.memref_squeeze %dma_wait3A_175 : memref<1x128xi32, #tpu.memory_space<vmem>> -> memref<128xi32, #tpu.memory_space<vmem>>
        %dma_wait3A_177 = tpu.memref_slice %arg3[%add3A_83] : memref<335872xi32, #tpu.memory_space<hbm>> -> memref<128xi32, #tpu.memory_space<hbm>>
        %dma_wait3A_178 = arith.constant 0 : i32
        %dma_wait3A_179 = tpu.memref_slice %arg8[%run_scoped3A_84, %dma_wait3A_178] : memref<2x128xi32, #tpu.memory_space<vmem>> -> memref<1x128xi32, #tpu.memory_space<vmem>>
        %dma_wait3A_180 = tpu.memref_squeeze %dma_wait3A_179 : memref<1x128xi32, #tpu.memory_space<vmem>> -> memref<128xi32, #tpu.memory_space<vmem>>
        %dma_wait3A_181 = tpu.memref_slice %arg3[%add3A_83] : memref<335872xi32, #tpu.memory_space<hbm>> -> memref<128xi32, #tpu.memory_space<hbm>>
        tpu.wait_dma2 semaphore(%run_scoped3A_165 : memref<!tpu.dma_semaphore, #tpu.memory_space<semaphore_mem>>) src(%dma_wait3A_181 : memref<128xi32, #tpu.memory_space<hbm>>) dst(%dma_wait3A_180 : memref<128xi32, #tpu.memory_space<vmem>>)
        tpu.yield
      }) : () -> ()
      %add3A_85 = arith.constant 128 : i32
      %add3A_86 = arith.addi %multiple_of3A_81, %add3A_85 : i32
      %run_scoped3A_87 = arith.constant 1 : i32
      "tpu.region"() ({
        %run_scoped3A_165 = tpu.sem_alloc : memref<!tpu.dma_semaphore, #tpu.memory_space<semaphore_mem>>
        %dma_start3A_166 = arith.constant 0 : i32
        %dma_start3A_167 = tpu.memref_slice %arg9[%run_scoped3A_87, %and3A_73, %dma_start3A_166] : memref<2x2x128xi32, #tpu.memory_space<vmem>> -> memref<1x1x128xi32, #tpu.memory_space<vmem>>
        %dma_start3A_168 = tpu.memref_squeeze %dma_start3A_167 : memref<1x1x128xi32, #tpu.memory_space<vmem>> -> memref<128xi32, #tpu.memory_space<vmem>>
        %dma_start3A_169 = tpu.memref_slice %arg4[%add3A_86] : memref<335872xi32, #tpu.memory_space<hbm>> -> memref<128xi32, #tpu.memory_space<hbm>>
        %dma_start3A_170 = arith.constant 0 : i32
        %dma_start3A_171 = tpu.memref_slice %arg9[%run_scoped3A_87, %and3A_73, %dma_start3A_170] : memref<2x2x128xi32, #tpu.memory_space<vmem>> -> memref<1x1x128xi32, #tpu.memory_space<vmem>>
        %dma_start3A_172 = tpu.memref_squeeze %dma_start3A_171 : memref<1x1x128xi32, #tpu.memory_space<vmem>> -> memref<128xi32, #tpu.memory_space<vmem>>
        %dma_start3A_173 = tpu.memref_slice %arg4[%add3A_86] : memref<335872xi32, #tpu.memory_space<hbm>> -> memref<128xi32, #tpu.memory_space<hbm>>
        tpu.enqueue_dma source(%dma_start3A_173 : memref<128xi32, #tpu.memory_space<hbm>>) target(%dma_start3A_172 : memref<128xi32, #tpu.memory_space<vmem>>) target_semaphore(%run_scoped3A_165 : memref<!tpu.dma_semaphore, #tpu.memory_space<semaphore_mem>>)
        %dma_wait3A_174 = arith.constant 0 : i32
        %dma_wait3A_175 = tpu.memref_slice %arg9[%run_scoped3A_87, %and3A_73, %dma_wait3A_174] : memref<2x2x128xi32, #tpu.memory_space<vmem>> -> memref<1x1x128xi32, #tpu.memory_space<vmem>>
        %dma_wait3A_176 = tpu.memref_squeeze %dma_wait3A_175 : memref<1x1x128xi32, #tpu.memory_space<vmem>> -> memref<128xi32, #tpu.memory_space<vmem>>
        %dma_wait3A_177 = tpu.memref_slice %arg4[%add3A_86] : memref<335872xi32, #tpu.memory_space<hbm>> -> memref<128xi32, #tpu.memory_space<hbm>>
        %dma_wait3A_178 = arith.constant 0 : i32
        %dma_wait3A_179 = tpu.memref_slice %arg9[%run_scoped3A_87, %and3A_73, %dma_wait3A_178] : memref<2x2x128xi32, #tpu.memory_space<vmem>> -> memref<1x1x128xi32, #tpu.memory_space<vmem>>
        %dma_wait3A_180 = tpu.memref_squeeze %dma_wait3A_179 : memref<1x1x128xi32, #tpu.memory_space<vmem>> -> memref<128xi32, #tpu.memory_space<vmem>>
        %dma_wait3A_181 = tpu.memref_slice %arg4[%add3A_86] : memref<335872xi32, #tpu.memory_space<hbm>> -> memref<128xi32, #tpu.memory_space<hbm>>
        tpu.wait_dma2 semaphore(%run_scoped3A_165 : memref<!tpu.dma_semaphore, #tpu.memory_space<semaphore_mem>>) src(%dma_wait3A_181 : memref<128xi32, #tpu.memory_space<hbm>>) dst(%dma_wait3A_180 : memref<128xi32, #tpu.memory_space<vmem>>)
        tpu.yield
      }) : () -> ()
      %dma_start3A_88 = arith.constant 1 : i32
      %dma_start3A_89 = arith.constant 1 : i32
      %dma_start3A_90 = arith.constant 0 : i32
      %dma_start3A_91 = arith.constant 0 : i32
      %dma_start3A_92 = tpu.memref_slice %arg6[%dma_start3A_89, %dma_start3A_90, %dma_start3A_91] : memref<2x128x32xi32, #tpu.memory_space<vmem>> -> memref<1x128x32xi32, #tpu.memory_space<vmem>>
      %dma_start3A_93 = tpu.memref_squeeze %dma_start3A_92 : memref<1x128x32xi32, #tpu.memory_space<vmem>> -> memref<128x32xi32, #tpu.memory_space<vmem>>
      %dma_start3A_94 = arith.constant 0 : i32
      %dma_start3A_95 = tpu.memref_slice %arg8[%dma_start3A_88, %dma_start3A_94] : memref<2x128xi32, #tpu.memory_space<vmem>> -> memref<1x128xi32, #tpu.memory_space<vmem>>
      %dma_start3A_96 = tpu.memref_squeeze %dma_start3A_95 : memref<1x128xi32, #tpu.memory_space<vmem>> -> memref<128xi32, #tpu.memory_space<vmem>>
      %dma_start3A_97 = arith.constant 0 : i32
      %dma_start3A_98 = arith.constant 0 : i32
      %dma_start3A_99 = tpu.memref_slice %arg10[%dma_start3A_97, %dma_start3A_98] : memref<10112x32xi32, #tpu.memory_space<vmem_shared>> -> memref<10112x32xi32, #tpu.memory_space<vmem_shared>>
      tpu.enqueue_indirect_dma source(%dma_start3A_99 : memref<10112x32xi32, #tpu.memory_space<vmem_shared>>) target(%dma_start3A_93 : memref<128x32xi32, #tpu.memory_space<vmem>>) offsets(%dma_start3A_96 : memref<128xi32, #tpu.memory_space<vmem>>) semaphore(%arg13 : memref<!tpu.dma_semaphore, #tpu.memory_space<semaphore_mem>>)
      %dma_wait3A_100 = arith.constant 0 : i32
      %dma_wait3A_101 = arith.constant 0 : i32
      %dma_wait3A_102 = arith.constant 0 : i32
      %dma_wait3A_103 = arith.constant 0 : i32
      %dma_wait3A_104 = tpu.memref_slice %arg6[%dma_wait3A_101, %dma_wait3A_102, %dma_wait3A_103] : memref<2x128x32xi32, #tpu.memory_space<vmem>> -> memref<1x128x32xi32, #tpu.memory_space<vmem>>
      %dma_wait3A_105 = tpu.memref_squeeze %dma_wait3A_104 : memref<1x128x32xi32, #tpu.memory_space<vmem>> -> memref<128x32xi32, #tpu.memory_space<vmem>>
      %dma_wait3A_106 = arith.constant 0 : i32
      %dma_wait3A_107 = tpu.memref_slice %arg8[%dma_wait3A_100, %dma_wait3A_106] : memref<2x128xi32, #tpu.memory_space<vmem>> -> memref<1x128xi32, #tpu.memory_space<vmem>>
      %dma_wait3A_108 = tpu.memref_squeeze %dma_wait3A_107 : memref<1x128xi32, #tpu.memory_space<vmem>> -> memref<128xi32, #tpu.memory_space<vmem>>
      %dma_wait3A_109 = arith.constant 0 : i32
      %dma_wait3A_110 = arith.constant 0 : i32
      %dma_wait3A_111 = tpu.memref_slice %arg10[%dma_wait3A_109, %dma_wait3A_110] : memref<10112x32xi32, #tpu.memory_space<vmem_shared>> -> memref<10112x32xi32, #tpu.memory_space<vmem_shared>>
      tpu.wait_indirect_dma semaphore(%arg12 : memref<!tpu.dma_semaphore, #tpu.memory_space<semaphore_mem>>) src(%dma_wait3A_111 : memref<10112x32xi32, #tpu.memory_space<vmem_shared>>) dst(%dma_wait3A_105 : memref<128x32xi32, #tpu.memory_space<vmem>>)
      %gt3A = arith.constant 0 : i32
      %gt3A_112 = arith.cmpi sgt, %scan3A_71, %gt3A : i32
      %convert_element_type3A = arith.extui %gt3A_112 : i1 to i32
      %cond3A = arith.constant 0 : i32
      %cond3A_113 = arith.cmpi ne, %convert_element_type3A, %cond3A : i32
      scf.if %cond3A_113 {
        %sub3A = arith.constant 1 : i32
        %sub3A_165 = arith.subi %sub3A, %and3A_73 : i32
        %dma_wait3A_166 = arith.constant 0 : i32
        %dma_wait3A_167 = arith.constant 0 : i32
        %dma_wait3A_168 = arith.constant 0 : i32
        %dma_wait3A_169 = arith.constant 0 : i32
        %dma_wait3A_170 = tpu.memref_slice %arg7[%dma_wait3A_166, %dma_wait3A_168, %dma_wait3A_169] : memref<2x128x64xf32, #tpu.memory_space<vmem>> -> memref<1x128x64xf32, #tpu.memory_space<vmem>>
        %dma_wait3A_171 = tpu.memref_squeeze %dma_wait3A_170 : memref<1x128x64xf32, #tpu.memory_space<vmem>> -> memref<128x64xf32, #tpu.memory_space<vmem>>
        %dma_wait3A_172 = arith.constant 0 : i32
        %dma_wait3A_173 = tpu.memref_slice %arg9[%dma_wait3A_167, %sub3A_165, %dma_wait3A_172] : memref<2x2x128xi32, #tpu.memory_space<vmem>> -> memref<1x1x128xi32, #tpu.memory_space<vmem>>
        %dma_wait3A_174 = tpu.memref_squeeze %dma_wait3A_173 : memref<1x1x128xi32, #tpu.memory_space<vmem>> -> memref<128xi32, #tpu.memory_space<vmem>>
        %dma_wait3A_175 = arith.constant 0 : i32
        %dma_wait3A_176 = arith.constant 0 : i32
        %dma_wait3A_177 = tpu.memref_slice %arg11[%dma_wait3A_175, %dma_wait3A_176] : memref<10112x64xf32, #tpu.memory_space<vmem_shared>> -> memref<10112x64xf32, #tpu.memory_space<vmem_shared>>
        tpu.wait_indirect_dma semaphore(%arg14 : memref<!tpu.dma_semaphore, #tpu.memory_space<semaphore_mem>>) src(%dma_wait3A_171 : memref<128x64xf32, #tpu.memory_space<vmem>>) dst(%dma_wait3A_177 : memref<10112x64xf32, #tpu.memory_space<vmem_shared>>)
      } else {
      }
      %parallel_loop3A = arith.constant 0 : i32
      %parallel_loop3A_114 = arith.constant 128 : i32
      %parallel_loop3A_115 = arith.constant 1 : i32
      scf.for %parallel_loop3A_165 = %parallel_loop3A to %parallel_loop3A_114 step %parallel_loop3A_115  : i32 {
        %parallel_loop3A_166 = arith.constant 0 : i32
        %parallel_loop3A_167 = arith.index_cast %parallel_loop3A_166 : i32 to index
        %parallel_loop3A_168 = arith.index_cast %parallel_loop3A_165 : i32 to index
        %parallel_loop3A_169 = arith.constant 0 : index
        %parallel_loop3A_170 = tpu.vector_load %arg6[%parallel_loop3A_167, %parallel_loop3A_168, %parallel_loop3A_169] {strides = array<i32>} : memref<2x128x32xi32, #tpu.memory_space<vmem>>, vector<1x1x16xi32>,
        %parallel_loop3A_171 = vector.shape_cast %parallel_loop3A_170 : vector<1x1x16xi32> to vector<16xi32>
        %parallel_loop3A_172 = arith.constant 16 : i32
        %parallel_loop3A_173 = vector.broadcast %parallel_loop3A_172 : i32 to vector<16xi32>
        %parallel_loop3A_174 = arith.shli %parallel_loop3A_171, %parallel_loop3A_173 : vector<16xi32>
        %parallel_loop3A_175 = arith.constant 16 : i32
        %parallel_loop3A_176 = vector.broadcast %parallel_loop3A_175 : i32 to vector<16xi32>
        %parallel_loop3A_177 = arith.shrsi %parallel_loop3A_174, %parallel_loop3A_176 : vector<16xi32>
        %parallel_loop3A_178 = arith.sitofp %parallel_loop3A_177 : vector<16xi32> to vector<16xf32>
        %parallel_loop3A_179 = arith.constant 0 : i32
        %parallel_loop3A_180 = arith.index_cast %parallel_loop3A_179 : i32 to index
        %parallel_loop3A_181 = arith.index_cast %parallel_loop3A_165 : i32 to index
        %parallel_loop3A_182 = arith.constant 0 : index
        %parallel_loop3A_183 = tpu.vector_load %arg7[%parallel_loop3A_180, %parallel_loop3A_181, %parallel_loop3A_182] {strides = array<i32>} : memref<2x128x64xf32, #tpu.memory_space<vmem>>, vector<1x1x16xf32>,
        %parallel_loop3A_184 = vector.shape_cast %parallel_loop3A_183 : vector<1x1x16xf32> to vector<16xf32>
        %parallel_loop3A_185 = vector.shape_cast %parallel_loop3A_178 : vector<16xf32> to vector<1x1x16xf32>
        tpu.vector_store %arg7[%parallel_loop3A_180, %parallel_loop3A_181, %parallel_loop3A_182], %parallel_loop3A_185 {strides = array<i32>} : memref<2x128x64xf32, #tpu.memory_space<vmem>>, vector<1x1x16xf32>,
        %parallel_loop3A_186 = arith.constant 16 : i32
        %parallel_loop3A_187 = vector.broadcast %parallel_loop3A_186 : i32 to vector<16xi32>
        %parallel_loop3A_188 = arith.shrsi %parallel_loop3A_171, %parallel_loop3A_187 : vector<16xi32>
        %parallel_loop3A_189 = arith.sitofp %parallel_loop3A_188 : vector<16xi32> to vector<16xf32>
        %parallel_loop3A_190 = arith.constant 0 : i32
        %parallel_loop3A_191 = arith.index_cast %parallel_loop3A_190 : i32 to index
        %parallel_loop3A_192 = arith.index_cast %parallel_loop3A_165 : i32 to index
        %parallel_loop3A_193 = arith.constant 32 : index
        %parallel_loop3A_194 = tpu.vector_load %arg7[%parallel_loop3A_191, %parallel_loop3A_192, %parallel_loop3A_193] {strides = array<i32>} : memref<2x128x64xf32, #tpu.memory_space<vmem>>, vector<1x1x16xf32>,
        %parallel_loop3A_195 = vector.shape_cast %parallel_loop3A_194 : vector<1x1x16xf32> to vector<16xf32>
        %parallel_loop3A_196 = vector.shape_cast %parallel_loop3A_189 : vector<16xf32> to vector<1x1x16xf32>
        tpu.vector_store %arg7[%parallel_loop3A_191, %parallel_loop3A_192, %parallel_loop3A_193], %parallel_loop3A_196 {strides = array<i32>} : memref<2x128x64xf32, #tpu.memory_space<vmem>>, vector<1x1x16xf32>,
        %parallel_loop3A_197 = arith.constant 0 : i32
        %parallel_loop3A_198 = arith.index_cast %parallel_loop3A_197 : i32 to index
        %parallel_loop3A_199 = arith.index_cast %parallel_loop3A_165 : i32 to index
        %parallel_loop3A_200 = arith.constant 16 : index
        %parallel_loop3A_201 = tpu.vector_load %arg6[%parallel_loop3A_198, %parallel_loop3A_199, %parallel_loop3A_200] {strides = array<i32>} : memref<2x128x32xi32, #tpu.memory_space<vmem>>, vector<1x1x16xi32>,
        %parallel_loop3A_202 = vector.shape_cast %parallel_loop3A_201 : vector<1x1x16xi32> to vector<16xi32>
        %parallel_loop3A_203 = arith.constant 16 : i32
        %parallel_loop3A_204 = vector.broadcast %parallel_loop3A_203 : i32 to vector<16xi32>
        %parallel_loop3A_205 = arith.shli %parallel_loop3A_202, %parallel_loop3A_204 : vector<16xi32>
        %parallel_loop3A_206 = arith.constant 16 : i32
        %parallel_loop3A_207 = vector.broadcast %parallel_loop3A_206 : i32 to vector<16xi32>
        %parallel_loop3A_208 = arith.shrsi %parallel_loop3A_205, %parallel_loop3A_207 : vector<16xi32>
        %parallel_loop3A_209 = arith.sitofp %parallel_loop3A_208 : vector<16xi32> to vector<16xf32>
        %parallel_loop3A_210 = arith.constant 0 : i32
        %parallel_loop3A_211 = arith.index_cast %parallel_loop3A_210 : i32 to index
        %parallel_loop3A_212 = arith.index_cast %parallel_loop3A_165 : i32 to index
        %parallel_loop3A_213 = arith.constant 16 : index
        %parallel_loop3A_214 = tpu.vector_load %arg7[%parallel_loop3A_211, %parallel_loop3A_212, %parallel_loop3A_213] {strides = array<i32>} : memref<2x128x64xf32, #tpu.memory_space<vmem>>, vector<1x1x16xf32>,
        %parallel_loop3A_215 = vector.shape_cast %parallel_loop3A_214 : vector<1x1x16xf32> to vector<16xf32>
        %parallel_loop3A_216 = vector.shape_cast %parallel_loop3A_209 : vector<16xf32> to vector<1x1x16xf32>
        tpu.vector_store %arg7[%parallel_loop3A_211, %parallel_loop3A_212, %parallel_loop3A_213], %parallel_loop3A_216 {strides = array<i32>} : memref<2x128x64xf32, #tpu.memory_space<vmem>>, vector<1x1x16xf32>,
        %parallel_loop3A_217 = arith.constant 16 : i32
        %parallel_loop3A_218 = vector.broadcast %parallel_loop3A_217 : i32 to vector<16xi32>
        %parallel_loop3A_219 = arith.shrsi %parallel_loop3A_202, %parallel_loop3A_218 : vector<16xi32>
        %parallel_loop3A_220 = arith.sitofp %parallel_loop3A_219 : vector<16xi32> to vector<16xf32>
        %parallel_loop3A_221 = arith.constant 0 : i32
        %parallel_loop3A_222 = arith.index_cast %parallel_loop3A_221 : i32 to index
        %parallel_loop3A_223 = arith.index_cast %parallel_loop3A_165 : i32 to index
        %parallel_loop3A_224 = arith.constant 48 : index
        %parallel_loop3A_225 = tpu.vector_load %arg7[%parallel_loop3A_222, %parallel_loop3A_223, %parallel_loop3A_224] {strides = array<i32>} : memref<2x128x64xf32, #tpu.memory_space<vmem>>, vector<1x1x16xf32>,
        %parallel_loop3A_226 = vector.shape_cast %parallel_loop3A_225 : vector<1x1x16xf32> to vector<16xf32>
        %parallel_loop3A_227 = vector.shape_cast %parallel_loop3A_220 : vector<16xf32> to vector<1x1x16xf32>
        tpu.vector_store %arg7[%parallel_loop3A_222, %parallel_loop3A_223, %parallel_loop3A_224], %parallel_loop3A_227 {strides = array<i32>} : memref<2x128x64xf32, #tpu.memory_space<vmem>>, vector<1x1x16xf32>,
      } {sc.loop_unroll_factor = 8 : i64, sc.parallel_access}
      %dma_start3A_116 = arith.constant 0 : i32
      %dma_start3A_117 = arith.constant 0 : i32
      %dma_start3A_118 = arith.constant 0 : i32
      %dma_start3A_119 = arith.constant 0 : i32
      %dma_start3A_120 = tpu.memref_slice %arg7[%dma_start3A_116, %dma_start3A_118, %dma_start3A_119] : memref<2x128x64xf32, #tpu.memory_space<vmem>> -> memref<1x128x64xf32, #tpu.memory_space<vmem>>
      %dma_start3A_121 = tpu.memref_squeeze %dma_start3A_120 : memref<1x128x64xf32, #tpu.memory_space<vmem>> -> memref<128x64xf32, #tpu.memory_space<vmem>>
      %dma_start3A_122 = arith.constant 0 : i32
      %dma_start3A_123 = tpu.memref_slice %arg9[%dma_start3A_117, %and3A_73, %dma_start3A_122] : memref<2x2x128xi32, #tpu.memory_space<vmem>> -> memref<1x1x128xi32, #tpu.memory_space<vmem>>
      %dma_start3A_124 = tpu.memref_squeeze %dma_start3A_123 : memref<1x1x128xi32, #tpu.memory_space<vmem>> -> memref<128xi32, #tpu.memory_space<vmem>>
      %dma_start3A_125 = arith.constant 0 : i32
      %dma_start3A_126 = arith.constant 0 : i32
      %dma_start3A_127 = tpu.memref_slice %arg11[%dma_start3A_125, %dma_start3A_126] : memref<10112x64xf32, #tpu.memory_space<vmem_shared>> -> memref<10112x64xf32, #tpu.memory_space<vmem_shared>>
      tpu.enqueue_indirect_dma source(%dma_start3A_121 : memref<128x64xf32, #tpu.memory_space<vmem>>) target(%dma_start3A_127 : memref<10112x64xf32, #tpu.memory_space<vmem_shared>>) offsets(%dma_start3A_124 : memref<128xi32, #tpu.memory_space<vmem>>) semaphore(%arg14 : memref<!tpu.dma_semaphore, #tpu.memory_space<semaphore_mem>>) {add = true}
      %lt3A = arith.constant 80 : i32
      %lt3A_128 = arith.cmpi slt, %scan3A_71, %lt3A : i32
      %convert_element_type3A_129 = arith.extui %lt3A_128 : i1 to i32
      %cond3A_130 = arith.constant 0 : i32
      %cond3A_131 = arith.cmpi ne, %convert_element_type3A_129, %cond3A_130 : i32
      scf.if %cond3A_131 {
        %add3A_165 = arith.constant 256 : i32
        %add3A_166 = arith.addi %multiple_of3A_81, %add3A_165 : i32
        %run_scoped3A_167 = arith.constant 0 : i32
        "tpu.region"() ({
          %run_scoped3A_184 = tpu.sem_alloc : memref<!tpu.dma_semaphore, #tpu.memory_space<semaphore_mem>>
          %dma_start3A_185 = arith.constant 0 : i32
          %dma_start3A_186 = tpu.memref_slice %arg8[%run_scoped3A_167, %dma_start3A_185] : memref<2x128xi32, #tpu.memory_space<vmem>> -> memref<1x128xi32, #tpu.memory_space<vmem>>
          %dma_start3A_187 = tpu.memref_squeeze %dma_start3A_186 : memref<1x128xi32, #tpu.memory_space<vmem>> -> memref<128xi32, #tpu.memory_space<vmem>>
          %dma_start3A_188 = tpu.memref_slice %arg3[%add3A_166] : memref<335872xi32, #tpu.memory_space<hbm>> -> memref<128xi32, #tpu.memory_space<hbm>>
          %dma_start3A_189 = arith.constant 0 : i32
          %dma_start3A_190 = tpu.memref_slice %arg8[%run_scoped3A_167, %dma_start3A_189] : memref<2x128xi32, #tpu.memory_space<vmem>> -> memref<1x128xi32, #tpu.memory_space<vmem>>
          %dma_start3A_191 = tpu.memref_squeeze %dma_start3A_190 : memref<1x128xi32, #tpu.memory_space<vmem>> -> memref<128xi32, #tpu.memory_space<vmem>>
          %dma_start3A_192 = tpu.memref_slice %arg3[%add3A_166] : memref<335872xi32, #tpu.memory_space<hbm>> -> memref<128xi32, #tpu.memory_space<hbm>>
          tpu.enqueue_dma source(%dma_start3A_192 : memref<128xi32, #tpu.memory_space<hbm>>) target(%dma_start3A_191 : memref<128xi32, #tpu.memory_space<vmem>>) target_semaphore(%run_scoped3A_184 : memref<!tpu.dma_semaphore, #tpu.memory_space<semaphore_mem>>)
          %dma_wait3A_193 = arith.constant 0 : i32
          %dma_wait3A_194 = tpu.memref_slice %arg8[%run_scoped3A_167, %dma_wait3A_193] : memref<2x128xi32, #tpu.memory_space<vmem>> -> memref<1x128xi32, #tpu.memory_space<vmem>>
          %dma_wait3A_195 = tpu.memref_squeeze %dma_wait3A_194 : memref<1x128xi32, #tpu.memory_space<vmem>> -> memref<128xi32, #tpu.memory_space<vmem>>
          %dma_wait3A_196 = tpu.memref_slice %arg3[%add3A_166] : memref<335872xi32, #tpu.memory_space<hbm>> -> memref<128xi32, #tpu.memory_space<hbm>>
          %dma_wait3A_197 = arith.constant 0 : i32
          %dma_wait3A_198 = tpu.memref_slice %arg8[%run_scoped3A_167, %dma_wait3A_197] : memref<2x128xi32, #tpu.memory_space<vmem>> -> memref<1x128xi32, #tpu.memory_space<vmem>>
          %dma_wait3A_199 = tpu.memref_squeeze %dma_wait3A_198 : memref<1x128xi32, #tpu.memory_space<vmem>> -> memref<128xi32, #tpu.memory_space<vmem>>
          %dma_wait3A_200 = tpu.memref_slice %arg3[%add3A_166] : memref<335872xi32, #tpu.memory_space<hbm>> -> memref<128xi32, #tpu.memory_space<hbm>>
          tpu.wait_dma2 semaphore(%run_scoped3A_184 : memref<!tpu.dma_semaphore, #tpu.memory_space<semaphore_mem>>) src(%dma_wait3A_200 : memref<128xi32, #tpu.memory_space<hbm>>) dst(%dma_wait3A_199 : memref<128xi32, #tpu.memory_space<vmem>>)
          tpu.yield
        }) : () -> ()
        %add3A_168 = arith.constant 256 : i32
        %add3A_169 = arith.addi %multiple_of3A_81, %add3A_168 : i32
        %sub3A = arith.constant 1 : i32
        %sub3A_170 = arith.subi %sub3A, %and3A_73 : i32
        %run_scoped3A_171 = arith.constant 0 : i32
        "tpu.region"() ({
          %run_scoped3A_184 = tpu.sem_alloc : memref<!tpu.dma_semaphore, #tpu.memory_space<semaphore_mem>>
          %dma_start3A_185 = arith.constant 0 : i32
          %dma_start3A_186 = tpu.memref_slice %arg9[%run_scoped3A_171, %sub3A_170, %dma_start3A_185] : memref<2x2x128xi32, #tpu.memory_space<vmem>> -> memref<1x1x128xi32, #tpu.memory_space<vmem>>
          %dma_start3A_187 = tpu.memref_squeeze %dma_start3A_186 : memref<1x1x128xi32, #tpu.memory_space<vmem>> -> memref<128xi32, #tpu.memory_space<vmem>>
          %dma_start3A_188 = tpu.memref_slice %arg4[%add3A_169] : memref<335872xi32, #tpu.memory_space<hbm>> -> memref<128xi32, #tpu.memory_space<hbm>>
          %dma_start3A_189 = arith.constant 0 : i32
          %dma_start3A_190 = tpu.memref_slice %arg9[%run_scoped3A_171, %sub3A_170, %dma_start3A_189] : memref<2x2x128xi32, #tpu.memory_space<vmem>> -> memref<1x1x128xi32, #tpu.memory_space<vmem>>
          %dma_start3A_191 = tpu.memref_squeeze %dma_start3A_190 : memref<1x1x128xi32, #tpu.memory_space<vmem>> -> memref<128xi32, #tpu.memory_space<vmem>>
          %dma_start3A_192 = tpu.memref_slice %arg4[%add3A_169] : memref<335872xi32, #tpu.memory_space<hbm>> -> memref<128xi32, #tpu.memory_space<hbm>>
          tpu.enqueue_dma source(%dma_start3A_192 : memref<128xi32, #tpu.memory_space<hbm>>) target(%dma_start3A_191 : memref<128xi32, #tpu.memory_space<vmem>>) target_semaphore(%run_scoped3A_184 : memref<!tpu.dma_semaphore, #tpu.memory_space<semaphore_mem>>)
          %dma_wait3A_193 = arith.constant 0 : i32
          %dma_wait3A_194 = tpu.memref_slice %arg9[%run_scoped3A_171, %sub3A_170, %dma_wait3A_193] : memref<2x2x128xi32, #tpu.memory_space<vmem>> -> memref<1x1x128xi32, #tpu.memory_space<vmem>>
          %dma_wait3A_195 = tpu.memref_squeeze %dma_wait3A_194 : memref<1x1x128xi32, #tpu.memory_space<vmem>> -> memref<128xi32, #tpu.memory_space<vmem>>
          %dma_wait3A_196 = tpu.memref_slice %arg4[%add3A_169] : memref<335872xi32, #tpu.memory_space<hbm>> -> memref<128xi32, #tpu.memory_space<hbm>>
          %dma_wait3A_197 = arith.constant 0 : i32
          %dma_wait3A_198 = tpu.memref_slice %arg9[%run_scoped3A_171, %sub3A_170, %dma_wait3A_197] : memref<2x2x128xi32, #tpu.memory_space<vmem>> -> memref<1x1x128xi32, #tpu.memory_space<vmem>>
          %dma_wait3A_199 = tpu.memref_squeeze %dma_wait3A_198 : memref<1x1x128xi32, #tpu.memory_space<vmem>> -> memref<128xi32, #tpu.memory_space<vmem>>
          %dma_wait3A_200 = tpu.memref_slice %arg4[%add3A_169] : memref<335872xi32, #tpu.memory_space<hbm>> -> memref<128xi32, #tpu.memory_space<hbm>>
          tpu.wait_dma2 semaphore(%run_scoped3A_184 : memref<!tpu.dma_semaphore, #tpu.memory_space<semaphore_mem>>) src(%dma_wait3A_200 : memref<128xi32, #tpu.memory_space<hbm>>) dst(%dma_wait3A_199 : memref<128xi32, #tpu.memory_space<vmem>>)
          tpu.yield
        }) : () -> ()
        %dma_start3A_172 = arith.constant 0 : i32
        %dma_start3A_173 = arith.constant 0 : i32
        %dma_start3A_174 = arith.constant 0 : i32
        %dma_start3A_175 = arith.constant 0 : i32
        %dma_start3A_176 = tpu.memref_slice %arg6[%dma_start3A_173, %dma_start3A_174, %dma_start3A_175] : memref<2x128x32xi32, #tpu.memory_space<vmem>> -> memref<1x128x32xi32, #tpu.memory_space<vmem>>
        %dma_start3A_177 = tpu.memref_squeeze %dma_start3A_176 : memref<1x128x32xi32, #tpu.memory_space<vmem>> -> memref<128x32xi32, #tpu.memory_space<vmem>>
        %dma_start3A_178 = arith.constant 0 : i32
        %dma_start3A_179 = tpu.memref_slice %arg8[%dma_start3A_172, %dma_start3A_178] : memref<2x128xi32, #tpu.memory_space<vmem>> -> memref<1x128xi32, #tpu.memory_space<vmem>>
        %dma_start3A_180 = tpu.memref_squeeze %dma_start3A_179 : memref<1x128xi32, #tpu.memory_space<vmem>> -> memref<128xi32, #tpu.memory_space<vmem>>
        %dma_start3A_181 = arith.constant 0 : i32
        %dma_start3A_182 = arith.constant 0 : i32
        %dma_start3A_183 = tpu.memref_slice %arg10[%dma_start3A_181, %dma_start3A_182] : memref<10112x32xi32, #tpu.memory_space<vmem_shared>> -> memref<10112x32xi32, #tpu.memory_space<vmem_shared>>
        tpu.enqueue_indirect_dma source(%dma_start3A_183 : memref<10112x32xi32, #tpu.memory_space<vmem_shared>>) target(%dma_start3A_177 : memref<128x32xi32, #tpu.memory_space<vmem>>) offsets(%dma_start3A_180 : memref<128xi32, #tpu.memory_space<vmem>>) semaphore(%arg12 : memref<!tpu.dma_semaphore, #tpu.memory_space<semaphore_mem>>)
      } else {
      }
      %dma_wait3A_132 = arith.constant 1 : i32
      %dma_wait3A_133 = arith.constant 1 : i32
      %dma_wait3A_134 = arith.constant 0 : i32
      %dma_wait3A_135 = arith.constant 0 : i32
      %dma_wait3A_136 = tpu.memref_slice %arg6[%dma_wait3A_133, %dma_wait3A_134, %dma_wait3A_135] : memref<2x128x32xi32, #tpu.memory_space<vmem>> -> memref<1x128x32xi32, #tpu.memory_space<vmem>>
      %dma_wait3A_137 = tpu.memref_squeeze %dma_wait3A_136 : memref<1x128x32xi32, #tpu.memory_space<vmem>> -> memref<128x32xi32, #tpu.memory_space<vmem>>
      %dma_wait3A_138 = arith.constant 0 : i32
      %dma_wait3A_139 = tpu.memref_slice %arg8[%dma_wait3A_132, %dma_wait3A_138] : memref<2x128xi32, #tpu.memory_space<vmem>> -> memref<1x128xi32, #tpu.memory_space<vmem>>
      %dma_wait3A_140 = tpu.memref_squeeze %dma_wait3A_139 : memref<1x128xi32, #tpu.memory_space<vmem>> -> memref<128xi32, #tpu.memory_space<vmem>>
      %dma_wait3A_141 = arith.constant 0 : i32
      %dma_wait3A_142 = arith.constant 0 : i32
      %dma_wait3A_143 = tpu.memref_slice %arg10[%dma_wait3A_141, %dma_wait3A_142] : memref<10112x32xi32, #tpu.memory_space<vmem_shared>> -> memref<10112x32xi32, #tpu.memory_space<vmem_shared>>
      tpu.wait_indirect_dma semaphore(%arg13 : memref<!tpu.dma_semaphore, #tpu.memory_space<semaphore_mem>>) src(%dma_wait3A_143 : memref<10112x32xi32, #tpu.memory_space<vmem_shared>>) dst(%dma_wait3A_137 : memref<128x32xi32, #tpu.memory_space<vmem>>)
      %gt3A_144 = arith.constant 0 : i32
      %gt3A_145 = arith.cmpi sgt, %scan3A_71, %gt3A_144 : i32
      %convert_element_type3A_146 = arith.extui %gt3A_145 : i1 to i32
      %cond3A_147 = arith.constant 0 : i32
      %cond3A_148 = arith.cmpi ne, %convert_element_type3A_146, %cond3A_147 : i32
      scf.if %cond3A_148 {
        %sub3A = arith.constant 1 : i32
        %sub3A_165 = arith.subi %sub3A, %and3A_73 : i32
        %dma_wait3A_166 = arith.constant 1 : i32
        %dma_wait3A_167 = arith.constant 1 : i32
        %dma_wait3A_168 = arith.constant 0 : i32
        %dma_wait3A_169 = arith.constant 0 : i32
        %dma_wait3A_170 = tpu.memref_slice %arg7[%dma_wait3A_166, %dma_wait3A_168, %dma_wait3A_169] : memref<2x128x64xf32, #tpu.memory_space<vmem>> -> memref<1x128x64xf32, #tpu.memory_space<vmem>>
        %dma_wait3A_171 = tpu.memref_squeeze %dma_wait3A_170 : memref<1x128x64xf32, #tpu.memory_space<vmem>> -> memref<128x64xf32, #tpu.memory_space<vmem>>
        %dma_wait3A_172 = arith.constant 0 : i32
        %dma_wait3A_173 = tpu.memref_slice %arg9[%dma_wait3A_167, %sub3A_165, %dma_wait3A_172] : memref<2x2x128xi32, #tpu.memory_space<vmem>> -> memref<1x1x128xi32, #tpu.memory_space<vmem>>
        %dma_wait3A_174 = tpu.memref_squeeze %dma_wait3A_173 : memref<1x1x128xi32, #tpu.memory_space<vmem>> -> memref<128xi32, #tpu.memory_space<vmem>>
        %dma_wait3A_175 = arith.constant 0 : i32
        %dma_wait3A_176 = arith.constant 0 : i32
        %dma_wait3A_177 = tpu.memref_slice %arg11[%dma_wait3A_175, %dma_wait3A_176] : memref<10112x64xf32, #tpu.memory_space<vmem_shared>> -> memref<10112x64xf32, #tpu.memory_space<vmem_shared>>
        tpu.wait_indirect_dma semaphore(%arg15 : memref<!tpu.dma_semaphore, #tpu.memory_space<semaphore_mem>>) src(%dma_wait3A_171 : memref<128x64xf32, #tpu.memory_space<vmem>>) dst(%dma_wait3A_177 : memref<10112x64xf32, #tpu.memory_space<vmem_shared>>)
      } else {
      }
      %parallel_loop3A_149 = arith.constant 0 : i32
      %parallel_loop3A_150 = arith.constant 128 : i32
      %parallel_loop3A_151 = arith.constant 1 : i32
      scf.for %parallel_loop3A_165 = %parallel_loop3A_149 to %parallel_loop3A_150 step %parallel_loop3A_151  : i32 {
        %parallel_loop3A_166 = arith.constant 1 : i32
        %parallel_loop3A_167 = arith.index_cast %parallel_loop3A_166 : i32 to index
        %parallel_loop3A_168 = arith.index_cast %parallel_loop3A_165 : i32 to index
        %parallel_loop3A_169 = arith.constant 0 : index
        %parallel_loop3A_170 = tpu.vector_load %arg6[%parallel_loop3A_167, %parallel_loop3A_168, %parallel_loop3A_169] {strides = array<i32>} : memref<2x128x32xi32, #tpu.memory_space<vmem>>, vector<1x1x16xi32>,
        %parallel_loop3A_171 = vector.shape_cast %parallel_loop3A_170 : vector<1x1x16xi32> to vector<16xi32>
        %parallel_loop3A_172 = arith.constant 16 : i32
        %parallel_loop3A_173 = vector.broadcast %parallel_loop3A_172 : i32 to vector<16xi32>
        %parallel_loop3A_174 = arith.shli %parallel_loop3A_171, %parallel_loop3A_173 : vector<16xi32>
        %parallel_loop3A_175 = arith.constant 16 : i32
        %parallel_loop3A_176 = vector.broadcast %parallel_loop3A_175 : i32 to vector<16xi32>
        %parallel_loop3A_177 = arith.shrsi %parallel_loop3A_174, %parallel_loop3A_176 : vector<16xi32>
        %parallel_loop3A_178 = arith.sitofp %parallel_loop3A_177 : vector<16xi32> to vector<16xf32>
        %parallel_loop3A_179 = arith.constant 1 : i32
        %parallel_loop3A_180 = arith.index_cast %parallel_loop3A_179 : i32 to index
        %parallel_loop3A_181 = arith.index_cast %parallel_loop3A_165 : i32 to index
        %parallel_loop3A_182 = arith.constant 0 : index
        %parallel_loop3A_183 = tpu.vector_load %arg7[%parallel_loop3A_180, %parallel_loop3A_181, %parallel_loop3A_182] {strides = array<i32>} : memref<2x128x64xf32, #tpu.memory_space<vmem>>, vector<1x1x16xf32>,
        %parallel_loop3A_184 = vector.shape_cast %parallel_loop3A_183 : vector<1x1x16xf32> to vector<16xf32>
        %parallel_loop3A_185 = vector.shape_cast %parallel_loop3A_178 : vector<16xf32> to vector<1x1x16xf32>
        tpu.vector_store %arg7[%parallel_loop3A_180, %parallel_loop3A_181, %parallel_loop3A_182], %parallel_loop3A_185 {strides = array<i32>} : memref<2x128x64xf32, #tpu.memory_space<vmem>>, vector<1x1x16xf32>,
        %parallel_loop3A_186 = arith.constant 16 : i32
        %parallel_loop3A_187 = vector.broadcast %parallel_loop3A_186 : i32 to vector<16xi32>
        %parallel_loop3A_188 = arith.shrsi %parallel_loop3A_171, %parallel_loop3A_187 : vector<16xi32>
        %parallel_loop3A_189 = arith.sitofp %parallel_loop3A_188 : vector<16xi32> to vector<16xf32>
        %parallel_loop3A_190 = arith.constant 1 : i32
        %parallel_loop3A_191 = arith.index_cast %parallel_loop3A_190 : i32 to index
        %parallel_loop3A_192 = arith.index_cast %parallel_loop3A_165 : i32 to index
        %parallel_loop3A_193 = arith.constant 32 : index
        %parallel_loop3A_194 = tpu.vector_load %arg7[%parallel_loop3A_191, %parallel_loop3A_192, %parallel_loop3A_193] {strides = array<i32>} : memref<2x128x64xf32, #tpu.memory_space<vmem>>, vector<1x1x16xf32>,
        %parallel_loop3A_195 = vector.shape_cast %parallel_loop3A_194 : vector<1x1x16xf32> to vector<16xf32>
        %parallel_loop3A_196 = vector.shape_cast %parallel_loop3A_189 : vector<16xf32> to vector<1x1x16xf32>
        tpu.vector_store %arg7[%parallel_loop3A_191, %parallel_loop3A_192, %parallel_loop3A_193], %parallel_loop3A_196 {strides = array<i32>} : memref<2x128x64xf32, #tpu.memory_space<vmem>>, vector<1x1x16xf32>,
        %parallel_loop3A_197 = arith.constant 1 : i32
        %parallel_loop3A_198 = arith.index_cast %parallel_loop3A_197 : i32 to index
        %parallel_loop3A_199 = arith.index_cast %parallel_loop3A_165 : i32 to index
        %parallel_loop3A_200 = arith.constant 16 : index
        %parallel_loop3A_201 = tpu.vector_load %arg6[%parallel_loop3A_198, %parallel_loop3A_199, %parallel_loop3A_200] {strides = array<i32>} : memref<2x128x32xi32, #tpu.memory_space<vmem>>, vector<1x1x16xi32>,
        %parallel_loop3A_202 = vector.shape_cast %parallel_loop3A_201 : vector<1x1x16xi32> to vector<16xi32>
        %parallel_loop3A_203 = arith.constant 16 : i32
        %parallel_loop3A_204 = vector.broadcast %parallel_loop3A_203 : i32 to vector<16xi32>
        %parallel_loop3A_205 = arith.shli %parallel_loop3A_202, %parallel_loop3A_204 : vector<16xi32>
        %parallel_loop3A_206 = arith.constant 16 : i32
        %parallel_loop3A_207 = vector.broadcast %parallel_loop3A_206 : i32 to vector<16xi32>
        %parallel_loop3A_208 = arith.shrsi %parallel_loop3A_205, %parallel_loop3A_207 : vector<16xi32>
        %parallel_loop3A_209 = arith.sitofp %parallel_loop3A_208 : vector<16xi32> to vector<16xf32>
        %parallel_loop3A_210 = arith.constant 1 : i32
        %parallel_loop3A_211 = arith.index_cast %parallel_loop3A_210 : i32 to index
        %parallel_loop3A_212 = arith.index_cast %parallel_loop3A_165 : i32 to index
        %parallel_loop3A_213 = arith.constant 16 : index
        %parallel_loop3A_214 = tpu.vector_load %arg7[%parallel_loop3A_211, %parallel_loop3A_212, %parallel_loop3A_213] {strides = array<i32>} : memref<2x128x64xf32, #tpu.memory_space<vmem>>, vector<1x1x16xf32>,
        %parallel_loop3A_215 = vector.shape_cast %parallel_loop3A_214 : vector<1x1x16xf32> to vector<16xf32>
        %parallel_loop3A_216 = vector.shape_cast %parallel_loop3A_209 : vector<16xf32> to vector<1x1x16xf32>
        tpu.vector_store %arg7[%parallel_loop3A_211, %parallel_loop3A_212, %parallel_loop3A_213], %parallel_loop3A_216 {strides = array<i32>} : memref<2x128x64xf32, #tpu.memory_space<vmem>>, vector<1x1x16xf32>,
        %parallel_loop3A_217 = arith.constant 16 : i32
        %parallel_loop3A_218 = vector.broadcast %parallel_loop3A_217 : i32 to vector<16xi32>
        %parallel_loop3A_219 = arith.shrsi %parallel_loop3A_202, %parallel_loop3A_218 : vector<16xi32>
        %parallel_loop3A_220 = arith.sitofp %parallel_loop3A_219 : vector<16xi32> to vector<16xf32>
        %parallel_loop3A_221 = arith.constant 1 : i32
        %parallel_loop3A_222 = arith.index_cast %parallel_loop3A_221 : i32 to index
        %parallel_loop3A_223 = arith.index_cast %parallel_loop3A_165 : i32 to index
        %parallel_loop3A_224 = arith.constant 48 : index
        %parallel_loop3A_225 = tpu.vector_load %arg7[%parallel_loop3A_222, %parallel_loop3A_223, %parallel_loop3A_224] {strides = array<i32>} : memref<2x128x64xf32, #tpu.memory_space<vmem>>, vector<1x1x16xf32>,
        %parallel_loop3A_226 = vector.shape_cast %parallel_loop3A_225 : vector<1x1x16xf32> to vector<16xf32>
        %parallel_loop3A_227 = vector.shape_cast %parallel_loop3A_220 : vector<16xf32> to vector<1x1x16xf32>
        tpu.vector_store %arg7[%parallel_loop3A_222, %parallel_loop3A_223, %parallel_loop3A_224], %parallel_loop3A_227 {strides = array<i32>} : memref<2x128x64xf32, #tpu.memory_space<vmem>>, vector<1x1x16xf32>,
      } {sc.loop_unroll_factor = 8 : i64, sc.parallel_access}
      %dma_start3A_152 = arith.constant 1 : i32
      %dma_start3A_153 = arith.constant 1 : i32
      %dma_start3A_154 = arith.constant 0 : i32
      %dma_start3A_155 = arith.constant 0 : i32
      %dma_start3A_156 = tpu.memref_slice %arg7[%dma_start3A_152, %dma_start3A_154, %dma_start3A_155] : memref<2x128x64xf32, #tpu.memory_space<vmem>> -> memref<1x128x64xf32, #tpu.memory_space<vmem>>
      %dma_start3A_157 = tpu.memref_squeeze %dma_start3A_156 : memref<1x128x64xf32, #tpu.memory_space<vmem>> -> memref<128x64xf32, #tpu.memory_space<vmem>>
      %dma_start3A_158 = arith.constant 0 : i32
      %dma_start3A_159 = tpu.memref_slice %arg9[%dma_start3A_153, %and3A_73, %dma_start3A_158] : memref<2x2x128xi32, #tpu.memory_space<vmem>> -> memref<1x1x128xi32, #tpu.memory_space<vmem>>
      %dma_start3A_160 = tpu.memref_squeeze %dma_start3A_159 : memref<1x1x128xi32, #tpu.memory_space<vmem>> -> memref<128xi32, #tpu.memory_space<vmem>>
      %dma_start3A_161 = arith.constant 0 : i32
      %dma_start3A_162 = arith.constant 0 : i32
      %dma_start3A_163 = tpu.memref_slice %arg11[%dma_start3A_161, %dma_start3A_162] : memref<10112x64xf32, #tpu.memory_space<vmem_shared>> -> memref<10112x64xf32, #tpu.memory_space<vmem_shared>>
      tpu.enqueue_indirect_dma source(%dma_start3A_157 : memref<128x64xf32, #tpu.memory_space<vmem>>) target(%dma_start3A_163 : memref<10112x64xf32, #tpu.memory_space<vmem_shared>>) offsets(%dma_start3A_160 : memref<128xi32, #tpu.memory_space<vmem>>) semaphore(%arg15 : memref<!tpu.dma_semaphore, #tpu.memory_space<semaphore_mem>>) {add = true}
      %scan3A_164 = arith.constant 0 : i32
      scf.yield %scan3A_164 : i32
    }
    %scan3A_44 = arith.constant 81 : i32
    %dma_wait3A = arith.constant 0 : i32
    %dma_wait3A_45 = arith.constant 0 : i32
    %dma_wait3A_46 = arith.constant 0 : i32
    %dma_wait3A_47 = arith.constant 0 : i32
    %dma_wait3A_48 = arith.constant 0 : i32
    %dma_wait3A_49 = tpu.memref_slice %arg7[%dma_wait3A, %dma_wait3A_47, %dma_wait3A_48] : memref<2x128x64xf32, #tpu.memory_space<vmem>> -> memref<1x128x64xf32, #tpu.memory_space<vmem>>
    %dma_wait3A_50 = tpu.memref_squeeze %dma_wait3A_49 : memref<1x128x64xf32, #tpu.memory_space<vmem>> -> memref<128x64xf32, #tpu.memory_space<vmem>>
    %dma_wait3A_51 = arith.constant 0 : i32
    %dma_wait3A_52 = tpu.memref_slice %arg9[%dma_wait3A_45, %dma_wait3A_46, %dma_wait3A_51] : memref<2x2x128xi32, #tpu.memory_space<vmem>> -> memref<1x1x128xi32, #tpu.memory_space<vmem>>
    %dma_wait3A_53 = tpu.memref_squeeze %dma_wait3A_52 : memref<1x1x128xi32, #tpu.memory_space<vmem>> -> memref<128xi32, #tpu.memory_space<vmem>>
    %dma_wait3A_54 = arith.constant 0 : i32
    %dma_wait3A_55 = arith.constant 0 : i32
    %dma_wait3A_56 = tpu.memref_slice %arg11[%dma_wait3A_54, %dma_wait3A_55] : memref<10112x64xf32, #tpu.memory_space<vmem_shared>> -> memref<10112x64xf32, #tpu.memory_space<vmem_shared>>
    tpu.wait_indirect_dma semaphore(%arg14 : memref<!tpu.dma_semaphore, #tpu.memory_space<semaphore_mem>>) src(%dma_wait3A_50 : memref<128x64xf32, #tpu.memory_space<vmem>>) dst(%dma_wait3A_56 : memref<10112x64xf32, #tpu.memory_space<vmem_shared>>)
    %dma_wait3A_57 = arith.constant 1 : i32
    %dma_wait3A_58 = arith.constant 1 : i32
    %dma_wait3A_59 = arith.constant 0 : i32
    %dma_wait3A_60 = arith.constant 0 : i32
    %dma_wait3A_61 = arith.constant 0 : i32
    %dma_wait3A_62 = tpu.memref_slice %arg7[%dma_wait3A_57, %dma_wait3A_60, %dma_wait3A_61] : memref<2x128x64xf32, #tpu.memory_space<vmem>> -> memref<1x128x64xf32, #tpu.memory_space<vmem>>
    %dma_wait3A_63 = tpu.memref_squeeze %dma_wait3A_62 : memref<1x128x64xf32, #tpu.memory_space<vmem>> -> memref<128x64xf32, #tpu.memory_space<vmem>>
    %dma_wait3A_64 = arith.constant 0 : i32
    %dma_wait3A_65 = tpu.memref_slice %arg9[%dma_wait3A_58, %dma_wait3A_59, %dma_wait3A_64] : memref<2x2x128xi32, #tpu.memory_space<vmem>> -> memref<1x1x128xi32, #tpu.memory_space<vmem>>
    %dma_wait3A_66 = tpu.memref_squeeze %dma_wait3A_65 : memref<1x1x128xi32, #tpu.memory_space<vmem>> -> memref<128xi32, #tpu.memory_space<vmem>>
    %dma_wait3A_67 = arith.constant 0 : i32
    %dma_wait3A_68 = arith.constant 0 : i32
    %dma_wait3A_69 = tpu.memref_slice %arg11[%dma_wait3A_67, %dma_wait3A_68] : memref<10112x64xf32, #tpu.memory_space<vmem_shared>> -> memref<10112x64xf32, #tpu.memory_space<vmem_shared>>
    tpu.wait_indirect_dma semaphore(%arg15 : memref<!tpu.dma_semaphore, #tpu.memory_space<semaphore_mem>>) src(%dma_wait3A_63 : memref<128x64xf32, #tpu.memory_space<vmem>>) dst(%dma_wait3A_69 : memref<10112x64xf32, #tpu.memory_space<vmem_shared>>)
    %barrier3A_70 = arith.constant 0 : index
    tpu.barrier barrier_id(%barrier3A_70)
    "tpu.region"() ({
      %run_scoped3A_71 = tpu.sem_alloc : memref<!tpu.dma_semaphore, #tpu.memory_space<semaphore_mem>>
      %dma_start3A_72 = arith.constant 0 : i32
      %dma_start3A_73 = tpu.memref_slice %arg5[%arg0, %mul3A_0, %dma_start3A_72] : memref<2x10112x64xf32, #tpu.memory_space<hbm>> -> memref<1x632x64xf32, #tpu.memory_space<hbm>>
      %dma_start3A_74 = tpu.memref_squeeze %dma_start3A_73 : memref<1x632x64xf32, #tpu.memory_space<hbm>> -> memref<632x64xf32, #tpu.memory_space<hbm>>
      %dma_start3A_75 = arith.constant 0 : i32
      %dma_start3A_76 = tpu.memref_slice %arg11[%mul3A_0, %dma_start3A_75] : memref<10112x64xf32, #tpu.memory_space<vmem_shared>> -> memref<632x64xf32, #tpu.memory_space<vmem_shared>>
      tpu.enqueue_dma source(%dma_start3A_76 : memref<632x64xf32, #tpu.memory_space<vmem_shared>>) target(%dma_start3A_74 : memref<632x64xf32, #tpu.memory_space<hbm>>) target_semaphore(%run_scoped3A_71 : memref<!tpu.dma_semaphore, #tpu.memory_space<semaphore_mem>>)
      %dma_wait3A_77 = arith.constant 0 : i32
      %dma_wait3A_78 = tpu.memref_slice %arg5[%arg0, %mul3A_0, %dma_wait3A_77] : memref<2x10112x64xf32, #tpu.memory_space<hbm>> -> memref<1x632x64xf32, #tpu.memory_space<hbm>>
      %dma_wait3A_79 = tpu.memref_squeeze %dma_wait3A_78 : memref<1x632x64xf32, #tpu.memory_space<hbm>> -> memref<632x64xf32, #tpu.memory_space<hbm>>
      %dma_wait3A_80 = arith.constant 0 : i32
      %dma_wait3A_81 = tpu.memref_slice %arg11[%mul3A_0, %dma_wait3A_80] : memref<10112x64xf32, #tpu.memory_space<vmem_shared>> -> memref<632x64xf32, #tpu.memory_space<vmem_shared>>
      tpu.wait_dma2 semaphore(%run_scoped3A_71 : memref<!tpu.dma_semaphore, #tpu.memory_space<semaphore_mem>>) src(%dma_wait3A_81 : memref<632x64xf32, #tpu.memory_space<vmem_shared>>) dst(%dma_wait3A_79 : memref<632x64xf32, #tpu.memory_space<hbm>>)
      tpu.yield
    }) : () -> ()
    return
  }
}

#map = affine_map<(d0, d1) -> (0, 0, 0)>
#map1 = affine_map<(d0, d1) -> (0)>
module attributes {stable_mosaic.version = 14 : i64} {
  func.func @agg_kernel(%arg0: i32, %arg1: i32, %arg2: memref<2x10112x32xi32, #tpu.memory_space<hbm>>, %arg3: memref<335872xi32, #tpu.memory_space<hbm>>, %arg4: memref<335872xi32, #tpu.memory_space<hbm>>, %arg5: memref<2x10112x64xf32, #tpu.memory_space<hbm>>, %arg6: memref<2x128x32xi32, #tpu.memory_space<vmem>>, %arg7: memref<2x128x64xf32, #tpu.memory_space<vmem>>, %arg8: memref<2x128xi32, #tpu.memory_space<vmem>>, %arg9: memref<2x2x128xi32, #tpu.memory_space<vmem>>, %arg10: memref<10112x32xi32, #tpu.memory_space<vmem_shared>>, %arg11: memref<10112x64xf32, #tpu.memory_space<vmem_shared>>, %arg12: memref<!tpu.dma_semaphore, #tpu.memory_space<semaphore_mem>>, %arg13: memref<!tpu.dma_semaphore, #tpu.memory_space<semaphore_mem>>, %arg14: memref<!tpu.dma_semaphore, #tpu.memory_space<semaphore_mem>>, %arg15: memref<!tpu.dma_semaphore, #tpu.memory_space<semaphore_mem>>) attributes {dimension_semantics = [#tpu.dimension_semantics<core_parallel>, #tpu.dimension_semantics<subcore_parallel>], iteration_bounds = array<i64: 2, 16>, scalar_prefetch = 0 : i64, scratch_operands = 10 : i64, tpu.core_type = #tpu.core_type<sc_vector_subcore>, window_params = [{transform_indices = #map}, {transform_indices = #map1}, {transform_indices = #map1}, {transform_indices = #map}]} {
    %mul3A = arith.constant 632 : i32
    %mul3A_0 = arith.muli %arg1, %mul3A : i32
    "tpu.region"() ({
      %run_scoped3A_71 = tpu.sem_alloc : memref<!tpu.dma_semaphore, #tpu.memory_space<semaphore_mem>>
      %dma_start3A_72 = arith.constant 0 : i32
      %dma_start3A_73 = tpu.memref_slice %arg10[%mul3A_0, %dma_start3A_72] : memref<10112x32xi32, #tpu.memory_space<vmem_shared>> -> memref<632x32xi32, #tpu.memory_space<vmem_shared>>
      %dma_start3A_74 = arith.constant 0 : i32
      %dma_start3A_75 = tpu.memref_slice %arg2[%arg0, %mul3A_0, %dma_start3A_74] : memref<2x10112x32xi32, #tpu.memory_space<hbm>> -> memref<1x632x32xi32, #tpu.memory_space<hbm>>
      %dma_start3A_76 = tpu.memref_squeeze %dma_start3A_75 : memref<1x632x32xi32, #tpu.memory_space<hbm>> -> memref<632x32xi32, #tpu.memory_space<hbm>>
      tpu.enqueue_dma source(%dma_start3A_76 : memref<632x32xi32, #tpu.memory_space<hbm>>) target(%dma_start3A_73 : memref<632x32xi32, #tpu.memory_space<vmem_shared>>) target_semaphore(%run_scoped3A_71 : memref<!tpu.dma_semaphore, #tpu.memory_space<semaphore_mem>>)
      %dma_wait3A_77 = arith.constant 0 : i32
      %dma_wait3A_78 = tpu.memref_slice %arg10[%mul3A_0, %dma_wait3A_77] : memref<10112x32xi32, #tpu.memory_space<vmem_shared>> -> memref<632x32xi32, #tpu.memory_space<vmem_shared>>
      %dma_wait3A_79 = arith.constant 0 : i32
      %dma_wait3A_80 = tpu.memref_slice %arg2[%arg0, %mul3A_0, %dma_wait3A_79] : memref<2x10112x32xi32, #tpu.memory_space<hbm>> -> memref<1x632x32xi32, #tpu.memory_space<hbm>>
      %dma_wait3A_81 = tpu.memref_squeeze %dma_wait3A_80 : memref<1x632x32xi32, #tpu.memory_space<hbm>> -> memref<632x32xi32, #tpu.memory_space<hbm>>
      tpu.wait_dma2 semaphore(%run_scoped3A_71 : memref<!tpu.dma_semaphore, #tpu.memory_space<semaphore_mem>>) src(%dma_wait3A_81 : memref<632x32xi32, #tpu.memory_space<hbm>>) dst(%dma_wait3A_78 : memref<632x32xi32, #tpu.memory_space<vmem_shared>>)
      tpu.yield
    }) : () -> ()
    %scan3A = arith.constant 0 : i32
    %scan3A_1 = arith.constant 0 : i32
    %scan3A_2 = arith.constant 128 : i32
    %scan3A_3 = arith.addi %scan3A_1, %scan3A_2 : i32
    %scan3A_4 = arith.constant 1 : i32
    %scan3A_5 = scf.for %scan3A_71 = %scan3A_1 to %scan3A_3 step %scan3A_4 iter_args(%scan3A_72 = %scan3A) -> (i32)  : i32 {
      %broadcast_in_dim3A = arith.constant 0.000000e+00 : f32
      %broadcast_in_dim3A_73 = vector.broadcast %broadcast_in_dim3A : f32 to vector<16xf32>
      %swap3A = arith.constant 0 : i32
      %swap3A_74 = arith.index_cast %swap3A : i32 to index
      %swap3A_75 = arith.index_cast %scan3A_71 : i32 to index
      %swap3A_76 = arith.constant 0 : index
      %swap3A_77 = tpu.vector_load %arg7[%swap3A_74, %swap3A_75, %swap3A_76] {strides = array<i32>} : memref<2x128x64xf32, #tpu.memory_space<vmem>>, vector<1x1x16xf32>,
      %swap3A_78 = vector.shape_cast %swap3A_77 : vector<1x1x16xf32> to vector<16xf32>
      %swap3A_79 = vector.shape_cast %broadcast_in_dim3A_73 : vector<16xf32> to vector<1x1x16xf32>
      tpu.vector_store %arg7[%swap3A_74, %swap3A_75, %swap3A_76], %swap3A_79 {strides = array<i32>} : memref<2x128x64xf32, #tpu.memory_space<vmem>>, vector<1x1x16xf32>,
      %broadcast_in_dim3A_80 = arith.constant 0.000000e+00 : f32
      %broadcast_in_dim3A_81 = vector.broadcast %broadcast_in_dim3A_80 : f32 to vector<16xf32>
      %swap3A_82 = arith.constant 0 : i32
      %swap3A_83 = arith.index_cast %swap3A_82 : i32 to index
      %swap3A_84 = arith.index_cast %scan3A_71 : i32 to index
      %swap3A_85 = arith.constant 16 : index
      %swap3A_86 = tpu.vector_load %arg7[%swap3A_83, %swap3A_84, %swap3A_85] {strides = array<i32>} : memref<2x128x64xf32, #tpu.memory_space<vmem>>, vector<1x1x16xf32>,
      %swap3A_87 = vector.shape_cast %swap3A_86 : vector<1x1x16xf32> to vector<16xf32>
      %swap3A_88 = vector.shape_cast %broadcast_in_dim3A_81 : vector<16xf32> to vector<1x1x16xf32>
      tpu.vector_store %arg7[%swap3A_83, %swap3A_84, %swap3A_85], %swap3A_88 {strides = array<i32>} : memref<2x128x64xf32, #tpu.memory_space<vmem>>, vector<1x1x16xf32>,
      %broadcast_in_dim3A_89 = arith.constant 0.000000e+00 : f32
      %broadcast_in_dim3A_90 = vector.broadcast %broadcast_in_dim3A_89 : f32 to vector<16xf32>
      %swap3A_91 = arith.constant 0 : i32
      %swap3A_92 = arith.index_cast %swap3A_91 : i32 to index
      %swap3A_93 = arith.index_cast %scan3A_71 : i32 to index
      %swap3A_94 = arith.constant 32 : index
      %swap3A_95 = tpu.vector_load %arg7[%swap3A_92, %swap3A_93, %swap3A_94] {strides = array<i32>} : memref<2x128x64xf32, #tpu.memory_space<vmem>>, vector<1x1x16xf32>,
      %swap3A_96 = vector.shape_cast %swap3A_95 : vector<1x1x16xf32> to vector<16xf32>
      %swap3A_97 = vector.shape_cast %broadcast_in_dim3A_90 : vector<16xf32> to vector<1x1x16xf32>
      tpu.vector_store %arg7[%swap3A_92, %swap3A_93, %swap3A_94], %swap3A_97 {strides = array<i32>} : memref<2x128x64xf32, #tpu.memory_space<vmem>>, vector<1x1x16xf32>,
      %broadcast_in_dim3A_98 = arith.constant 0.000000e+00 : f32
      %broadcast_in_dim3A_99 = vector.broadcast %broadcast_in_dim3A_98 : f32 to vector<16xf32>
      %swap3A_100 = arith.constant 0 : i32
      %swap3A_101 = arith.index_cast %swap3A_100 : i32 to index
      %swap3A_102 = arith.index_cast %scan3A_71 : i32 to index
      %swap3A_103 = arith.constant 48 : index
      %swap3A_104 = tpu.vector_load %arg7[%swap3A_101, %swap3A_102, %swap3A_103] {strides = array<i32>} : memref<2x128x64xf32, #tpu.memory_space<vmem>>, vector<1x1x16xf32>,
      %swap3A_105 = vector.shape_cast %swap3A_104 : vector<1x1x16xf32> to vector<16xf32>
      %swap3A_106 = vector.shape_cast %broadcast_in_dim3A_99 : vector<16xf32> to vector<1x1x16xf32>
      tpu.vector_store %arg7[%swap3A_101, %swap3A_102, %swap3A_103], %swap3A_106 {strides = array<i32>} : memref<2x128x64xf32, #tpu.memory_space<vmem>>, vector<1x1x16xf32>,
      %scan3A_107 = arith.constant 0 : i32
      scf.yield %scan3A_107 : i32
    }
    %scan3A_6 = arith.constant 128 : i32
    %add3A = arith.constant 0 : i32
    %add3A_7 = arith.addi %mul3A_0, %add3A : i32
    %run_scoped3A = arith.constant 0 : i32
    "tpu.region"() ({
      %run_scoped3A_71 = tpu.sem_alloc : memref<!tpu.dma_semaphore, #tpu.memory_space<semaphore_mem>>
      %dma_start3A_72 = arith.constant 0 : i32
      %dma_start3A_73 = arith.constant 0 : i32
      %dma_start3A_74 = tpu.memref_slice %arg7[%run_scoped3A, %dma_start3A_72, %dma_start3A_73] : memref<2x128x64xf32, #tpu.memory_space<vmem>> -> memref<1x128x64xf32, #tpu.memory_space<vmem>>
      %dma_start3A_75 = tpu.memref_squeeze %dma_start3A_74 : memref<1x128x64xf32, #tpu.memory_space<vmem>> -> memref<128x64xf32, #tpu.memory_space<vmem>>
      %dma_start3A_76 = arith.constant 0 : i32
      %dma_start3A_77 = tpu.memref_slice %arg11[%add3A_7, %dma_start3A_76] : memref<10112x64xf32, #tpu.memory_space<vmem_shared>> -> memref<128x64xf32, #tpu.memory_space<vmem_shared>>
      %dma_start3A_78 = arith.constant 0 : i32
      %dma_start3A_79 = tpu.memref_slice %arg11[%add3A_7, %dma_start3A_78] : memref<10112x64xf32, #tpu.memory_space<vmem_shared>> -> memref<128x64xf32, #tpu.memory_space<vmem_shared>>
      %dma_start3A_80 = arith.constant 0 : i32
      %dma_start3A_81 = arith.constant 0 : i32
      %dma_start3A_82 = tpu.memref_slice %arg7[%run_scoped3A, %dma_start3A_80, %dma_start3A_81] : memref<2x128x64xf32, #tpu.memory_space<vmem>> -> memref<1x128x64xf32, #tpu.memory_space<vmem>>
      %dma_start3A_83 = tpu.memref_squeeze %dma_start3A_82 : memref<1x128x64xf32, #tpu.memory_space<vmem>> -> memref<128x64xf32, #tpu.memory_space<vmem>>
      tpu.enqueue_dma source(%dma_start3A_83 : memref<128x64xf32, #tpu.memory_space<vmem>>) target(%dma_start3A_79 : memref<128x64xf32, #tpu.memory_space<vmem_shared>>) target_semaphore(%run_scoped3A_71 : memref<!tpu.dma_semaphore, #tpu.memory_space<semaphore_mem>>)
      %dma_wait3A_84 = arith.constant 0 : i32
      %dma_wait3A_85 = arith.constant 0 : i32
      %dma_wait3A_86 = tpu.memref_slice %arg7[%run_scoped3A, %dma_wait3A_84, %dma_wait3A_85] : memref<2x128x64xf32, #tpu.memory_space<vmem>> -> memref<1x128x64xf32, #tpu.memory_space<vmem>>
      %dma_wait3A_87 = tpu.memref_squeeze %dma_wait3A_86 : memref<1x128x64xf32, #tpu.memory_space<vmem>> -> memref<128x64xf32, #tpu.memory_space<vmem>>
      %dma_wait3A_88 = arith.constant 0 : i32
      %dma_wait3A_89 = tpu.memref_slice %arg11[%add3A_7, %dma_wait3A_88] : memref<10112x64xf32, #tpu.memory_space<vmem_shared>> -> memref<128x64xf32, #tpu.memory_space<vmem_shared>>
      %dma_wait3A_90 = arith.constant 0 : i32
      %dma_wait3A_91 = tpu.memref_slice %arg11[%add3A_7, %dma_wait3A_90] : memref<10112x64xf32, #tpu.memory_space<vmem_shared>> -> memref<128x64xf32, #tpu.memory_space<vmem_shared>>
      %dma_wait3A_92 = arith.constant 0 : i32
      %dma_wait3A_93 = arith.constant 0 : i32
      %dma_wait3A_94 = tpu.memref_slice %arg7[%run_scoped3A, %dma_wait3A_92, %dma_wait3A_93] : memref<2x128x64xf32, #tpu.memory_space<vmem>> -> memref<1x128x64xf32, #tpu.memory_space<vmem>>
      %dma_wait3A_95 = tpu.memref_squeeze %dma_wait3A_94 : memref<1x128x64xf32, #tpu.memory_space<vmem>> -> memref<128x64xf32, #tpu.memory_space<vmem>>
      tpu.wait_dma2 semaphore(%run_scoped3A_71 : memref<!tpu.dma_semaphore, #tpu.memory_space<semaphore_mem>>) src(%dma_wait3A_95 : memref<128x64xf32, #tpu.memory_space<vmem>>) dst(%dma_wait3A_91 : memref<128x64xf32, #tpu.memory_space<vmem_shared>>)
      tpu.yield
    }) : () -> ()
    %add3A_8 = arith.constant 128 : i32
    %add3A_9 = arith.addi %mul3A_0, %add3A_8 : i32
    %run_scoped3A_10 = arith.constant 0 : i32
    "tpu.region"() ({
      %run_scoped3A_71 = tpu.sem_alloc : memref<!tpu.dma_semaphore, #tpu.memory_space<semaphore_mem>>
      %dma_start3A_72 = arith.constant 0 : i32
      %dma_start3A_73 = arith.constant 0 : i32
      %dma_start3A_74 = tpu.memref_slice %arg7[%run_scoped3A_10, %dma_start3A_72, %dma_start3A_73] : memref<2x128x64xf32, #tpu.memory_space<vmem>> -> memref<1x128x64xf32, #tpu.memory_space<vmem>>
      %dma_start3A_75 = tpu.memref_squeeze %dma_start3A_74 : memref<1x128x64xf32, #tpu.memory_space<vmem>> -> memref<128x64xf32, #tpu.memory_space<vmem>>
      %dma_start3A_76 = arith.constant 0 : i32
      %dma_start3A_77 = tpu.memref_slice %arg11[%add3A_9, %dma_start3A_76] : memref<10112x64xf32, #tpu.memory_space<vmem_shared>> -> memref<128x64xf32, #tpu.memory_space<vmem_shared>>
      %dma_start3A_78 = arith.constant 0 : i32
      %dma_start3A_79 = tpu.memref_slice %arg11[%add3A_9, %dma_start3A_78] : memref<10112x64xf32, #tpu.memory_space<vmem_shared>> -> memref<128x64xf32, #tpu.memory_space<vmem_shared>>
      %dma_start3A_80 = arith.constant 0 : i32
      %dma_start3A_81 = arith.constant 0 : i32
      %dma_start3A_82 = tpu.memref_slice %arg7[%run_scoped3A_10, %dma_start3A_80, %dma_start3A_81] : memref<2x128x64xf32, #tpu.memory_space<vmem>> -> memref<1x128x64xf32, #tpu.memory_space<vmem>>
      %dma_start3A_83 = tpu.memref_squeeze %dma_start3A_82 : memref<1x128x64xf32, #tpu.memory_space<vmem>> -> memref<128x64xf32, #tpu.memory_space<vmem>>
      tpu.enqueue_dma source(%dma_start3A_83 : memref<128x64xf32, #tpu.memory_space<vmem>>) target(%dma_start3A_79 : memref<128x64xf32, #tpu.memory_space<vmem_shared>>) target_semaphore(%run_scoped3A_71 : memref<!tpu.dma_semaphore, #tpu.memory_space<semaphore_mem>>)
      %dma_wait3A_84 = arith.constant 0 : i32
      %dma_wait3A_85 = arith.constant 0 : i32
      %dma_wait3A_86 = tpu.memref_slice %arg7[%run_scoped3A_10, %dma_wait3A_84, %dma_wait3A_85] : memref<2x128x64xf32, #tpu.memory_space<vmem>> -> memref<1x128x64xf32, #tpu.memory_space<vmem>>
      %dma_wait3A_87 = tpu.memref_squeeze %dma_wait3A_86 : memref<1x128x64xf32, #tpu.memory_space<vmem>> -> memref<128x64xf32, #tpu.memory_space<vmem>>
      %dma_wait3A_88 = arith.constant 0 : i32
      %dma_wait3A_89 = tpu.memref_slice %arg11[%add3A_9, %dma_wait3A_88] : memref<10112x64xf32, #tpu.memory_space<vmem_shared>> -> memref<128x64xf32, #tpu.memory_space<vmem_shared>>
      %dma_wait3A_90 = arith.constant 0 : i32
      %dma_wait3A_91 = tpu.memref_slice %arg11[%add3A_9, %dma_wait3A_90] : memref<10112x64xf32, #tpu.memory_space<vmem_shared>> -> memref<128x64xf32, #tpu.memory_space<vmem_shared>>
      %dma_wait3A_92 = arith.constant 0 : i32
      %dma_wait3A_93 = arith.constant 0 : i32
      %dma_wait3A_94 = tpu.memref_slice %arg7[%run_scoped3A_10, %dma_wait3A_92, %dma_wait3A_93] : memref<2x128x64xf32, #tpu.memory_space<vmem>> -> memref<1x128x64xf32, #tpu.memory_space<vmem>>
      %dma_wait3A_95 = tpu.memref_squeeze %dma_wait3A_94 : memref<1x128x64xf32, #tpu.memory_space<vmem>> -> memref<128x64xf32, #tpu.memory_space<vmem>>
      tpu.wait_dma2 semaphore(%run_scoped3A_71 : memref<!tpu.dma_semaphore, #tpu.memory_space<semaphore_mem>>) src(%dma_wait3A_95 : memref<128x64xf32, #tpu.memory_space<vmem>>) dst(%dma_wait3A_91 : memref<128x64xf32, #tpu.memory_space<vmem_shared>>)
      tpu.yield
    }) : () -> ()
    %add3A_11 = arith.constant 256 : i32
    %add3A_12 = arith.addi %mul3A_0, %add3A_11 : i32
    %run_scoped3A_13 = arith.constant 0 : i32
    "tpu.region"() ({
      %run_scoped3A_71 = tpu.sem_alloc : memref<!tpu.dma_semaphore, #tpu.memory_space<semaphore_mem>>
      %dma_start3A_72 = arith.constant 0 : i32
      %dma_start3A_73 = arith.constant 0 : i32
      %dma_start3A_74 = tpu.memref_slice %arg7[%run_scoped3A_13, %dma_start3A_72, %dma_start3A_73] : memref<2x128x64xf32, #tpu.memory_space<vmem>> -> memref<1x128x64xf32, #tpu.memory_space<vmem>>
      %dma_start3A_75 = tpu.memref_squeeze %dma_start3A_74 : memref<1x128x64xf32, #tpu.memory_space<vmem>> -> memref<128x64xf32, #tpu.memory_space<vmem>>
      %dma_start3A_76 = arith.constant 0 : i32
      %dma_start3A_77 = tpu.memref_slice %arg11[%add3A_12, %dma_start3A_76] : memref<10112x64xf32, #tpu.memory_space<vmem_shared>> -> memref<128x64xf32, #tpu.memory_space<vmem_shared>>
      %dma_start3A_78 = arith.constant 0 : i32
      %dma_start3A_79 = tpu.memref_slice %arg11[%add3A_12, %dma_start3A_78] : memref<10112x64xf32, #tpu.memory_space<vmem_shared>> -> memref<128x64xf32, #tpu.memory_space<vmem_shared>>
      %dma_start3A_80 = arith.constant 0 : i32
      %dma_start3A_81 = arith.constant 0 : i32
      %dma_start3A_82 = tpu.memref_slice %arg7[%run_scoped3A_13, %dma_start3A_80, %dma_start3A_81] : memref<2x128x64xf32, #tpu.memory_space<vmem>> -> memref<1x128x64xf32, #tpu.memory_space<vmem>>
      %dma_start3A_83 = tpu.memref_squeeze %dma_start3A_82 : memref<1x128x64xf32, #tpu.memory_space<vmem>> -> memref<128x64xf32, #tpu.memory_space<vmem>>
      tpu.enqueue_dma source(%dma_start3A_83 : memref<128x64xf32, #tpu.memory_space<vmem>>) target(%dma_start3A_79 : memref<128x64xf32, #tpu.memory_space<vmem_shared>>) target_semaphore(%run_scoped3A_71 : memref<!tpu.dma_semaphore, #tpu.memory_space<semaphore_mem>>)
      %dma_wait3A_84 = arith.constant 0 : i32
      %dma_wait3A_85 = arith.constant 0 : i32
      %dma_wait3A_86 = tpu.memref_slice %arg7[%run_scoped3A_13, %dma_wait3A_84, %dma_wait3A_85] : memref<2x128x64xf32, #tpu.memory_space<vmem>> -> memref<1x128x64xf32, #tpu.memory_space<vmem>>
      %dma_wait3A_87 = tpu.memref_squeeze %dma_wait3A_86 : memref<1x128x64xf32, #tpu.memory_space<vmem>> -> memref<128x64xf32, #tpu.memory_space<vmem>>
      %dma_wait3A_88 = arith.constant 0 : i32
      %dma_wait3A_89 = tpu.memref_slice %arg11[%add3A_12, %dma_wait3A_88] : memref<10112x64xf32, #tpu.memory_space<vmem_shared>> -> memref<128x64xf32, #tpu.memory_space<vmem_shared>>
      %dma_wait3A_90 = arith.constant 0 : i32
      %dma_wait3A_91 = tpu.memref_slice %arg11[%add3A_12, %dma_wait3A_90] : memref<10112x64xf32, #tpu.memory_space<vmem_shared>> -> memref<128x64xf32, #tpu.memory_space<vmem_shared>>
      %dma_wait3A_92 = arith.constant 0 : i32
      %dma_wait3A_93 = arith.constant 0 : i32
      %dma_wait3A_94 = tpu.memref_slice %arg7[%run_scoped3A_13, %dma_wait3A_92, %dma_wait3A_93] : memref<2x128x64xf32, #tpu.memory_space<vmem>> -> memref<1x128x64xf32, #tpu.memory_space<vmem>>
      %dma_wait3A_95 = tpu.memref_squeeze %dma_wait3A_94 : memref<1x128x64xf32, #tpu.memory_space<vmem>> -> memref<128x64xf32, #tpu.memory_space<vmem>>
      tpu.wait_dma2 semaphore(%run_scoped3A_71 : memref<!tpu.dma_semaphore, #tpu.memory_space<semaphore_mem>>) src(%dma_wait3A_95 : memref<128x64xf32, #tpu.memory_space<vmem>>) dst(%dma_wait3A_91 : memref<128x64xf32, #tpu.memory_space<vmem_shared>>)
      tpu.yield
    }) : () -> ()
    %add3A_14 = arith.constant 384 : i32
    %add3A_15 = arith.addi %mul3A_0, %add3A_14 : i32
    %run_scoped3A_16 = arith.constant 0 : i32
    "tpu.region"() ({
      %run_scoped3A_71 = tpu.sem_alloc : memref<!tpu.dma_semaphore, #tpu.memory_space<semaphore_mem>>
      %dma_start3A_72 = arith.constant 0 : i32
      %dma_start3A_73 = arith.constant 0 : i32
      %dma_start3A_74 = tpu.memref_slice %arg7[%run_scoped3A_16, %dma_start3A_72, %dma_start3A_73] : memref<2x128x64xf32, #tpu.memory_space<vmem>> -> memref<1x128x64xf32, #tpu.memory_space<vmem>>
      %dma_start3A_75 = tpu.memref_squeeze %dma_start3A_74 : memref<1x128x64xf32, #tpu.memory_space<vmem>> -> memref<128x64xf32, #tpu.memory_space<vmem>>
      %dma_start3A_76 = arith.constant 0 : i32
      %dma_start3A_77 = tpu.memref_slice %arg11[%add3A_15, %dma_start3A_76] : memref<10112x64xf32, #tpu.memory_space<vmem_shared>> -> memref<128x64xf32, #tpu.memory_space<vmem_shared>>
      %dma_start3A_78 = arith.constant 0 : i32
      %dma_start3A_79 = tpu.memref_slice %arg11[%add3A_15, %dma_start3A_78] : memref<10112x64xf32, #tpu.memory_space<vmem_shared>> -> memref<128x64xf32, #tpu.memory_space<vmem_shared>>
      %dma_start3A_80 = arith.constant 0 : i32
      %dma_start3A_81 = arith.constant 0 : i32
      %dma_start3A_82 = tpu.memref_slice %arg7[%run_scoped3A_16, %dma_start3A_80, %dma_start3A_81] : memref<2x128x64xf32, #tpu.memory_space<vmem>> -> memref<1x128x64xf32, #tpu.memory_space<vmem>>
      %dma_start3A_83 = tpu.memref_squeeze %dma_start3A_82 : memref<1x128x64xf32, #tpu.memory_space<vmem>> -> memref<128x64xf32, #tpu.memory_space<vmem>>
      tpu.enqueue_dma source(%dma_start3A_83 : memref<128x64xf32, #tpu.memory_space<vmem>>) target(%dma_start3A_79 : memref<128x64xf32, #tpu.memory_space<vmem_shared>>) target_semaphore(%run_scoped3A_71 : memref<!tpu.dma_semaphore, #tpu.memory_space<semaphore_mem>>)
      %dma_wait3A_84 = arith.constant 0 : i32
      %dma_wait3A_85 = arith.constant 0 : i32
      %dma_wait3A_86 = tpu.memref_slice %arg7[%run_scoped3A_16, %dma_wait3A_84, %dma_wait3A_85] : memref<2x128x64xf32, #tpu.memory_space<vmem>> -> memref<1x128x64xf32, #tpu.memory_space<vmem>>
      %dma_wait3A_87 = tpu.memref_squeeze %dma_wait3A_86 : memref<1x128x64xf32, #tpu.memory_space<vmem>> -> memref<128x64xf32, #tpu.memory_space<vmem>>
      %dma_wait3A_88 = arith.constant 0 : i32
      %dma_wait3A_89 = tpu.memref_slice %arg11[%add3A_15, %dma_wait3A_88] : memref<10112x64xf32, #tpu.memory_space<vmem_shared>> -> memref<128x64xf32, #tpu.memory_space<vmem_shared>>
      %dma_wait3A_90 = arith.constant 0 : i32
      %dma_wait3A_91 = tpu.memref_slice %arg11[%add3A_15, %dma_wait3A_90] : memref<10112x64xf32, #tpu.memory_space<vmem_shared>> -> memref<128x64xf32, #tpu.memory_space<vmem_shared>>
      %dma_wait3A_92 = arith.constant 0 : i32
      %dma_wait3A_93 = arith.constant 0 : i32
      %dma_wait3A_94 = tpu.memref_slice %arg7[%run_scoped3A_16, %dma_wait3A_92, %dma_wait3A_93] : memref<2x128x64xf32, #tpu.memory_space<vmem>> -> memref<1x128x64xf32, #tpu.memory_space<vmem>>
      %dma_wait3A_95 = tpu.memref_squeeze %dma_wait3A_94 : memref<1x128x64xf32, #tpu.memory_space<vmem>> -> memref<128x64xf32, #tpu.memory_space<vmem>>
      tpu.wait_dma2 semaphore(%run_scoped3A_71 : memref<!tpu.dma_semaphore, #tpu.memory_space<semaphore_mem>>) src(%dma_wait3A_95 : memref<128x64xf32, #tpu.memory_space<vmem>>) dst(%dma_wait3A_91 : memref<128x64xf32, #tpu.memory_space<vmem_shared>>)
      tpu.yield
    }) : () -> ()
    %add3A_17 = arith.constant 512 : i32
    %add3A_18 = arith.addi %mul3A_0, %add3A_17 : i32
    %run_scoped3A_19 = arith.constant 0 : i32
    "tpu.region"() ({
      %run_scoped3A_71 = tpu.sem_alloc : memref<!tpu.dma_semaphore, #tpu.memory_space<semaphore_mem>>
      %dma_start3A_72 = arith.constant 0 : i32
      %dma_start3A_73 = arith.constant 0 : i32
      %dma_start3A_74 = tpu.memref_slice %arg7[%run_scoped3A_19, %dma_start3A_72, %dma_start3A_73] : memref<2x128x64xf32, #tpu.memory_space<vmem>> -> memref<1x120x64xf32, #tpu.memory_space<vmem>>
      %dma_start3A_75 = tpu.memref_squeeze %dma_start3A_74 : memref<1x120x64xf32, #tpu.memory_space<vmem>> -> memref<120x64xf32, #tpu.memory_space<vmem>>
      %dma_start3A_76 = arith.constant 0 : i32
      %dma_start3A_77 = tpu.memref_slice %arg11[%add3A_18, %dma_start3A_76] : memref<10112x64xf32, #tpu.memory_space<vmem_shared>> -> memref<120x64xf32, #tpu.memory_space<vmem_shared>>
      %dma_start3A_78 = arith.constant 0 : i32
      %dma_start3A_79 = tpu.memref_slice %arg11[%add3A_18, %dma_start3A_78] : memref<10112x64xf32, #tpu.memory_space<vmem_shared>> -> memref<120x64xf32, #tpu.memory_space<vmem_shared>>
      %dma_start3A_80 = arith.constant 0 : i32
      %dma_start3A_81 = arith.constant 0 : i32
      %dma_start3A_82 = tpu.memref_slice %arg7[%run_scoped3A_19, %dma_start3A_80, %dma_start3A_81] : memref<2x128x64xf32, #tpu.memory_space<vmem>> -> memref<1x120x64xf32, #tpu.memory_space<vmem>>
      %dma_start3A_83 = tpu.memref_squeeze %dma_start3A_82 : memref<1x120x64xf32, #tpu.memory_space<vmem>> -> memref<120x64xf32, #tpu.memory_space<vmem>>
      tpu.enqueue_dma source(%dma_start3A_83 : memref<120x64xf32, #tpu.memory_space<vmem>>) target(%dma_start3A_79 : memref<120x64xf32, #tpu.memory_space<vmem_shared>>) target_semaphore(%run_scoped3A_71 : memref<!tpu.dma_semaphore, #tpu.memory_space<semaphore_mem>>)
      %dma_wait3A_84 = arith.constant 0 : i32
      %dma_wait3A_85 = arith.constant 0 : i32
      %dma_wait3A_86 = tpu.memref_slice %arg7[%run_scoped3A_19, %dma_wait3A_84, %dma_wait3A_85] : memref<2x128x64xf32, #tpu.memory_space<vmem>> -> memref<1x120x64xf32, #tpu.memory_space<vmem>>
      %dma_wait3A_87 = tpu.memref_squeeze %dma_wait3A_86 : memref<1x120x64xf32, #tpu.memory_space<vmem>> -> memref<120x64xf32, #tpu.memory_space<vmem>>
      %dma_wait3A_88 = arith.constant 0 : i32
      %dma_wait3A_89 = tpu.memref_slice %arg11[%add3A_18, %dma_wait3A_88] : memref<10112x64xf32, #tpu.memory_space<vmem_shared>> -> memref<120x64xf32, #tpu.memory_space<vmem_shared>>
      %dma_wait3A_90 = arith.constant 0 : i32
      %dma_wait3A_91 = tpu.memref_slice %arg11[%add3A_18, %dma_wait3A_90] : memref<10112x64xf32, #tpu.memory_space<vmem_shared>> -> memref<120x64xf32, #tpu.memory_space<vmem_shared>>
      %dma_wait3A_92 = arith.constant 0 : i32
      %dma_wait3A_93 = arith.constant 0 : i32
      %dma_wait3A_94 = tpu.memref_slice %arg7[%run_scoped3A_19, %dma_wait3A_92, %dma_wait3A_93] : memref<2x128x64xf32, #tpu.memory_space<vmem>> -> memref<1x120x64xf32, #tpu.memory_space<vmem>>
      %dma_wait3A_95 = tpu.memref_squeeze %dma_wait3A_94 : memref<1x120x64xf32, #tpu.memory_space<vmem>> -> memref<120x64xf32, #tpu.memory_space<vmem>>
      tpu.wait_dma2 semaphore(%run_scoped3A_71 : memref<!tpu.dma_semaphore, #tpu.memory_space<semaphore_mem>>) src(%dma_wait3A_95 : memref<120x64xf32, #tpu.memory_space<vmem>>) dst(%dma_wait3A_91 : memref<120x64xf32, #tpu.memory_space<vmem_shared>>)
      tpu.yield
    }) : () -> ()
    %barrier3A = arith.constant 0 : index
    tpu.barrier barrier_id(%barrier3A)
    %mul3A_20 = arith.constant 162 : i32
    %mul3A_21 = arith.muli %arg1, %mul3A_20 : i32
    %mul3A_22 = arith.constant 128 : i32
    %mul3A_23 = arith.muli %mul3A_21, %mul3A_22 : i32
    %multiple_of3A = tpu.assume_multiple %mul3A_23, 128 : i32
    %run_scoped3A_24 = arith.constant 0 : i32
    "tpu.region"() ({
      %run_scoped3A_71 = tpu.sem_alloc : memref<!tpu.dma_semaphore, #tpu.memory_space<semaphore_mem>>
      %dma_start3A_72 = arith.constant 0 : i32
      %dma_start3A_73 = tpu.memref_slice %arg8[%run_scoped3A_24, %dma_start3A_72] : memref<2x128xi32, #tpu.memory_space<vmem>> -> memref<1x128xi32, #tpu.memory_space<vmem>>
      %dma_start3A_74 = tpu.memref_squeeze %dma_start3A_73 : memref<1x128xi32, #tpu.memory_space<vmem>> -> memref<128xi32, #tpu.memory_space<vmem>>
      %dma_start3A_75 = tpu.memref_slice %arg3[%multiple_of3A] : memref<335872xi32, #tpu.memory_space<hbm>> -> memref<128xi32, #tpu.memory_space<hbm>>
      %dma_start3A_76 = arith.constant 0 : i32
      %dma_start3A_77 = tpu.memref_slice %arg8[%run_scoped3A_24, %dma_start3A_76] : memref<2x128xi32, #tpu.memory_space<vmem>> -> memref<1x128xi32, #tpu.memory_space<vmem>>
      %dma_start3A_78 = tpu.memref_squeeze %dma_start3A_77 : memref<1x128xi32, #tpu.memory_space<vmem>> -> memref<128xi32, #tpu.memory_space<vmem>>
      %dma_start3A_79 = tpu.memref_slice %arg3[%multiple_of3A] : memref<335872xi32, #tpu.memory_space<hbm>> -> memref<128xi32, #tpu.memory_space<hbm>>
      tpu.enqueue_dma source(%dma_start3A_79 : memref<128xi32, #tpu.memory_space<hbm>>) target(%dma_start3A_78 : memref<128xi32, #tpu.memory_space<vmem>>) target_semaphore(%run_scoped3A_71 : memref<!tpu.dma_semaphore, #tpu.memory_space<semaphore_mem>>)
      %dma_wait3A_80 = arith.constant 0 : i32
      %dma_wait3A_81 = tpu.memref_slice %arg8[%run_scoped3A_24, %dma_wait3A_80] : memref<2x128xi32, #tpu.memory_space<vmem>> -> memref<1x128xi32, #tpu.memory_space<vmem>>
      %dma_wait3A_82 = tpu.memref_squeeze %dma_wait3A_81 : memref<1x128xi32, #tpu.memory_space<vmem>> -> memref<128xi32, #tpu.memory_space<vmem>>
      %dma_wait3A_83 = tpu.memref_slice %arg3[%multiple_of3A] : memref<335872xi32, #tpu.memory_space<hbm>> -> memref<128xi32, #tpu.memory_space<hbm>>
      %dma_wait3A_84 = arith.constant 0 : i32
      %dma_wait3A_85 = tpu.memref_slice %arg8[%run_scoped3A_24, %dma_wait3A_84] : memref<2x128xi32, #tpu.memory_space<vmem>> -> memref<1x128xi32, #tpu.memory_space<vmem>>
      %dma_wait3A_86 = tpu.memref_squeeze %dma_wait3A_85 : memref<1x128xi32, #tpu.memory_space<vmem>> -> memref<128xi32, #tpu.memory_space<vmem>>
      %dma_wait3A_87 = tpu.memref_slice %arg3[%multiple_of3A] : memref<335872xi32, #tpu.memory_space<hbm>> -> memref<128xi32, #tpu.memory_space<hbm>>
      tpu.wait_dma2 semaphore(%run_scoped3A_71 : memref<!tpu.dma_semaphore, #tpu.memory_space<semaphore_mem>>) src(%dma_wait3A_87 : memref<128xi32, #tpu.memory_space<hbm>>) dst(%dma_wait3A_86 : memref<128xi32, #tpu.memory_space<vmem>>)
      tpu.yield
    }) : () -> ()
    %run_scoped3A_25 = arith.constant 0 : i32
    %run_scoped3A_26 = arith.constant 0 : i32
    "tpu.region"() ({
      %run_scoped3A_71 = tpu.sem_alloc : memref<!tpu.dma_semaphore, #tpu.memory_space<semaphore_mem>>
      %dma_start3A_72 = arith.constant 0 : i32
      %dma_start3A_73 = tpu.memref_slice %arg9[%run_scoped3A_25, %run_scoped3A_26, %dma_start3A_72] : memref<2x2x128xi32, #tpu.memory_space<vmem>> -> memref<1x1x128xi32, #tpu.memory_space<vmem>>
      %dma_start3A_74 = tpu.memref_squeeze %dma_start3A_73 : memref<1x1x128xi32, #tpu.memory_space<vmem>> -> memref<128xi32, #tpu.memory_space<vmem>>
      %dma_start3A_75 = tpu.memref_slice %arg4[%multiple_of3A] : memref<335872xi32, #tpu.memory_space<hbm>> -> memref<128xi32, #tpu.memory_space<hbm>>
      %dma_start3A_76 = arith.constant 0 : i32
      %dma_start3A_77 = tpu.memref_slice %arg9[%run_scoped3A_25, %run_scoped3A_26, %dma_start3A_76] : memref<2x2x128xi32, #tpu.memory_space<vmem>> -> memref<1x1x128xi32, #tpu.memory_space<vmem>>
      %dma_start3A_78 = tpu.memref_squeeze %dma_start3A_77 : memref<1x1x128xi32, #tpu.memory_space<vmem>> -> memref<128xi32, #tpu.memory_space<vmem>>
      %dma_start3A_79 = tpu.memref_slice %arg4[%multiple_of3A] : memref<335872xi32, #tpu.memory_space<hbm>> -> memref<128xi32, #tpu.memory_space<hbm>>
      tpu.enqueue_dma source(%dma_start3A_79 : memref<128xi32, #tpu.memory_space<hbm>>) target(%dma_start3A_78 : memref<128xi32, #tpu.memory_space<vmem>>) target_semaphore(%run_scoped3A_71 : memref<!tpu.dma_semaphore, #tpu.memory_space<semaphore_mem>>)
      %dma_wait3A_80 = arith.constant 0 : i32
      %dma_wait3A_81 = tpu.memref_slice %arg9[%run_scoped3A_25, %run_scoped3A_26, %dma_wait3A_80] : memref<2x2x128xi32, #tpu.memory_space<vmem>> -> memref<1x1x128xi32, #tpu.memory_space<vmem>>
      %dma_wait3A_82 = tpu.memref_squeeze %dma_wait3A_81 : memref<1x1x128xi32, #tpu.memory_space<vmem>> -> memref<128xi32, #tpu.memory_space<vmem>>
      %dma_wait3A_83 = tpu.memref_slice %arg4[%multiple_of3A] : memref<335872xi32, #tpu.memory_space<hbm>> -> memref<128xi32, #tpu.memory_space<hbm>>
      %dma_wait3A_84 = arith.constant 0 : i32
      %dma_wait3A_85 = tpu.memref_slice %arg9[%run_scoped3A_25, %run_scoped3A_26, %dma_wait3A_84] : memref<2x2x128xi32, #tpu.memory_space<vmem>> -> memref<1x1x128xi32, #tpu.memory_space<vmem>>
      %dma_wait3A_86 = tpu.memref_squeeze %dma_wait3A_85 : memref<1x1x128xi32, #tpu.memory_space<vmem>> -> memref<128xi32, #tpu.memory_space<vmem>>
      %dma_wait3A_87 = tpu.memref_slice %arg4[%multiple_of3A] : memref<335872xi32, #tpu.memory_space<hbm>> -> memref<128xi32, #tpu.memory_space<hbm>>
      tpu.wait_dma2 semaphore(%run_scoped3A_71 : memref<!tpu.dma_semaphore, #tpu.memory_space<semaphore_mem>>) src(%dma_wait3A_87 : memref<128xi32, #tpu.memory_space<hbm>>) dst(%dma_wait3A_86 : memref<128xi32, #tpu.memory_space<vmem>>)
      tpu.yield
    }) : () -> ()
    %dma_start3A = arith.constant 0 : i32
    %dma_start3A_27 = arith.constant 0 : i32
    %dma_start3A_28 = arith.constant 0 : i32
    %dma_start3A_29 = arith.constant 0 : i32
    %dma_start3A_30 = tpu.memref_slice %arg6[%dma_start3A_27, %dma_start3A_28, %dma_start3A_29] : memref<2x128x32xi32, #tpu.memory_space<vmem>> -> memref<1x128x32xi32, #tpu.memory_space<vmem>>
    %dma_start3A_31 = tpu.memref_squeeze %dma_start3A_30 : memref<1x128x32xi32, #tpu.memory_space<vmem>> -> memref<128x32xi32, #tpu.memory_space<vmem>>
    %dma_start3A_32 = arith.constant 0 : i32
    %dma_start3A_33 = tpu.memref_slice %arg8[%dma_start3A, %dma_start3A_32] : memref<2x128xi32, #tpu.memory_space<vmem>> -> memref<1x128xi32, #tpu.memory_space<vmem>>
    %dma_start3A_34 = tpu.memref_squeeze %dma_start3A_33 : memref<1x128xi32, #tpu.memory_space<vmem>> -> memref<128xi32, #tpu.memory_space<vmem>>
    %dma_start3A_35 = arith.constant 0 : i32
    %dma_start3A_36 = arith.constant 0 : i32
    %dma_start3A_37 = tpu.memref_slice %arg10[%dma_start3A_35, %dma_start3A_36] : memref<10112x32xi32, #tpu.memory_space<vmem_shared>> -> memref<10112x32xi32, #tpu.memory_space<vmem_shared>>
    tpu.enqueue_indirect_dma source(%dma_start3A_37 : memref<10112x32xi32, #tpu.memory_space<vmem_shared>>) target(%dma_start3A_31 : memref<128x32xi32, #tpu.memory_space<vmem>>) offsets(%dma_start3A_34 : memref<128xi32, #tpu.memory_space<vmem>>) semaphore(%arg12 : memref<!tpu.dma_semaphore, #tpu.memory_space<semaphore_mem>>)
    %scan3A_38 = arith.constant 0 : i32
    %scan3A_39 = arith.constant 0 : i32
    %scan3A_40 = arith.constant 81 : i32
    %scan3A_41 = arith.addi %scan3A_39, %scan3A_40 : i32
    %scan3A_42 = arith.constant 1 : i32
    %scan3A_43 = scf.for %scan3A_71 = %scan3A_39 to %scan3A_41 step %scan3A_42 iter_args(%scan3A_72 = %scan3A_38) -> (i32)  : i32 {
      %and3A = arith.constant 1 : i32
      %and3A_73 = arith.andi %scan3A_71, %and3A : i32
      %mul3A_74 = arith.constant 162 : i32
      %mul3A_75 = arith.muli %arg1, %mul3A_74 : i32
      %mul3A_76 = arith.constant 2 : i32
      %mul3A_77 = arith.muli %mul3A_76, %scan3A_71 : i32
      %add3A_78 = arith.addi %mul3A_75, %mul3A_77 : i32
      %mul3A_79 = arith.constant 128 : i32
      %mul3A_80 = arith.muli %add3A_78, %mul3A_79 : i32
      %multiple_of3A_81 = tpu.assume_multiple %mul3A_80, 128 : i32
      %add3A_82 = arith.constant 128 : i32
      %add3A_83 = arith.addi %multiple_of3A_81, %add3A_82 : i32
      %run_scoped3A_84 = arith.constant 1 : i32
      "tpu.region"() ({
        %run_scoped3A_165 = tpu.sem_alloc : memref<!tpu.dma_semaphore, #tpu.memory_space<semaphore_mem>>
        %dma_start3A_166 = arith.constant 0 : i32
        %dma_start3A_167 = tpu.memref_slice %arg8[%run_scoped3A_84, %dma_start3A_166] : memref<2x128xi32, #tpu.memory_space<vmem>> -> memref<1x128xi32, #tpu.memory_space<vmem>>
        %dma_start3A_168 = tpu.memref_squeeze %dma_start3A_167 : memref<1x128xi32, #tpu.memory_space<vmem>> -> memref<128xi32, #tpu.memory_space<vmem>>
        %dma_start3A_169 = tpu.memref_slice %arg3[%add3A_83] : memref<335872xi32, #tpu.memory_space<hbm>> -> memref<128xi32, #tpu.memory_space<hbm>>
        %dma_start3A_170 = arith.constant 0 : i32
        %dma_start3A_171 = tpu.memref_slice %arg8[%run_scoped3A_84, %dma_start3A_170] : memref<2x128xi32, #tpu.memory_space<vmem>> -> memref<1x128xi32, #tpu.memory_space<vmem>>
        %dma_start3A_172 = tpu.memref_squeeze %dma_start3A_171 : memref<1x128xi32, #tpu.memory_space<vmem>> -> memref<128xi32, #tpu.memory_space<vmem>>
        %dma_start3A_173 = tpu.memref_slice %arg3[%add3A_83] : memref<335872xi32, #tpu.memory_space<hbm>> -> memref<128xi32, #tpu.memory_space<hbm>>
        tpu.enqueue_dma source(%dma_start3A_173 : memref<128xi32, #tpu.memory_space<hbm>>) target(%dma_start3A_172 : memref<128xi32, #tpu.memory_space<vmem>>) target_semaphore(%run_scoped3A_165 : memref<!tpu.dma_semaphore, #tpu.memory_space<semaphore_mem>>)
        %dma_wait3A_174 = arith.constant 0 : i32
        %dma_wait3A_175 = tpu.memref_slice %arg8[%run_scoped3A_84, %dma_wait3A_174] : memref<2x128xi32, #tpu.memory_space<vmem>> -> memref<1x128xi32, #tpu.memory_space<vmem>>
        %dma_wait3A_176 = tpu.memref_squeeze %dma_wait3A_175 : memref<1x128xi32, #tpu.memory_space<vmem>> -> memref<128xi32, #tpu.memory_space<vmem>>
        %dma_wait3A_177 = tpu.memref_slice %arg3[%add3A_83] : memref<335872xi32, #tpu.memory_space<hbm>> -> memref<128xi32, #tpu.memory_space<hbm>>
        %dma_wait3A_178 = arith.constant 0 : i32
        %dma_wait3A_179 = tpu.memref_slice %arg8[%run_scoped3A_84, %dma_wait3A_178] : memref<2x128xi32, #tpu.memory_space<vmem>> -> memref<1x128xi32, #tpu.memory_space<vmem>>
        %dma_wait3A_180 = tpu.memref_squeeze %dma_wait3A_179 : memref<1x128xi32, #tpu.memory_space<vmem>> -> memref<128xi32, #tpu.memory_space<vmem>>
        %dma_wait3A_181 = tpu.memref_slice %arg3[%add3A_83] : memref<335872xi32, #tpu.memory_space<hbm>> -> memref<128xi32, #tpu.memory_space<hbm>>
        tpu.wait_dma2 semaphore(%run_scoped3A_165 : memref<!tpu.dma_semaphore, #tpu.memory_space<semaphore_mem>>) src(%dma_wait3A_181 : memref<128xi32, #tpu.memory_space<hbm>>) dst(%dma_wait3A_180 : memref<128xi32, #tpu.memory_space<vmem>>)
        tpu.yield
      }) : () -> ()
      %add3A_85 = arith.constant 128 : i32
      %add3A_86 = arith.addi %multiple_of3A_81, %add3A_85 : i32
      %run_scoped3A_87 = arith.constant 1 : i32
      "tpu.region"() ({
        %run_scoped3A_165 = tpu.sem_alloc : memref<!tpu.dma_semaphore, #tpu.memory_space<semaphore_mem>>
        %dma_start3A_166 = arith.constant 0 : i32
        %dma_start3A_167 = tpu.memref_slice %arg9[%run_scoped3A_87, %and3A_73, %dma_start3A_166] : memref<2x2x128xi32, #tpu.memory_space<vmem>> -> memref<1x1x128xi32, #tpu.memory_space<vmem>>
        %dma_start3A_168 = tpu.memref_squeeze %dma_start3A_167 : memref<1x1x128xi32, #tpu.memory_space<vmem>> -> memref<128xi32, #tpu.memory_space<vmem>>
        %dma_start3A_169 = tpu.memref_slice %arg4[%add3A_86] : memref<335872xi32, #tpu.memory_space<hbm>> -> memref<128xi32, #tpu.memory_space<hbm>>
        %dma_start3A_170 = arith.constant 0 : i32
        %dma_start3A_171 = tpu.memref_slice %arg9[%run_scoped3A_87, %and3A_73, %dma_start3A_170] : memref<2x2x128xi32, #tpu.memory_space<vmem>> -> memref<1x1x128xi32, #tpu.memory_space<vmem>>
        %dma_start3A_172 = tpu.memref_squeeze %dma_start3A_171 : memref<1x1x128xi32, #tpu.memory_space<vmem>> -> memref<128xi32, #tpu.memory_space<vmem>>
        %dma_start3A_173 = tpu.memref_slice %arg4[%add3A_86] : memref<335872xi32, #tpu.memory_space<hbm>> -> memref<128xi32, #tpu.memory_space<hbm>>
        tpu.enqueue_dma source(%dma_start3A_173 : memref<128xi32, #tpu.memory_space<hbm>>) target(%dma_start3A_172 : memref<128xi32, #tpu.memory_space<vmem>>) target_semaphore(%run_scoped3A_165 : memref<!tpu.dma_semaphore, #tpu.memory_space<semaphore_mem>>)
        %dma_wait3A_174 = arith.constant 0 : i32
        %dma_wait3A_175 = tpu.memref_slice %arg9[%run_scoped3A_87, %and3A_73, %dma_wait3A_174] : memref<2x2x128xi32, #tpu.memory_space<vmem>> -> memref<1x1x128xi32, #tpu.memory_space<vmem>>
        %dma_wait3A_176 = tpu.memref_squeeze %dma_wait3A_175 : memref<1x1x128xi32, #tpu.memory_space<vmem>> -> memref<128xi32, #tpu.memory_space<vmem>>
        %dma_wait3A_177 = tpu.memref_slice %arg4[%add3A_86] : memref<335872xi32, #tpu.memory_space<hbm>> -> memref<128xi32, #tpu.memory_space<hbm>>
        %dma_wait3A_178 = arith.constant 0 : i32
        %dma_wait3A_179 = tpu.memref_slice %arg9[%run_scoped3A_87, %and3A_73, %dma_wait3A_178] : memref<2x2x128xi32, #tpu.memory_space<vmem>> -> memref<1x1x128xi32, #tpu.memory_space<vmem>>
        %dma_wait3A_180 = tpu.memref_squeeze %dma_wait3A_179 : memref<1x1x128xi32, #tpu.memory_space<vmem>> -> memref<128xi32, #tpu.memory_space<vmem>>
        %dma_wait3A_181 = tpu.memref_slice %arg4[%add3A_86] : memref<335872xi32, #tpu.memory_space<hbm>> -> memref<128xi32, #tpu.memory_space<hbm>>
        tpu.wait_dma2 semaphore(%run_scoped3A_165 : memref<!tpu.dma_semaphore, #tpu.memory_space<semaphore_mem>>) src(%dma_wait3A_181 : memref<128xi32, #tpu.memory_space<hbm>>) dst(%dma_wait3A_180 : memref<128xi32, #tpu.memory_space<vmem>>)
        tpu.yield
      }) : () -> ()
      %dma_start3A_88 = arith.constant 1 : i32
      %dma_start3A_89 = arith.constant 1 : i32
      %dma_start3A_90 = arith.constant 0 : i32
      %dma_start3A_91 = arith.constant 0 : i32
      %dma_start3A_92 = tpu.memref_slice %arg6[%dma_start3A_89, %dma_start3A_90, %dma_start3A_91] : memref<2x128x32xi32, #tpu.memory_space<vmem>> -> memref<1x128x32xi32, #tpu.memory_space<vmem>>
      %dma_start3A_93 = tpu.memref_squeeze %dma_start3A_92 : memref<1x128x32xi32, #tpu.memory_space<vmem>> -> memref<128x32xi32, #tpu.memory_space<vmem>>
      %dma_start3A_94 = arith.constant 0 : i32
      %dma_start3A_95 = tpu.memref_slice %arg8[%dma_start3A_88, %dma_start3A_94] : memref<2x128xi32, #tpu.memory_space<vmem>> -> memref<1x128xi32, #tpu.memory_space<vmem>>
      %dma_start3A_96 = tpu.memref_squeeze %dma_start3A_95 : memref<1x128xi32, #tpu.memory_space<vmem>> -> memref<128xi32, #tpu.memory_space<vmem>>
      %dma_start3A_97 = arith.constant 0 : i32
      %dma_start3A_98 = arith.constant 0 : i32
      %dma_start3A_99 = tpu.memref_slice %arg10[%dma_start3A_97, %dma_start3A_98] : memref<10112x32xi32, #tpu.memory_space<vmem_shared>> -> memref<10112x32xi32, #tpu.memory_space<vmem_shared>>
      tpu.enqueue_indirect_dma source(%dma_start3A_99 : memref<10112x32xi32, #tpu.memory_space<vmem_shared>>) target(%dma_start3A_93 : memref<128x32xi32, #tpu.memory_space<vmem>>) offsets(%dma_start3A_96 : memref<128xi32, #tpu.memory_space<vmem>>) semaphore(%arg13 : memref<!tpu.dma_semaphore, #tpu.memory_space<semaphore_mem>>)
      %dma_wait3A_100 = arith.constant 0 : i32
      %dma_wait3A_101 = arith.constant 0 : i32
      %dma_wait3A_102 = arith.constant 0 : i32
      %dma_wait3A_103 = arith.constant 0 : i32
      %dma_wait3A_104 = tpu.memref_slice %arg6[%dma_wait3A_101, %dma_wait3A_102, %dma_wait3A_103] : memref<2x128x32xi32, #tpu.memory_space<vmem>> -> memref<1x128x32xi32, #tpu.memory_space<vmem>>
      %dma_wait3A_105 = tpu.memref_squeeze %dma_wait3A_104 : memref<1x128x32xi32, #tpu.memory_space<vmem>> -> memref<128x32xi32, #tpu.memory_space<vmem>>
      %dma_wait3A_106 = arith.constant 0 : i32
      %dma_wait3A_107 = tpu.memref_slice %arg8[%dma_wait3A_100, %dma_wait3A_106] : memref<2x128xi32, #tpu.memory_space<vmem>> -> memref<1x128xi32, #tpu.memory_space<vmem>>
      %dma_wait3A_108 = tpu.memref_squeeze %dma_wait3A_107 : memref<1x128xi32, #tpu.memory_space<vmem>> -> memref<128xi32, #tpu.memory_space<vmem>>
      %dma_wait3A_109 = arith.constant 0 : i32
      %dma_wait3A_110 = arith.constant 0 : i32
      %dma_wait3A_111 = tpu.memref_slice %arg10[%dma_wait3A_109, %dma_wait3A_110] : memref<10112x32xi32, #tpu.memory_space<vmem_shared>> -> memref<10112x32xi32, #tpu.memory_space<vmem_shared>>
      tpu.wait_indirect_dma semaphore(%arg12 : memref<!tpu.dma_semaphore, #tpu.memory_space<semaphore_mem>>) src(%dma_wait3A_111 : memref<10112x32xi32, #tpu.memory_space<vmem_shared>>) dst(%dma_wait3A_105 : memref<128x32xi32, #tpu.memory_space<vmem>>)
      %gt3A = arith.constant 0 : i32
      %gt3A_112 = arith.cmpi sgt, %scan3A_71, %gt3A : i32
      %convert_element_type3A = arith.extui %gt3A_112 : i1 to i32
      %cond3A = arith.constant 0 : i32
      %cond3A_113 = arith.cmpi ne, %convert_element_type3A, %cond3A : i32
      scf.if %cond3A_113 {
        %sub3A = arith.constant 1 : i32
        %sub3A_165 = arith.subi %sub3A, %and3A_73 : i32
        %dma_wait3A_166 = arith.constant 0 : i32
        %dma_wait3A_167 = arith.constant 0 : i32
        %dma_wait3A_168 = arith.constant 0 : i32
        %dma_wait3A_169 = arith.constant 0 : i32
        %dma_wait3A_170 = tpu.memref_slice %arg7[%dma_wait3A_166, %dma_wait3A_168, %dma_wait3A_169] : memref<2x128x64xf32, #tpu.memory_space<vmem>> -> memref<1x128x64xf32, #tpu.memory_space<vmem>>
        %dma_wait3A_171 = tpu.memref_squeeze %dma_wait3A_170 : memref<1x128x64xf32, #tpu.memory_space<vmem>> -> memref<128x64xf32, #tpu.memory_space<vmem>>
        %dma_wait3A_172 = arith.constant 0 : i32
        %dma_wait3A_173 = tpu.memref_slice %arg9[%dma_wait3A_167, %sub3A_165, %dma_wait3A_172] : memref<2x2x128xi32, #tpu.memory_space<vmem>> -> memref<1x1x128xi32, #tpu.memory_space<vmem>>
        %dma_wait3A_174 = tpu.memref_squeeze %dma_wait3A_173 : memref<1x1x128xi32, #tpu.memory_space<vmem>> -> memref<128xi32, #tpu.memory_space<vmem>>
        %dma_wait3A_175 = arith.constant 0 : i32
        %dma_wait3A_176 = arith.constant 0 : i32
        %dma_wait3A_177 = tpu.memref_slice %arg11[%dma_wait3A_175, %dma_wait3A_176] : memref<10112x64xf32, #tpu.memory_space<vmem_shared>> -> memref<10112x64xf32, #tpu.memory_space<vmem_shared>>
        tpu.wait_indirect_dma semaphore(%arg14 : memref<!tpu.dma_semaphore, #tpu.memory_space<semaphore_mem>>) src(%dma_wait3A_171 : memref<128x64xf32, #tpu.memory_space<vmem>>) dst(%dma_wait3A_177 : memref<10112x64xf32, #tpu.memory_space<vmem_shared>>)
      } else {
      }
      %parallel_loop3A = arith.constant 0 : i32
      %parallel_loop3A_114 = arith.constant 128 : i32
      %parallel_loop3A_115 = arith.constant 1 : i32
      scf.for %parallel_loop3A_165 = %parallel_loop3A to %parallel_loop3A_114 step %parallel_loop3A_115  : i32 {
        %parallel_loop3A_166 = arith.constant 0 : i32
        %parallel_loop3A_167 = arith.index_cast %parallel_loop3A_166 : i32 to index
        %parallel_loop3A_168 = arith.index_cast %parallel_loop3A_165 : i32 to index
        %parallel_loop3A_169 = arith.constant 0 : index
        %parallel_loop3A_170 = tpu.vector_load %arg6[%parallel_loop3A_167, %parallel_loop3A_168, %parallel_loop3A_169] {strides = array<i32>} : memref<2x128x32xi32, #tpu.memory_space<vmem>>, vector<1x1x16xi32>,
        %parallel_loop3A_171 = vector.shape_cast %parallel_loop3A_170 : vector<1x1x16xi32> to vector<16xi32>
        %parallel_loop3A_172 = arith.constant 16 : i32
        %parallel_loop3A_173 = vector.broadcast %parallel_loop3A_172 : i32 to vector<16xi32>
        %parallel_loop3A_174 = arith.shli %parallel_loop3A_171, %parallel_loop3A_173 : vector<16xi32>
        %parallel_loop3A_175 = arith.constant 16 : i32
        %parallel_loop3A_176 = vector.broadcast %parallel_loop3A_175 : i32 to vector<16xi32>
        %parallel_loop3A_177 = arith.shrsi %parallel_loop3A_174, %parallel_loop3A_176 : vector<16xi32>
        %parallel_loop3A_178 = arith.sitofp %parallel_loop3A_177 : vector<16xi32> to vector<16xf32>
        %parallel_loop3A_179 = arith.constant 0 : i32
        %parallel_loop3A_180 = arith.index_cast %parallel_loop3A_179 : i32 to index
        %parallel_loop3A_181 = arith.index_cast %parallel_loop3A_165 : i32 to index
        %parallel_loop3A_182 = arith.constant 0 : index
        %parallel_loop3A_183 = tpu.vector_load %arg7[%parallel_loop3A_180, %parallel_loop3A_181, %parallel_loop3A_182] {strides = array<i32>} : memref<2x128x64xf32, #tpu.memory_space<vmem>>, vector<1x1x16xf32>,
        %parallel_loop3A_184 = vector.shape_cast %parallel_loop3A_183 : vector<1x1x16xf32> to vector<16xf32>
        %parallel_loop3A_185 = vector.shape_cast %parallel_loop3A_178 : vector<16xf32> to vector<1x1x16xf32>
        tpu.vector_store %arg7[%parallel_loop3A_180, %parallel_loop3A_181, %parallel_loop3A_182], %parallel_loop3A_185 {strides = array<i32>} : memref<2x128x64xf32, #tpu.memory_space<vmem>>, vector<1x1x16xf32>,
        %parallel_loop3A_186 = arith.constant 16 : i32
        %parallel_loop3A_187 = vector.broadcast %parallel_loop3A_186 : i32 to vector<16xi32>
        %parallel_loop3A_188 = arith.shrsi %parallel_loop3A_171, %parallel_loop3A_187 : vector<16xi32>
        %parallel_loop3A_189 = arith.sitofp %parallel_loop3A_188 : vector<16xi32> to vector<16xf32>
        %parallel_loop3A_190 = arith.constant 0 : i32
        %parallel_loop3A_191 = arith.index_cast %parallel_loop3A_190 : i32 to index
        %parallel_loop3A_192 = arith.index_cast %parallel_loop3A_165 : i32 to index
        %parallel_loop3A_193 = arith.constant 32 : index
        %parallel_loop3A_194 = tpu.vector_load %arg7[%parallel_loop3A_191, %parallel_loop3A_192, %parallel_loop3A_193] {strides = array<i32>} : memref<2x128x64xf32, #tpu.memory_space<vmem>>, vector<1x1x16xf32>,
        %parallel_loop3A_195 = vector.shape_cast %parallel_loop3A_194 : vector<1x1x16xf32> to vector<16xf32>
        %parallel_loop3A_196 = vector.shape_cast %parallel_loop3A_189 : vector<16xf32> to vector<1x1x16xf32>
        tpu.vector_store %arg7[%parallel_loop3A_191, %parallel_loop3A_192, %parallel_loop3A_193], %parallel_loop3A_196 {strides = array<i32>} : memref<2x128x64xf32, #tpu.memory_space<vmem>>, vector<1x1x16xf32>,
        %parallel_loop3A_197 = arith.constant 0 : i32
        %parallel_loop3A_198 = arith.index_cast %parallel_loop3A_197 : i32 to index
        %parallel_loop3A_199 = arith.index_cast %parallel_loop3A_165 : i32 to index
        %parallel_loop3A_200 = arith.constant 16 : index
        %parallel_loop3A_201 = tpu.vector_load %arg6[%parallel_loop3A_198, %parallel_loop3A_199, %parallel_loop3A_200] {strides = array<i32>} : memref<2x128x32xi32, #tpu.memory_space<vmem>>, vector<1x1x16xi32>,
        %parallel_loop3A_202 = vector.shape_cast %parallel_loop3A_201 : vector<1x1x16xi32> to vector<16xi32>
        %parallel_loop3A_203 = arith.constant 16 : i32
        %parallel_loop3A_204 = vector.broadcast %parallel_loop3A_203 : i32 to vector<16xi32>
        %parallel_loop3A_205 = arith.shli %parallel_loop3A_202, %parallel_loop3A_204 : vector<16xi32>
        %parallel_loop3A_206 = arith.constant 16 : i32
        %parallel_loop3A_207 = vector.broadcast %parallel_loop3A_206 : i32 to vector<16xi32>
        %parallel_loop3A_208 = arith.shrsi %parallel_loop3A_205, %parallel_loop3A_207 : vector<16xi32>
        %parallel_loop3A_209 = arith.sitofp %parallel_loop3A_208 : vector<16xi32> to vector<16xf32>
        %parallel_loop3A_210 = arith.constant 0 : i32
        %parallel_loop3A_211 = arith.index_cast %parallel_loop3A_210 : i32 to index
        %parallel_loop3A_212 = arith.index_cast %parallel_loop3A_165 : i32 to index
        %parallel_loop3A_213 = arith.constant 16 : index
        %parallel_loop3A_214 = tpu.vector_load %arg7[%parallel_loop3A_211, %parallel_loop3A_212, %parallel_loop3A_213] {strides = array<i32>} : memref<2x128x64xf32, #tpu.memory_space<vmem>>, vector<1x1x16xf32>,
        %parallel_loop3A_215 = vector.shape_cast %parallel_loop3A_214 : vector<1x1x16xf32> to vector<16xf32>
        %parallel_loop3A_216 = vector.shape_cast %parallel_loop3A_209 : vector<16xf32> to vector<1x1x16xf32>
        tpu.vector_store %arg7[%parallel_loop3A_211, %parallel_loop3A_212, %parallel_loop3A_213], %parallel_loop3A_216 {strides = array<i32>} : memref<2x128x64xf32, #tpu.memory_space<vmem>>, vector<1x1x16xf32>,
        %parallel_loop3A_217 = arith.constant 16 : i32
        %parallel_loop3A_218 = vector.broadcast %parallel_loop3A_217 : i32 to vector<16xi32>
        %parallel_loop3A_219 = arith.shrsi %parallel_loop3A_202, %parallel_loop3A_218 : vector<16xi32>
        %parallel_loop3A_220 = arith.sitofp %parallel_loop3A_219 : vector<16xi32> to vector<16xf32>
        %parallel_loop3A_221 = arith.constant 0 : i32
        %parallel_loop3A_222 = arith.index_cast %parallel_loop3A_221 : i32 to index
        %parallel_loop3A_223 = arith.index_cast %parallel_loop3A_165 : i32 to index
        %parallel_loop3A_224 = arith.constant 48 : index
        %parallel_loop3A_225 = tpu.vector_load %arg7[%parallel_loop3A_222, %parallel_loop3A_223, %parallel_loop3A_224] {strides = array<i32>} : memref<2x128x64xf32, #tpu.memory_space<vmem>>, vector<1x1x16xf32>,
        %parallel_loop3A_226 = vector.shape_cast %parallel_loop3A_225 : vector<1x1x16xf32> to vector<16xf32>
        %parallel_loop3A_227 = vector.shape_cast %parallel_loop3A_220 : vector<16xf32> to vector<1x1x16xf32>
        tpu.vector_store %arg7[%parallel_loop3A_222, %parallel_loop3A_223, %parallel_loop3A_224], %parallel_loop3A_227 {strides = array<i32>} : memref<2x128x64xf32, #tpu.memory_space<vmem>>, vector<1x1x16xf32>,
      } {sc.loop_unroll_factor = 8 : i64, sc.parallel_access}
      %dma_start3A_116 = arith.constant 0 : i32
      %dma_start3A_117 = arith.constant 0 : i32
      %dma_start3A_118 = arith.constant 0 : i32
      %dma_start3A_119 = arith.constant 0 : i32
      %dma_start3A_120 = tpu.memref_slice %arg7[%dma_start3A_116, %dma_start3A_118, %dma_start3A_119] : memref<2x128x64xf32, #tpu.memory_space<vmem>> -> memref<1x128x64xf32, #tpu.memory_space<vmem>>
      %dma_start3A_121 = tpu.memref_squeeze %dma_start3A_120 : memref<1x128x64xf32, #tpu.memory_space<vmem>> -> memref<128x64xf32, #tpu.memory_space<vmem>>
      %dma_start3A_122 = arith.constant 0 : i32
      %dma_start3A_123 = tpu.memref_slice %arg9[%dma_start3A_117, %and3A_73, %dma_start3A_122] : memref<2x2x128xi32, #tpu.memory_space<vmem>> -> memref<1x1x128xi32, #tpu.memory_space<vmem>>
      %dma_start3A_124 = tpu.memref_squeeze %dma_start3A_123 : memref<1x1x128xi32, #tpu.memory_space<vmem>> -> memref<128xi32, #tpu.memory_space<vmem>>
      %dma_start3A_125 = arith.constant 0 : i32
      %dma_start3A_126 = arith.constant 0 : i32
      %dma_start3A_127 = tpu.memref_slice %arg11[%dma_start3A_125, %dma_start3A_126] : memref<10112x64xf32, #tpu.memory_space<vmem_shared>> -> memref<10112x64xf32, #tpu.memory_space<vmem_shared>>
      tpu.enqueue_indirect_dma source(%dma_start3A_121 : memref<128x64xf32, #tpu.memory_space<vmem>>) target(%dma_start3A_127 : memref<10112x64xf32, #tpu.memory_space<vmem_shared>>) offsets(%dma_start3A_124 : memref<128xi32, #tpu.memory_space<vmem>>) semaphore(%arg14 : memref<!tpu.dma_semaphore, #tpu.memory_space<semaphore_mem>>) {add = true}
      %lt3A = arith.constant 80 : i32
      %lt3A_128 = arith.cmpi slt, %scan3A_71, %lt3A : i32
      %convert_element_type3A_129 = arith.extui %lt3A_128 : i1 to i32
      %cond3A_130 = arith.constant 0 : i32
      %cond3A_131 = arith.cmpi ne, %convert_element_type3A_129, %cond3A_130 : i32
      scf.if %cond3A_131 {
        %add3A_165 = arith.constant 256 : i32
        %add3A_166 = arith.addi %multiple_of3A_81, %add3A_165 : i32
        %run_scoped3A_167 = arith.constant 0 : i32
        "tpu.region"() ({
          %run_scoped3A_184 = tpu.sem_alloc : memref<!tpu.dma_semaphore, #tpu.memory_space<semaphore_mem>>
          %dma_start3A_185 = arith.constant 0 : i32
          %dma_start3A_186 = tpu.memref_slice %arg8[%run_scoped3A_167, %dma_start3A_185] : memref<2x128xi32, #tpu.memory_space<vmem>> -> memref<1x128xi32, #tpu.memory_space<vmem>>
          %dma_start3A_187 = tpu.memref_squeeze %dma_start3A_186 : memref<1x128xi32, #tpu.memory_space<vmem>> -> memref<128xi32, #tpu.memory_space<vmem>>
          %dma_start3A_188 = tpu.memref_slice %arg3[%add3A_166] : memref<335872xi32, #tpu.memory_space<hbm>> -> memref<128xi32, #tpu.memory_space<hbm>>
          %dma_start3A_189 = arith.constant 0 : i32
          %dma_start3A_190 = tpu.memref_slice %arg8[%run_scoped3A_167, %dma_start3A_189] : memref<2x128xi32, #tpu.memory_space<vmem>> -> memref<1x128xi32, #tpu.memory_space<vmem>>
          %dma_start3A_191 = tpu.memref_squeeze %dma_start3A_190 : memref<1x128xi32, #tpu.memory_space<vmem>> -> memref<128xi32, #tpu.memory_space<vmem>>
          %dma_start3A_192 = tpu.memref_slice %arg3[%add3A_166] : memref<335872xi32, #tpu.memory_space<hbm>> -> memref<128xi32, #tpu.memory_space<hbm>>
          tpu.enqueue_dma source(%dma_start3A_192 : memref<128xi32, #tpu.memory_space<hbm>>) target(%dma_start3A_191 : memref<128xi32, #tpu.memory_space<vmem>>) target_semaphore(%run_scoped3A_184 : memref<!tpu.dma_semaphore, #tpu.memory_space<semaphore_mem>>)
          %dma_wait3A_193 = arith.constant 0 : i32
          %dma_wait3A_194 = tpu.memref_slice %arg8[%run_scoped3A_167, %dma_wait3A_193] : memref<2x128xi32, #tpu.memory_space<vmem>> -> memref<1x128xi32, #tpu.memory_space<vmem>>
          %dma_wait3A_195 = tpu.memref_squeeze %dma_wait3A_194 : memref<1x128xi32, #tpu.memory_space<vmem>> -> memref<128xi32, #tpu.memory_space<vmem>>
          %dma_wait3A_196 = tpu.memref_slice %arg3[%add3A_166] : memref<335872xi32, #tpu.memory_space<hbm>> -> memref<128xi32, #tpu.memory_space<hbm>>
          %dma_wait3A_197 = arith.constant 0 : i32
          %dma_wait3A_198 = tpu.memref_slice %arg8[%run_scoped3A_167, %dma_wait3A_197] : memref<2x128xi32, #tpu.memory_space<vmem>> -> memref<1x128xi32, #tpu.memory_space<vmem>>
          %dma_wait3A_199 = tpu.memref_squeeze %dma_wait3A_198 : memref<1x128xi32, #tpu.memory_space<vmem>> -> memref<128xi32, #tpu.memory_space<vmem>>
          %dma_wait3A_200 = tpu.memref_slice %arg3[%add3A_166] : memref<335872xi32, #tpu.memory_space<hbm>> -> memref<128xi32, #tpu.memory_space<hbm>>
          tpu.wait_dma2 semaphore(%run_scoped3A_184 : memref<!tpu.dma_semaphore, #tpu.memory_space<semaphore_mem>>) src(%dma_wait3A_200 : memref<128xi32, #tpu.memory_space<hbm>>) dst(%dma_wait3A_199 : memref<128xi32, #tpu.memory_space<vmem>>)
          tpu.yield
        }) : () -> ()
        %add3A_168 = arith.constant 256 : i32
        %add3A_169 = arith.addi %multiple_of3A_81, %add3A_168 : i32
        %sub3A = arith.constant 1 : i32
        %sub3A_170 = arith.subi %sub3A, %and3A_73 : i32
        %run_scoped3A_171 = arith.constant 0 : i32
        "tpu.region"() ({
          %run_scoped3A_184 = tpu.sem_alloc : memref<!tpu.dma_semaphore, #tpu.memory_space<semaphore_mem>>
          %dma_start3A_185 = arith.constant 0 : i32
          %dma_start3A_186 = tpu.memref_slice %arg9[%run_scoped3A_171, %sub3A_170, %dma_start3A_185] : memref<2x2x128xi32, #tpu.memory_space<vmem>> -> memref<1x1x128xi32, #tpu.memory_space<vmem>>
          %dma_start3A_187 = tpu.memref_squeeze %dma_start3A_186 : memref<1x1x128xi32, #tpu.memory_space<vmem>> -> memref<128xi32, #tpu.memory_space<vmem>>
          %dma_start3A_188 = tpu.memref_slice %arg4[%add3A_169] : memref<335872xi32, #tpu.memory_space<hbm>> -> memref<128xi32, #tpu.memory_space<hbm>>
          %dma_start3A_189 = arith.constant 0 : i32
          %dma_start3A_190 = tpu.memref_slice %arg9[%run_scoped3A_171, %sub3A_170, %dma_start3A_189] : memref<2x2x128xi32, #tpu.memory_space<vmem>> -> memref<1x1x128xi32, #tpu.memory_space<vmem>>
          %dma_start3A_191 = tpu.memref_squeeze %dma_start3A_190 : memref<1x1x128xi32, #tpu.memory_space<vmem>> -> memref<128xi32, #tpu.memory_space<vmem>>
          %dma_start3A_192 = tpu.memref_slice %arg4[%add3A_169] : memref<335872xi32, #tpu.memory_space<hbm>> -> memref<128xi32, #tpu.memory_space<hbm>>
          tpu.enqueue_dma source(%dma_start3A_192 : memref<128xi32, #tpu.memory_space<hbm>>) target(%dma_start3A_191 : memref<128xi32, #tpu.memory_space<vmem>>) target_semaphore(%run_scoped3A_184 : memref<!tpu.dma_semaphore, #tpu.memory_space<semaphore_mem>>)
          %dma_wait3A_193 = arith.constant 0 : i32
          %dma_wait3A_194 = tpu.memref_slice %arg9[%run_scoped3A_171, %sub3A_170, %dma_wait3A_193] : memref<2x2x128xi32, #tpu.memory_space<vmem>> -> memref<1x1x128xi32, #tpu.memory_space<vmem>>
          %dma_wait3A_195 = tpu.memref_squeeze %dma_wait3A_194 : memref<1x1x128xi32, #tpu.memory_space<vmem>> -> memref<128xi32, #tpu.memory_space<vmem>>
          %dma_wait3A_196 = tpu.memref_slice %arg4[%add3A_169] : memref<335872xi32, #tpu.memory_space<hbm>> -> memref<128xi32, #tpu.memory_space<hbm>>
          %dma_wait3A_197 = arith.constant 0 : i32
          %dma_wait3A_198 = tpu.memref_slice %arg9[%run_scoped3A_171, %sub3A_170, %dma_wait3A_197] : memref<2x2x128xi32, #tpu.memory_space<vmem>> -> memref<1x1x128xi32, #tpu.memory_space<vmem>>
          %dma_wait3A_199 = tpu.memref_squeeze %dma_wait3A_198 : memref<1x1x128xi32, #tpu.memory_space<vmem>> -> memref<128xi32, #tpu.memory_space<vmem>>
          %dma_wait3A_200 = tpu.memref_slice %arg4[%add3A_169] : memref<335872xi32, #tpu.memory_space<hbm>> -> memref<128xi32, #tpu.memory_space<hbm>>
          tpu.wait_dma2 semaphore(%run_scoped3A_184 : memref<!tpu.dma_semaphore, #tpu.memory_space<semaphore_mem>>) src(%dma_wait3A_200 : memref<128xi32, #tpu.memory_space<hbm>>) dst(%dma_wait3A_199 : memref<128xi32, #tpu.memory_space<vmem>>)
          tpu.yield
        }) : () -> ()
        %dma_start3A_172 = arith.constant 0 : i32
        %dma_start3A_173 = arith.constant 0 : i32
        %dma_start3A_174 = arith.constant 0 : i32
        %dma_start3A_175 = arith.constant 0 : i32
        %dma_start3A_176 = tpu.memref_slice %arg6[%dma_start3A_173, %dma_start3A_174, %dma_start3A_175] : memref<2x128x32xi32, #tpu.memory_space<vmem>> -> memref<1x128x32xi32, #tpu.memory_space<vmem>>
        %dma_start3A_177 = tpu.memref_squeeze %dma_start3A_176 : memref<1x128x32xi32, #tpu.memory_space<vmem>> -> memref<128x32xi32, #tpu.memory_space<vmem>>
        %dma_start3A_178 = arith.constant 0 : i32
        %dma_start3A_179 = tpu.memref_slice %arg8[%dma_start3A_172, %dma_start3A_178] : memref<2x128xi32, #tpu.memory_space<vmem>> -> memref<1x128xi32, #tpu.memory_space<vmem>>
        %dma_start3A_180 = tpu.memref_squeeze %dma_start3A_179 : memref<1x128xi32, #tpu.memory_space<vmem>> -> memref<128xi32, #tpu.memory_space<vmem>>
        %dma_start3A_181 = arith.constant 0 : i32
        %dma_start3A_182 = arith.constant 0 : i32
        %dma_start3A_183 = tpu.memref_slice %arg10[%dma_start3A_181, %dma_start3A_182] : memref<10112x32xi32, #tpu.memory_space<vmem_shared>> -> memref<10112x32xi32, #tpu.memory_space<vmem_shared>>
        tpu.enqueue_indirect_dma source(%dma_start3A_183 : memref<10112x32xi32, #tpu.memory_space<vmem_shared>>) target(%dma_start3A_177 : memref<128x32xi32, #tpu.memory_space<vmem>>) offsets(%dma_start3A_180 : memref<128xi32, #tpu.memory_space<vmem>>) semaphore(%arg12 : memref<!tpu.dma_semaphore, #tpu.memory_space<semaphore_mem>>)
      } else {
      }
      %dma_wait3A_132 = arith.constant 1 : i32
      %dma_wait3A_133 = arith.constant 1 : i32
      %dma_wait3A_134 = arith.constant 0 : i32
      %dma_wait3A_135 = arith.constant 0 : i32
      %dma_wait3A_136 = tpu.memref_slice %arg6[%dma_wait3A_133, %dma_wait3A_134, %dma_wait3A_135] : memref<2x128x32xi32, #tpu.memory_space<vmem>> -> memref<1x128x32xi32, #tpu.memory_space<vmem>>
      %dma_wait3A_137 = tpu.memref_squeeze %dma_wait3A_136 : memref<1x128x32xi32, #tpu.memory_space<vmem>> -> memref<128x32xi32, #tpu.memory_space<vmem>>
      %dma_wait3A_138 = arith.constant 0 : i32
      %dma_wait3A_139 = tpu.memref_slice %arg8[%dma_wait3A_132, %dma_wait3A_138] : memref<2x128xi32, #tpu.memory_space<vmem>> -> memref<1x128xi32, #tpu.memory_space<vmem>>
      %dma_wait3A_140 = tpu.memref_squeeze %dma_wait3A_139 : memref<1x128xi32, #tpu.memory_space<vmem>> -> memref<128xi32, #tpu.memory_space<vmem>>
      %dma_wait3A_141 = arith.constant 0 : i32
      %dma_wait3A_142 = arith.constant 0 : i32
      %dma_wait3A_143 = tpu.memref_slice %arg10[%dma_wait3A_141, %dma_wait3A_142] : memref<10112x32xi32, #tpu.memory_space<vmem_shared>> -> memref<10112x32xi32, #tpu.memory_space<vmem_shared>>
      tpu.wait_indirect_dma semaphore(%arg13 : memref<!tpu.dma_semaphore, #tpu.memory_space<semaphore_mem>>) src(%dma_wait3A_143 : memref<10112x32xi32, #tpu.memory_space<vmem_shared>>) dst(%dma_wait3A_137 : memref<128x32xi32, #tpu.memory_space<vmem>>)
      %gt3A_144 = arith.constant 0 : i32
      %gt3A_145 = arith.cmpi sgt, %scan3A_71, %gt3A_144 : i32
      %convert_element_type3A_146 = arith.extui %gt3A_145 : i1 to i32
      %cond3A_147 = arith.constant 0 : i32
      %cond3A_148 = arith.cmpi ne, %convert_element_type3A_146, %cond3A_147 : i32
      scf.if %cond3A_148 {
        %sub3A = arith.constant 1 : i32
        %sub3A_165 = arith.subi %sub3A, %and3A_73 : i32
        %dma_wait3A_166 = arith.constant 1 : i32
        %dma_wait3A_167 = arith.constant 1 : i32
        %dma_wait3A_168 = arith.constant 0 : i32
        %dma_wait3A_169 = arith.constant 0 : i32
        %dma_wait3A_170 = tpu.memref_slice %arg7[%dma_wait3A_166, %dma_wait3A_168, %dma_wait3A_169] : memref<2x128x64xf32, #tpu.memory_space<vmem>> -> memref<1x128x64xf32, #tpu.memory_space<vmem>>
        %dma_wait3A_171 = tpu.memref_squeeze %dma_wait3A_170 : memref<1x128x64xf32, #tpu.memory_space<vmem>> -> memref<128x64xf32, #tpu.memory_space<vmem>>
        %dma_wait3A_172 = arith.constant 0 : i32
        %dma_wait3A_173 = tpu.memref_slice %arg9[%dma_wait3A_167, %sub3A_165, %dma_wait3A_172] : memref<2x2x128xi32, #tpu.memory_space<vmem>> -> memref<1x1x128xi32, #tpu.memory_space<vmem>>
        %dma_wait3A_174 = tpu.memref_squeeze %dma_wait3A_173 : memref<1x1x128xi32, #tpu.memory_space<vmem>> -> memref<128xi32, #tpu.memory_space<vmem>>
        %dma_wait3A_175 = arith.constant 0 : i32
        %dma_wait3A_176 = arith.constant 0 : i32
        %dma_wait3A_177 = tpu.memref_slice %arg11[%dma_wait3A_175, %dma_wait3A_176] : memref<10112x64xf32, #tpu.memory_space<vmem_shared>> -> memref<10112x64xf32, #tpu.memory_space<vmem_shared>>
        tpu.wait_indirect_dma semaphore(%arg15 : memref<!tpu.dma_semaphore, #tpu.memory_space<semaphore_mem>>) src(%dma_wait3A_171 : memref<128x64xf32, #tpu.memory_space<vmem>>) dst(%dma_wait3A_177 : memref<10112x64xf32, #tpu.memory_space<vmem_shared>>)
      } else {
      }
      %parallel_loop3A_149 = arith.constant 0 : i32
      %parallel_loop3A_150 = arith.constant 128 : i32
      %parallel_loop3A_151 = arith.constant 1 : i32
      scf.for %parallel_loop3A_165 = %parallel_loop3A_149 to %parallel_loop3A_150 step %parallel_loop3A_151  : i32 {
        %parallel_loop3A_166 = arith.constant 1 : i32
        %parallel_loop3A_167 = arith.index_cast %parallel_loop3A_166 : i32 to index
        %parallel_loop3A_168 = arith.index_cast %parallel_loop3A_165 : i32 to index
        %parallel_loop3A_169 = arith.constant 0 : index
        %parallel_loop3A_170 = tpu.vector_load %arg6[%parallel_loop3A_167, %parallel_loop3A_168, %parallel_loop3A_169] {strides = array<i32>} : memref<2x128x32xi32, #tpu.memory_space<vmem>>, vector<1x1x16xi32>,
        %parallel_loop3A_171 = vector.shape_cast %parallel_loop3A_170 : vector<1x1x16xi32> to vector<16xi32>
        %parallel_loop3A_172 = arith.constant 16 : i32
        %parallel_loop3A_173 = vector.broadcast %parallel_loop3A_172 : i32 to vector<16xi32>
        %parallel_loop3A_174 = arith.shli %parallel_loop3A_171, %parallel_loop3A_173 : vector<16xi32>
        %parallel_loop3A_175 = arith.constant 16 : i32
        %parallel_loop3A_176 = vector.broadcast %parallel_loop3A_175 : i32 to vector<16xi32>
        %parallel_loop3A_177 = arith.shrsi %parallel_loop3A_174, %parallel_loop3A_176 : vector<16xi32>
        %parallel_loop3A_178 = arith.sitofp %parallel_loop3A_177 : vector<16xi32> to vector<16xf32>
        %parallel_loop3A_179 = arith.constant 1 : i32
        %parallel_loop3A_180 = arith.index_cast %parallel_loop3A_179 : i32 to index
        %parallel_loop3A_181 = arith.index_cast %parallel_loop3A_165 : i32 to index
        %parallel_loop3A_182 = arith.constant 0 : index
        %parallel_loop3A_183 = tpu.vector_load %arg7[%parallel_loop3A_180, %parallel_loop3A_181, %parallel_loop3A_182] {strides = array<i32>} : memref<2x128x64xf32, #tpu.memory_space<vmem>>, vector<1x1x16xf32>,
        %parallel_loop3A_184 = vector.shape_cast %parallel_loop3A_183 : vector<1x1x16xf32> to vector<16xf32>
        %parallel_loop3A_185 = vector.shape_cast %parallel_loop3A_178 : vector<16xf32> to vector<1x1x16xf32>
        tpu.vector_store %arg7[%parallel_loop3A_180, %parallel_loop3A_181, %parallel_loop3A_182], %parallel_loop3A_185 {strides = array<i32>} : memref<2x128x64xf32, #tpu.memory_space<vmem>>, vector<1x1x16xf32>,
        %parallel_loop3A_186 = arith.constant 16 : i32
        %parallel_loop3A_187 = vector.broadcast %parallel_loop3A_186 : i32 to vector<16xi32>
        %parallel_loop3A_188 = arith.shrsi %parallel_loop3A_171, %parallel_loop3A_187 : vector<16xi32>
        %parallel_loop3A_189 = arith.sitofp %parallel_loop3A_188 : vector<16xi32> to vector<16xf32>
        %parallel_loop3A_190 = arith.constant 1 : i32
        %parallel_loop3A_191 = arith.index_cast %parallel_loop3A_190 : i32 to index
        %parallel_loop3A_192 = arith.index_cast %parallel_loop3A_165 : i32 to index
        %parallel_loop3A_193 = arith.constant 32 : index
        %parallel_loop3A_194 = tpu.vector_load %arg7[%parallel_loop3A_191, %parallel_loop3A_192, %parallel_loop3A_193] {strides = array<i32>} : memref<2x128x64xf32, #tpu.memory_space<vmem>>, vector<1x1x16xf32>,
        %parallel_loop3A_195 = vector.shape_cast %parallel_loop3A_194 : vector<1x1x16xf32> to vector<16xf32>
        %parallel_loop3A_196 = vector.shape_cast %parallel_loop3A_189 : vector<16xf32> to vector<1x1x16xf32>
        tpu.vector_store %arg7[%parallel_loop3A_191, %parallel_loop3A_192, %parallel_loop3A_193], %parallel_loop3A_196 {strides = array<i32>} : memref<2x128x64xf32, #tpu.memory_space<vmem>>, vector<1x1x16xf32>,
        %parallel_loop3A_197 = arith.constant 1 : i32
        %parallel_loop3A_198 = arith.index_cast %parallel_loop3A_197 : i32 to index
        %parallel_loop3A_199 = arith.index_cast %parallel_loop3A_165 : i32 to index
        %parallel_loop3A_200 = arith.constant 16 : index
        %parallel_loop3A_201 = tpu.vector_load %arg6[%parallel_loop3A_198, %parallel_loop3A_199, %parallel_loop3A_200] {strides = array<i32>} : memref<2x128x32xi32, #tpu.memory_space<vmem>>, vector<1x1x16xi32>,
        %parallel_loop3A_202 = vector.shape_cast %parallel_loop3A_201 : vector<1x1x16xi32> to vector<16xi32>
        %parallel_loop3A_203 = arith.constant 16 : i32
        %parallel_loop3A_204 = vector.broadcast %parallel_loop3A_203 : i32 to vector<16xi32>
        %parallel_loop3A_205 = arith.shli %parallel_loop3A_202, %parallel_loop3A_204 : vector<16xi32>
        %parallel_loop3A_206 = arith.constant 16 : i32
        %parallel_loop3A_207 = vector.broadcast %parallel_loop3A_206 : i32 to vector<16xi32>
        %parallel_loop3A_208 = arith.shrsi %parallel_loop3A_205, %parallel_loop3A_207 : vector<16xi32>
        %parallel_loop3A_209 = arith.sitofp %parallel_loop3A_208 : vector<16xi32> to vector<16xf32>
        %parallel_loop3A_210 = arith.constant 1 : i32
        %parallel_loop3A_211 = arith.index_cast %parallel_loop3A_210 : i32 to index
        %parallel_loop3A_212 = arith.index_cast %parallel_loop3A_165 : i32 to index
        %parallel_loop3A_213 = arith.constant 16 : index
        %parallel_loop3A_214 = tpu.vector_load %arg7[%parallel_loop3A_211, %parallel_loop3A_212, %parallel_loop3A_213] {strides = array<i32>} : memref<2x128x64xf32, #tpu.memory_space<vmem>>, vector<1x1x16xf32>,
        %parallel_loop3A_215 = vector.shape_cast %parallel_loop3A_214 : vector<1x1x16xf32> to vector<16xf32>
        %parallel_loop3A_216 = vector.shape_cast %parallel_loop3A_209 : vector<16xf32> to vector<1x1x16xf32>
        tpu.vector_store %arg7[%parallel_loop3A_211, %parallel_loop3A_212, %parallel_loop3A_213], %parallel_loop3A_216 {strides = array<i32>} : memref<2x128x64xf32, #tpu.memory_space<vmem>>, vector<1x1x16xf32>,
        %parallel_loop3A_217 = arith.constant 16 : i32
        %parallel_loop3A_218 = vector.broadcast %parallel_loop3A_217 : i32 to vector<16xi32>
        %parallel_loop3A_219 = arith.shrsi %parallel_loop3A_202, %parallel_loop3A_218 : vector<16xi32>
        %parallel_loop3A_220 = arith.sitofp %parallel_loop3A_219 : vector<16xi32> to vector<16xf32>
        %parallel_loop3A_221 = arith.constant 1 : i32
        %parallel_loop3A_222 = arith.index_cast %parallel_loop3A_221 : i32 to index
        %parallel_loop3A_223 = arith.index_cast %parallel_loop3A_165 : i32 to index
        %parallel_loop3A_224 = arith.constant 48 : index
        %parallel_loop3A_225 = tpu.vector_load %arg7[%parallel_loop3A_222, %parallel_loop3A_223, %parallel_loop3A_224] {strides = array<i32>} : memref<2x128x64xf32, #tpu.memory_space<vmem>>, vector<1x1x16xf32>,
        %parallel_loop3A_226 = vector.shape_cast %parallel_loop3A_225 : vector<1x1x16xf32> to vector<16xf32>
        %parallel_loop3A_227 = vector.shape_cast %parallel_loop3A_220 : vector<16xf32> to vector<1x1x16xf32>
        tpu.vector_store %arg7[%parallel_loop3A_222, %parallel_loop3A_223, %parallel_loop3A_224], %parallel_loop3A_227 {strides = array<i32>} : memref<2x128x64xf32, #tpu.memory_space<vmem>>, vector<1x1x16xf32>,
      } {sc.loop_unroll_factor = 8 : i64, sc.parallel_access}
      %dma_start3A_152 = arith.constant 1 : i32
      %dma_start3A_153 = arith.constant 1 : i32
      %dma_start3A_154 = arith.constant 0 : i32
      %dma_start3A_155 = arith.constant 0 : i32
      %dma_start3A_156 = tpu.memref_slice %arg7[%dma_start3A_152, %dma_start3A_154, %dma_start3A_155] : memref<2x128x64xf32, #tpu.memory_space<vmem>> -> memref<1x128x64xf32, #tpu.memory_space<vmem>>
      %dma_start3A_157 = tpu.memref_squeeze %dma_start3A_156 : memref<1x128x64xf32, #tpu.memory_space<vmem>> -> memref<128x64xf32, #tpu.memory_space<vmem>>
      %dma_start3A_158 = arith.constant 0 : i32
      %dma_start3A_159 = tpu.memref_slice %arg9[%dma_start3A_153, %and3A_73, %dma_start3A_158] : memref<2x2x128xi32, #tpu.memory_space<vmem>> -> memref<1x1x128xi32, #tpu.memory_space<vmem>>
      %dma_start3A_160 = tpu.memref_squeeze %dma_start3A_159 : memref<1x1x128xi32, #tpu.memory_space<vmem>> -> memref<128xi32, #tpu.memory_space<vmem>>
      %dma_start3A_161 = arith.constant 0 : i32
      %dma_start3A_162 = arith.constant 0 : i32
      %dma_start3A_163 = tpu.memref_slice %arg11[%dma_start3A_161, %dma_start3A_162] : memref<10112x64xf32, #tpu.memory_space<vmem_shared>> -> memref<10112x64xf32, #tpu.memory_space<vmem_shared>>
      tpu.enqueue_indirect_dma source(%dma_start3A_157 : memref<128x64xf32, #tpu.memory_space<vmem>>) target(%dma_start3A_163 : memref<10112x64xf32, #tpu.memory_space<vmem_shared>>) offsets(%dma_start3A_160 : memref<128xi32, #tpu.memory_space<vmem>>) semaphore(%arg15 : memref<!tpu.dma_semaphore, #tpu.memory_space<semaphore_mem>>) {add = true}
      %scan3A_164 = arith.constant 0 : i32
      scf.yield %scan3A_164 : i32
    }
    %scan3A_44 = arith.constant 81 : i32
    %dma_wait3A = arith.constant 0 : i32
    %dma_wait3A_45 = arith.constant 0 : i32
    %dma_wait3A_46 = arith.constant 0 : i32
    %dma_wait3A_47 = arith.constant 0 : i32
    %dma_wait3A_48 = arith.constant 0 : i32
    %dma_wait3A_49 = tpu.memref_slice %arg7[%dma_wait3A, %dma_wait3A_47, %dma_wait3A_48] : memref<2x128x64xf32, #tpu.memory_space<vmem>> -> memref<1x128x64xf32, #tpu.memory_space<vmem>>
    %dma_wait3A_50 = tpu.memref_squeeze %dma_wait3A_49 : memref<1x128x64xf32, #tpu.memory_space<vmem>> -> memref<128x64xf32, #tpu.memory_space<vmem>>
    %dma_wait3A_51 = arith.constant 0 : i32
    %dma_wait3A_52 = tpu.memref_slice %arg9[%dma_wait3A_45, %dma_wait3A_46, %dma_wait3A_51] : memref<2x2x128xi32, #tpu.memory_space<vmem>> -> memref<1x1x128xi32, #tpu.memory_space<vmem>>
    %dma_wait3A_53 = tpu.memref_squeeze %dma_wait3A_52 : memref<1x1x128xi32, #tpu.memory_space<vmem>> -> memref<128xi32, #tpu.memory_space<vmem>>
    %dma_wait3A_54 = arith.constant 0 : i32
    %dma_wait3A_55 = arith.constant 0 : i32
    %dma_wait3A_56 = tpu.memref_slice %arg11[%dma_wait3A_54, %dma_wait3A_55] : memref<10112x64xf32, #tpu.memory_space<vmem_shared>> -> memref<10112x64xf32, #tpu.memory_space<vmem_shared>>
    tpu.wait_indirect_dma semaphore(%arg14 : memref<!tpu.dma_semaphore, #tpu.memory_space<semaphore_mem>>) src(%dma_wait3A_50 : memref<128x64xf32, #tpu.memory_space<vmem>>) dst(%dma_wait3A_56 : memref<10112x64xf32, #tpu.memory_space<vmem_shared>>)
    %dma_wait3A_57 = arith.constant 1 : i32
    %dma_wait3A_58 = arith.constant 1 : i32
    %dma_wait3A_59 = arith.constant 0 : i32
    %dma_wait3A_60 = arith.constant 0 : i32
    %dma_wait3A_61 = arith.constant 0 : i32
    %dma_wait3A_62 = tpu.memref_slice %arg7[%dma_wait3A_57, %dma_wait3A_60, %dma_wait3A_61] : memref<2x128x64xf32, #tpu.memory_space<vmem>> -> memref<1x128x64xf32, #tpu.memory_space<vmem>>
    %dma_wait3A_63 = tpu.memref_squeeze %dma_wait3A_62 : memref<1x128x64xf32, #tpu.memory_space<vmem>> -> memref<128x64xf32, #tpu.memory_space<vmem>>
    %dma_wait3A_64 = arith.constant 0 : i32
    %dma_wait3A_65 = tpu.memref_slice %arg9[%dma_wait3A_58, %dma_wait3A_59, %dma_wait3A_64] : memref<2x2x128xi32, #tpu.memory_space<vmem>> -> memref<1x1x128xi32, #tpu.memory_space<vmem>>
    %dma_wait3A_66 = tpu.memref_squeeze %dma_wait3A_65 : memref<1x1x128xi32, #tpu.memory_space<vmem>> -> memref<128xi32, #tpu.memory_space<vmem>>
    %dma_wait3A_67 = arith.constant 0 : i32
    %dma_wait3A_68 = arith.constant 0 : i32
    %dma_wait3A_69 = tpu.memref_slice %arg11[%dma_wait3A_67, %dma_wait3A_68] : memref<10112x64xf32, #tpu.memory_space<vmem_shared>> -> memref<10112x64xf32, #tpu.memory_space<vmem_shared>>
    tpu.wait_indirect_dma semaphore(%arg15 : memref<!tpu.dma_semaphore, #tpu.memory_space<semaphore_mem>>) src(%dma_wait3A_63 : memref<128x64xf32, #tpu.memory_space<vmem>>) dst(%dma_wait3A_69 : memref<10112x64xf32, #tpu.memory_space<vmem_shared>>)
    %barrier3A_70 = arith.constant 0 : index
    tpu.barrier barrier_id(%barrier3A_70)
    "tpu.region"() ({
      %run_scoped3A_71 = tpu.sem_alloc : memref<!tpu.dma_semaphore, #tpu.memory_space<semaphore_mem>>
      %dma_start3A_72 = arith.constant 0 : i32
      %dma_start3A_73 = tpu.memref_slice %arg5[%arg0, %mul3A_0, %dma_start3A_72] : memref<2x10112x64xf32, #tpu.memory_space<hbm>> -> memref<1x632x64xf32, #tpu.memory_space<hbm>>
      %dma_start3A_74 = tpu.memref_squeeze %dma_start3A_73 : memref<1x632x64xf32, #tpu.memory_space<hbm>> -> memref<632x64xf32, #tpu.memory_space<hbm>>
      %dma_start3A_75 = arith.constant 0 : i32
      %dma_start3A_76 = tpu.memref_slice %arg11[%mul3A_0, %dma_start3A_75] : memref<10112x64xf32, #tpu.memory_space<vmem_shared>> -> memref<632x64xf32, #tpu.memory_space<vmem_shared>>
      tpu.enqueue_dma source(%dma_start3A_76 : memref<632x64xf32, #tpu.memory_space<vmem_shared>>) target(%dma_start3A_74 : memref<632x64xf32, #tpu.memory_space<hbm>>) target_semaphore(%run_scoped3A_71 : memref<!tpu.dma_semaphore, #tpu.memory_space<semaphore_mem>>)
      %dma_wait3A_77 = arith.constant 0 : i32
      %dma_wait3A_78 = tpu.memref_slice %arg5[%arg0, %mul3A_0, %dma_wait3A_77] : memref<2x10112x64xf32, #tpu.memory_space<hbm>> -> memref<1x632x64xf32, #tpu.memory_space<hbm>>
      %dma_wait3A_79 = tpu.memref_squeeze %dma_wait3A_78 : memref<1x632x64xf32, #tpu.memory_space<hbm>> -> memref<632x64xf32, #tpu.memory_space<hbm>>
      %dma_wait3A_80 = arith.constant 0 : i32
      %dma_wait3A_81 = tpu.memref_slice %arg11[%mul3A_0, %dma_wait3A_80] : memref<10112x64xf32, #tpu.memory_space<vmem_shared>> -> memref<632x64xf32, #tpu.memory_space<vmem_shared>>
      tpu.wait_dma2 semaphore(%run_scoped3A_71 : memref<!tpu.dma_semaphore, #tpu.memory_space<semaphore_mem>>) src(%dma_wait3A_81 : memref<632x64xf32, #tpu.memory_space<vmem_shared>>) dst(%dma_wait3A_79 : memref<632x64xf32, #tpu.memory_space<hbm>>)
      tpu.yield
    }) : () -> ()
    return
  }
}

module attributes {stable_mosaic.version = 14 : i64} {
  func.func @_tc1_body(%arg0: i32, %arg1: memref<2x1264x32xi16, #tpu.memory_space<vmem>>, %arg2: memref<1264x128xf32, #tpu.memory_space<vmem>>, %arg3: memref<128x128xf32, #tpu.memory_space<vmem>>, %arg4: memref<2x1264x32xi32, #tpu.memory_space<vmem>>) attributes {dimension_semantics = [#tpu.dimension_semantics<arbitrary>], iteration_bounds = array<i64: 8>, scalar_prefetch = 0 : i64, scratch_operands = 0 : i64, tpu.core_type = #tpu.core_type<tc>, window_params = [{transform_indices = @transform_0, window_bounds = array<i64: 2, 1264, 32>}, {transform_indices = @transform_1, window_bounds = array<i64: 1264, 128>}, {pipeline_mode = #tpu.pipeline_mode<synchronous>, transform_indices = @transform_2, window_bounds = array<i64: 128, 128>}, {transform_indices = @transform_3, window_bounds = array<i64: 2, 1264, 32>}]} {
    %get3A = arith.constant 0 : index
    %get3A_0 = arith.constant 0 : index
    %get3A_1 = arith.constant 0 : index
    %get3A_2 = vector.load %arg1[%get3A, %get3A_0, %get3A_1] : memref<2x1264x32xi16, #tpu.memory_space<vmem>>, vector<2x1264x32xi16>
    %slice3A = vector.extract_strided_slice %get3A_2 {offsets = [0, 0, 0], sizes = [1, 1264, 1], strides = [1, 1, 1]} : vector<2x1264x32xi16> to vector<1x1264x1xi16>
    %squeeze3A = vector.shape_cast %slice3A : vector<1x1264x1xi16> to vector<1264x1xi16>
    %slice3A_3 = vector.extract_strided_slice %get3A_2 {offsets = [1, 0, 0], sizes = [1, 1264, 1], strides = [1, 1, 1]} : vector<2x1264x32xi16> to vector<1x1264x1xi16>
    %squeeze3A_4 = vector.shape_cast %slice3A_3 : vector<1x1264x1xi16> to vector<1264x1xi16>
    %add3A = arith.addi %squeeze3A, %squeeze3A_4 : vector<1264x1xi16>
    %convert_element_type3A = arith.sitofp %add3A : vector<1264x1xi16> to vector<1264x1xf32>
    %gt3A = arith.constant 0.000000e+00 : f32
    %gt3A_5 = vector.broadcast %gt3A : f32 to vector<1264x1xf32>
    %gt3A_6 = arith.cmpf ogt, %convert_element_type3A, %gt3A_5 : vector<1264x1xf32>
    %max3A = arith.constant 9.99999996E-13 : f32
    %max3A_7 = vector.broadcast %max3A : f32 to vector<1264x1xf32>
    %max3A_8 = arith.maximumf %convert_element_type3A, %max3A_7 : vector<1264x1xf32>
    %rsqrt3A = math.rsqrt %max3A_8 : vector<1264x1xf32>
    %jit3A = arith.constant 0.000000e+00 : f32
    %broadcast_in_dim3A = vector.broadcast %jit3A : f32 to vector<1264x1xf32>
    %select_n3A = arith.select %gt3A_6, %rsqrt3A, %broadcast_in_dim3A : vector<1264x1xi1>, vector<1264x1xf32>
    %get3A_9 = arith.constant 0 : index
    %get3A_10 = arith.constant 0 : index
    %get3A_11 = vector.load %arg2[%get3A_9, %get3A_10] : memref<1264x128xf32, #tpu.memory_space<vmem>>, vector<1264x128xf32>
    %get3A_12 = arith.constant 0 : index
    %get3A_13 = arith.constant 0 : index
    %get3A_14 = vector.load %arg3[%get3A_12, %get3A_13] : memref<128x128xf32, #tpu.memory_space<vmem>>, vector<128x128xf32>
    %dot_general3A = arith.constant dense<0.000000e+00> : vector<1264x128xf32>
    %dot_general3A_15 = tpu.matmul %get3A_11, %get3A_14, %dot_general3A {dimension_numbers = #tpu.dot_dimension_numbers<[1], [0], [0], [1], [0, 0, 1, 1], [], []>, transpose_lhs_hint = false} : vector<1264x128xf32>, vector<128x128xf32>, vector<1264x128xf32> -> vector<1264x128xf32>
    %mul3A = vector.broadcast %select_n3A : vector<1264x1xf32> to vector<1264x128xf32>
    %mul3A_16 = arith.mulf %dot_general3A_15, %mul3A : vector<1264x128xf32>
    %mul3A_17 = arith.constant 2.048000e+03 : f32
    %mul3A_18 = vector.broadcast %mul3A_17 : f32 to vector<1264x128xf32>
    %mul3A_19 = arith.mulf %mul3A_16, %mul3A_18 : vector<1264x128xf32>
    %round3A = math.roundeven %mul3A_19 : vector<1264x128xf32>
    %jit3A_20 = arith.constant -3.276800e+04 : f32
    %jit3A_21 = arith.constant 3.276700e+04 : f32
    %max3A_22 = vector.broadcast %jit3A_20 : f32 to vector<1264x128xf32>
    %max3A_23 = arith.maximumf %max3A_22, %round3A : vector<1264x128xf32>
    %min3A = vector.broadcast %jit3A_21 : f32 to vector<1264x128xf32>
    %min3A_24 = arith.minimumf %min3A, %max3A_23 : vector<1264x128xf32>
    %convert_element_type3A_25 = arith.fptosi %min3A_24 : vector<1264x128xf32> to vector<1264x128xi32>
    %slice3A_26 = vector.extract_strided_slice %convert_element_type3A_25 {offsets = [0, 0], sizes = [1264, 64], strides = [1, 1]} : vector<1264x128xi32> to vector<1264x64xi32>
    %and3A = arith.constant 65535 : i32
    %and3A_27 = vector.broadcast %and3A : i32 to vector<1264x64xi32>
    %and3A_28 = arith.andi %slice3A_26, %and3A_27 : vector<1264x64xi32>
    %slice3A_29 = vector.extract_strided_slice %convert_element_type3A_25 {offsets = [0, 64], sizes = [1264, 64], strides = [1, 1]} : vector<1264x128xi32> to vector<1264x64xi32>
    %shift_left3A = arith.constant 16 : i32
    %shift_left3A_30 = vector.broadcast %shift_left3A : i32 to vector<1264x64xi32>
    %shift_left3A_31 = arith.shli %slice3A_29, %shift_left3A_30 : vector<1264x64xi32>
    %or3A = arith.ori %shift_left3A_31, %and3A_28 : vector<1264x64xi32>
    %slice3A_32 = vector.extract_strided_slice %or3A {offsets = [0, 0], sizes = [1264, 32], strides = [1, 1]} : vector<1264x64xi32> to vector<1264x32xi32>
    %swap3A = arith.constant 0 : index
    %swap3A_33 = arith.constant 0 : index
    %swap3A_34 = arith.constant 0 : index
    %swap3A_35 = vector.load %arg4[%swap3A, %swap3A_33, %swap3A_34] : memref<2x1264x32xi32, #tpu.memory_space<vmem>>, vector<1x1264x32xi32>
    %swap3A_36 = vector.shape_cast %swap3A_35 : vector<1x1264x32xi32> to vector<1264x32xi32>
    %swap3A_37 = vector.shape_cast %slice3A_32 : vector<1264x32xi32> to vector<1x1264x32xi32>
    tpu.vector_store %arg4[%swap3A, %swap3A_33, %swap3A_34], %swap3A_37 {strides = array<i32>} : memref<2x1264x32xi32, #tpu.memory_space<vmem>>, vector<1x1264x32xi32>,
    %slice3A_38 = vector.extract_strided_slice %or3A {offsets = [0, 32], sizes = [1264, 32], strides = [1, 1]} : vector<1264x64xi32> to vector<1264x32xi32>
    %swap3A_39 = arith.constant 1 : index
    %swap3A_40 = arith.constant 0 : index
    %swap3A_41 = arith.constant 0 : index
    %swap3A_42 = vector.load %arg4[%swap3A_39, %swap3A_40, %swap3A_41] : memref<2x1264x32xi32, #tpu.memory_space<vmem>>, vector<1x1264x32xi32>
    %swap3A_43 = vector.shape_cast %swap3A_42 : vector<1x1264x32xi32> to vector<1264x32xi32>
    %swap3A_44 = vector.shape_cast %slice3A_38 : vector<1264x32xi32> to vector<1x1264x32xi32>
    tpu.vector_store %arg4[%swap3A_39, %swap3A_40, %swap3A_41], %swap3A_44 {strides = array<i32>} : memref<2x1264x32xi32, #tpu.memory_space<vmem>>, vector<1x1264x32xi32>,
    return
  }
  func.func @transform_0(%arg0: i32) -> (i32, i32, i32) {
    %c0_i32 = arith.constant 0 : i32
    %c0_i32_0 = arith.constant 0 : i32
    %c0_i32_1 = arith.constant 0 : i32
    return %c0_i32, %arg0, %c0_i32_0 : i32, i32, i32
  }
  func.func @transform_1(%arg0: i32) -> (i32, i32) {
    %c0_i32 = arith.constant 0 : i32
    %c0_i32_0 = arith.constant 0 : i32
    return %arg0, %c0_i32 : i32, i32
  }
  func.func @transform_2(%arg0: i32) -> (i32, i32) {
    %c0_i32 = arith.constant 0 : i32
    %c0_i32_0 = arith.constant 0 : i32
    %c0_i32_1 = arith.constant 0 : i32
    return %c0_i32, %c0_i32_0 : i32, i32
  }
  func.func @transform_3(%arg0: i32) -> (i32, i32, i32) {
    %c0_i32 = arith.constant 0 : i32
    %c0_i32_0 = arith.constant 0 : i32
    %c0_i32_1 = arith.constant 0 : i32
    return %c0_i32, %arg0, %c0_i32_0 : i32, i32, i32
  }
}

module attributes {stable_mosaic.version = 14 : i64} {
  func.func @_tc2_body(%arg0: i32, %arg1: memref<2x1264x64xf32, #tpu.memory_space<vmem>>, %arg2: memref<2x1264x32xi16, #tpu.memory_space<vmem>>, %arg3: memref<1x128xf32, #tpu.memory_space<vmem>>, %arg4: memref<128x128xf32, #tpu.memory_space<vmem>>, %arg5: memref<2x1264x32xi32, #tpu.memory_space<vmem>>) attributes {dimension_semantics = [#tpu.dimension_semantics<arbitrary>], iteration_bounds = array<i64: 8>, scalar_prefetch = 0 : i64, scratch_operands = 0 : i64, tpu.core_type = #tpu.core_type<tc>, window_params = [{transform_indices = @transform_0, window_bounds = array<i64: 2, 1264, 64>}, {transform_indices = @transform_1, window_bounds = array<i64: 2, 1264, 32>}, {pipeline_mode = #tpu.pipeline_mode<synchronous>, transform_indices = @transform_2, window_bounds = array<i64: 1, 128>}, {pipeline_mode = #tpu.pipeline_mode<synchronous>, transform_indices = @transform_3, window_bounds = array<i64: 128, 128>}, {transform_indices = @transform_4, window_bounds = array<i64: 2, 1264, 32>}]} {
    %get3A = arith.constant 0 : index
    %get3A_0 = arith.constant 0 : index
    %get3A_1 = arith.constant 0 : index
    %get3A_2 = vector.load %arg2[%get3A, %get3A_0, %get3A_1] : memref<2x1264x32xi16, #tpu.memory_space<vmem>>, vector<2x1264x32xi16>
    %slice3A = vector.extract_strided_slice %get3A_2 {offsets = [0, 0, 0], sizes = [1, 1264, 1], strides = [1, 1, 1]} : vector<2x1264x32xi16> to vector<1x1264x1xi16>
    %squeeze3A = vector.shape_cast %slice3A : vector<1x1264x1xi16> to vector<1264x1xi16>
    %slice3A_3 = vector.extract_strided_slice %get3A_2 {offsets = [1, 0, 0], sizes = [1, 1264, 1], strides = [1, 1, 1]} : vector<2x1264x32xi16> to vector<1x1264x1xi16>
    %squeeze3A_4 = vector.shape_cast %slice3A_3 : vector<1x1264x1xi16> to vector<1264x1xi16>
    %add3A = arith.addi %squeeze3A, %squeeze3A_4 : vector<1264x1xi16>
    %convert_element_type3A = arith.sitofp %add3A : vector<1264x1xi16> to vector<1264x1xf32>
    %gt3A = arith.constant 0.000000e+00 : f32
    %gt3A_5 = vector.broadcast %gt3A : f32 to vector<1264x1xf32>
    %gt3A_6 = arith.cmpf ogt, %convert_element_type3A, %gt3A_5 : vector<1264x1xf32>
    %max3A = arith.constant 9.99999996E-13 : f32
    %max3A_7 = vector.broadcast %max3A : f32 to vector<1264x1xf32>
    %max3A_8 = arith.maximumf %convert_element_type3A, %max3A_7 : vector<1264x1xf32>
    %rsqrt3A = math.rsqrt %max3A_8 : vector<1264x1xf32>
    %jit3A = arith.constant 0.000000e+00 : f32
    %broadcast_in_dim3A = vector.broadcast %jit3A : f32 to vector<1264x1xf32>
    %select_n3A = arith.select %gt3A_6, %rsqrt3A, %broadcast_in_dim3A : vector<1264x1xi1>, vector<1264x1xf32>
    %get3A_9 = arith.constant 0 : index
    %get3A_10 = arith.constant 0 : index
    %get3A_11 = arith.constant 0 : index
    %get3A_12 = vector.load %arg1[%get3A_9, %get3A_10, %get3A_11] : memref<2x1264x64xf32, #tpu.memory_space<vmem>>, vector<1x1264x64xf32>
    %get3A_13 = vector.shape_cast %get3A_12 : vector<1x1264x64xf32> to vector<1264x64xf32>
    %get3A_14 = arith.constant 1 : index
    %get3A_15 = arith.constant 0 : index
    %get3A_16 = arith.constant 0 : index
    %get3A_17 = vector.load %arg1[%get3A_14, %get3A_15, %get3A_16] : memref<2x1264x64xf32, #tpu.memory_space<vmem>>, vector<1x1264x64xf32>
    %get3A_18 = vector.shape_cast %get3A_17 : vector<1x1264x64xf32> to vector<1264x64xf32>
    %concatenate3A = tpu.concatenate %get3A_13, %get3A_18 in 1 : vector<1264x64xf32>, vector<1264x64xf32> -> vector<1264x128xf32>
    %mul3A = arith.constant 4.8828125E-4 : f32
    %mul3A_19 = vector.broadcast %mul3A : f32 to vector<1264x128xf32>
    %mul3A_20 = arith.mulf %concatenate3A, %mul3A_19 : vector<1264x128xf32>
    %mul3A_21 = vector.broadcast %select_n3A : vector<1264x1xf32> to vector<1264x128xf32>
    %mul3A_22 = arith.mulf %mul3A_20, %mul3A_21 : vector<1264x128xf32>
    %get3A_23 = arith.constant 0 : index
    %get3A_24 = arith.constant 0 : index
    %get3A_25 = vector.load %arg3[%get3A_23, %get3A_24] : memref<1x128xf32, #tpu.memory_space<vmem>>, vector<1x128xf32>
    %add3A_26 = vector.broadcast %get3A_25 : vector<1x128xf32> to vector<1264x128xf32>
    %add3A_27 = arith.addf %mul3A_22, %add3A_26 : vector<1264x128xf32>
    %max3A_28 = arith.constant 0.000000e+00 : f32
    %max3A_29 = vector.broadcast %max3A_28 : f32 to vector<1264x128xf32>
    %max3A_30 = arith.maximumf %add3A_27, %max3A_29 : vector<1264x128xf32>
    %get3A_31 = arith.constant 0 : index
    %get3A_32 = arith.constant 0 : index
    %get3A_33 = vector.load %arg4[%get3A_31, %get3A_32] : memref<128x128xf32, #tpu.memory_space<vmem>>, vector<128x128xf32>
    %dot_general3A = arith.constant dense<0.000000e+00> : vector<1264x128xf32>
    %dot_general3A_34 = tpu.matmul %max3A_30, %get3A_33, %dot_general3A {dimension_numbers = #tpu.dot_dimension_numbers<[1], [0], [0], [1], [0, 0, 1, 1], [], []>, transpose_lhs_hint = false} : vector<1264x128xf32>, vector<128x128xf32>, vector<1264x128xf32> -> vector<1264x128xf32>
    %mul3A_35 = vector.broadcast %select_n3A : vector<1264x1xf32> to vector<1264x128xf32>
    %mul3A_36 = arith.mulf %dot_general3A_34, %mul3A_35 : vector<1264x128xf32>
    %mul3A_37 = arith.constant 8.192000e+03 : f32
    %mul3A_38 = vector.broadcast %mul3A_37 : f32 to vector<1264x128xf32>
    %mul3A_39 = arith.mulf %mul3A_36, %mul3A_38 : vector<1264x128xf32>
    %round3A = math.roundeven %mul3A_39 : vector<1264x128xf32>
    %jit3A_40 = arith.constant -3.276800e+04 : f32
    %jit3A_41 = arith.constant 3.276700e+04 : f32
    %max3A_42 = vector.broadcast %jit3A_40 : f32 to vector<1264x128xf32>
    %max3A_43 = arith.maximumf %max3A_42, %round3A : vector<1264x128xf32>
    %min3A = vector.broadcast %jit3A_41 : f32 to vector<1264x128xf32>
    %min3A_44 = arith.minimumf %min3A, %max3A_43 : vector<1264x128xf32>
    %convert_element_type3A_45 = arith.fptosi %min3A_44 : vector<1264x128xf32> to vector<1264x128xi32>
    %slice3A_46 = vector.extract_strided_slice %convert_element_type3A_45 {offsets = [0, 0], sizes = [1264, 64], strides = [1, 1]} : vector<1264x128xi32> to vector<1264x64xi32>
    %and3A = arith.constant 65535 : i32
    %and3A_47 = vector.broadcast %and3A : i32 to vector<1264x64xi32>
    %and3A_48 = arith.andi %slice3A_46, %and3A_47 : vector<1264x64xi32>
    %slice3A_49 = vector.extract_strided_slice %convert_element_type3A_45 {offsets = [0, 64], sizes = [1264, 64], strides = [1, 1]} : vector<1264x128xi32> to vector<1264x64xi32>
    %shift_left3A = arith.constant 16 : i32
    %shift_left3A_50 = vector.broadcast %shift_left3A : i32 to vector<1264x64xi32>
    %shift_left3A_51 = arith.shli %slice3A_49, %shift_left3A_50 : vector<1264x64xi32>
    %or3A = arith.ori %shift_left3A_51, %and3A_48 : vector<1264x64xi32>
    %slice3A_52 = vector.extract_strided_slice %or3A {offsets = [0, 0], sizes = [1264, 32], strides = [1, 1]} : vector<1264x64xi32> to vector<1264x32xi32>
    %swap3A = arith.constant 0 : index
    %swap3A_53 = arith.constant 0 : index
    %swap3A_54 = arith.constant 0 : index
    %swap3A_55 = vector.load %arg5[%swap3A, %swap3A_53, %swap3A_54] : memref<2x1264x32xi32, #tpu.memory_space<vmem>>, vector<1x1264x32xi32>
    %swap3A_56 = vector.shape_cast %swap3A_55 : vector<1x1264x32xi32> to vector<1264x32xi32>
    %swap3A_57 = vector.shape_cast %slice3A_52 : vector<1264x32xi32> to vector<1x1264x32xi32>
    tpu.vector_store %arg5[%swap3A, %swap3A_53, %swap3A_54], %swap3A_57 {strides = array<i32>} : memref<2x1264x32xi32, #tpu.memory_space<vmem>>, vector<1x1264x32xi32>,
    %slice3A_58 = vector.extract_strided_slice %or3A {offsets = [0, 32], sizes = [1264, 32], strides = [1, 1]} : vector<1264x64xi32> to vector<1264x32xi32>
    %swap3A_59 = arith.constant 1 : index
    %swap3A_60 = arith.constant 0 : index
    %swap3A_61 = arith.constant 0 : index
    %swap3A_62 = vector.load %arg5[%swap3A_59, %swap3A_60, %swap3A_61] : memref<2x1264x32xi32, #tpu.memory_space<vmem>>, vector<1x1264x32xi32>
    %swap3A_63 = vector.shape_cast %swap3A_62 : vector<1x1264x32xi32> to vector<1264x32xi32>
    %swap3A_64 = vector.shape_cast %slice3A_58 : vector<1264x32xi32> to vector<1x1264x32xi32>
    tpu.vector_store %arg5[%swap3A_59, %swap3A_60, %swap3A_61], %swap3A_64 {strides = array<i32>} : memref<2x1264x32xi32, #tpu.memory_space<vmem>>, vector<1x1264x32xi32>,
    return
  }
  func.func @transform_0(%arg0: i32) -> (i32, i32, i32) {
    %c0_i32 = arith.constant 0 : i32
    %c0_i32_0 = arith.constant 0 : i32
    %c0_i32_1 = arith.constant 0 : i32
    return %c0_i32, %arg0, %c0_i32_0 : i32, i32, i32
  }
  func.func @transform_1(%arg0: i32) -> (i32, i32, i32) {
    %c0_i32 = arith.constant 0 : i32
    %c0_i32_0 = arith.constant 0 : i32
    %c0_i32_1 = arith.constant 0 : i32
    return %c0_i32, %arg0, %c0_i32_0 : i32, i32, i32
  }
  func.func @transform_2(%arg0: i32) -> (i32, i32) {
    %c0_i32 = arith.constant 0 : i32
    %c0_i32_0 = arith.constant 0 : i32
    %c0_i32_1 = arith.constant 0 : i32
    return %c0_i32, %c0_i32_0 : i32, i32
  }
  func.func @transform_3(%arg0: i32) -> (i32, i32) {
    %c0_i32 = arith.constant 0 : i32
    %c0_i32_0 = arith.constant 0 : i32
    %c0_i32_1 = arith.constant 0 : i32
    return %c0_i32, %c0_i32_0 : i32, i32
  }
  func.func @transform_4(%arg0: i32) -> (i32, i32, i32) {
    %c0_i32 = arith.constant 0 : i32
    %c0_i32_0 = arith.constant 0 : i32
    %c0_i32_1 = arith.constant 0 : i32
    return %c0_i32, %arg0, %c0_i32_0 : i32, i32, i32
  }
}

module attributes {stable_mosaic.version = 14 : i64} {
  func.func @_tc3_body(%arg0: i32, %arg1: memref<2x1264x64xf32, #tpu.memory_space<vmem>>, %arg2: memref<2x1264x32xi16, #tpu.memory_space<vmem>>, %arg3: memref<1x128xf32, #tpu.memory_space<vmem>>, %arg4: memref<128x128xf32, #tpu.memory_space<vmem>>, %arg5: memref<1264x128xf32, #tpu.memory_space<vmem>>) attributes {dimension_semantics = [#tpu.dimension_semantics<arbitrary>], iteration_bounds = array<i64: 8>, scalar_prefetch = 0 : i64, scratch_operands = 0 : i64, tpu.core_type = #tpu.core_type<tc>, window_params = [{transform_indices = @transform_0, window_bounds = array<i64: 2, 1264, 64>}, {transform_indices = @transform_1, window_bounds = array<i64: 2, 1264, 32>}, {pipeline_mode = #tpu.pipeline_mode<synchronous>, transform_indices = @transform_2, window_bounds = array<i64: 1, 128>}, {pipeline_mode = #tpu.pipeline_mode<synchronous>, transform_indices = @transform_3, window_bounds = array<i64: 128, 128>}, {transform_indices = @transform_4, window_bounds = array<i64: 1264, 128>}]} {
    %get3A = arith.constant 0 : index
    %get3A_0 = arith.constant 0 : index
    %get3A_1 = arith.constant 0 : index
    %get3A_2 = vector.load %arg2[%get3A, %get3A_0, %get3A_1] : memref<2x1264x32xi16, #tpu.memory_space<vmem>>, vector<2x1264x32xi16>
    %slice3A = vector.extract_strided_slice %get3A_2 {offsets = [0, 0, 0], sizes = [1, 1264, 1], strides = [1, 1, 1]} : vector<2x1264x32xi16> to vector<1x1264x1xi16>
    %squeeze3A = vector.shape_cast %slice3A : vector<1x1264x1xi16> to vector<1264x1xi16>
    %slice3A_3 = vector.extract_strided_slice %get3A_2 {offsets = [1, 0, 0], sizes = [1, 1264, 1], strides = [1, 1, 1]} : vector<2x1264x32xi16> to vector<1x1264x1xi16>
    %squeeze3A_4 = vector.shape_cast %slice3A_3 : vector<1x1264x1xi16> to vector<1264x1xi16>
    %add3A = arith.addi %squeeze3A, %squeeze3A_4 : vector<1264x1xi16>
    %convert_element_type3A = arith.sitofp %add3A : vector<1264x1xi16> to vector<1264x1xf32>
    %gt3A = arith.constant 0.000000e+00 : f32
    %gt3A_5 = vector.broadcast %gt3A : f32 to vector<1264x1xf32>
    %gt3A_6 = arith.cmpf ogt, %convert_element_type3A, %gt3A_5 : vector<1264x1xf32>
    %max3A = arith.constant 9.99999996E-13 : f32
    %max3A_7 = vector.broadcast %max3A : f32 to vector<1264x1xf32>
    %max3A_8 = arith.maximumf %convert_element_type3A, %max3A_7 : vector<1264x1xf32>
    %rsqrt3A = math.rsqrt %max3A_8 : vector<1264x1xf32>
    %jit3A = arith.constant 0.000000e+00 : f32
    %broadcast_in_dim3A = vector.broadcast %jit3A : f32 to vector<1264x1xf32>
    %select_n3A = arith.select %gt3A_6, %rsqrt3A, %broadcast_in_dim3A : vector<1264x1xi1>, vector<1264x1xf32>
    %get3A_9 = arith.constant 0 : index
    %get3A_10 = arith.constant 0 : index
    %get3A_11 = arith.constant 0 : index
    %get3A_12 = vector.load %arg1[%get3A_9, %get3A_10, %get3A_11] : memref<2x1264x64xf32, #tpu.memory_space<vmem>>, vector<1x1264x64xf32>
    %get3A_13 = vector.shape_cast %get3A_12 : vector<1x1264x64xf32> to vector<1264x64xf32>
    %get3A_14 = arith.constant 1 : index
    %get3A_15 = arith.constant 0 : index
    %get3A_16 = arith.constant 0 : index
    %get3A_17 = vector.load %arg1[%get3A_14, %get3A_15, %get3A_16] : memref<2x1264x64xf32, #tpu.memory_space<vmem>>, vector<1x1264x64xf32>
    %get3A_18 = vector.shape_cast %get3A_17 : vector<1x1264x64xf32> to vector<1264x64xf32>
    %concatenate3A = tpu.concatenate %get3A_13, %get3A_18 in 1 : vector<1264x64xf32>, vector<1264x64xf32> -> vector<1264x128xf32>
    %mul3A = arith.constant 1.22070313E-4 : f32
    %mul3A_19 = vector.broadcast %mul3A : f32 to vector<1264x1xf32>
    %mul3A_20 = arith.mulf %select_n3A, %mul3A_19 : vector<1264x1xf32>
    %mul3A_21 = vector.broadcast %mul3A_20 : vector<1264x1xf32> to vector<1264x128xf32>
    %mul3A_22 = arith.mulf %concatenate3A, %mul3A_21 : vector<1264x128xf32>
    %get3A_23 = arith.constant 0 : index
    %get3A_24 = arith.constant 0 : index
    %get3A_25 = vector.load %arg4[%get3A_23, %get3A_24] : memref<128x128xf32, #tpu.memory_space<vmem>>, vector<128x128xf32>
    %dot_general3A = arith.constant dense<0.000000e+00> : vector<1264x128xf32>
    %dot_general3A_26 = tpu.matmul %mul3A_22, %get3A_25, %dot_general3A {dimension_numbers = #tpu.dot_dimension_numbers<[1], [0], [0], [1], [0, 0, 1, 1], [], []>, transpose_lhs_hint = false} : vector<1264x128xf32>, vector<128x128xf32>, vector<1264x128xf32> -> vector<1264x128xf32>
    %get3A_27 = arith.constant 0 : index
    %get3A_28 = arith.constant 0 : index
    %get3A_29 = vector.load %arg3[%get3A_27, %get3A_28] : memref<1x128xf32, #tpu.memory_space<vmem>>, vector<1x128xf32>
    %add3A_30 = vector.broadcast %get3A_29 : vector<1x128xf32> to vector<1264x128xf32>
    %add3A_31 = arith.addf %dot_general3A_26, %add3A_30 : vector<1264x128xf32>
    %swap3A = arith.constant 0 : index
    %swap3A_32 = arith.constant 0 : index
    %swap3A_33 = vector.load %arg5[%swap3A, %swap3A_32] : memref<1264x128xf32, #tpu.memory_space<vmem>>, vector<1264x128xf32>
    tpu.vector_store %arg5[%swap3A, %swap3A_32], %add3A_31 {strides = array<i32>} : memref<1264x128xf32, #tpu.memory_space<vmem>>, vector<1264x128xf32>,
    return
  }
  func.func @transform_0(%arg0: i32) -> (i32, i32, i32) {
    %c0_i32 = arith.constant 0 : i32
    %c0_i32_0 = arith.constant 0 : i32
    %c0_i32_1 = arith.constant 0 : i32
    return %c0_i32, %arg0, %c0_i32_0 : i32, i32, i32
  }
  func.func @transform_1(%arg0: i32) -> (i32, i32, i32) {
    %c0_i32 = arith.constant 0 : i32
    %c0_i32_0 = arith.constant 0 : i32
    %c0_i32_1 = arith.constant 0 : i32
    return %c0_i32, %arg0, %c0_i32_0 : i32, i32, i32
  }
  func.func @transform_2(%arg0: i32) -> (i32, i32) {
    %c0_i32 = arith.constant 0 : i32
    %c0_i32_0 = arith.constant 0 : i32
    %c0_i32_1 = arith.constant 0 : i32
    return %c0_i32, %c0_i32_0 : i32, i32
  }
  func.func @transform_3(%arg0: i32) -> (i32, i32) {
    %c0_i32 = arith.constant 0 : i32
    %c0_i32_0 = arith.constant 0 : i32
    %c0_i32_1 = arith.constant 0 : i32
    return %c0_i32, %c0_i32_0 : i32, i32
  }
  func.func @transform_4(%arg0: i32) -> (i32, i32) {
    %c0_i32 = arith.constant 0 : i32
    %c0_i32_0 = arith.constant 0 : i32
    return %arg0, %c0_i32 : i32, i32
  }
}

</mosaic_0001>

<sc_bundles>
// kernel: kernel.11.cloned.1.call-start
scs
__scs_entry_jumppad:
0x0: {  	(pc) =	sbr.rel $0x88, $3  }
0x1: {  	(tag) =	ssettag $0x0;
	lr =	simm.s32 $0x1  }
0x2: {  	[smem:$0x3F9B] =	sst lr;
	_ =	strace $0xD0000000  }
0x3: {  	_ = 	snop  }
0x4: {  	_ = 	snop  }
0x5: {  	_ = 	snop  }
0x6: {  	_ = 	snop  }
0x7: {  	_ = 	snop  }
__scs_overlays_trampoline_lowered:
0x8: {  	[smem:$0x3FAA] =	sst s0  }
0x9: {  	[smem:$0x3FAB] =	sst s1  }
0xa: {  	[smem:$0x3FAC] =	sst s2  }
0xb: {  	[smem:$0x3FAD] =	sst s3  }
0xc: {  	[smem:$0x3FAE] =	sst s4  }
0xd: {  	[smem:$0x3FAF] =	sst s5  }
0xe: {  	[smem:$0x3FB0] =	sst s6  }
0xf: {  	[smem:$0x3FB1] =	sst s7  }
0x10: {  	[smem:$0x3FB2] =	sst s8  }
0x11: {  	[smem:$0x3FB3] =	sst s9;
	s0 =	simm.s32 @!p0 $0x0  }
0x12: {  	s1 =	sld [smem:$0x3F99];
	s0 =	simm.s32 @p0 $0x1  }
0x13: {  	[smem:$0x3FB4] =	sst s0;
	s0 =	simm.s32 @!p1 $0x0  }
0x14: {  	s2 =	sld [smem:$0x3F98];
	s0 =	simm.s32 @p1 $0x1  }
0x15: {  	[smem:$0x3FB5] =	sst s0;
	s0 =	simm.s32 @!p2 $0x0  }
0x16: {  	s3 =	sld [smem:$0x3FDB];
	s0 =	simm.s32 @p2 $0x1  }
0x17: {  	s4 =	simm.s32 $0x1BF5;
	[smem:$0x3FB7] =	sst s0  }
0x18: {  	s0 =	sld [smem:$0x3F9A];
	_ =	swait.ge [sflag:s4], $0x0  }
0x19: {  	s7 =	sld [smem:$0x3F9B]  }
0x1a: {  	s8 =	sadd.s32 $0xFFFFE003, lr  }
0x1b: {  	s9 =	sadd.s32 $0xFFFFFEF7, lr;
	s5 =	simm.s32 $0xFFFFFFFF;
	p2 =	slt.u32 s8, $0xFFFFF086  }
0x1c: {  	p1 =	slt.u32 s9, $0xF7A;
	s5 =	simm.s32 @!p2 $0x0  }
0x1d: {  	s5 =	simm.s32 @p1 $0x1;
	p0 =	seq.s32 s7, s2  }
0x1e: {  	s7 =	smul.u32 @!p0 $0xF7A, s2;
	p2 =	seq.s32 @!p0 s5, $0x0  }
0x1f: {  	s9 =	smul.u32 $0xF7A, s1;
	s8 =	simm.s32 @!p0 $0x1BF5;
	p2 =	por !p2, p0  }
0x20: {  	[sflag:s8] =	ssyncset.s32 @!p0 $0xFFFFF086;
	s6 =	sadd.s32 @!p0 s3, s7;
	s7 =	simm.s32 @!p0 $0x108  }
0x21: {  	s3 =	sadd.s32 s3, s9;
	s6 =	sadd.s32 @!p0 $0x88, s6;
	s7 =	simm.s32 @p2 $0x1082  }
0x22: {  	[simem:s7], [sflag:s8] =	dma.local @!p0 [hbm:s6], $0xF7A  }
0x23: {  	s9 =	sor.u32 $0xD0000000, s2;
	s6 =	simm.s32 $0x108;
	_ =	swait.ge @!p0 [sflag:s8], $0x0  }
0x24: {  	s3 =	sadd.s32 $0x88, s3;
	s6 =	simm.s32 @!p1 $0x1082;
	[sflag:s4] =	ssyncset.s32 $0xFFFFF086  }
0x25: {  	[simem:s6], [sflag:s4] =	dma.local [hbm:s3], $0xF7A  }
0x26: {  	[smem:$0x3F9B] =	sst s1;
	(tag) =	ssettag s2;
	_ =	strace s9  }
0x27: {  	s1 =	sld [smem:$0x3FAB]  }
0x28: {  	s2 =	sld [smem:$0x3FAC]  }
0x29: {  	s4 =	sld [smem:$0x3FAE]  }
0x2a: {  	p0 =	seq.s32 s5, $0x0;
	s5 =	sld [smem:$0x3FAF]  }
0x2b: {  	s6 =	sld [smem:$0x3FB0]  }
0x2c: {  	s7 =	sld [smem:$0x3FB1]  }
0x2d: {  	s3 =	simm.s32 $0x108;
	s8 =	sld [smem:$0x3FB2]  }
0x2e: {  	s3 =	simm.s32 @!p0 $0x1082;
	s9 =	sld [smem:$0x3FB3]  }
0x2f: {  	lr =	sadd.s32 s0, s3;
	s0 =	sld [smem:$0x3FAA]  }
0x30: {  	s3 =	sld [smem:$0x3FAD]  }
0x31: {  	[smem:$0x3FB6] =	sst s10  }
0x32: {  	s10 =	sld [smem:$0x3FB4];
	_ =	sdelay $0x3  }
0x33: {  	p0 =	seq.s32 s10, $0x1;
	s10 =	sld [smem:$0x3FB6];
	_ =	sdelay $0x3  }
0x34: {  	[smem:$0x3FB6] =	sst s10  }
0x35: {  	s10 =	sld [smem:$0x3FB5];
	_ =	sdelay $0x3  }
0x36: {  	p1 =	seq.s32 s10, $0x1;
	s10 =	sld [smem:$0x3FB6];
	_ =	sdelay $0x3  }
0x37: {  	[smem:$0x3FB6] =	sst s10  }
0x38: {  	s10 =	sld [smem:$0x3FB7]  }
0x39: {  	_ = 	snop;
	(pc) =	sbr.ind lr, $3  }
0x3a: {  	_ = 	snop  }
0x3b: {  	_ = 	snop  }
0x3c: {  	p2 =	seq.s32 s10, $0x1;
	s10 =	sld [smem:$0x3FB6]  }
0x3d: {  	_ =	shalt  }
0x3e: {  	_ =	shalt  }
0x3f: {  	_ =	shalt  }
0x40: {  	_ =	shalt  }
0x41: {  	_ =	shalt  }
0x42: {  	_ =	shalt  }
0x43: {  	_ =	shalt  }
0x44: {  	_ =	shalt  }
0x45: {  	_ =	shalt  }
0x46: {  	_ =	shalt  }
0x47: {  	_ =	shalt  }
0x48: {  	_ =	shalt  }
0x49: {  	_ =	shalt  }
0x4a: {  	_ =	shalt  }
0x4b: {  	_ =	shalt  }
0x4c: {  	_ =	shalt  }
0x4d: {  	_ =	shalt  }
0x4e: {  	_ =	shalt  }
0x4f: {  	_ =	shalt  }
0x50: {  	_ =	shalt  }
0x51: {  	_ =	shalt  }
0x52: {  	_ =	shalt  }
0x53: {  	_ =	shalt  }
0x54: {  	_ =	shalt  }
0x55: {  	_ =	shalt  }
0x56: {  	_ =	shalt  }
0x57: {  	_ =	shalt  }
0x58: {  	_ =	shalt  }
0x59: {  	_ =	shalt  }
0x5a: {  	_ =	shalt  }
0x5b: {  	_ =	shalt  }
0x5c: {  	_ =	shalt  }
0x5d: {  	_ =	shalt  }
0x5e: {  	_ =	shalt  }
0x5f: {  	_ =	shalt  }
0x60: {  	_ =	shalt  }
0x61: {  	_ =	shalt  }
0x62: {  	_ =	shalt  }
0x63: {  	_ =	shalt  }
0x64: {  	_ =	shalt  }
0x65: {  	_ =	shalt  }
0x66: {  	_ =	shalt  }
0x67: {  	_ =	shalt  }
0x68: {  	_ =	shalt  }
0x69: {  	_ =	shalt  }
0x6a: {  	_ =	shalt  }
0x6b: {  	_ =	shalt  }
0x6c: {  	_ =	shalt  }
0x6d: {  	_ =	shalt  }
0x6e: {  	_ =	shalt  }
0x6f: {  	_ =	shalt  }
0x70: {  	_ =	shalt  }
0x71: {  	_ =	shalt  }
0x72: {  	_ =	shalt  }
0x73: {  	_ =	shalt  }
0x74: {  	_ =	shalt  }
0x75: {  	_ =	shalt  }
0x76: {  	_ =	shalt  }
0x77: {  	_ =	shalt  }
0x78: {  	_ =	shalt  }
0x79: {  	_ =	shalt  }
0x7a: {  	_ =	shalt  }
0x7b: {  	_ =	shalt  }
0x7c: {  	_ =	shalt  }
0x7d: {  	_ =	shalt  }
0x7e: {  	_ =	shalt  }
0x7f: {  	_ =	shalt  }
0x80: {  	_ =	shalt  }
0x81: {  	_ =	shalt  }
0x82: {  	_ =	shalt  }
0x83: {  	_ =	shalt  }
0x84: {  	_ =	shalt  }
0x85: {  	_ =	shalt  }
0x86: {  	_ =	shalt  }
0x87: {  	_ =	shalt  }
.Lfunc_end0:
.L_simem_size_0:
called_computation.1_lowered:
.L_overlay_start_0:
0x88: {  	s2 =	sld [smem:$0x3FD9]  }
0x89: {  	s3 =	sld [smem:$0x3FFE];
	_ =	sdelay $0x1  }
0x8a: {  	s1 =	srdreg.scid  }
0x8b: {  	s0 =	sand.u32 $0x1, s1  }
0x8c: {  	s17 =	sshll.u32 s0, $0xA;
	s2 =	sadd.s32 s3, s2  }
0x8d: {  	s2 =	sadd.s32 s2, s17  }
0x8e: {  	[smem:$0x3FC2] =	sst s2  }
0x8f: {  	_ = 	snop  }
0x90: {  	s2 =	sld [smem:$0x3FD0];
	(tm) =	ssettm $0x1  }
0x91: {  	s18 =	sld [smem:$0x3FFB];
	_ =	sdelay $0x3  }
0x92: {  	_ =	strace s18  }
0x93: {  	s3 =	sld [smem:$0x3FFC];
	_ =	sdelay $0x3  }
0x94: {  	_ =	strace s3  }
0x95: {  	s3 =	sld [smem:$0x3FFD];
	_ =	sdelay $0x3  }
0x96: {  	_ =	strace s3  }
0x97: {  	_ =	strace $0x8FFFFFFF  }
0x98: {  	s19 =	sld [smem:$0x3FDB];
	_ =	sdelay $0x1  }
0x99: {  	s4 =	simm.s32 $_scs_section_size  }
0x9a: {  	s5 =	simm.s32 $_size__tile_overlayer_lowered;
	s6 =	simm.s32 $_tile_overlayer_lowered  }
0x9b: {  	s22 =	simm.s32 $0x1BFF;
	s21 =	sshll.u32 s6, $0x1;
	s3 =	sadd.s32 s4, s19  }
0x9c: {  	s7 =	simm.s32 $0x0;
	s20 =	sshll.u32 s5, $0x1;
	s5 =	sadd.s32 s21, s3  }
0x9d: {  	[timem:s7], [sflag:s22] =	dma.local [hbm:s5], s20  }
0x9e: {  	_ =	swait.ge [sflag:s22], s20  }
0x9f: {  	s4 =	ssub.s32 $0x0, s20;
	[sflag:s22] =	ssyncset.done $0x0  }
0xa0: {  	[sflag:s22] =	ssyncadd.s32 s4;
	_ =	sdelay $0x1  }
0xa1: {  	s23 =	simm.s32 $0x1B8B  }
0xa2: {  	_ =	swait.ge [sflag:s23], $0x1  }
0xa3: {  	[sflag:s23] =	ssyncset.done $0x0  }
0xa4: {  	s25 =	simm.s32 $0x1B8E;
	s24 =	sld [smem:$0x3FFE];
	[sflag:s23] =	ssyncadd.s32 $0xFFFFFFFF  }
0xa5: {  	s26 =	simm.s32 $execute0_lowered;
	[smem:$0x3FD2] =	sst s25  }
0xa6: {  	s5 =	sshll.u32 s26, $0x1;
	_ =	strace $0x80000049;
	[dreg:$0x1] =	wrdreg $0xFFFFFFFF  }
0xa7: {  	s28 =	simm.s32 $_size_execute0_lowered;
	s3 =	sadd.s32 s3, s5;
	[dreg:$0x0] =	wrdreg $0x0  }
0xa8: {  	s5 =	sshll.u32 s28, $0x1;
	[dreg:$0x2] =	wrdreg s3  }
0xa9: {  	[dreg:$0x3] =	wrdreg s5  }
0xaa: {  	[dreg:$0x4] =	wrdreg $0xC0  }
0xab: {  	_ =	task [dreg:s7], $0x5FFFF  }
0xac: {  	[dreg:$0x1] =	wrdreg $0xFFFFFFFF  }
0xad: {  	[dreg:$0x0] =	wrdreg $0x60  }
0xae: {  	[dreg:$0x2] =	wrdreg s2  }
0xaf: {  	[dreg:$0x3] =	wrdreg s24  }
0xb0: {  	[dreg:$0x4] =	wrdreg $0x63000  }
0xb1: {  	[dreg:$0x5] =	wrdreg $0xB2000  }
0xb2: {  	[dreg:$0x6] =	wrdreg $0x9  }
0xb3: {  	_ =	task.clear_ibuf [dreg:s7], $0x7FFFF;
	_ =	strace $0x90000049  }
0xb4: {  	s29 =	simm.s32 $0x9;
	_ =	strace $0x8000004B  }
0xb5: {  	_ =	swait.ge [sflag:s29], $0x1  }
0xb6: {  	[sflag:s29] =	ssyncadd.s32 $0xFFFFFFFF  }
0xb7: {  	_ =	strace $0x9000004B  }
0xb8: {  	_ =	sfence  }
0xb9: {  	s30 =	sld [smem:$0x0];
	_ =	sdelay $0x2  }
0xba: {  	s31 =	sshll.u32 s1, $0xD;
	s1 =	sshrl.u32 s1, $0x2  }
0xbb: {  	s3 =	sand.u32 $0x4000, s31;
	s1 =	sadd.s32 s1, s30  }
0xbc: {  	s0 =	sor.u32 s3, s0;
	s1 =	sshll.u32 s1, $0x11  }
0xbd: {  	s0 =	sor.u32 s1, s0  }
0xbe: {  	s0 =	sadd.s32 $0x8F2B, s0  }
0xbf: {  	[sflag:s0] =	ssyncadd.remote.s32 $0x1  }
0xc0: {  	_ =	sfence.sel $0xFFFF  }
0xc1: {  	[dreg:$0x0] =	wrdreg $0xFFFFFFFF;
	(pc) =	sbr.abs _section_cstart, $3  }
0xc2: {  	[dreg:$0x1] =	wrdreg $0xFFFFFFFF  }
0xc3: {  	_ =	task.clear_ibuf [dreg:s7], $0x2FFFF;
	_ =	strace $0x9FFFFFFF  }
0xc4: {  	(tm) =	ssettm $0x7FFFFFFF  }
0xc5: {  	_ =	shalt  }
tec
execute0_lowered:
.L_overlay_start_1:
0x0: {  	(tag) =	ssettag $0x1  }
0x1: {  	s0 =	rddreg [dreg:$0x0]  }
0x2: {  	s1 =	rddreg [dreg:$0x1]  }
0x3: {  	s2 =	rddreg [dreg:$0x2]  }
0x4: {  	s4 =	srdreg.scid;
	s13 =	stileid.u32  }
0x5: {  	s3 =	rddreg [dreg:$0x3];
	s9 =	smul.u32 $0x9E00, s13  }
0x6: {  	s28 =	simm.s32 $0x1;
	s29 =	simm.s32 $0x2;
	s11 =	smul.u32 $0x4F00, s13  }
0x7: {  	s30 =	simm.s32 $0x4;
	s31 =	simm.s32 $0x4000;
	s12 =	smul.u32 $0x27800, s13  }
0x8: {  	s7 =	sand.u32 $0x1, s4;
	s4 =	simm.s32 $0x0;
	s19 =	smul.u32 $0xA20, s13  }
0x9: {  	s16 =	sshll.u32 s13, $0x6;
	s5 =	smul.u32 $0x9E000, s7;
	[smem:$0x7FF] =	sst s4  }
0xa: {  	s8 =	smul.u32 $0x4F000, s7;
	s7 =	ssub.s32 $0x2, s7;
	_ =	strace $0x8000004A  }
0xb: {  	s14 =	sshrl.u32 s7, $0x1;
	s15 =	sadd.s32 s11, s2;
	s17 =	sshrl.u32 s12, $0x2  }
0xc: {  	s6 =	sadd.s32 s9, s5;
	s5 =	sadd.s32 $0xC000, s1;
	s8 =	sadd.s32 s11, s8  }
0xd: {  	s7 =	ssub.s32 s7, s14;
	s18 =	sadd.s32 s17, s3;
	s9 =	sadd.s32 s9, s3  }
0xe: {  	s10 =	sshrl.u32 s6, $0x3;
	s6 =	sadd.s32 $0x1C00, s1;
	s20 =	sadd.s32 $0x2000, s18  }
0xf: {  	s8 =	sshrl.u32 s8, $0x3;
	s21 =	sadd.s32 $0x4000, s18;
	[dreg:$0x6] =	wrdreg s20  }
0x10: {  	s22 =	sadd.s32 $0x6000, s18;
	s23 =	sadd.s32 s5, s19;
	[dreg:$0x7] =	wrdreg s21  }
0x11: {  	s26 =	smax.u32 s7, $0x1;
	s1 =	sadd.s32 s10, s1;
	[dreg:$0x8] =	wrdreg s22  }
0x12: {  	s0 =	sadd.s32 s0, s8;
	s8 =	sor.u32 $0x1C05, s16;
	[dreg:$0xa] =	wrdreg s23  }
0x13: {  	s24 =	sadd.s32 s6, s19;
	s16 =	smul.u32 $0x5100, s13;
	[dreg:$0xd] =	wrdreg s26  }
0x14: {  	s19 =	sshrl.u32 s15, $0x3;
	s20 =	simm.s32 $0x5;
	s21 =	simm.s32 $0x2000  }
0x15: {  	s22 =	simm.s32 $0x6000;
	s26 =	simm.s32 $0x1000;
	[dreg:$0x5] =	wrdreg s0  }
0x16: {  	s0 =	sadd.s32 $0x8000, s18;
	[dreg:$0xb] =	wrdreg s24;
	s25 =	sadd.s32 $0x16400, s1  }
0x17: {  	s24 =	simm.s32 $0x80;
	s1 =	simm.s32 $0x3;
	[dreg:$0x9] =	wrdreg s0  }
0x18: {  	v0 =	vimm.f32 $0.0e+00;
	[dreg:$0xc] =	wrdreg s25;
	s25 =	simm.s32 $0x6080;
	s0 =	simm.s32 $0x0  }
.LBB2_1:
0x19: {  	s7 =	rddreg [dreg:$0x5]  }
0x1a: {  	[spmem:s19], [sflag:s8] =	dma.local [hbm:s7], $0x9E0  }
0x1b: {  	_ =	swait.ge [sflag:s20], $0x9E0  }
0x1c: {  	[sflag:s20] =	ssyncset.done $0x0  }
0x1d: {  	s10 =	simm.s32 $0x100;
	s7 =	simm.s32 $0x0;
	[sflag:s20] =	ssyncadd.s32 $0xFFFFF620  }
.LBB2_2:
0x1e: {  	p0 =	sne.s32 s10, $0x7F00;
	[tilespmem:s7+$0x2030] =	vst v0;
	s11 =	smov.u32 s10;
	s10 =	sadd.s32 $0x100, s10  }
.Ltmp0:
0x1f: {  	[tilespmem:s7+$0x2020] =	vst v0;
	(pc) =	sbr.rel @p0 .LBB2_2-.Ltmp0, $3  }
0x20: {  	[tilespmem:s7+$0x2000] =	vst v0  }
0x21: {  	[tilespmem:s7+$0x2010] =	vst v0;
	_ =	sdelay $0x1  }
0x22: {  	s7 =	sshra.s32 s11, $0x2  }
0x23: {  	[tilespmem:s7+$0x2030] =	vst v0  }
0x24: {  	[tilespmem:s7+$0x2020] =	vst v0  }
0x25: {  	[tilespmem:s7+$0x2000] =	vst v0  }
0x26: {  	[tilespmem:s7+$0x2010] =	vst v0  }
0x27: {  	[spmem:s9] =	stream.linear.scatter [tilespmem:s21], [sflag:$0x5], $0x2000, $0x38;
	[tilespmem:$0x15000] =	vst v63  }
0x28: {  	_ =	swait.ge [sflag:s20], $0x2000  }
0x29: {  	[sflag:s20] =	ssyncset.done $0x0  }
0x2a: {  	s12 =	rddreg [dreg:$0x6];
	[sflag:s20] =	ssyncadd.s32 $0xFFFFE000  }
0x2b: {  	[spmem:s12] =	stream.linear.scatter [tilespmem:s21], [sflag:$0x5], $0x2000, $0x38;
	[tilespmem:$0x15000] =	vst v63  }
0x2c: {  	_ =	swait.ge [sflag:s20], $0x2000  }
0x2d: {  	[sflag:s20] =	ssyncset.done $0x0  }
0x2e: {  	s13 =	rddreg [dreg:$0x7];
	[sflag:s20] =	ssyncadd.s32 $0xFFFFE000  }
0x2f: {  	[spmem:s13] =	stream.linear.scatter [tilespmem:s21], [sflag:$0x5], $0x2000, $0x38;
	[tilespmem:$0x15000] =	vst v63  }
0x30: {  	_ =	swait.ge [sflag:s20], $0x2000  }
0x31: {  	[sflag:s20] =	ssyncset.done $0x0  }
0x32: {  	s14 =	rddreg [dreg:$0x8];
	[sflag:s20] =	ssyncadd.s32 $0xFFFFE000  }
0x33: {  	[spmem:s14] =	stream.linear.scatter [tilespmem:s21], [sflag:$0x5], $0x2000, $0x38;
	[tilespmem:$0x15000] =	vst v63  }
0x34: {  	_ =	swait.ge [sflag:s20], $0x2000  }
0x35: {  	[sflag:s20] =	ssyncset.done $0x0  }
0x36: {  	s15 =	rddreg [dreg:$0x9];
	[sflag:s20] =	ssyncadd.s32 $0xFFFFE000  }
0x37: {  	[spmem:s15] =	stream.linear.scatter [tilespmem:s21], [sflag:$0x5], $0x1E00, $0x38;
	[tilespmem:$0x15000] =	vst v63  }
0x38: {  	_ =	swait.ge [sflag:s20], $0x1E00  }
0x39: {  	[sflag:s20] =	ssyncset.done $0x0  }
0x3a: {  	[sflag:s20] =	ssyncadd.s32 $0xFFFFE200  }
0x3b: {  	[bflag:$0x0] =	sbarrier.arrive $0xFFFF  }
0x3c: {  	s23 =	simm.s32 $0x0;
	s17 =	rddreg [dreg:$0xa]  }
0x3d: {  	[tilespmem:s22], [sflag:$0x5] =	stream.linear.gather [hbm4b:s17+s23], $0x80, $0x38;
	[tilespmem:$0x15000] =	vst v63  }
0x3e: {  	_ =	swait.ge [sflag:s20], $0x80  }
0x3f: {  	[sflag:s20] =	ssyncset.done $0x0  }
0x40: {  	s10 =	simm.s32 $0x6100;
	s18 =	rddreg [dreg:$0xb];
	[sflag:s20] =	ssyncadd.s32 $0xFFFFFF80  }
0x41: {  	[tilespmem:s10], [sflag:$0x5] =	stream.linear.gather [hbm4b:s18+s23], $0x80, $0x38;
	[tilespmem:$0x15000] =	vst v63  }
0x42: {  	_ =	swait.ge [sflag:s20], $0x80  }
0x43: {  	[sflag:s20] =	ssyncset.done $0x0  }
0x44: {  	[sflag:s20] =	ssyncadd.s32 $0xFFFFFF80  }
0x45: {  	[tilespmem:s23], [sflag:$0x1] =	stream.indirect.gather [spmem:s2], $0x20, s22, s24, $0xb8;
	[tilespmem:$0x15000] =	vst v63  }
.LBB2_4:
0x46: {  	s7 =	sshll.u32 s23, $0x8  }
0x47: {  	s7 =	sadd.s32 s16, s7  }
0x48: {  	s10 =	sshrl.u32 s7, $0x3  }
0x49: {  	s12 =	sor.u32 $0x10, s10  }
0x4a: {  	s17 =	sadd.s32 s5, s12  }
0x4b: {  	[tilespmem:s25], [sflag:$0x5] =	stream.linear.gather [hbm4b:s17+s4], $0x80, $0x38;
	[tilespmem:$0x15000] =	vst v63  }
0x4c: {  	s18 =	sshll.u32 s23, $0x7;
	_ =	swait.ge [sflag:s20], $0x80  }
0x4d: {  	s11 =	sand.u32 $0x80, s18;
	[sflag:s20] =	ssyncset.done $0x0  }
0x4e: {  	s7 =	sor.u32 $0x6200, s11;
	s12 =	sadd.s32 s6, s12;
	[sflag:s20] =	ssyncadd.s32 $0xFFFFFF80  }
0x4f: {  	[tilespmem:s7], [sflag:$0x5] =	stream.linear.gather [hbm4b:s12+s4], $0x80, $0x38;
	[tilespmem:$0x15000] =	vst v63  }
0x50: {  	_ =	swait.ge [sflag:s20], $0x80  }
0x51: {  	[sflag:s20] =	ssyncset.done $0x0  }
0x52: {  	[sflag:s20] =	ssyncadd.s32 $0xFFFFFF80  }
0x53: {  	[tilespmem:s26], [sflag:$0x2] =	stream.indirect.gather [spmem:s2], $0x20, s25, s24, $0xb8;
	[tilespmem:$0x15000] =	vst v63  }
0x54: {  	_ =	swait.ge [sflag:s28], $0x1000  }
0x55: {  	p0 =	seq.s32 s23, $0x0;
	[sflag:s28] =	ssyncset.done $0x0  }
0x56: {  	s12 =	simm.s32 @!p0 $0x3;
	[sflag:s28] =	ssyncadd.s32 $0xFFFFF000  }
0x57: {  	_ =	swait.ge @!p0 [sflag:s12], $0x2000  }
0x58: {  	[sflag:s12] =	ssyncset.done @!p0 $0x0  }
0x59: {  	s14 =	simm.s32 $0x80;
	[sflag:s12] =	ssyncadd.s32 @!p0 $0xFFFFE000  }
0x5a: {  	v1 =	vld [tilespmem:s14+$0x60]  }
0x5b: {  	v2 =	vld [tilespmem:s14+$0xFFFFFF80]  }
0x5c: {  	v3 =	vld [tilespmem:s14+$0xFFFFFFA0]  }
0x5d: {  	v4 =	vld [tilespmem:s14+$0xFFFFFFC0]  }
0x5e: {  	v5 =	vld [tilespmem:s14+$0xFFFFFFE0]  }
0x5f: {  	s15 =	simm.s32 $0x180  }
0x60: {  	v15 =	vld [tilespmem:s15+$0xFFFFFFA0]  }
0x61: {  	v6 =	vshll.u32 v1, $0x10  }
0x62: {  	v1 =	vshra.s32 v1, $0x10;
	v7 =	vshll.u32 v2, $0x10;
	v9 =	vshll.u32 v3, $0x10  }
0x63: {  	v18 =	vld [tilespmem:s15+$0xFFFFFFE0];
	v10 =	vshll.u32 v4, $0x10;
	v11 =	vshll.u32 v5, $0x10;
	v2 =	vshra.s32 v2, $0x10  }
0x64: {  	v4 =	vshra.s32 v4, $0x10;
	v5 =	vshra.s32 v5, $0x10;
	v1 =	vcvt.s32.f32 v1  }
0x65: {  	s12 =	simm.s32 $0x2100;
	v24 =	vshll.u32 v15, $0x10;
	v6 =	vshra.s32 v6, $0x10;
	v4 =	vcvt.s32.f32 v4  }
0x66: {  	v8 =	vld [tilespmem:s14+$0x0];
	v7 =	vshra.s32 v7, $0x10;
	v10 =	vshra.s32 v10, $0x10;
	v6 =	vcvt.s32.f32 v6;
	[tilespmem:s12+$0xE0] =	vst v1  }
0x67: {  	v15 =	vshra.s32 v15, $0x10;
	v10 =	vcvt.s32.f32 v10;
	v1 =	vcvt.s32.f32 v7;
	v7 =	vld [tilespmem:s14+$0x20];
	[tilespmem:s12+$0xFFFFFFA0] =	vst v4  }
0x68: {  	v25 =	vshll.u32 v18, $0x10;
	v18 =	vshra.s32 v18, $0x10;
	v9 =	vshra.s32 v9, $0x10;
	v4 =	vld [tilespmem:s15+$0x60];
	[tilespmem:s12+$0xC0] =	vst v6  }
0x69: {  	v11 =	vshra.s32 v11, $0x10;
	v2 =	vcvt.s32.f32 v2;
	v6 =	vcvt.s32.f32 v9;
	v9 =	vld [tilespmem:s14+$0x40];
	[tilespmem:s12+$0xFFFFFF80] =	vst v10  }
0x6a: {  	v5 =	vcvt.s32.f32 v5;
	v63 =	vcvt.s32.f32 v18;
	[tilespmem:s12+$0xFFFFFF00] =	vst v1;
	v1 =	vshra.s32 v3, $0x10  }
0x6b: {  	v3 =	vcvt.s32.f32 v11;
	v11 =	vld [tilespmem:s14+$0x70];
	[tilespmem:s12+$0xFFFFFF40] =	vst v6;
	v6 =	vshll.u32 v8, $0x10;
	v8 =	vshra.s32 v8, $0x10  }
0x6c: {  	[tilespmem:s12+$0xFFFFFF20] =	vst v2;
	v12 =	vld [tilespmem:s14+$0xFFFFFFD0];
	v1 =	vcvt.s32.f32 v1;
	v6 =	vshra.s32 v6, $0x10;
	v8 =	vcvt.s32.f32 v8  }
0x6d: {  	[tilespmem:s12+$0xFFFFFFC0] =	vst v3;
	v3 =	vshll.u32 v7, $0x10;
	v6 =	vcvt.s32.f32 v6;
	v17 =	vshll.u32 v4, $0x10  }
0x6e: {  	[tilespmem:s12+$0xFFFFFFE0] =	vst v5;
	v10 =	vld [tilespmem:s14+$0xFFFFFF90];
	v4 =	vshra.s32 v4, $0x10;
	v2 =	vshra.s32 v3, $0x10;
	v3 =	vshll.u32 v9, $0x10  }
0x6f: {  	[tilespmem:s12+$0xFFFFFF60] =	vst v1;
	v17 =	vshra.s32 v17, $0x10;
	v4 =	vcvt.s32.f32 v4;
	v1 =	vshra.s32 v3, $0x10  }
0x70: {  	v16 =	vld [tilespmem:s15+$0xFFFFFFC0];
	[tilespmem:s12+$0x20] =	vst v8;
	v3 =	vshra.s32 v7, $0x10;
	v7 =	vshra.s32 v9, $0x10;
	v9 =	vshll.u32 v11, $0x10  }
0x71: {  	s13 =	simm.s32 $0x2300;
	v23 =	vld [tilespmem:s15+$0x20];
	[tilespmem:s12+$0x0] =	vst v6;
	v2 =	vcvt.s32.f32 v2;
	v19 =	vshll.u32 v12, $0x10;
	v17 =	vcvt.s32.f32 v17  }
0x72: {  	v6 =	vld [tilespmem:s14+$0xFFFFFFB0];
	v20 =	vshra.s32 v12, $0x10;
	v9 =	vshra.s32 v9, $0x10;
	v1 =	vcvt.s32.f32 v1;
	[tilespmem:s13+$0xE0] =	vst v4  }
0x73: {  	v12 =	vld [tilespmem:s15+$0xFFFFFF80];
	v3 =	vcvt.s32.f32 v3;
	v7 =	vcvt.s32.f32 v7;
	v13 =	vshll.u32 v10, $0x10;
	[tilespmem:s13+$0xC0] =	vst v17  }
0x74: {  	v10 =	vshra.s32 v10, $0x10;
	v5 =	vcvt.s32.f32 v9;
	v9 =	vshra.s32 v11, $0x10;
	v11 =	vld [tilespmem:s14+$0xFFFFFFF0];
	[tilespmem:s12+$0x40] =	vst v2  }
0x75: {  	v19 =	vshra.s32 v19, $0x10;
	v13 =	vshra.s32 v13, $0x10;
	v17 =	vshra.s32 v24, $0x10;
	v2 =	vld [tilespmem:s15+$0x40];
	[tilespmem:s12+$0x80] =	vst v1  }
0x76: {  	v8 =	vcvt.s32.f32 v9;
	v9 =	vld [tilespmem:s14+$0x10];
	v1 =	vshra.s32 v16, $0x10;
	[tilespmem:s12+$0xA0] =	vst v7;
	v7 =	vshll.u32 v23, $0x10  }
0x77: {  	v59 =	vld [tilespmem:s15+$0x70];
	v17 =	vcvt.s32.f32 v17;
	v29 =	vcvt.s32.f32 v13;
	v7 =	vshra.s32 v7, $0x10  }
0x78: {  	v1 =	vcvt.s32.f32 v1;
	v14 =	vshll.u32 v6, $0x10;
	v60 =	vshll.u32 v12, $0x10  }
0x79: {  	v12 =	vshra.s32 v12, $0x10;
	v7 =	vcvt.s32.f32 v7;
	v14 =	vshra.s32 v14, $0x10  }
0x7a: {  	[tilespmem:s12+$0x60] =	vst v3;
	v12 =	vcvt.s32.f32 v12;
	v21 =	vshll.u32 v11, $0x10;
	v22 =	vshra.s32 v11, $0x10  }
0x7b: {  	[tilespmem:s12+$0xF0] =	vst v8;
	v11 =	vld [tilespmem:s15+$0x0];
	v8 =	vshll.u32 v2, $0x10;
	v2 =	vshra.s32 v2, $0x10;
	v4 =	vshra.s32 v21, $0x10  }
0x7c: {  	[tilespmem:s12+$0xD0] =	vst v5;
	v21 =	vshll.u32 v9, $0x10;
	v26 =	vshll.u32 v59, $0x10;
	v8 =	vshra.s32 v8, $0x10  }
0x7d: {  	[tilespmem:s13+$0xFFFFFF40] =	vst v17;
	v5 =	vshra.s32 v21, $0x10;
	v61 =	vshra.s32 v26, $0x10;
	v8 =	vcvt.s32.f32 v8  }
0x7e: {  	[tilespmem:s13+$0xFFFFFF20] =	vst v12;
	v21 =	vshll.u32 v16, $0x10;
	v16 =	vshra.s32 v25, $0x10;
	v17 =	vcvt.s32.f32 v61  }
0x7f: {  	v62 =	vld [tilespmem:s14+$0x30];
	v18 =	vcvt.s32.f32 v14;
	v21 =	vshra.s32 v21, $0x10;
	v16 =	vcvt.s32.f32 v16;
	[tilespmem:s13+$0x80] =	vst v8  }
0x80: {  	v2 =	vcvt.s32.f32 v2;
	v21 =	vcvt.s32.f32 v21;
	v3 =	vshll.u32 v11, $0x10;
	[tilespmem:s13+$0xD0] =	vst v17  }
0x81: {  	v17 =	vshra.s32 v23, $0x10;
	v23 =	vcvt.s32.f32 v15;
	[tilespmem:s13+$0xFFFFFFC0] =	vst v16;
	v3 =	vshra.s32 v3, $0x10  }
0x82: {  	v12 =	vcvt.s32.f32 v10;
	v25 =	vshra.s32 v60, $0x10;
	[tilespmem:s13+$0xFFFFFF80] =	vst v21;
	v3 =	vcvt.s32.f32 v3  }
0x83: {  	v25 =	vcvt.s32.f32 v25;
	v8 =	vcvt.s32.f32 v22;
	v11 =	vshra.s32 v11, $0x10;
	v21 =	vld [tilespmem:s14+$0x50];
	[tilespmem:s13+$0xFFFFFF60] =	vst v23  }
0x84: {  	v16 =	vcvt.s32.f32 v4;
	v15 =	vcvt.s32.f32 v5;
	[tilespmem:s13+$0x0] =	vst v3;
	v3 =	vshll.u32 v62, $0x10  }
0x85: {  	[tilespmem:s13+$0xFFFFFF00] =	vst v25;
	v5 =	vshra.s32 v9, $0x10;
	v9 =	vcvt.s32.f32 v20;
	v30 =	vld [tilespmem:s15+$0xFFFFFFB0];
	v3 =	vshra.s32 v3, $0x10  }
0x86: {  	[tilespmem:s13+$0xFFFFFFE0] =	vst v63;
	v6 =	vshra.s32 v6, $0x10;
	v27 =	vcvt.s32.f32 v11;
	v14 =	vcvt.s32.f32 v3;
	v3 =	vld [tilespmem:s15+$0xFFFFFF90]  }
0x87: {  	[tilespmem:s13+$0xFFFFFFA0] =	vst v1;
	v1 =	vshra.s32 v62, $0x10;
	v28 =	vcvt.s32.f32 v17;
	v17 =	vcvt.s32.f32 v19  }
0x88: {  	[tilespmem:s13+$0x40] =	vst v7;
	v11 =	vcvt.s32.f32 v6;
	v6 =	vld [tilespmem:s15+$0xFFFFFFD0];
	v7 =	vshll.u32 v21, $0x10;
	v10 =	vshra.s32 v21, $0x10  }
0x89: {  	v19 =	vld [tilespmem:s15+$0xFFFFFFF0];
	[tilespmem:s13+$0x20] =	vst v27;
	v4 =	vshra.s32 v7, $0x10;
	v7 =	vcvt.s32.f32 v5;
	v5 =	vcvt.s32.f32 v1  }
0x8a: {  	[tilespmem:s13+$0x60] =	vst v28;
	v20 =	vld [tilespmem:s15+$0x10];
	v10 =	vcvt.s32.f32 v10;
	v13 =	vcvt.s32.f32 v4;
	v4 =	vshra.s32 v59, $0x10  }
0x8b: {  	s18 =	simm.s32 $0x280;
	[tilespmem:s13+$0xA0] =	vst v2;
	v21 =	vld [tilespmem:s15+$0x30];
	v23 =	vshll.u32 v30, $0x10;
	v2 =	vshra.s32 v30, $0x10;
	v22 =	vshll.u32 v3, $0x10  }
0x8c: {  	s17 =	simm.s32 $0x8;
	[tilespmem:s12+$0xFFFFFF10] =	vst v29;
	s14 =	sor.u32 $0x6100, s11;
	v4 =	vcvt.s32.f32 v4;
	v1 =	vshra.s32 v3, $0x10;
	v3 =	vshra.s32 v22, $0x10;
	v22 =	vld [tilespmem:s15+$0x50];
	s15 =	simm.s32 $0x2300  }
.LBB2_5:
0x8d: {  	v24 =	vld [tilespmem:s18+$0x60];
	s17 =	sadd.s32 $0x8, s17;
	v23 =	vshra.s32 v23, $0x10;
	v25 =	vshll.u32 v6, $0x10;
	v6 =	vshra.s32 v6, $0x10;
	[tilespmem:s12+$0xFFFFFF50] =	vst v18  }
0x8e: {  	v18 =	vld [tilespmem:s18+$0xFFFFFFA0];
	p1 =	slt.u32 s17, $0x78;
	v25 =	vshra.s32 v25, $0x10;
	v26 =	vshll.u32 v19, $0x10;
	v19 =	vshra.s32 v19, $0x10;
	[tilespmem:s12+$0xFFFFFF90] =	vst v17  }
0x8f: {  	v17 =	vld [tilespmem:s18+$0xFFFFFFC0];
	v26 =	vshra.s32 v26, $0x10;
	v27 =	vshll.u32 v20, $0x10;
	v20 =	vshra.s32 v20, $0x10;
	[tilespmem:s12+$0xFFFFFFD0] =	vst v16  }
0x90: {  	v16 =	vld [tilespmem:s18+$0xFFFFFFE0];
	v27 =	vshra.s32 v27, $0x10;
	v28 =	vshll.u32 v21, $0x10;
	v21 =	vshra.s32 v21, $0x10;
	[tilespmem:s12+$0x10] =	vst v15  }
0x91: {  	v15 =	vld [tilespmem:s18+$0x0];
	v28 =	vshra.s32 v28, $0x10;
	v29 =	vshll.u32 v22, $0x10;
	v22 =	vshra.s32 v22, $0x10;
	[tilespmem:s12+$0x50] =	vst v14  }
0x92: {  	v14 =	vld [tilespmem:s18+$0x20];
	v30 =	vshll.u32 v24, $0x10;
	v24 =	vshra.s32 v24, $0x10;
	v29 =	vshra.s32 v29, $0x10;
	[tilespmem:s12+$0x90] =	vst v13  }
0x93: {  	v13 =	vshll.u32 v18, $0x10;
	v31 =	vld [tilespmem:s18+$0x40];
	v30 =	vshra.s32 v30, $0x10;
	v24 =	vcvt.s32.f32 v24;
	[tilespmem:s12+$0xFFFFFF30] =	vst v12  }
0x94: {  	s13 =	sadd.s32 $0x200, s13;
	v12 =	vld [tilespmem:s18+$0xFFFFFF80];
	v13 =	vshra.s32 v13, $0x10;
	v32 =	vshll.u32 v17, $0x10;
	v30 =	vcvt.s32.f32 v30;
	[tilespmem:s12+$0xFFFFFF70] =	vst v11  }
0x95: {  	v11 =	vshra.s32 v18, $0x10;
	v18 =	vshra.s32 v32, $0x10;
	v32 =	vshll.u32 v16, $0x10;
	[tilespmem:s13+$0xE0] =	vst v24  }
0x96: {  	v17 =	vshra.s32 v17, $0x10;
	v24 =	vshra.s32 v32, $0x10;
	v32 =	vshll.u32 v15, $0x10;
	[tilespmem:s13+$0xC0] =	vst v30  }
0x97: {  	v16 =	vshra.s32 v16, $0x10;
	v30 =	vshra.s32 v32, $0x10;
	v32 =	vshll.u32 v14, $0x10;
	v33 =	vld [tilespmem:s18+$0x70];
	[tilespmem:s12+$0xFFFFFFB0] =	vst v9  }
0x98: {  	v9 =	vshra.s32 v15, $0x10;
	v15 =	vshra.s32 v32, $0x10;
	v32 =	vshll.u32 v31, $0x10;
	[tilespmem:s12+$0xFFFFFFF0] =	vst v8  }
0x99: {  	v8 =	vshll.u32 v12, $0x10;
	v12 =	vshra.s32 v12, $0x10;
	v32 =	vshra.s32 v32, $0x10;
	[tilespmem:s12+$0x30] =	vst v7  }
0x9a: {  	v7 =	vshra.s32 v8, $0x10;
	v8 =	vshra.s32 v14, $0x10;
	v14 =	vshra.s32 v31, $0x10;
	[tilespmem:s12+$0x70] =	vst v5  }
0x9b: {  	v5 =	vcvt.s32.f32 v7;
	v7 =	vcvt.s32.f32 v13;
	[tilespmem:s12+$0xB0] =	vst v10;
	s12 =	smov.u32 s15;
	s15 =	smov.u32 s13  }
0x9c: {  	v10 =	vcvt.s32.f32 v18;
	v13 =	vcvt.s32.f32 v24;
	v18 =	vshll.u32 v33, $0x10;
	[tilespmem:s12+$0xF0] =	vst v4  }
0x9d: {  	v4 =	vcvt.s32.f32 v30;
	[tilespmem:s13+$0xFFFFFF00] =	vst v5;
	v5 =	vcvt.s32.f32 v15;
	v15 =	vshra.s32 v18, $0x10  }
0x9e: {  	v24 =	vshra.s32 v33, $0x10;
	[tilespmem:s13+$0xFFFFFF40] =	vst v7;
	v7 =	vcvt.s32.f32 v32;
	v15 =	vcvt.s32.f32 v15  }
0x9f: {  	v11 =	vcvt.s32.f32 v11;
	v12 =	vcvt.s32.f32 v12;
	[tilespmem:s13+$0xFFFFFF80] =	vst v10  }
0xa0: {  	v30 =	vcvt.s32.f32 v16;
	v10 =	vcvt.s32.f32 v17;
	[tilespmem:s13+$0xD0] =	vst v15  }
0xa1: {  	v31 =	vcvt.s32.f32 v9;
	v32 =	vcvt.s32.f32 v8;
	[tilespmem:s13+$0xFFFFFFC0] =	vst v13  }
0xa2: {  	v34 =	vcvt.s32.f32 v3;
	v33 =	vcvt.s32.f32 v14;
	[tilespmem:s13+$0x0] =	vst v4  }
0xa3: {  	v18 =	vcvt.s32.f32 v23;
	v17 =	vcvt.s32.f32 v25;
	[tilespmem:s13+$0x40] =	vst v5  }
0xa4: {  	v16 =	vcvt.s32.f32 v26;
	v15 =	vcvt.s32.f32 v27;
	[tilespmem:s13+$0x80] =	vst v7  }
0xa5: {  	v14 =	vcvt.s32.f32 v28;
	v13 =	vcvt.s32.f32 v29;
	[tilespmem:s13+$0xFFFFFF20] =	vst v12  }
0xa6: {  	v12 =	vcvt.s32.f32 v1;
	v3 =	vld [tilespmem:s18+$0xFFFFFF90];
	[tilespmem:s13+$0xFFFFFF60] =	vst v11;
	v11 =	vcvt.s32.f32 v2  }
0xa7: {  	v9 =	vcvt.s32.f32 v6;
	v8 =	vcvt.s32.f32 v19;
	v2 =	vld [tilespmem:s18+$0xFFFFFFB0];
	[tilespmem:s13+$0xFFFFFFA0] =	vst v10  }
.Ltmp1:
0xa8: {  	v5 =	vcvt.s32.f32 v21;
	v7 =	vcvt.s32.f32 v20;
	v6 =	vld [tilespmem:s18+$0xFFFFFFD0];
	[tilespmem:s13+$0xFFFFFFE0] =	vst v30;
	(pc) =	sbr.rel @p1 .LBB2_5-.Ltmp1, $4  }
0xa9: {  	v4 =	vcvt.s32.f32 v24;
	v10 =	vcvt.s32.f32 v22;
	v19 =	vld [tilespmem:s18+$0xFFFFFFF0];
	[tilespmem:s13+$0x20] =	vst v31  }
0xaa: {  	v20 =	vld [tilespmem:s18+$0x10];
	[tilespmem:s13+$0x60] =	vst v32  }
0xab: {  	v22 =	vshll.u32 v3, $0x10;
	v1 =	vshra.s32 v3, $0x10;
	v21 =	vld [tilespmem:s18+$0x30];
	[tilespmem:s13+$0xA0] =	vst v33  }
0xac: {  	v3 =	vshra.s32 v22, $0x10;
	v23 =	vshll.u32 v2, $0x10;
	v2 =	vshra.s32 v2, $0x10;
	v22 =	vld [tilespmem:s18+$0x50];
	s18 =	sadd.s32 $0x100, s18;
	[tilespmem:s12+$0xFFFFFF10] =	vst v34  }
0xad: {  	[tilespmem:s12+$0xFFFFFF50] =	vst v18  }
0xae: {  	[tilespmem:s12+$0xFFFFFF90] =	vst v17  }
0xaf: {  	[tilespmem:s12+$0xFFFFFFD0] =	vst v16  }
0xb0: {  	[tilespmem:s12+$0x10] =	vst v15  }
0xb1: {  	[tilespmem:s12+$0x50] =	vst v14  }
0xb2: {  	[tilespmem:s12+$0x90] =	vst v13  }
0xb3: {  	[tilespmem:s12+$0xFFFFFF30] =	vst v12  }
0xb4: {  	[tilespmem:s12+$0xFFFFFF70] =	vst v11  }
0xb5: {  	[tilespmem:s12+$0xFFFFFFB0] =	vst v9  }
0xb6: {  	[tilespmem:s12+$0xFFFFFFF0] =	vst v8  }
0xb7: {  	[tilespmem:s12+$0x30] =	vst v7  }
0xb8: {  	[tilespmem:s12+$0x70] =	vst v5  }
0xb9: {  	[tilespmem:s12+$0xB0] =	vst v10;
	v3 =	vcvt.s32.f32 v3  }
0xba: {  	[tilespmem:s15+$0xF0] =	vst v4;
	v1 =	vcvt.s32.f32 v1  }
0xbb: {  	v52 =	vshra.s32 v23, $0x10;
	v53 =	vshll.u32 v6, $0x10;
	v2 =	vcvt.s32.f32 v2;
	[tilespmem:s15+$0xFFFFFF10] =	vst v3  }
0xbc: {  	v7 =	vshra.s32 v53, $0x10;
	v54 =	vshll.u32 v19, $0x10;
	v55 =	vcvt.s32.f32 v52;
	[tilespmem:s15+$0xFFFFFF30] =	vst v1  }
0xbd: {  	v56 =	vshra.s32 v54, $0x10;
	v7 =	vcvt.s32.f32 v7;
	[tilespmem:s15+$0xFFFFFF70] =	vst v2  }
0xbe: {  	v57 =	vshll.u32 v20, $0x10;
	v1 =	vshra.s32 v20, $0x10;
	v5 =	vcvt.s32.f32 v56;
	[tilespmem:s15+$0xFFFFFF50] =	vst v55  }
0xbf: {  	v3 =	vshra.s32 v57, $0x10;
	v1 =	vcvt.s32.f32 v1;
	[tilespmem:s15+$0xFFFFFF90] =	vst v7  }
0xc0: {  	v58 =	vshll.u32 v21, $0x10;
	v2 =	vshra.s32 v21, $0x10;
	v3 =	vcvt.s32.f32 v3;
	[tilespmem:s15+$0xFFFFFFD0] =	vst v5  }
0xc1: {  	v59 =	vshra.s32 v58, $0x10;
	v2 =	vcvt.s32.f32 v2;
	[tilespmem:s15+$0x30] =	vst v1  }
0xc2: {  	v60 =	vshll.u32 v22, $0x10;
	v4 =	vcvt.s32.f32 v59;
	[tilespmem:s15+$0x10] =	vst v3;
	v3 =	vshra.s32 v6, $0x10  }
0xc3: {  	v61 =	vshra.s32 v60, $0x10;
	[tilespmem:s15+$0x70] =	vst v2;
	v3 =	vcvt.s32.f32 v3  }
0xc4: {  	p1 =	sne.s32 s23, $0x50;
	v63 =	vshra.s32 v19, $0x10;
	v62 =	vcvt.s32.f32 v61;
	[tilespmem:s15+$0x50] =	vst v4  }
.Ltmp2:
0xc5: {  	v4 =	vcvt.s32.f32 v63;
	[tilespmem:s15+$0xFFFFFFB0] =	vst v3;
	v3 =	vshra.s32 v22, $0x10;
	(pc) =	sbr.rel @p1 .LBB2_8-.Ltmp2, $4  }
0xc6: {  	[tilespmem:s15+$0x90] =	vst v62;
	v3 =	vcvt.s32.f32 v3  }
0xc7: {  	[tilespmem:s15+$0xFFFFFFF0] =	vst v4  }
0xc8: {  	[tilespmem:s15+$0xB0] =	vst v3  }
0xc9: {  	[spmem:s3] =	stream.indirect.scatter.add.f32 [tilespmem:s21], [sflag:$0x3], $0x40, s14, s24, $0xb8;
	[tilespmem:$0x15000] =	vst v63  }
.Ltmp3:
0xca: {  	(pc) =	sbr.rel .LBB2_9-.Ltmp3, $4  }
0xcb: {  	_ = 	snop  }
0xcc: {  	_ =	swait.ge [sflag:s29], $0x1000  }
0xcd: {  	[sflag:s29] =	ssyncset.done $0x0  }
0xce: {  	[sflag:s29] =	ssyncadd.s32 $0xFFFFF000  }
.LBB2_8:
0xcf: {  	s10 =	sadd.s32 $0x20, s10  }
0xd0: {  	s12 =	sadd.s32 s5, s10  }
0xd1: {  	[tilespmem:s22], [sflag:$0x5] =	stream.linear.gather [hbm4b:s12+s4], $0x80, $0x38;
	[tilespmem:$0x15000] =	vst v63  }
0xd2: {  	_ =	swait.ge [sflag:s20], $0x80  }
0xd3: {  	s11 =	sxor.u32 $0x80, s11;
	[sflag:s20] =	ssyncset.done $0x0  }
0xd4: {  	s11 =	sor.u32 $0x6100, s11;
	s10 =	sadd.s32 s6, s10;
	[sflag:s20] =	ssyncadd.s32 $0xFFFFFF80  }
0xd5: {  	[tilespmem:s11], [sflag:$0x5] =	stream.linear.gather [hbm4b:s10+s4], $0x80, $0x38;
	[tilespmem:$0x15000] =	vst v63  }
0xd6: {  	_ =	swait.ge [sflag:s20], $0x80  }
0xd7: {  	[sflag:s20] =	ssyncset.done $0x0  }
.Ltmp4:
0xd8: {  	[sflag:s20] =	ssyncadd.s32 $0xFFFFFF80;
	(pc) =	sbr.rel @p0 .LBB2_10-.Ltmp4, $4  }
0xd9: {  	[tilespmem:s4], [sflag:$0x1] =	stream.indirect.gather [spmem:s2], $0x20, s22, s24, $0xb8;
	[tilespmem:$0x15000] =	vst v63  }
0xda: {  	_ =	swait.ge [sflag:s29], $0x1000  }
0xdb: {  	[sflag:s29] =	ssyncset.done $0x0  }
0xdc: {  	[sflag:s29] =	ssyncadd.s32 $0xFFFFF000  }
.LBB2_9:
0xdd: {  	_ =	swait.ge [sflag:s30], $0x2000  }
0xde: {  	[sflag:s30] =	ssyncset.done $0x0  }
0xdf: {  	[sflag:s30] =	ssyncadd.s32 $0xFFFFE000  }
.LBB2_10:
0xe0: {  	s13 =	simm.s32 $0x10F0  }
0xe1: {  	v1 =	vld [tilespmem:s13+$0xFFFFFFF0]  }
0xe2: {  	v2 =	vld [tilespmem:s13+$0xFFFFFF10]  }
0xe3: {  	v3 =	vld [tilespmem:s13+$0xFFFFFF30]  }
0xe4: {  	v4 =	vld [tilespmem:s13+$0xFFFFFF50]  }
0xe5: {  	v5 =	vld [tilespmem:s13+$0xFFFFFF70]  }
0xe6: {  	s12 =	simm.s32 $0x11F0  }
0xe7: {  	v15 =	vld [tilespmem:s12+$0xFFFFFF30]  }
0xe8: {  	v6 =	vshll.u32 v1, $0x10  }
0xe9: {  	v1 =	vshra.s32 v1, $0x10;
	v7 =	vshll.u32 v2, $0x10;
	v9 =	vshll.u32 v3, $0x10  }
0xea: {  	v18 =	vld [tilespmem:s12+$0xFFFFFF70];
	v10 =	vshll.u32 v4, $0x10;
	v11 =	vshll.u32 v5, $0x10;
	v2 =	vshra.s32 v2, $0x10  }
0xeb: {  	v4 =	vshra.s32 v4, $0x10;
	v5 =	vshra.s32 v5, $0x10;
	v1 =	vcvt.s32.f32 v1  }
0xec: {  	s10 =	simm.s32 $0x41F0;
	v24 =	vshll.u32 v15, $0x10;
	v6 =	vshra.s32 v6, $0x10;
	v4 =	vcvt.s32.f32 v4  }
0xed: {  	v8 =	vld [tilespmem:s13+$0xFFFFFF90];
	v7 =	vshra.s32 v7, $0x10;
	v10 =	vshra.s32 v10, $0x10;
	v6 =	vcvt.s32.f32 v6;
	[tilespmem:s10+$0xFFFFFFF0] =	vst v1  }
0xee: {  	v15 =	vshra.s32 v15, $0x10;
	v10 =	vcvt.s32.f32 v10;
	v1 =	vcvt.s32.f32 v7;
	v7 =	vld [tilespmem:s13+$0xFFFFFFB0];
	[tilespmem:s10+$0xFFFFFEB0] =	vst v4  }
0xef: {  	v25 =	vshll.u32 v18, $0x10;
	v18 =	vshra.s32 v18, $0x10;
	v9 =	vshra.s32 v9, $0x10;
	v4 =	vld [tilespmem:s12+$0xFFFFFFF0];
	[tilespmem:s10+$0xFFFFFFD0] =	vst v6  }
0xf0: {  	v11 =	vshra.s32 v11, $0x10;
	v2 =	vcvt.s32.f32 v2;
	v6 =	vcvt.s32.f32 v9;
	v9 =	vld [tilespmem:s13+$0xFFFFFFD0];
	[tilespmem:s10+$0xFFFFFE90] =	vst v10  }
0xf1: {  	v5 =	vcvt.s32.f32 v5;
	v63 =	vcvt.s32.f32 v18;
	[tilespmem:s10+$0xFFFFFE10] =	vst v1;
	v1 =	vshra.s32 v3, $0x10  }
0xf2: {  	v3 =	vcvt.s32.f32 v11;
	v11 =	vld [tilespmem:s13+$0x0];
	[tilespmem:s10+$0xFFFFFE50] =	vst v6;
	v6 =	vshll.u32 v8, $0x10;
	v8 =	vshra.s32 v8, $0x10  }
0xf3: {  	[tilespmem:s10+$0xFFFFFE30] =	vst v2;
	v12 =	vld [tilespmem:s13+$0xFFFFFF60];
	v1 =	vcvt.s32.f32 v1;
	v6 =	vshra.s32 v6, $0x10;
	v8 =	vcvt.s32.f32 v8  }
0xf4: {  	[tilespmem:s10+$0xFFFFFED0] =	vst v3;
	v3 =	vshll.u32 v7, $0x10;
	v6 =	vcvt.s32.f32 v6;
	v17 =	vshll.u32 v4, $0x10  }
0xf5: {  	v16 =	vld [tilespmem:s12+$0xFFFFFF50];
	[tilespmem:s10+$0xFFFFFEF0] =	vst v5;
	v4 =	vshra.s32 v4, $0x10;
	v2 =	vshra.s32 v3, $0x10;
	v3 =	vshll.u32 v9, $0x10  }
0xf6: {  	v10 =	vld [tilespmem:s13+$0xFFFFFF20];
	[tilespmem:s10+$0xFFFFFE70] =	vst v1;
	v17 =	vshra.s32 v17, $0x10;
	v4 =	vcvt.s32.f32 v4;
	v1 =	vshra.s32 v3, $0x10  }
0xf7: {  	v23 =	vld [tilespmem:s12+$0xFFFFFFB0];
	[tilespmem:s10+$0xFFFFFF30] =	vst v8;
	v3 =	vshra.s32 v7, $0x10;
	v7 =	vshra.s32 v9, $0x10;
	v9 =	vshll.u32 v11, $0x10  }
0xf8: {  	s11 =	simm.s32 $0x43F0;
	[tilespmem:s10+$0xFFFFFF10] =	vst v6;
	v6 =	vld [tilespmem:s13+$0xFFFFFF40];
	v2 =	vcvt.s32.f32 v2;
	v19 =	vshll.u32 v12, $0x10;
	v17 =	vcvt.s32.f32 v17  }
0xf9: {  	v20 =	vshra.s32 v12, $0x10;
	v12 =	vld [tilespmem:s12+$0xFFFFFF10];
	v9 =	vshra.s32 v9, $0x10;
	v1 =	vcvt.s32.f32 v1;
	[tilespmem:s11+$0xFFFFFFF0] =	vst v4  }
0xfa: {  	v3 =	vcvt.s32.f32 v3;
	v5 =	vcvt.s32.f32 v9;
	v9 =	vshra.s32 v11, $0x10;
	v11 =	vld [tilespmem:s13+$0xFFFFFF80];
	[tilespmem:s11+$0xFFFFFFD0] =	vst v17  }
0xfb: {  	v7 =	vcvt.s32.f32 v7;
	v13 =	vshll.u32 v10, $0x10;
	v10 =	vshra.s32 v10, $0x10;
	[tilespmem:s10+$0xFFFFFF50] =	vst v2;
	v2 =	vld [tilespmem:s12+$0xFFFFFFD0]  }
0xfc: {  	v13 =	vshra.s32 v13, $0x10;
	v17 =	vshra.s32 v24, $0x10;
	v8 =	vcvt.s32.f32 v9;
	v9 =	vld [tilespmem:s13+$0xFFFFFFA0];
	[tilespmem:s10+$0xFFFFFF90] =	vst v1  }
0xfd: {  	v59 =	vld [tilespmem:s12+$0x0];
	v1 =	vshra.s32 v16, $0x10;
	[tilespmem:s10+$0xFFFFFFB0] =	vst v7;
	v7 =	vshll.u32 v23, $0x10;
	v17 =	vcvt.s32.f32 v17  }
0xfe: {  	v29 =	vcvt.s32.f32 v13;
	v7 =	vshra.s32 v7, $0x10;
	v1 =	vcvt.s32.f32 v1  }
0xff: {  	v14 =	vshll.u32 v6, $0x10;
	v60 =	vshll.u32 v12, $0x10;
	v12 =	vshra.s32 v12, $0x10  }
0x100: {  	v7 =	vcvt.s32.f32 v7;
	v14 =	vshra.s32 v14, $0x10;
	v12 =	vcvt.s32.f32 v12  }
0x101: {  	[tilespmem:s10+$0x0] =	vst v8;
	v21 =	vshll.u32 v11, $0x10;
	v22 =	vshra.s32 v11, $0x10;
	v8 =	vshll.u32 v2, $0x10  }
0x102: {  	[tilespmem:s10+$0xFFFFFF70] =	vst v3;
	v11 =	vld [tilespmem:s12+$0xFFFFFF90];
	v4 =	vshra.s32 v21, $0x10;
	v21 =	vshll.u32 v9, $0x10;
	v26 =	vshll.u32 v59, $0x10  }
0x103: {  	[tilespmem:s10+$0xFFFFFFE0] =	vst v5;
	v8 =	vshra.s32 v8, $0x10;
	v5 =	vshra.s32 v21, $0x10;
	v21 =	vshll.u32 v16, $0x10  }
0x104: {  	[tilespmem:s11+$0xFFFFFE50] =	vst v17;
	v16 =	vshra.s32 v25, $0x10;
	v25 =	vshra.s32 v60, $0x10;
	v8 =	vcvt.s32.f32 v8  }
0x105: {  	v2 =	vshra.s32 v2, $0x10;
	[tilespmem:s11+$0xFFFFFE30] =	vst v12;
	v61 =	vshra.s32 v26, $0x10;
	v25 =	vcvt.s32.f32 v25  }
0x106: {  	v62 =	vld [tilespmem:s13+$0xFFFFFFC0];
	v18 =	vcvt.s32.f32 v14;
	v21 =	vshra.s32 v21, $0x10;
	v17 =	vcvt.s32.f32 v61;
	[tilespmem:s11+$0xFFFFFF90] =	vst v8  }
0x107: {  	v2 =	vcvt.s32.f32 v2;
	v21 =	vcvt.s32.f32 v21;
	v3 =	vshll.u32 v11, $0x10;
	[tilespmem:s11+$0xFFFFFE10] =	vst v25  }
0x108: {  	[tilespmem:s11+$0xFFFFFFE0] =	vst v17;
	v17 =	vshra.s32 v23, $0x10;
	v23 =	vcvt.s32.f32 v15;
	v3 =	vshra.s32 v3, $0x10  }
0x109: {  	v19 =	vshra.s32 v19, $0x10;
	v12 =	vcvt.s32.f32 v10;
	[tilespmem:s11+$0xFFFFFE90] =	vst v21;
	v21 =	vld [tilespmem:s13+$0xFFFFFFE0];
	v3 =	vcvt.s32.f32 v3  }
0x10a: {  	v6 =	vshra.s32 v6, $0x10;
	v10 =	vcvt.s32.f32 v20;
	v16 =	vcvt.s32.f32 v16;
	[tilespmem:s11+$0xFFFFFE70] =	vst v23  }
0x10b: {  	v8 =	vcvt.s32.f32 v22;
	v11 =	vshra.s32 v11, $0x10;
	[tilespmem:s11+$0xFFFFFF10] =	vst v3;
	v3 =	vshll.u32 v62, $0x10  }
0x10c: {  	[tilespmem:s11+$0xFFFFFED0] =	vst v16;
	v16 =	vcvt.s32.f32 v4;
	v15 =	vcvt.s32.f32 v5;
	v30 =	vld [tilespmem:s12+$0xFFFFFF40];
	v3 =	vshra.s32 v3, $0x10  }
0x10d: {  	[tilespmem:s11+$0xFFFFFEB0] =	vst v1;
	v1 =	vshra.s32 v62, $0x10;
	v27 =	vcvt.s32.f32 v11;
	v14 =	vcvt.s32.f32 v3;
	v3 =	vld [tilespmem:s12+$0xFFFFFF20]  }
0x10e: {  	[tilespmem:s11+$0xFFFFFF50] =	vst v7;
	v28 =	vcvt.s32.f32 v17;
	v17 =	vcvt.s32.f32 v19;
	v7 =	vshll.u32 v21, $0x10  }
0x10f: {  	[tilespmem:s11+$0xFFFFFEF0] =	vst v63;
	v11 =	vcvt.s32.f32 v6;
	v6 =	vcvt.s32.f32 v1;
	v5 =	vld [tilespmem:s12+$0xFFFFFF60];
	v4 =	vshra.s32 v7, $0x10  }
0x110: {  	v19 =	vld [tilespmem:s12+$0xFFFFFF80];
	[tilespmem:s11+$0xFFFFFF30] =	vst v27;
	v7 =	vshra.s32 v9, $0x10;
	v9 =	vshra.s32 v21, $0x10;
	v13 =	vcvt.s32.f32 v4  }
0x111: {  	[tilespmem:s11+$0xFFFFFF70] =	vst v28;
	v20 =	vld [tilespmem:s12+$0xFFFFFFA0];
	v4 =	vshra.s32 v59, $0x10;
	v7 =	vcvt.s32.f32 v7;
	v9 =	vcvt.s32.f32 v9  }
0x112: {  	[tilespmem:s11+$0xFFFFFFB0] =	vst v2;
	v21 =	vld [tilespmem:s12+$0xFFFFFFC0];
	v23 =	vshll.u32 v30, $0x10;
	v2 =	vshra.s32 v30, $0x10;
	v22 =	vshll.u32 v3, $0x10  }
0x113: {  	s14 =	simm.s32 $0x12F0;
	[tilespmem:s10+$0xFFFFFE20] =	vst v29;
	s13 =	simm.s32 $0x8;
	v4 =	vcvt.s32.f32 v4;
	v1 =	vshra.s32 v3, $0x10;
	v3 =	vshra.s32 v22, $0x10;
	v22 =	vld [tilespmem:s12+$0xFFFFFFE0];
	s12 =	simm.s32 $0x43F0  }
.LBB2_11:
0x114: {  	v24 =	vld [tilespmem:s14+$0xFFFFFFF0];
	s13 =	sadd.s32 $0x8, s13;
	v23 =	vshra.s32 v23, $0x10;
	v25 =	vshll.u32 v5, $0x10;
	v5 =	vshra.s32 v5, $0x10;
	[tilespmem:s10+$0xFFFFFE60] =	vst v18  }
0x115: {  	v18 =	vld [tilespmem:s14+$0xFFFFFF30];
	p0 =	slt.u32 s13, $0x78;
	v25 =	vshra.s32 v25, $0x10;
	v26 =	vshll.u32 v19, $0x10;
	v19 =	vshra.s32 v19, $0x10;
	[tilespmem:s10+$0xFFFFFEA0] =	vst v17  }
0x116: {  	v17 =	vld [tilespmem:s14+$0xFFFFFF50];
	v26 =	vshra.s32 v26, $0x10;
	v27 =	vshll.u32 v20, $0x10;
	v20 =	vshra.s32 v20, $0x10;
	[tilespmem:s10+$0xFFFFFEE0] =	vst v16  }
0x117: {  	v16 =	vld [tilespmem:s14+$0xFFFFFF70];
	v27 =	vshra.s32 v27, $0x10;
	v28 =	vshll.u32 v21, $0x10;
	v21 =	vshra.s32 v21, $0x10;
	[tilespmem:s10+$0xFFFFFF20] =	vst v15  }
0x118: {  	v15 =	vld [tilespmem:s14+$0xFFFFFF90];
	v28 =	vshra.s32 v28, $0x10;
	v29 =	vshll.u32 v22, $0x10;
	v22 =	vshra.s32 v22, $0x10;
	[tilespmem:s10+$0xFFFFFF60] =	vst v14  }
0x119: {  	v14 =	vld [tilespmem:s14+$0xFFFFFFB0];
	v30 =	vshll.u32 v24, $0x10;
	v24 =	vshra.s32 v24, $0x10;
	v29 =	vshra.s32 v29, $0x10;
	[tilespmem:s10+$0xFFFFFFA0] =	vst v13  }
0x11a: {  	v13 =	vshll.u32 v18, $0x10;
	v31 =	vld [tilespmem:s14+$0xFFFFFFD0];
	v30 =	vshra.s32 v30, $0x10;
	v24 =	vcvt.s32.f32 v24;
	[tilespmem:s10+$0xFFFFFE40] =	vst v12  }
0x11b: {  	s11 =	sadd.s32 $0x200, s11;
	v12 =	vld [tilespmem:s14+$0xFFFFFF10];
	v13 =	vshra.s32 v13, $0x10;
	v32 =	vshll.u32 v17, $0x10;
	v30 =	vcvt.s32.f32 v30;
	[tilespmem:s10+$0xFFFFFE80] =	vst v11  }
0x11c: {  	v11 =	vshra.s32 v18, $0x10;
	v18 =	vshra.s32 v32, $0x10;
	v32 =	vshll.u32 v16, $0x10;
	[tilespmem:s11+$0xFFFFFFF0] =	vst v24  }
0x11d: {  	v17 =	vshra.s32 v17, $0x10;
	v24 =	vshra.s32 v32, $0x10;
	v32 =	vshll.u32 v15, $0x10;
	[tilespmem:s11+$0xFFFFFFD0] =	vst v30  }
0x11e: {  	v16 =	vshra.s32 v16, $0x10;
	v30 =	vshra.s32 v32, $0x10;
	v32 =	vshll.u32 v14, $0x10;
	v33 =	vld [tilespmem:s14+$0x0];
	[tilespmem:s10+$0xFFFFFEC0] =	vst v10  }
0x11f: {  	v10 =	vshra.s32 v15, $0x10;
	v15 =	vshra.s32 v32, $0x10;
	v32 =	vshll.u32 v31, $0x10;
	[tilespmem:s10+$0xFFFFFF00] =	vst v8  }
0x120: {  	v8 =	vshll.u32 v12, $0x10;
	v12 =	vshra.s32 v12, $0x10;
	v32 =	vshra.s32 v32, $0x10;
	[tilespmem:s10+$0xFFFFFF40] =	vst v7  }
0x121: {  	v7 =	vshra.s32 v8, $0x10;
	v8 =	vshra.s32 v14, $0x10;
	v14 =	vshra.s32 v31, $0x10;
	[tilespmem:s10+$0xFFFFFF80] =	vst v6  }
0x122: {  	v6 =	vcvt.s32.f32 v7;
	v7 =	vcvt.s32.f32 v13;
	[tilespmem:s10+$0xFFFFFFC0] =	vst v9;
	s10 =	smov.u32 s12;
	s12 =	smov.u32 s11  }
0x123: {  	v9 =	vcvt.s32.f32 v18;
	v13 =	vcvt.s32.f32 v24;
	v18 =	vshll.u32 v33, $0x10;
	[tilespmem:s10+$0x0] =	vst v4  }
0x124: {  	v4 =	vcvt.s32.f32 v30;
	[tilespmem:s11+$0xFFFFFE10] =	vst v6;
	v6 =	vcvt.s32.f32 v15;
	v15 =	vshra.s32 v18, $0x10  }
0x125: {  	v24 =	vshra.s32 v33, $0x10;
	[tilespmem:s11+$0xFFFFFE50] =	vst v7;
	v7 =	vcvt.s32.f32 v32;
	v15 =	vcvt.s32.f32 v15  }
0x126: {  	v11 =	vcvt.s32.f32 v11;
	v12 =	vcvt.s32.f32 v12;
	[tilespmem:s11+$0xFFFFFE90] =	vst v9  }
0x127: {  	v30 =	vcvt.s32.f32 v16;
	v9 =	vcvt.s32.f32 v17;
	[tilespmem:s11+$0xFFFFFFE0] =	vst v15  }
0x128: {  	v31 =	vcvt.s32.f32 v10;
	v32 =	vcvt.s32.f32 v8;
	[tilespmem:s11+$0xFFFFFED0] =	vst v13  }
0x129: {  	v34 =	vcvt.s32.f32 v3;
	v33 =	vcvt.s32.f32 v14;
	[tilespmem:s11+$0xFFFFFF10] =	vst v4  }
0x12a: {  	v18 =	vcvt.s32.f32 v23;
	v17 =	vcvt.s32.f32 v25;
	[tilespmem:s11+$0xFFFFFF50] =	vst v6  }
0x12b: {  	v16 =	vcvt.s32.f32 v26;
	v15 =	vcvt.s32.f32 v27;
	[tilespmem:s11+$0xFFFFFF90] =	vst v7  }
0x12c: {  	v14 =	vcvt.s32.f32 v28;
	v13 =	vcvt.s32.f32 v29;
	[tilespmem:s11+$0xFFFFFE30] =	vst v12  }
0x12d: {  	v12 =	vcvt.s32.f32 v1;
	v3 =	vld [tilespmem:s14+$0xFFFFFF20];
	[tilespmem:s11+$0xFFFFFE70] =	vst v11;
	v11 =	vcvt.s32.f32 v2  }
0x12e: {  	v10 =	vcvt.s32.f32 v5;
	v8 =	vcvt.s32.f32 v19;
	v2 =	vld [tilespmem:s14+$0xFFFFFF40];
	[tilespmem:s11+$0xFFFFFEB0] =	vst v9  }
.Ltmp5:
0x12f: {  	v6 =	vcvt.s32.f32 v21;
	v7 =	vcvt.s32.f32 v20;
	v5 =	vld [tilespmem:s14+$0xFFFFFF60];
	[tilespmem:s11+$0xFFFFFEF0] =	vst v30;
	(pc) =	sbr.rel @p0 .LBB2_11-.Ltmp5, $4  }
0x130: {  	v4 =	vcvt.s32.f32 v24;
	v9 =	vcvt.s32.f32 v22;
	v19 =	vld [tilespmem:s14+$0xFFFFFF80];
	[tilespmem:s11+$0xFFFFFF30] =	vst v31  }
0x131: {  	v20 =	vld [tilespmem:s14+$0xFFFFFFA0];
	[tilespmem:s11+$0xFFFFFF70] =	vst v32  }
0x132: {  	v22 =	vshll.u32 v3, $0x10;
	v1 =	vshra.s32 v3, $0x10;
	v21 =	vld [tilespmem:s14+$0xFFFFFFC0];
	[tilespmem:s11+$0xFFFFFFB0] =	vst v33  }
0x133: {  	v3 =	vshra.s32 v22, $0x10;
	v23 =	vshll.u32 v2, $0x10;
	v2 =	vshra.s32 v2, $0x10;
	v22 =	vld [tilespmem:s14+$0xFFFFFFE0];
	s14 =	sadd.s32 $0x100, s14;
	[tilespmem:s10+$0xFFFFFE20] =	vst v34  }
0x134: {  	[tilespmem:s10+$0xFFFFFE60] =	vst v18  }
0x135: {  	[tilespmem:s10+$0xFFFFFEA0] =	vst v17  }
0x136: {  	[tilespmem:s10+$0xFFFFFEE0] =	vst v16  }
0x137: {  	[tilespmem:s10+$0xFFFFFF20] =	vst v15  }
0x138: {  	[tilespmem:s10+$0xFFFFFF60] =	vst v14  }
0x139: {  	[tilespmem:s10+$0xFFFFFFA0] =	vst v13  }
0x13a: {  	[tilespmem:s10+$0xFFFFFE40] =	vst v12  }
0x13b: {  	[tilespmem:s10+$0xFFFFFE80] =	vst v11  }
0x13c: {  	[tilespmem:s10+$0xFFFFFEC0] =	vst v10  }
0x13d: {  	[tilespmem:s10+$0xFFFFFF00] =	vst v8  }
0x13e: {  	[tilespmem:s10+$0xFFFFFF40] =	vst v7  }
0x13f: {  	[tilespmem:s10+$0xFFFFFF80] =	vst v6  }
0x140: {  	[tilespmem:s10+$0xFFFFFFC0] =	vst v9;
	v3 =	vcvt.s32.f32 v3  }
0x141: {  	[tilespmem:s12+$0x0] =	vst v4;
	v1 =	vcvt.s32.f32 v1  }
0x142: {  	v52 =	vshra.s32 v23, $0x10;
	v53 =	vshll.u32 v5, $0x10;
	v2 =	vcvt.s32.f32 v2;
	[tilespmem:s12+$0xFFFFFE20] =	vst v3  }
0x143: {  	v7 =	vshra.s32 v53, $0x10;
	v54 =	vshll.u32 v19, $0x10;
	v55 =	vcvt.s32.f32 v52;
	[tilespmem:s12+$0xFFFFFE40] =	vst v1  }
0x144: {  	v56 =	vshra.s32 v54, $0x10;
	v7 =	vcvt.s32.f32 v7;
	[tilespmem:s12+$0xFFFFFE80] =	vst v2  }
0x145: {  	v57 =	vshll.u32 v20, $0x10;
	v1 =	vshra.s32 v20, $0x10;
	v6 =	vcvt.s32.f32 v56;
	[tilespmem:s12+$0xFFFFFE60] =	vst v55  }
0x146: {  	v3 =	vshra.s32 v57, $0x10;
	v1 =	vcvt.s32.f32 v1;
	[tilespmem:s12+$0xFFFFFEA0] =	vst v7  }
0x147: {  	v58 =	vshll.u32 v21, $0x10;
	v2 =	vshra.s32 v21, $0x10;
	v3 =	vcvt.s32.f32 v3;
	[tilespmem:s12+$0xFFFFFEE0] =	vst v6  }
0x148: {  	v59 =	vshra.s32 v58, $0x10;
	v2 =	vcvt.s32.f32 v2;
	[tilespmem:s12+$0xFFFFFF40] =	vst v1  }
0x149: {  	v60 =	vshll.u32 v22, $0x10;
	v4 =	vcvt.s32.f32 v59;
	[tilespmem:s12+$0xFFFFFF20] =	vst v3;
	v3 =	vshra.s32 v5, $0x10  }
0x14a: {  	s23 =	sadd.s32 $0x1, s23;
	v61 =	vshra.s32 v60, $0x10;
	[tilespmem:s12+$0xFFFFFF80] =	vst v2;
	v3 =	vcvt.s32.f32 v3  }
0x14b: {  	v63 =	vshra.s32 v19, $0x10;
	p0 =	sne.s32 s23, $0x51;
	v62 =	vcvt.s32.f32 v61;
	[tilespmem:s12+$0xFFFFFF60] =	vst v4  }
.Ltmp6:
0x14c: {  	v4 =	vcvt.s32.f32 v63;
	[tilespmem:s12+$0xFFFFFEC0] =	vst v3;
	v3 =	vshra.s32 v22, $0x10;
	(pc) =	sbr.rel @p0 .LBB2_4-.Ltmp6, $4  }
0x14d: {  	[tilespmem:s12+$0xFFFFFFA0] =	vst v62;
	v3 =	vcvt.s32.f32 v3  }
0x14e: {  	[tilespmem:s12+$0xFFFFFF00] =	vst v4  }
0x14f: {  	[tilespmem:s12+$0xFFFFFFC0] =	vst v3  }
0x150: {  	[spmem:s3] =	stream.indirect.scatter.add.f32 [tilespmem:s31], [sflag:$0x4], $0x40, s7, s24, $0xb8;
	[tilespmem:$0x15000] =	vst v63  }
0x151: {  	_ =	swait.ge [sflag:s1], $0x2000  }
0x152: {  	[sflag:s1] =	ssyncset.done $0x0  }
0x153: {  	[sflag:s1] =	ssyncadd.s32 $0xFFFFE000  }
0x154: {  	_ =	swait.ge [sflag:s30], $0x2000  }
0x155: {  	[sflag:s30] =	ssyncset.done $0x0  }
0x156: {  	[sflag:s30] =	ssyncadd.s32 $0xFFFFE000  }
0x157: {  	[bflag:$0x0] =	sbarrier.arrive $0xFFFF  }
0x158: {  	s7 =	sshrl.u32 s9, $0x3;
	s10 =	rddreg [dreg:$0xc]  }
0x159: {  	[hbm:s10], [sflag:s8] =	dma.local [spmem:s7], $0x13C0  }
0x15a: {  	_ =	swait.ge [sflag:s20], $0x13C0  }
0x15b: {  	s0 =	sadd.s32 $0x1, s0;
	s23 =	rddreg [dreg:$0xd]  }
0x15c: {  	p0 =	sne.s32 s0, s23  }
.Ltmp7:
0x15d: {  	_ = 	snop;
	(pc) =	sbr.rel @p0 .LBB2_1-.Ltmp7, $3  }
0x15e: {  	_ =	sdelay $0x1  }
0x15f: {  	[sflag:s20] =	ssyncset.done $0x0  }
0x160: {  	[sflag:s20] =	ssyncadd.s32 $0xFFFFEC40  }
0x161: {  	_ =	sfence.sel $0x180000  }
0x162: {  	[bflag:$0x0] =	sbarrier.arrive $0xFFFF  }
0x163: {  	_ =	strace $0x9000004A  }
0x164: {  	s0 =	stileid.u32;
	[bflag:$0x2] =	sbarrier.arrive $0xFFFF  }
0x165: {  	p0 =	sne.s32 s0, $0x0;
	s0 =	rddreg [dreg:$0x4]  }
0x166: {  	s0 =	sadd.s32 @!p0 $0x100000, s0  }
0x167: {  	[sflag:s0] =	ssyncadd.tile.s32 @!p0 $0x1;
	_ =	shalt  }
.Lfunc_end2:
_tile_overlayer_lowered:
.L_overlay_start_2:
0x168: {  	(tag) =	ssettag $0x2  }
0x169: {  	s0 =	rddreg [dreg:$0x0];
	s2 =	stileid.u32  }
0x16a: {  	s1 =	rddreg [dreg:$0x1];
	p0 =	sne.s32 s2, $0x0  }
0x16b: {  	s3 =	rddreg [dreg:$0x2];
	[bflag:$0x3] =	sbarrier.arrive $0xFFFF;
	s2 =	simm.s32 @!p0 $0x1C05  }
0x16c: {  	[timem:s3], [sflag:s2] =	dma.local @!p0 [hbm:s0], s1  }
0x16d: {  	s0 =	simm.s32 @!p0 $0x5  }
0x16e: {  	_ =	swait.ge @!p0 [sflag:s0], s1  }
0x16f: {  	s1 =	ssub.s32 @!p0 $0x0, s1;
	[sflag:s0] =	ssyncset.done @!p0 $0x0  }
0x170: {  	[sflag:s0] =	ssyncadd.s32 @!p0 s1  }
0x171: {  	[bflag:$0x3] =	sbarrier.arrive $0xFFFF  }
0x172: {  	_ =	shalt  }

// kernel: kernel.14.cloned.1.call-start
scs
__scs_entry_jumppad:
0x0: {  	(pc) =	sbr.rel $0x88, $3  }
0x1: {  	(tag) =	ssettag $0x0;
	lr =	simm.s32 $0x1  }
0x2: {  	[smem:$0x3F9B] =	sst lr;
	_ =	strace $0xD0000000  }
0x3: {  	_ = 	snop  }
0x4: {  	_ = 	snop  }
0x5: {  	_ = 	snop  }
0x6: {  	_ = 	snop  }
0x7: {  	_ = 	snop  }
__scs_overlays_trampoline_lowered:
0x8: {  	[smem:$0x3FAA] =	sst s0  }
0x9: {  	[smem:$0x3FAB] =	sst s1  }
0xa: {  	[smem:$0x3FAC] =	sst s2  }
0xb: {  	[smem:$0x3FAD] =	sst s3  }
0xc: {  	[smem:$0x3FAE] =	sst s4  }
0xd: {  	[smem:$0x3FAF] =	sst s5  }
0xe: {  	[smem:$0x3FB0] =	sst s6  }
0xf: {  	[smem:$0x3FB1] =	sst s7  }
0x10: {  	[smem:$0x3FB2] =	sst s8  }
0x11: {  	[smem:$0x3FB3] =	sst s9;
	s0 =	simm.s32 @!p0 $0x0  }
0x12: {  	s1 =	sld [smem:$0x3F99];
	s0 =	simm.s32 @p0 $0x1  }
0x13: {  	[smem:$0x3FB4] =	sst s0;
	s0 =	simm.s32 @!p1 $0x0  }
0x14: {  	s2 =	sld [smem:$0x3F98];
	s0 =	simm.s32 @p1 $0x1  }
0x15: {  	[smem:$0x3FB5] =	sst s0;
	s0 =	simm.s32 @!p2 $0x0  }
0x16: {  	s3 =	sld [smem:$0x3FDB];
	s0 =	simm.s32 @p2 $0x1  }
0x17: {  	s4 =	simm.s32 $0x1BF5;
	[smem:$0x3FB7] =	sst s0  }
0x18: {  	s0 =	sld [smem:$0x3F9A];
	_ =	swait.ge [sflag:s4], $0x0  }
0x19: {  	s7 =	sld [smem:$0x3F9B]  }
0x1a: {  	s8 =	sadd.s32 $0xFFFFE003, lr  }
0x1b: {  	s9 =	sadd.s32 $0xFFFFFEF7, lr;
	s5 =	simm.s32 $0xFFFFFFFF;
	p2 =	slt.u32 s8, $0xFFFFF086  }
0x1c: {  	p1 =	slt.u32 s9, $0xF7A;
	s5 =	simm.s32 @!p2 $0x0  }
0x1d: {  	s5 =	simm.s32 @p1 $0x1;
	p0 =	seq.s32 s7, s2  }
0x1e: {  	s7 =	smul.u32 @!p0 $0xF7A, s2;
	p2 =	seq.s32 @!p0 s5, $0x0  }
0x1f: {  	s9 =	smul.u32 $0xF7A, s1;
	s8 =	simm.s32 @!p0 $0x1BF5;
	p2 =	por !p2, p0  }
0x20: {  	[sflag:s8] =	ssyncset.s32 @!p0 $0xFFFFF086;
	s6 =	sadd.s32 @!p0 s3, s7;
	s7 =	simm.s32 @!p0 $0x108  }
0x21: {  	s3 =	sadd.s32 s3, s9;
	s6 =	sadd.s32 @!p0 $0x88, s6;
	s7 =	simm.s32 @p2 $0x1082  }
0x22: {  	[simem:s7], [sflag:s8] =	dma.local @!p0 [hbm:s6], $0xF7A  }
0x23: {  	s9 =	sor.u32 $0xD0000000, s2;
	s6 =	simm.s32 $0x108;
	_ =	swait.ge @!p0 [sflag:s8], $0x0  }
0x24: {  	s3 =	sadd.s32 $0x88, s3;
	s6 =	simm.s32 @!p1 $0x1082;
	[sflag:s4] =	ssyncset.s32 $0xFFFFF086  }
0x25: {  	[simem:s6], [sflag:s4] =	dma.local [hbm:s3], $0xF7A  }
0x26: {  	[smem:$0x3F9B] =	sst s1;
	(tag) =	ssettag s2;
	_ =	strace s9  }
0x27: {  	s1 =	sld [smem:$0x3FAB]  }
0x28: {  	s2 =	sld [smem:$0x3FAC]  }
0x29: {  	s4 =	sld [smem:$0x3FAE]  }
0x2a: {  	p0 =	seq.s32 s5, $0x0;
	s5 =	sld [smem:$0x3FAF]  }
0x2b: {  	s6 =	sld [smem:$0x3FB0]  }
0x2c: {  	s7 =	sld [smem:$0x3FB1]  }
0x2d: {  	s3 =	simm.s32 $0x108;
	s8 =	sld [smem:$0x3FB2]  }
0x2e: {  	s3 =	simm.s32 @!p0 $0x1082;
	s9 =	sld [smem:$0x3FB3]  }
0x2f: {  	lr =	sadd.s32 s0, s3;
	s0 =	sld [smem:$0x3FAA]  }
0x30: {  	s3 =	sld [smem:$0x3FAD]  }
0x31: {  	[smem:$0x3FB6] =	sst s10  }
0x32: {  	s10 =	sld [smem:$0x3FB4];
	_ =	sdelay $0x3  }
0x33: {  	p0 =	seq.s32 s10, $0x1;
	s10 =	sld [smem:$0x3FB6];
	_ =	sdelay $0x3  }
0x34: {  	[smem:$0x3FB6] =	sst s10  }
0x35: {  	s10 =	sld [smem:$0x3FB5];
	_ =	sdelay $0x3  }
0x36: {  	p1 =	seq.s32 s10, $0x1;
	s10 =	sld [smem:$0x3FB6];
	_ =	sdelay $0x3  }
0x37: {  	[smem:$0x3FB6] =	sst s10  }
0x38: {  	s10 =	sld [smem:$0x3FB7]  }
0x39: {  	_ = 	snop;
	(pc) =	sbr.ind lr, $3  }
0x3a: {  	_ = 	snop  }
0x3b: {  	_ = 	snop  }
0x3c: {  	p2 =	seq.s32 s10, $0x1;
	s10 =	sld [smem:$0x3FB6]  }
0x3d: {  	_ =	shalt  }
0x3e: {  	_ =	shalt  }
0x3f: {  	_ =	shalt  }
0x40: {  	_ =	shalt  }
0x41: {  	_ =	shalt  }
0x42: {  	_ =	shalt  }
0x43: {  	_ =	shalt  }
0x44: {  	_ =	shalt  }
0x45: {  	_ =	shalt  }
0x46: {  	_ =	shalt  }
0x47: {  	_ =	shalt  }
0x48: {  	_ =	shalt  }
0x49: {  	_ =	shalt  }
0x4a: {  	_ =	shalt  }
0x4b: {  	_ =	shalt  }
0x4c: {  	_ =	shalt  }
0x4d: {  	_ =	shalt  }
0x4e: {  	_ =	shalt  }
0x4f: {  	_ =	shalt  }
0x50: {  	_ =	shalt  }
0x51: {  	_ =	shalt  }
0x52: {  	_ =	shalt  }
0x53: {  	_ =	shalt  }
0x54: {  	_ =	shalt  }
0x55: {  	_ =	shalt  }
0x56: {  	_ =	shalt  }
0x57: {  	_ =	shalt  }
0x58: {  	_ =	shalt  }
0x59: {  	_ =	shalt  }
0x5a: {  	_ =	shalt  }
0x5b: {  	_ =	shalt  }
0x5c: {  	_ =	shalt  }
0x5d: {  	_ =	shalt  }
0x5e: {  	_ =	shalt  }
0x5f: {  	_ =	shalt  }
0x60: {  	_ =	shalt  }
0x61: {  	_ =	shalt  }
0x62: {  	_ =	shalt  }
0x63: {  	_ =	shalt  }
0x64: {  	_ =	shalt  }
0x65: {  	_ =	shalt  }
0x66: {  	_ =	shalt  }
0x67: {  	_ =	shalt  }
0x68: {  	_ =	shalt  }
0x69: {  	_ =	shalt  }
0x6a: {  	_ =	shalt  }
0x6b: {  	_ =	shalt  }
0x6c: {  	_ =	shalt  }
0x6d: {  	_ =	shalt  }
0x6e: {  	_ =	shalt  }
0x6f: {  	_ =	shalt  }
0x70: {  	_ =	shalt  }
0x71: {  	_ =	shalt  }
0x72: {  	_ =	shalt  }
0x73: {  	_ =	shalt  }
0x74: {  	_ =	shalt  }
0x75: {  	_ =	shalt  }
0x76: {  	_ =	shalt  }
0x77: {  	_ =	shalt  }
0x78: {  	_ =	shalt  }
0x79: {  	_ =	shalt  }
0x7a: {  	_ =	shalt  }
0x7b: {  	_ =	shalt  }
0x7c: {  	_ =	shalt  }
0x7d: {  	_ =	shalt  }
0x7e: {  	_ =	shalt  }
0x7f: {  	_ =	shalt  }
0x80: {  	_ =	shalt  }
0x81: {  	_ =	shalt  }
0x82: {  	_ =	shalt  }
0x83: {  	_ =	shalt  }
0x84: {  	_ =	shalt  }
0x85: {  	_ =	shalt  }
0x86: {  	_ =	shalt  }
0x87: {  	_ =	shalt  }
.Lfunc_end0:
.L_simem_size_0:
called_computation.2_lowered:
.L_overlay_start_0:
0x88: {  	s2 =	sld [smem:$0x3FD9]  }
0x89: {  	s3 =	sld [smem:$0x3FFE];
	_ =	sdelay $0x1  }
0x8a: {  	s1 =	srdreg.scid  }
0x8b: {  	s0 =	sand.u32 $0x1, s1  }
0x8c: {  	s17 =	sshll.u32 s0, $0xA;
	s2 =	sadd.s32 s3, s2  }
0x8d: {  	s2 =	sadd.s32 s2, s17  }
0x8e: {  	[smem:$0x3FC2] =	sst s2  }
0x8f: {  	_ = 	snop  }
0x90: {  	s2 =	sld [smem:$0x3FD0];
	(tm) =	ssettm $0x1  }
0x91: {  	s18 =	sld [smem:$0x3FFB];
	_ =	sdelay $0x3  }
0x92: {  	_ =	strace s18  }
0x93: {  	s3 =	sld [smem:$0x3FFC];
	_ =	sdelay $0x3  }
0x94: {  	_ =	strace s3  }
0x95: {  	s3 =	sld [smem:$0x3FFD];
	_ =	sdelay $0x3  }
0x96: {  	_ =	strace s3  }
0x97: {  	_ =	strace $0x8FFFFFFF  }
0x98: {  	s19 =	sld [smem:$0x3FDB];
	_ =	sdelay $0x1  }
0x99: {  	s4 =	simm.s32 $_scs_section_size  }
0x9a: {  	s5 =	simm.s32 $_size__tile_overlayer_lowered;
	s6 =	simm.s32 $_tile_overlayer_lowered  }
0x9b: {  	s22 =	simm.s32 $0x1BFF;
	s21 =	sshll.u32 s6, $0x1;
	s3 =	sadd.s32 s4, s19  }
0x9c: {  	s7 =	simm.s32 $0x0;
	s20 =	sshll.u32 s5, $0x1;
	s5 =	sadd.s32 s21, s3  }
0x9d: {  	[timem:s7], [sflag:s22] =	dma.local [hbm:s5], s20  }
0x9e: {  	_ =	swait.ge [sflag:s22], s20  }
0x9f: {  	s4 =	ssub.s32 $0x0, s20;
	[sflag:s22] =	ssyncset.done $0x0  }
0xa0: {  	[sflag:s22] =	ssyncadd.s32 s4;
	_ =	sdelay $0x1  }
0xa1: {  	s23 =	simm.s32 $0x1B8B  }
0xa2: {  	_ =	swait.ge [sflag:s23], $0x1  }
0xa3: {  	[sflag:s23] =	ssyncset.done $0x0  }
0xa4: {  	s25 =	simm.s32 $0x1B8E;
	s24 =	sld [smem:$0x3FFE];
	[sflag:s23] =	ssyncadd.s32 $0xFFFFFFFF  }
0xa5: {  	s26 =	simm.s32 $execute0_lowered;
	[smem:$0x3FD2] =	sst s25  }
0xa6: {  	s5 =	sshll.u32 s26, $0x1;
	_ =	strace $0x8000004C;
	[dreg:$0x1] =	wrdreg $0xFFFFFFFF  }
0xa7: {  	s28 =	simm.s32 $_size_execute0_lowered;
	s3 =	sadd.s32 s3, s5;
	[dreg:$0x0] =	wrdreg $0x0  }
0xa8: {  	s5 =	sshll.u32 s28, $0x1;
	[dreg:$0x2] =	wrdreg s3  }
0xa9: {  	[dreg:$0x3] =	wrdreg s5  }
0xaa: {  	[dreg:$0x4] =	wrdreg $0xC0  }
0xab: {  	_ =	task [dreg:s7], $0x5FFFF  }
0xac: {  	[dreg:$0x1] =	wrdreg $0xFFFFFFFF  }
0xad: {  	[dreg:$0x0] =	wrdreg $0x60  }
0xae: {  	[dreg:$0x2] =	wrdreg s2  }
0xaf: {  	[dreg:$0x3] =	wrdreg s24  }
0xb0: {  	[dreg:$0x4] =	wrdreg $0x63000  }
0xb1: {  	[dreg:$0x5] =	wrdreg $0xB2000  }
0xb2: {  	[dreg:$0x6] =	wrdreg $0x9  }
0xb3: {  	_ =	task.clear_ibuf [dreg:s7], $0x7FFFF;
	_ =	strace $0x9000004C  }
0xb4: {  	s29 =	simm.s32 $0x9;
	_ =	strace $0x8000004E  }
0xb5: {  	_ =	swait.ge [sflag:s29], $0x1  }
0xb6: {  	[sflag:s29] =	ssyncadd.s32 $0xFFFFFFFF  }
0xb7: {  	_ =	strace $0x9000004E  }
0xb8: {  	_ =	sfence  }
0xb9: {  	s30 =	sld [smem:$0x0];
	_ =	sdelay $0x2  }
0xba: {  	s31 =	sshll.u32 s1, $0xD;
	s1 =	sshrl.u32 s1, $0x2  }
0xbb: {  	s3 =	sand.u32 $0x4000, s31;
	s1 =	sadd.s32 s1, s30  }
0xbc: {  	s0 =	sor.u32 s3, s0;
	s1 =	sshll.u32 s1, $0x11  }
0xbd: {  	s0 =	sor.u32 s1, s0  }
0xbe: {  	s0 =	sadd.s32 $0x8F2B, s0  }
0xbf: {  	[sflag:s0] =	ssyncadd.remote.s32 $0x1  }
0xc0: {  	_ =	sfence.sel $0xFFFF  }
0xc1: {  	[dreg:$0x0] =	wrdreg $0xFFFFFFFF;
	(pc) =	sbr.abs _section_cstart, $3  }
0xc2: {  	[dreg:$0x1] =	wrdreg $0xFFFFFFFF  }
0xc3: {  	_ =	task.clear_ibuf [dreg:s7], $0x2FFFF;
	_ =	strace $0x9FFFFFFF  }
0xc4: {  	(tm) =	ssettm $0x7FFFFFFF  }
0xc5: {  	_ =	shalt  }
tec
execute0_lowered:
.L_overlay_start_1:
0x0: {  	(tag) =	ssettag $0x1  }
0x1: {  	s0 =	rddreg [dreg:$0x0]  }
0x2: {  	s1 =	rddreg [dreg:$0x1]  }
0x3: {  	s2 =	rddreg [dreg:$0x2]  }
0x4: {  	s4 =	srdreg.scid;
	s13 =	stileid.u32  }
0x5: {  	s3 =	rddreg [dreg:$0x3];
	s9 =	smul.u32 $0x9E00, s13  }
0x6: {  	s28 =	simm.s32 $0x1;
	s29 =	simm.s32 $0x2;
	s11 =	smul.u32 $0x4F00, s13  }
0x7: {  	s30 =	simm.s32 $0x4;
	s31 =	simm.s32 $0x4000;
	s12 =	smul.u32 $0x27800, s13  }
0x8: {  	s7 =	sand.u32 $0x1, s4;
	s4 =	simm.s32 $0x0;
	s19 =	smul.u32 $0xA20, s13  }
0x9: {  	s16 =	sshll.u32 s13, $0x6;
	s5 =	smul.u32 $0x9E000, s7;
	[smem:$0x7FF] =	sst s4  }
0xa: {  	s8 =	smul.u32 $0x4F000, s7;
	s7 =	ssub.s32 $0x2, s7;
	_ =	strace $0x8000004D  }
0xb: {  	s14 =	sshrl.u32 s7, $0x1;
	s15 =	sadd.s32 s11, s2;
	s17 =	sshrl.u32 s12, $0x2  }
0xc: {  	s6 =	sadd.s32 s9, s5;
	s5 =	sadd.s32 $0xC000, s1;
	s8 =	sadd.s32 s11, s8  }
0xd: {  	s7 =	ssub.s32 s7, s14;
	s18 =	sadd.s32 s17, s3;
	s9 =	sadd.s32 s9, s3  }
0xe: {  	s10 =	sshrl.u32 s6, $0x3;
	s6 =	sadd.s32 $0x1C00, s1;
	s20 =	sadd.s32 $0x2000, s18  }
0xf: {  	s8 =	sshrl.u32 s8, $0x3;
	s21 =	sadd.s32 $0x4000, s18;
	[dreg:$0x6] =	wrdreg s20  }
0x10: {  	s22 =	sadd.s32 $0x6000, s18;
	s23 =	sadd.s32 s5, s19;
	[dreg:$0x7] =	wrdreg s21  }
0x11: {  	s26 =	smax.u32 s7, $0x1;
	s1 =	sadd.s32 s10, s1;
	[dreg:$0x8] =	wrdreg s22  }
0x12: {  	s0 =	sadd.s32 s0, s8;
	s8 =	sor.u32 $0x1C05, s16;
	[dreg:$0xa] =	wrdreg s23  }
0x13: {  	s24 =	sadd.s32 s6, s19;
	s16 =	smul.u32 $0x5100, s13;
	[dreg:$0xd] =	wrdreg s26  }
0x14: {  	s19 =	sshrl.u32 s15, $0x3;
	s20 =	simm.s32 $0x5;
	s21 =	simm.s32 $0x2000  }
0x15: {  	s22 =	simm.s32 $0x6000;
	s26 =	simm.s32 $0x1000;
	[dreg:$0x5] =	wrdreg s0  }
0x16: {  	s0 =	sadd.s32 $0x8000, s18;
	[dreg:$0xb] =	wrdreg s24;
	s25 =	sadd.s32 $0x16400, s1  }
0x17: {  	s24 =	simm.s32 $0x80;
	s1 =	simm.s32 $0x3;
	[dreg:$0x9] =	wrdreg s0  }
0x18: {  	v0 =	vimm.f32 $0.0e+00;
	[dreg:$0xc] =	wrdreg s25;
	s25 =	simm.s32 $0x6080;
	s0 =	simm.s32 $0x0  }
.LBB2_1:
0x19: {  	s7 =	rddreg [dreg:$0x5]  }
0x1a: {  	[spmem:s19], [sflag:s8] =	dma.local [hbm:s7], $0x9E0  }
0x1b: {  	_ =	swait.ge [sflag:s20], $0x9E0  }
0x1c: {  	[sflag:s20] =	ssyncset.done $0x0  }
0x1d: {  	s10 =	simm.s32 $0x100;
	s7 =	simm.s32 $0x0;
	[sflag:s20] =	ssyncadd.s32 $0xFFFFF620  }
.LBB2_2:
0x1e: {  	p0 =	sne.s32 s10, $0x7F00;
	[tilespmem:s7+$0x2030] =	vst v0;
	s11 =	smov.u32 s10;
	s10 =	sadd.s32 $0x100, s10  }
.Ltmp0:
0x1f: {  	[tilespmem:s7+$0x2020] =	vst v0;
	(pc) =	sbr.rel @p0 .LBB2_2-.Ltmp0, $3  }
0x20: {  	[tilespmem:s7+$0x2000] =	vst v0  }
0x21: {  	[tilespmem:s7+$0x2010] =	vst v0;
	_ =	sdelay $0x1  }
0x22: {  	s7 =	sshra.s32 s11, $0x2  }
0x23: {  	[tilespmem:s7+$0x2030] =	vst v0  }
0x24: {  	[tilespmem:s7+$0x2020] =	vst v0  }
0x25: {  	[tilespmem:s7+$0x2000] =	vst v0  }
0x26: {  	[tilespmem:s7+$0x2010] =	vst v0  }
0x27: {  	[spmem:s9] =	stream.linear.scatter [tilespmem:s21], [sflag:$0x5], $0x2000, $0x38;
	[tilespmem:$0x15000] =	vst v63  }
0x28: {  	_ =	swait.ge [sflag:s20], $0x2000  }
0x29: {  	[sflag:s20] =	ssyncset.done $0x0  }
0x2a: {  	s12 =	rddreg [dreg:$0x6];
	[sflag:s20] =	ssyncadd.s32 $0xFFFFE000  }
0x2b: {  	[spmem:s12] =	stream.linear.scatter [tilespmem:s21], [sflag:$0x5], $0x2000, $0x38;
	[tilespmem:$0x15000] =	vst v63  }
0x2c: {  	_ =	swait.ge [sflag:s20], $0x2000  }
0x2d: {  	[sflag:s20] =	ssyncset.done $0x0  }
0x2e: {  	s13 =	rddreg [dreg:$0x7];
	[sflag:s20] =	ssyncadd.s32 $0xFFFFE000  }
0x2f: {  	[spmem:s13] =	stream.linear.scatter [tilespmem:s21], [sflag:$0x5], $0x2000, $0x38;
	[tilespmem:$0x15000] =	vst v63  }
0x30: {  	_ =	swait.ge [sflag:s20], $0x2000  }
0x31: {  	[sflag:s20] =	ssyncset.done $0x0  }
0x32: {  	s14 =	rddreg [dreg:$0x8];
	[sflag:s20] =	ssyncadd.s32 $0xFFFFE000  }
0x33: {  	[spmem:s14] =	stream.linear.scatter [tilespmem:s21], [sflag:$0x5], $0x2000, $0x38;
	[tilespmem:$0x15000] =	vst v63  }
0x34: {  	_ =	swait.ge [sflag:s20], $0x2000  }
0x35: {  	[sflag:s20] =	ssyncset.done $0x0  }
0x36: {  	s15 =	rddreg [dreg:$0x9];
	[sflag:s20] =	ssyncadd.s32 $0xFFFFE000  }
0x37: {  	[spmem:s15] =	stream.linear.scatter [tilespmem:s21], [sflag:$0x5], $0x1E00, $0x38;
	[tilespmem:$0x15000] =	vst v63  }
0x38: {  	_ =	swait.ge [sflag:s20], $0x1E00  }
0x39: {  	[sflag:s20] =	ssyncset.done $0x0  }
0x3a: {  	[sflag:s20] =	ssyncadd.s32 $0xFFFFE200  }
0x3b: {  	[bflag:$0x0] =	sbarrier.arrive $0xFFFF  }
0x3c: {  	s23 =	simm.s32 $0x0;
	s17 =	rddreg [dreg:$0xa]  }
0x3d: {  	[tilespmem:s22], [sflag:$0x5] =	stream.linear.gather [hbm4b:s17+s23], $0x80, $0x38;
	[tilespmem:$0x15000] =	vst v63  }
0x3e: {  	_ =	swait.ge [sflag:s20], $0x80  }
0x3f: {  	[sflag:s20] =	ssyncset.done $0x0  }
0x40: {  	s10 =	simm.s32 $0x6100;
	s18 =	rddreg [dreg:$0xb];
	[sflag:s20] =	ssyncadd.s32 $0xFFFFFF80  }
0x41: {  	[tilespmem:s10], [sflag:$0x5] =	stream.linear.gather [hbm4b:s18+s23], $0x80, $0x38;
	[tilespmem:$0x15000] =	vst v63  }
0x42: {  	_ =	swait.ge [sflag:s20], $0x80  }
0x43: {  	[sflag:s20] =	ssyncset.done $0x0  }
0x44: {  	[sflag:s20] =	ssyncadd.s32 $0xFFFFFF80  }
0x45: {  	[tilespmem:s23], [sflag:$0x1] =	stream.indirect.gather [spmem:s2], $0x20, s22, s24, $0xb8;
	[tilespmem:$0x15000] =	vst v63  }
.LBB2_4:
0x46: {  	s7 =	sshll.u32 s23, $0x8  }
0x47: {  	s7 =	sadd.s32 s16, s7  }
0x48: {  	s10 =	sshrl.u32 s7, $0x3  }
0x49: {  	s12 =	sor.u32 $0x10, s10  }
0x4a: {  	s17 =	sadd.s32 s5, s12  }
0x4b: {  	[tilespmem:s25], [sflag:$0x5] =	stream.linear.gather [hbm4b:s17+s4], $0x80, $0x38;
	[tilespmem:$0x15000] =	vst v63  }
0x4c: {  	s18 =	sshll.u32 s23, $0x7;
	_ =	swait.ge [sflag:s20], $0x80  }
0x4d: {  	s11 =	sand.u32 $0x80, s18;
	[sflag:s20] =	ssyncset.done $0x0  }
0x4e: {  	s7 =	sor.u32 $0x6200, s11;
	s12 =	sadd.s32 s6, s12;
	[sflag:s20] =	ssyncadd.s32 $0xFFFFFF80  }
0x4f: {  	[tilespmem:s7], [sflag:$0x5] =	stream.linear.gather [hbm4b:s12+s4], $0x80, $0x38;
	[tilespmem:$0x15000] =	vst v63  }
0x50: {  	_ =	swait.ge [sflag:s20], $0x80  }
0x51: {  	[sflag:s20] =	ssyncset.done $0x0  }
0x52: {  	[sflag:s20] =	ssyncadd.s32 $0xFFFFFF80  }
0x53: {  	[tilespmem:s26], [sflag:$0x2] =	stream.indirect.gather [spmem:s2], $0x20, s25, s24, $0xb8;
	[tilespmem:$0x15000] =	vst v63  }
0x54: {  	_ =	swait.ge [sflag:s28], $0x1000  }
0x55: {  	p0 =	seq.s32 s23, $0x0;
	[sflag:s28] =	ssyncset.done $0x0  }
0x56: {  	s12 =	simm.s32 @!p0 $0x3;
	[sflag:s28] =	ssyncadd.s32 $0xFFFFF000  }
0x57: {  	_ =	swait.ge @!p0 [sflag:s12], $0x2000  }
0x58: {  	[sflag:s12] =	ssyncset.done @!p0 $0x0  }
0x59: {  	s14 =	simm.s32 $0x80;
	[sflag:s12] =	ssyncadd.s32 @!p0 $0xFFFFE000  }
0x5a: {  	v1 =	vld [tilespmem:s14+$0x60]  }
0x5b: {  	v2 =	vld [tilespmem:s14+$0xFFFFFF80]  }
0x5c: {  	v3 =	vld [tilespmem:s14+$0xFFFFFFA0]  }
0x5d: {  	v4 =	vld [tilespmem:s14+$0xFFFFFFC0]  }
0x5e: {  	v5 =	vld [tilespmem:s14+$0xFFFFFFE0]  }
0x5f: {  	s15 =	simm.s32 $0x180  }
0x60: {  	v15 =	vld [tilespmem:s15+$0xFFFFFFA0]  }
0x61: {  	v6 =	vshll.u32 v1, $0x10  }
0x62: {  	v1 =	vshra.s32 v1, $0x10;
	v7 =	vshll.u32 v2, $0x10;
	v9 =	vshll.u32 v3, $0x10  }
0x63: {  	v18 =	vld [tilespmem:s15+$0xFFFFFFE0];
	v10 =	vshll.u32 v4, $0x10;
	v11 =	vshll.u32 v5, $0x10;
	v2 =	vshra.s32 v2, $0x10  }
0x64: {  	v4 =	vshra.s32 v4, $0x10;
	v5 =	vshra.s32 v5, $0x10;
	v1 =	vcvt.s32.f32 v1  }
0x65: {  	s12 =	simm.s32 $0x2100;
	v24 =	vshll.u32 v15, $0x10;
	v6 =	vshra.s32 v6, $0x10;
	v4 =	vcvt.s32.f32 v4  }
0x66: {  	v8 =	vld [tilespmem:s14+$0x0];
	v7 =	vshra.s32 v7, $0x10;
	v10 =	vshra.s32 v10, $0x10;
	v6 =	vcvt.s32.f32 v6;
	[tilespmem:s12+$0xE0] =	vst v1  }
0x67: {  	v15 =	vshra.s32 v15, $0x10;
	v10 =	vcvt.s32.f32 v10;
	v1 =	vcvt.s32.f32 v7;
	v7 =	vld [tilespmem:s14+$0x20];
	[tilespmem:s12+$0xFFFFFFA0] =	vst v4  }
0x68: {  	v25 =	vshll.u32 v18, $0x10;
	v18 =	vshra.s32 v18, $0x10;
	v9 =	vshra.s32 v9, $0x10;
	v4 =	vld [tilespmem:s15+$0x60];
	[tilespmem:s12+$0xC0] =	vst v6  }
0x69: {  	v11 =	vshra.s32 v11, $0x10;
	v2 =	vcvt.s32.f32 v2;
	v6 =	vcvt.s32.f32 v9;
	v9 =	vld [tilespmem:s14+$0x40];
	[tilespmem:s12+$0xFFFFFF80] =	vst v10  }
0x6a: {  	v5 =	vcvt.s32.f32 v5;
	v63 =	vcvt.s32.f32 v18;
	[tilespmem:s12+$0xFFFFFF00] =	vst v1;
	v1 =	vshra.s32 v3, $0x10  }
0x6b: {  	v3 =	vcvt.s32.f32 v11;
	v11 =	vld [tilespmem:s14+$0x70];
	[tilespmem:s12+$0xFFFFFF40] =	vst v6;
	v6 =	vshll.u32 v8, $0x10;
	v8 =	vshra.s32 v8, $0x10  }
0x6c: {  	[tilespmem:s12+$0xFFFFFF20] =	vst v2;
	v12 =	vld [tilespmem:s14+$0xFFFFFFD0];
	v1 =	vcvt.s32.f32 v1;
	v6 =	vshra.s32 v6, $0x10;
	v8 =	vcvt.s32.f32 v8  }
0x6d: {  	[tilespmem:s12+$0xFFFFFFC0] =	vst v3;
	v3 =	vshll.u32 v7, $0x10;
	v6 =	vcvt.s32.f32 v6;
	v17 =	vshll.u32 v4, $0x10  }
0x6e: {  	[tilespmem:s12+$0xFFFFFFE0] =	vst v5;
	v10 =	vld [tilespmem:s14+$0xFFFFFF90];
	v4 =	vshra.s32 v4, $0x10;
	v2 =	vshra.s32 v3, $0x10;
	v3 =	vshll.u32 v9, $0x10  }
0x6f: {  	[tilespmem:s12+$0xFFFFFF60] =	vst v1;
	v17 =	vshra.s32 v17, $0x10;
	v4 =	vcvt.s32.f32 v4;
	v1 =	vshra.s32 v3, $0x10  }
0x70: {  	v16 =	vld [tilespmem:s15+$0xFFFFFFC0];
	[tilespmem:s12+$0x20] =	vst v8;
	v3 =	vshra.s32 v7, $0x10;
	v7 =	vshra.s32 v9, $0x10;
	v9 =	vshll.u32 v11, $0x10  }
0x71: {  	s13 =	simm.s32 $0x2300;
	v23 =	vld [tilespmem:s15+$0x20];
	[tilespmem:s12+$0x0] =	vst v6;
	v2 =	vcvt.s32.f32 v2;
	v19 =	vshll.u32 v12, $0x10;
	v17 =	vcvt.s32.f32 v17  }
0x72: {  	v6 =	vld [tilespmem:s14+$0xFFFFFFB0];
	v20 =	vshra.s32 v12, $0x10;
	v9 =	vshra.s32 v9, $0x10;
	v1 =	vcvt.s32.f32 v1;
	[tilespmem:s13+$0xE0] =	vst v4  }
0x73: {  	v12 =	vld [tilespmem:s15+$0xFFFFFF80];
	v3 =	vcvt.s32.f32 v3;
	v7 =	vcvt.s32.f32 v7;
	v13 =	vshll.u32 v10, $0x10;
	[tilespmem:s13+$0xC0] =	vst v17  }
0x74: {  	v10 =	vshra.s32 v10, $0x10;
	v5 =	vcvt.s32.f32 v9;
	v9 =	vshra.s32 v11, $0x10;
	v11 =	vld [tilespmem:s14+$0xFFFFFFF0];
	[tilespmem:s12+$0x40] =	vst v2  }
0x75: {  	v19 =	vshra.s32 v19, $0x10;
	v13 =	vshra.s32 v13, $0x10;
	v17 =	vshra.s32 v24, $0x10;
	v2 =	vld [tilespmem:s15+$0x40];
	[tilespmem:s12+$0x80] =	vst v1  }
0x76: {  	v8 =	vcvt.s32.f32 v9;
	v9 =	vld [tilespmem:s14+$0x10];
	v1 =	vshra.s32 v16, $0x10;
	[tilespmem:s12+$0xA0] =	vst v7;
	v7 =	vshll.u32 v23, $0x10  }
0x77: {  	v59 =	vld [tilespmem:s15+$0x70];
	v17 =	vcvt.s32.f32 v17;
	v29 =	vcvt.s32.f32 v13;
	v7 =	vshra.s32 v7, $0x10  }
0x78: {  	v1 =	vcvt.s32.f32 v1;
	v14 =	vshll.u32 v6, $0x10;
	v60 =	vshll.u32 v12, $0x10  }
0x79: {  	v12 =	vshra.s32 v12, $0x10;
	v7 =	vcvt.s32.f32 v7;
	v14 =	vshra.s32 v14, $0x10  }
0x7a: {  	[tilespmem:s12+$0x60] =	vst v3;
	v12 =	vcvt.s32.f32 v12;
	v21 =	vshll.u32 v11, $0x10;
	v22 =	vshra.s32 v11, $0x10  }
0x7b: {  	[tilespmem:s12+$0xF0] =	vst v8;
	v11 =	vld [tilespmem:s15+$0x0];
	v8 =	vshll.u32 v2, $0x10;
	v2 =	vshra.s32 v2, $0x10;
	v4 =	vshra.s32 v21, $0x10  }
0x7c: {  	[tilespmem:s12+$0xD0] =	vst v5;
	v21 =	vshll.u32 v9, $0x10;
	v26 =	vshll.u32 v59, $0x10;
	v8 =	vshra.s32 v8, $0x10  }
0x7d: {  	[tilespmem:s13+$0xFFFFFF40] =	vst v17;
	v5 =	vshra.s32 v21, $0x10;
	v61 =	vshra.s32 v26, $0x10;
	v8 =	vcvt.s32.f32 v8  }
0x7e: {  	[tilespmem:s13+$0xFFFFFF20] =	vst v12;
	v21 =	vshll.u32 v16, $0x10;
	v16 =	vshra.s32 v25, $0x10;
	v17 =	vcvt.s32.f32 v61  }
0x7f: {  	v62 =	vld [tilespmem:s14+$0x30];
	v18 =	vcvt.s32.f32 v14;
	v21 =	vshra.s32 v21, $0x10;
	v16 =	vcvt.s32.f32 v16;
	[tilespmem:s13+$0x80] =	vst v8  }
0x80: {  	v2 =	vcvt.s32.f32 v2;
	v21 =	vcvt.s32.f32 v21;
	v3 =	vshll.u32 v11, $0x10;
	[tilespmem:s13+$0xD0] =	vst v17  }
0x81: {  	v17 =	vshra.s32 v23, $0x10;
	v23 =	vcvt.s32.f32 v15;
	[tilespmem:s13+$0xFFFFFFC0] =	vst v16;
	v3 =	vshra.s32 v3, $0x10  }
0x82: {  	v12 =	vcvt.s32.f32 v10;
	v25 =	vshra.s32 v60, $0x10;
	[tilespmem:s13+$0xFFFFFF80] =	vst v21;
	v3 =	vcvt.s32.f32 v3  }
0x83: {  	v25 =	vcvt.s32.f32 v25;
	v8 =	vcvt.s32.f32 v22;
	v11 =	vshra.s32 v11, $0x10;
	v21 =	vld [tilespmem:s14+$0x50];
	[tilespmem:s13+$0xFFFFFF60] =	vst v23  }
0x84: {  	v16 =	vcvt.s32.f32 v4;
	v15 =	vcvt.s32.f32 v5;
	[tilespmem:s13+$0x0] =	vst v3;
	v3 =	vshll.u32 v62, $0x10  }
0x85: {  	[tilespmem:s13+$0xFFFFFF00] =	vst v25;
	v5 =	vshra.s32 v9, $0x10;
	v9 =	vcvt.s32.f32 v20;
	v30 =	vld [tilespmem:s15+$0xFFFFFFB0];
	v3 =	vshra.s32 v3, $0x10  }
0x86: {  	[tilespmem:s13+$0xFFFFFFE0] =	vst v63;
	v6 =	vshra.s32 v6, $0x10;
	v27 =	vcvt.s32.f32 v11;
	v14 =	vcvt.s32.f32 v3;
	v3 =	vld [tilespmem:s15+$0xFFFFFF90]  }
0x87: {  	[tilespmem:s13+$0xFFFFFFA0] =	vst v1;
	v1 =	vshra.s32 v62, $0x10;
	v28 =	vcvt.s32.f32 v17;
	v17 =	vcvt.s32.f32 v19  }
0x88: {  	[tilespmem:s13+$0x40] =	vst v7;
	v11 =	vcvt.s32.f32 v6;
	v6 =	vld [tilespmem:s15+$0xFFFFFFD0];
	v7 =	vshll.u32 v21, $0x10;
	v10 =	vshra.s32 v21, $0x10  }
0x89: {  	v19 =	vld [tilespmem:s15+$0xFFFFFFF0];
	[tilespmem:s13+$0x20] =	vst v27;
	v4 =	vshra.s32 v7, $0x10;
	v7 =	vcvt.s32.f32 v5;
	v5 =	vcvt.s32.f32 v1  }
0x8a: {  	[tilespmem:s13+$0x60] =	vst v28;
	v20 =	vld [tilespmem:s15+$0x10];
	v10 =	vcvt.s32.f32 v10;
	v13 =	vcvt.s32.f32 v4;
	v4 =	vshra.s32 v59, $0x10  }
0x8b: {  	s18 =	simm.s32 $0x280;
	[tilespmem:s13+$0xA0] =	vst v2;
	v21 =	vld [tilespmem:s15+$0x30];
	v23 =	vshll.u32 v30, $0x10;
	v2 =	vshra.s32 v30, $0x10;
	v22 =	vshll.u32 v3, $0x10  }
0x8c: {  	s17 =	simm.s32 $0x8;
	[tilespmem:s12+$0xFFFFFF10] =	vst v29;
	s14 =	sor.u32 $0x6100, s11;
	v4 =	vcvt.s32.f32 v4;
	v1 =	vshra.s32 v3, $0x10;
	v3 =	vshra.s32 v22, $0x10;
	v22 =	vld [tilespmem:s15+$0x50];
	s15 =	simm.s32 $0x2300  }
.LBB2_5:
0x8d: {  	v24 =	vld [tilespmem:s18+$0x60];
	s17 =	sadd.s32 $0x8, s17;
	v23 =	vshra.s32 v23, $0x10;
	v25 =	vshll.u32 v6, $0x10;
	v6 =	vshra.s32 v6, $0x10;
	[tilespmem:s12+$0xFFFFFF50] =	vst v18  }
0x8e: {  	v18 =	vld [tilespmem:s18+$0xFFFFFFA0];
	p1 =	slt.u32 s17, $0x78;
	v25 =	vshra.s32 v25, $0x10;
	v26 =	vshll.u32 v19, $0x10;
	v19 =	vshra.s32 v19, $0x10;
	[tilespmem:s12+$0xFFFFFF90] =	vst v17  }
0x8f: {  	v17 =	vld [tilespmem:s18+$0xFFFFFFC0];
	v26 =	vshra.s32 v26, $0x10;
	v27 =	vshll.u32 v20, $0x10;
	v20 =	vshra.s32 v20, $0x10;
	[tilespmem:s12+$0xFFFFFFD0] =	vst v16  }
0x90: {  	v16 =	vld [tilespmem:s18+$0xFFFFFFE0];
	v27 =	vshra.s32 v27, $0x10;
	v28 =	vshll.u32 v21, $0x10;
	v21 =	vshra.s32 v21, $0x10;
	[tilespmem:s12+$0x10] =	vst v15  }
0x91: {  	v15 =	vld [tilespmem:s18+$0x0];
	v28 =	vshra.s32 v28, $0x10;
	v29 =	vshll.u32 v22, $0x10;
	v22 =	vshra.s32 v22, $0x10;
	[tilespmem:s12+$0x50] =	vst v14  }
0x92: {  	v14 =	vld [tilespmem:s18+$0x20];
	v30 =	vshll.u32 v24, $0x10;
	v24 =	vshra.s32 v24, $0x10;
	v29 =	vshra.s32 v29, $0x10;
	[tilespmem:s12+$0x90] =	vst v13  }
0x93: {  	v13 =	vshll.u32 v18, $0x10;
	v31 =	vld [tilespmem:s18+$0x40];
	v30 =	vshra.s32 v30, $0x10;
	v24 =	vcvt.s32.f32 v24;
	[tilespmem:s12+$0xFFFFFF30] =	vst v12  }
0x94: {  	s13 =	sadd.s32 $0x200, s13;
	v12 =	vld [tilespmem:s18+$0xFFFFFF80];
	v13 =	vshra.s32 v13, $0x10;
	v32 =	vshll.u32 v17, $0x10;
	v30 =	vcvt.s32.f32 v30;
	[tilespmem:s12+$0xFFFFFF70] =	vst v11  }
0x95: {  	v11 =	vshra.s32 v18, $0x10;
	v18 =	vshra.s32 v32, $0x10;
	v32 =	vshll.u32 v16, $0x10;
	[tilespmem:s13+$0xE0] =	vst v24  }
0x96: {  	v17 =	vshra.s32 v17, $0x10;
	v24 =	vshra.s32 v32, $0x10;
	v32 =	vshll.u32 v15, $0x10;
	[tilespmem:s13+$0xC0] =	vst v30  }
0x97: {  	v16 =	vshra.s32 v16, $0x10;
	v30 =	vshra.s32 v32, $0x10;
	v32 =	vshll.u32 v14, $0x10;
	v33 =	vld [tilespmem:s18+$0x70];
	[tilespmem:s12+$0xFFFFFFB0] =	vst v9  }
0x98: {  	v9 =	vshra.s32 v15, $0x10;
	v15 =	vshra.s32 v32, $0x10;
	v32 =	vshll.u32 v31, $0x10;
	[tilespmem:s12+$0xFFFFFFF0] =	vst v8  }
0x99: {  	v8 =	vshll.u32 v12, $0x10;
	v12 =	vshra.s32 v12, $0x10;
	v32 =	vshra.s32 v32, $0x10;
	[tilespmem:s12+$0x30] =	vst v7  }
0x9a: {  	v7 =	vshra.s32 v8, $0x10;
	v8 =	vshra.s32 v14, $0x10;
	v14 =	vshra.s32 v31, $0x10;
	[tilespmem:s12+$0x70] =	vst v5  }
0x9b: {  	v5 =	vcvt.s32.f32 v7;
	v7 =	vcvt.s32.f32 v13;
	[tilespmem:s12+$0xB0] =	vst v10;
	s12 =	smov.u32 s15;
	s15 =	smov.u32 s13  }
0x9c: {  	v10 =	vcvt.s32.f32 v18;
	v13 =	vcvt.s32.f32 v24;
	v18 =	vshll.u32 v33, $0x10;
	[tilespmem:s12+$0xF0] =	vst v4  }
0x9d: {  	v4 =	vcvt.s32.f32 v30;
	[tilespmem:s13+$0xFFFFFF00] =	vst v5;
	v5 =	vcvt.s32.f32 v15;
	v15 =	vshra.s32 v18, $0x10  }
0x9e: {  	v24 =	vshra.s32 v33, $0x10;
	[tilespmem:s13+$0xFFFFFF40] =	vst v7;
	v7 =	vcvt.s32.f32 v32;
	v15 =	vcvt.s32.f32 v15  }
0x9f: {  	v11 =	vcvt.s32.f32 v11;
	v12 =	vcvt.s32.f32 v12;
	[tilespmem:s13+$0xFFFFFF80] =	vst v10  }
0xa0: {  	v30 =	vcvt.s32.f32 v16;
	v10 =	vcvt.s32.f32 v17;
	[tilespmem:s13+$0xD0] =	vst v15  }
0xa1: {  	v31 =	vcvt.s32.f32 v9;
	v32 =	vcvt.s32.f32 v8;
	[tilespmem:s13+$0xFFFFFFC0] =	vst v13  }
0xa2: {  	v34 =	vcvt.s32.f32 v3;
	v33 =	vcvt.s32.f32 v14;
	[tilespmem:s13+$0x0] =	vst v4  }
0xa3: {  	v18 =	vcvt.s32.f32 v23;
	v17 =	vcvt.s32.f32 v25;
	[tilespmem:s13+$0x40] =	vst v5  }
0xa4: {  	v16 =	vcvt.s32.f32 v26;
	v15 =	vcvt.s32.f32 v27;
	[tilespmem:s13+$0x80] =	vst v7  }
0xa5: {  	v14 =	vcvt.s32.f32 v28;
	v13 =	vcvt.s32.f32 v29;
	[tilespmem:s13+$0xFFFFFF20] =	vst v12  }
0xa6: {  	v12 =	vcvt.s32.f32 v1;
	v3 =	vld [tilespmem:s18+$0xFFFFFF90];
	[tilespmem:s13+$0xFFFFFF60] =	vst v11;
	v11 =	vcvt.s32.f32 v2  }
0xa7: {  	v9 =	vcvt.s32.f32 v6;
	v8 =	vcvt.s32.f32 v19;
	v2 =	vld [tilespmem:s18+$0xFFFFFFB0];
	[tilespmem:s13+$0xFFFFFFA0] =	vst v10  }
.Ltmp1:
0xa8: {  	v5 =	vcvt.s32.f32 v21;
	v7 =	vcvt.s32.f32 v20;
	v6 =	vld [tilespmem:s18+$0xFFFFFFD0];
	[tilespmem:s13+$0xFFFFFFE0] =	vst v30;
	(pc) =	sbr.rel @p1 .LBB2_5-.Ltmp1, $4  }
0xa9: {  	v4 =	vcvt.s32.f32 v24;
	v10 =	vcvt.s32.f32 v22;
	v19 =	vld [tilespmem:s18+$0xFFFFFFF0];
	[tilespmem:s13+$0x20] =	vst v31  }
0xaa: {  	v20 =	vld [tilespmem:s18+$0x10];
	[tilespmem:s13+$0x60] =	vst v32  }
0xab: {  	v22 =	vshll.u32 v3, $0x10;
	v1 =	vshra.s32 v3, $0x10;
	v21 =	vld [tilespmem:s18+$0x30];
	[tilespmem:s13+$0xA0] =	vst v33  }
0xac: {  	v3 =	vshra.s32 v22, $0x10;
	v23 =	vshll.u32 v2, $0x10;
	v2 =	vshra.s32 v2, $0x10;
	v22 =	vld [tilespmem:s18+$0x50];
	s18 =	sadd.s32 $0x100, s18;
	[tilespmem:s12+$0xFFFFFF10] =	vst v34  }
0xad: {  	[tilespmem:s12+$0xFFFFFF50] =	vst v18  }
0xae: {  	[tilespmem:s12+$0xFFFFFF90] =	vst v17  }
0xaf: {  	[tilespmem:s12+$0xFFFFFFD0] =	vst v16  }
0xb0: {  	[tilespmem:s12+$0x10] =	vst v15  }
0xb1: {  	[tilespmem:s12+$0x50] =	vst v14  }
0xb2: {  	[tilespmem:s12+$0x90] =	vst v13  }
0xb3: {  	[tilespmem:s12+$0xFFFFFF30] =	vst v12  }
0xb4: {  	[tilespmem:s12+$0xFFFFFF70] =	vst v11  }
0xb5: {  	[tilespmem:s12+$0xFFFFFFB0] =	vst v9  }
0xb6: {  	[tilespmem:s12+$0xFFFFFFF0] =	vst v8  }
0xb7: {  	[tilespmem:s12+$0x30] =	vst v7  }
0xb8: {  	[tilespmem:s12+$0x70] =	vst v5  }
0xb9: {  	[tilespmem:s12+$0xB0] =	vst v10;
	v3 =	vcvt.s32.f32 v3  }
0xba: {  	[tilespmem:s15+$0xF0] =	vst v4;
	v1 =	vcvt.s32.f32 v1  }
0xbb: {  	v52 =	vshra.s32 v23, $0x10;
	v53 =	vshll.u32 v6, $0x10;
	v2 =	vcvt.s32.f32 v2;
	[tilespmem:s15+$0xFFFFFF10] =	vst v3  }
0xbc: {  	v7 =	vshra.s32 v53, $0x10;
	v54 =	vshll.u32 v19, $0x10;
	v55 =	vcvt.s32.f32 v52;
	[tilespmem:s15+$0xFFFFFF30] =	vst v1  }
0xbd: {  	v56 =	vshra.s32 v54, $0x10;
	v7 =	vcvt.s32.f32 v7;
	[tilespmem:s15+$0xFFFFFF70] =	vst v2  }
0xbe: {  	v57 =	vshll.u32 v20, $0x10;
	v1 =	vshra.s32 v20, $0x10;
	v5 =	vcvt.s32.f32 v56;
	[tilespmem:s15+$0xFFFFFF50] =	vst v55  }
0xbf: {  	v3 =	vshra.s32 v57, $0x10;
	v1 =	vcvt.s32.f32 v1;
	[tilespmem:s15+$0xFFFFFF90] =	vst v7  }
0xc0: {  	v58 =	vshll.u32 v21, $0x10;
	v2 =	vshra.s32 v21, $0x10;
	v3 =	vcvt.s32.f32 v3;
	[tilespmem:s15+$0xFFFFFFD0] =	vst v5  }
0xc1: {  	v59 =	vshra.s32 v58, $0x10;
	v2 =	vcvt.s32.f32 v2;
	[tilespmem:s15+$0x30] =	vst v1  }
0xc2: {  	v60 =	vshll.u32 v22, $0x10;
	v4 =	vcvt.s32.f32 v59;
	[tilespmem:s15+$0x10] =	vst v3;
	v3 =	vshra.s32 v6, $0x10  }
0xc3: {  	v61 =	vshra.s32 v60, $0x10;
	[tilespmem:s15+$0x70] =	vst v2;
	v3 =	vcvt.s32.f32 v3  }
0xc4: {  	p1 =	sne.s32 s23, $0x50;
	v63 =	vshra.s32 v19, $0x10;
	v62 =	vcvt.s32.f32 v61;
	[tilespmem:s15+$0x50] =	vst v4  }
.Ltmp2:
0xc5: {  	v4 =	vcvt.s32.f32 v63;
	[tilespmem:s15+$0xFFFFFFB0] =	vst v3;
	v3 =	vshra.s32 v22, $0x10;
	(pc) =	sbr.rel @p1 .LBB2_8-.Ltmp2, $4  }
0xc6: {  	[tilespmem:s15+$0x90] =	vst v62;
	v3 =	vcvt.s32.f32 v3  }
0xc7: {  	[tilespmem:s15+$0xFFFFFFF0] =	vst v4  }
0xc8: {  	[tilespmem:s15+$0xB0] =	vst v3  }
0xc9: {  	[spmem:s3] =	stream.indirect.scatter.add.f32 [tilespmem:s21], [sflag:$0x3], $0x40, s14, s24, $0xb8;
	[tilespmem:$0x15000] =	vst v63  }
.Ltmp3:
0xca: {  	(pc) =	sbr.rel .LBB2_9-.Ltmp3, $4  }
0xcb: {  	_ = 	snop  }
0xcc: {  	_ =	swait.ge [sflag:s29], $0x1000  }
0xcd: {  	[sflag:s29] =	ssyncset.done $0x0  }
0xce: {  	[sflag:s29] =	ssyncadd.s32 $0xFFFFF000  }
.LBB2_8:
0xcf: {  	s10 =	sadd.s32 $0x20, s10  }
0xd0: {  	s12 =	sadd.s32 s5, s10  }
0xd1: {  	[tilespmem:s22], [sflag:$0x5] =	stream.linear.gather [hbm4b:s12+s4], $0x80, $0x38;
	[tilespmem:$0x15000] =	vst v63  }
0xd2: {  	_ =	swait.ge [sflag:s20], $0x80  }
0xd3: {  	s11 =	sxor.u32 $0x80, s11;
	[sflag:s20] =	ssyncset.done $0x0  }
0xd4: {  	s11 =	sor.u32 $0x6100, s11;
	s10 =	sadd.s32 s6, s10;
	[sflag:s20] =	ssyncadd.s32 $0xFFFFFF80  }
0xd5: {  	[tilespmem:s11], [sflag:$0x5] =	stream.linear.gather [hbm4b:s10+s4], $0x80, $0x38;
	[tilespmem:$0x15000] =	vst v63  }
0xd6: {  	_ =	swait.ge [sflag:s20], $0x80  }
0xd7: {  	[sflag:s20] =	ssyncset.done $0x0  }
.Ltmp4:
0xd8: {  	[sflag:s20] =	ssyncadd.s32 $0xFFFFFF80;
	(pc) =	sbr.rel @p0 .LBB2_10-.Ltmp4, $4  }
0xd9: {  	[tilespmem:s4], [sflag:$0x1] =	stream.indirect.gather [spmem:s2], $0x20, s22, s24, $0xb8;
	[tilespmem:$0x15000] =	vst v63  }
0xda: {  	_ =	swait.ge [sflag:s29], $0x1000  }
0xdb: {  	[sflag:s29] =	ssyncset.done $0x0  }
0xdc: {  	[sflag:s29] =	ssyncadd.s32 $0xFFFFF000  }
.LBB2_9:
0xdd: {  	_ =	swait.ge [sflag:s30], $0x2000  }
0xde: {  	[sflag:s30] =	ssyncset.done $0x0  }
0xdf: {  	[sflag:s30] =	ssyncadd.s32 $0xFFFFE000  }
.LBB2_10:
0xe0: {  	s13 =	simm.s32 $0x10F0  }
0xe1: {  	v1 =	vld [tilespmem:s13+$0xFFFFFFF0]  }
0xe2: {  	v2 =	vld [tilespmem:s13+$0xFFFFFF10]  }
0xe3: {  	v3 =	vld [tilespmem:s13+$0xFFFFFF30]  }
0xe4: {  	v4 =	vld [tilespmem:s13+$0xFFFFFF50]  }
0xe5: {  	v5 =	vld [tilespmem:s13+$0xFFFFFF70]  }
0xe6: {  	s12 =	simm.s32 $0x11F0  }
0xe7: {  	v15 =	vld [tilespmem:s12+$0xFFFFFF30]  }
0xe8: {  	v6 =	vshll.u32 v1, $0x10  }
0xe9: {  	v1 =	vshra.s32 v1, $0x10;
	v7 =	vshll.u32 v2, $0x10;
	v9 =	vshll.u32 v3, $0x10  }
0xea: {  	v18 =	vld [tilespmem:s12+$0xFFFFFF70];
	v10 =	vshll.u32 v4, $0x10;
	v11 =	vshll.u32 v5, $0x10;
	v2 =	vshra.s32 v2, $0x10  }
0xeb: {  	v4 =	vshra.s32 v4, $0x10;
	v5 =	vshra.s32 v5, $0x10;
	v1 =	vcvt.s32.f32 v1  }
0xec: {  	s10 =	simm.s32 $0x41F0;
	v24 =	vshll.u32 v15, $0x10;
	v6 =	vshra.s32 v6, $0x10;
	v4 =	vcvt.s32.f32 v4  }
0xed: {  	v8 =	vld [tilespmem:s13+$0xFFFFFF90];
	v7 =	vshra.s32 v7, $0x10;
	v10 =	vshra.s32 v10, $0x10;
	v6 =	vcvt.s32.f32 v6;
	[tilespmem:s10+$0xFFFFFFF0] =	vst v1  }
0xee: {  	v15 =	vshra.s32 v15, $0x10;
	v10 =	vcvt.s32.f32 v10;
	v1 =	vcvt.s32.f32 v7;
	v7 =	vld [tilespmem:s13+$0xFFFFFFB0];
	[tilespmem:s10+$0xFFFFFEB0] =	vst v4  }
0xef: {  	v25 =	vshll.u32 v18, $0x10;
	v18 =	vshra.s32 v18, $0x10;
	v9 =	vshra.s32 v9, $0x10;
	v4 =	vld [tilespmem:s12+$0xFFFFFFF0];
	[tilespmem:s10+$0xFFFFFFD0] =	vst v6  }
0xf0: {  	v11 =	vshra.s32 v11, $0x10;
	v2 =	vcvt.s32.f32 v2;
	v6 =	vcvt.s32.f32 v9;
	v9 =	vld [tilespmem:s13+$0xFFFFFFD0];
	[tilespmem:s10+$0xFFFFFE90] =	vst v10  }
0xf1: {  	v5 =	vcvt.s32.f32 v5;
	v63 =	vcvt.s32.f32 v18;
	[tilespmem:s10+$0xFFFFFE10] =	vst v1;
	v1 =	vshra.s32 v3, $0x10  }
0xf2: {  	v3 =	vcvt.s32.f32 v11;
	v11 =	vld [tilespmem:s13+$0x0];
	[tilespmem:s10+$0xFFFFFE50] =	vst v6;
	v6 =	vshll.u32 v8, $0x10;
	v8 =	vshra.s32 v8, $0x10  }
0xf3: {  	[tilespmem:s10+$0xFFFFFE30] =	vst v2;
	v12 =	vld [tilespmem:s13+$0xFFFFFF60];
	v1 =	vcvt.s32.f32 v1;
	v6 =	vshra.s32 v6, $0x10;
	v8 =	vcvt.s32.f32 v8  }
0xf4: {  	[tilespmem:s10+$0xFFFFFED0] =	vst v3;
	v3 =	vshll.u32 v7, $0x10;
	v6 =	vcvt.s32.f32 v6;
	v17 =	vshll.u32 v4, $0x10  }
0xf5: {  	v16 =	vld [tilespmem:s12+$0xFFFFFF50];
	[tilespmem:s10+$0xFFFFFEF0] =	vst v5;
	v4 =	vshra.s32 v4, $0x10;
	v2 =	vshra.s32 v3, $0x10;
	v3 =	vshll.u32 v9, $0x10  }
0xf6: {  	v10 =	vld [tilespmem:s13+$0xFFFFFF20];
	[tilespmem:s10+$0xFFFFFE70] =	vst v1;
	v17 =	vshra.s32 v17, $0x10;
	v4 =	vcvt.s32.f32 v4;
	v1 =	vshra.s32 v3, $0x10  }
0xf7: {  	v23 =	vld [tilespmem:s12+$0xFFFFFFB0];
	[tilespmem:s10+$0xFFFFFF30] =	vst v8;
	v3 =	vshra.s32 v7, $0x10;
	v7 =	vshra.s32 v9, $0x10;
	v9 =	vshll.u32 v11, $0x10  }
0xf8: {  	s11 =	simm.s32 $0x43F0;
	[tilespmem:s10+$0xFFFFFF10] =	vst v6;
	v6 =	vld [tilespmem:s13+$0xFFFFFF40];
	v2 =	vcvt.s32.f32 v2;
	v19 =	vshll.u32 v12, $0x10;
	v17 =	vcvt.s32.f32 v17  }
0xf9: {  	v20 =	vshra.s32 v12, $0x10;
	v12 =	vld [tilespmem:s12+$0xFFFFFF10];
	v9 =	vshra.s32 v9, $0x10;
	v1 =	vcvt.s32.f32 v1;
	[tilespmem:s11+$0xFFFFFFF0] =	vst v4  }
0xfa: {  	v3 =	vcvt.s32.f32 v3;
	v5 =	vcvt.s32.f32 v9;
	v9 =	vshra.s32 v11, $0x10;
	v11 =	vld [tilespmem:s13+$0xFFFFFF80];
	[tilespmem:s11+$0xFFFFFFD0] =	vst v17  }
0xfb: {  	v7 =	vcvt.s32.f32 v7;
	v13 =	vshll.u32 v10, $0x10;
	v10 =	vshra.s32 v10, $0x10;
	[tilespmem:s10+$0xFFFFFF50] =	vst v2;
	v2 =	vld [tilespmem:s12+$0xFFFFFFD0]  }
0xfc: {  	v13 =	vshra.s32 v13, $0x10;
	v17 =	vshra.s32 v24, $0x10;
	v8 =	vcvt.s32.f32 v9;
	v9 =	vld [tilespmem:s13+$0xFFFFFFA0];
	[tilespmem:s10+$0xFFFFFF90] =	vst v1  }
0xfd: {  	v59 =	vld [tilespmem:s12+$0x0];
	v1 =	vshra.s32 v16, $0x10;
	[tilespmem:s10+$0xFFFFFFB0] =	vst v7;
	v7 =	vshll.u32 v23, $0x10;
	v17 =	vcvt.s32.f32 v17  }
0xfe: {  	v29 =	vcvt.s32.f32 v13;
	v7 =	vshra.s32 v7, $0x10;
	v1 =	vcvt.s32.f32 v1  }
0xff: {  	v14 =	vshll.u32 v6, $0x10;
	v60 =	vshll.u32 v12, $0x10;
	v12 =	vshra.s32 v12, $0x10  }
0x100: {  	v7 =	vcvt.s32.f32 v7;
	v14 =	vshra.s32 v14, $0x10;
	v12 =	vcvt.s32.f32 v12  }
0x101: {  	[tilespmem:s10+$0x0] =	vst v8;
	v21 =	vshll.u32 v11, $0x10;
	v22 =	vshra.s32 v11, $0x10;
	v8 =	vshll.u32 v2, $0x10  }
0x102: {  	[tilespmem:s10+$0xFFFFFF70] =	vst v3;
	v11 =	vld [tilespmem:s12+$0xFFFFFF90];
	v4 =	vshra.s32 v21, $0x10;
	v21 =	vshll.u32 v9, $0x10;
	v26 =	vshll.u32 v59, $0x10  }
0x103: {  	[tilespmem:s10+$0xFFFFFFE0] =	vst v5;
	v8 =	vshra.s32 v8, $0x10;
	v5 =	vshra.s32 v21, $0x10;
	v21 =	vshll.u32 v16, $0x10  }
0x104: {  	[tilespmem:s11+$0xFFFFFE50] =	vst v17;
	v16 =	vshra.s32 v25, $0x10;
	v25 =	vshra.s32 v60, $0x10;
	v8 =	vcvt.s32.f32 v8  }
0x105: {  	v2 =	vshra.s32 v2, $0x10;
	[tilespmem:s11+$0xFFFFFE30] =	vst v12;
	v61 =	vshra.s32 v26, $0x10;
	v25 =	vcvt.s32.f32 v25  }
0x106: {  	v62 =	vld [tilespmem:s13+$0xFFFFFFC0];
	v18 =	vcvt.s32.f32 v14;
	v21 =	vshra.s32 v21, $0x10;
	v17 =	vcvt.s32.f32 v61;
	[tilespmem:s11+$0xFFFFFF90] =	vst v8  }
0x107: {  	v2 =	vcvt.s32.f32 v2;
	v21 =	vcvt.s32.f32 v21;
	v3 =	vshll.u32 v11, $0x10;
	[tilespmem:s11+$0xFFFFFE10] =	vst v25  }
0x108: {  	[tilespmem:s11+$0xFFFFFFE0] =	vst v17;
	v17 =	vshra.s32 v23, $0x10;
	v23 =	vcvt.s32.f32 v15;
	v3 =	vshra.s32 v3, $0x10  }
0x109: {  	v19 =	vshra.s32 v19, $0x10;
	v12 =	vcvt.s32.f32 v10;
	[tilespmem:s11+$0xFFFFFE90] =	vst v21;
	v21 =	vld [tilespmem:s13+$0xFFFFFFE0];
	v3 =	vcvt.s32.f32 v3  }
0x10a: {  	v6 =	vshra.s32 v6, $0x10;
	v10 =	vcvt.s32.f32 v20;
	v16 =	vcvt.s32.f32 v16;
	[tilespmem:s11+$0xFFFFFE70] =	vst v23  }
0x10b: {  	v8 =	vcvt.s32.f32 v22;
	v11 =	vshra.s32 v11, $0x10;
	[tilespmem:s11+$0xFFFFFF10] =	vst v3;
	v3 =	vshll.u32 v62, $0x10  }
0x10c: {  	[tilespmem:s11+$0xFFFFFED0] =	vst v16;
	v16 =	vcvt.s32.f32 v4;
	v15 =	vcvt.s32.f32 v5;
	v30 =	vld [tilespmem:s12+$0xFFFFFF40];
	v3 =	vshra.s32 v3, $0x10  }
0x10d: {  	[tilespmem:s11+$0xFFFFFEB0] =	vst v1;
	v1 =	vshra.s32 v62, $0x10;
	v27 =	vcvt.s32.f32 v11;
	v14 =	vcvt.s32.f32 v3;
	v3 =	vld [tilespmem:s12+$0xFFFFFF20]  }
0x10e: {  	[tilespmem:s11+$0xFFFFFF50] =	vst v7;
	v28 =	vcvt.s32.f32 v17;
	v17 =	vcvt.s32.f32 v19;
	v7 =	vshll.u32 v21, $0x10  }
0x10f: {  	[tilespmem:s11+$0xFFFFFEF0] =	vst v63;
	v11 =	vcvt.s32.f32 v6;
	v6 =	vcvt.s32.f32 v1;
	v5 =	vld [tilespmem:s12+$0xFFFFFF60];
	v4 =	vshra.s32 v7, $0x10  }
0x110: {  	v19 =	vld [tilespmem:s12+$0xFFFFFF80];
	[tilespmem:s11+$0xFFFFFF30] =	vst v27;
	v7 =	vshra.s32 v9, $0x10;
	v9 =	vshra.s32 v21, $0x10;
	v13 =	vcvt.s32.f32 v4  }
0x111: {  	[tilespmem:s11+$0xFFFFFF70] =	vst v28;
	v20 =	vld [tilespmem:s12+$0xFFFFFFA0];
	v4 =	vshra.s32 v59, $0x10;
	v7 =	vcvt.s32.f32 v7;
	v9 =	vcvt.s32.f32 v9  }
0x112: {  	[tilespmem:s11+$0xFFFFFFB0] =	vst v2;
	v21 =	vld [tilespmem:s12+$0xFFFFFFC0];
	v23 =	vshll.u32 v30, $0x10;
	v2 =	vshra.s32 v30, $0x10;
	v22 =	vshll.u32 v3, $0x10  }
0x113: {  	s14 =	simm.s32 $0x12F0;
	[tilespmem:s10+$0xFFFFFE20] =	vst v29;
	s13 =	simm.s32 $0x8;
	v4 =	vcvt.s32.f32 v4;
	v1 =	vshra.s32 v3, $0x10;
	v3 =	vshra.s32 v22, $0x10;
	v22 =	vld [tilespmem:s12+$0xFFFFFFE0];
	s12 =	simm.s32 $0x43F0  }
.LBB2_11:
0x114: {  	v24 =	vld [tilespmem:s14+$0xFFFFFFF0];
	s13 =	sadd.s32 $0x8, s13;
	v23 =	vshra.s32 v23, $0x10;
	v25 =	vshll.u32 v5, $0x10;
	v5 =	vshra.s32 v5, $0x10;
	[tilespmem:s10+$0xFFFFFE60] =	vst v18  }
0x115: {  	v18 =	vld [tilespmem:s14+$0xFFFFFF30];
	p0 =	slt.u32 s13, $0x78;
	v25 =	vshra.s32 v25, $0x10;
	v26 =	vshll.u32 v19, $0x10;
	v19 =	vshra.s32 v19, $0x10;
	[tilespmem:s10+$0xFFFFFEA0] =	vst v17  }
0x116: {  	v17 =	vld [tilespmem:s14+$0xFFFFFF50];
	v26 =	vshra.s32 v26, $0x10;
	v27 =	vshll.u32 v20, $0x10;
	v20 =	vshra.s32 v20, $0x10;
	[tilespmem:s10+$0xFFFFFEE0] =	vst v16  }
0x117: {  	v16 =	vld [tilespmem:s14+$0xFFFFFF70];
	v27 =	vshra.s32 v27, $0x10;
	v28 =	vshll.u32 v21, $0x10;
	v21 =	vshra.s32 v21, $0x10;
	[tilespmem:s10+$0xFFFFFF20] =	vst v15  }
0x118: {  	v15 =	vld [tilespmem:s14+$0xFFFFFF90];
	v28 =	vshra.s32 v28, $0x10;
	v29 =	vshll.u32 v22, $0x10;
	v22 =	vshra.s32 v22, $0x10;
	[tilespmem:s10+$0xFFFFFF60] =	vst v14  }
0x119: {  	v14 =	vld [tilespmem:s14+$0xFFFFFFB0];
	v30 =	vshll.u32 v24, $0x10;
	v24 =	vshra.s32 v24, $0x10;
	v29 =	vshra.s32 v29, $0x10;
	[tilespmem:s10+$0xFFFFFFA0] =	vst v13  }
0x11a: {  	v13 =	vshll.u32 v18, $0x10;
	v31 =	vld [tilespmem:s14+$0xFFFFFFD0];
	v30 =	vshra.s32 v30, $0x10;
	v24 =	vcvt.s32.f32 v24;
	[tilespmem:s10+$0xFFFFFE40] =	vst v12  }
0x11b: {  	s11 =	sadd.s32 $0x200, s11;
	v12 =	vld [tilespmem:s14+$0xFFFFFF10];
	v13 =	vshra.s32 v13, $0x10;
	v32 =	vshll.u32 v17, $0x10;
	v30 =	vcvt.s32.f32 v30;
	[tilespmem:s10+$0xFFFFFE80] =	vst v11  }
0x11c: {  	v11 =	vshra.s32 v18, $0x10;
	v18 =	vshra.s32 v32, $0x10;
	v32 =	vshll.u32 v16, $0x10;
	[tilespmem:s11+$0xFFFFFFF0] =	vst v24  }
0x11d: {  	v17 =	vshra.s32 v17, $0x10;
	v24 =	vshra.s32 v32, $0x10;
	v32 =	vshll.u32 v15, $0x10;
	[tilespmem:s11+$0xFFFFFFD0] =	vst v30  }
0x11e: {  	v16 =	vshra.s32 v16, $0x10;
	v30 =	vshra.s32 v32, $0x10;
	v32 =	vshll.u32 v14, $0x10;
	v33 =	vld [tilespmem:s14+$0x0];
	[tilespmem:s10+$0xFFFFFEC0] =	vst v10  }
0x11f: {  	v10 =	vshra.s32 v15, $0x10;
	v15 =	vshra.s32 v32, $0x10;
	v32 =	vshll.u32 v31, $0x10;
	[tilespmem:s10+$0xFFFFFF00] =	vst v8  }
0x120: {  	v8 =	vshll.u32 v12, $0x10;
	v12 =	vshra.s32 v12, $0x10;
	v32 =	vshra.s32 v32, $0x10;
	[tilespmem:s10+$0xFFFFFF40] =	vst v7  }
0x121: {  	v7 =	vshra.s32 v8, $0x10;
	v8 =	vshra.s32 v14, $0x10;
	v14 =	vshra.s32 v31, $0x10;
	[tilespmem:s10+$0xFFFFFF80] =	vst v6  }
0x122: {  	v6 =	vcvt.s32.f32 v7;
	v7 =	vcvt.s32.f32 v13;
	[tilespmem:s10+$0xFFFFFFC0] =	vst v9;
	s10 =	smov.u32 s12;
	s12 =	smov.u32 s11  }
0x123: {  	v9 =	vcvt.s32.f32 v18;
	v13 =	vcvt.s32.f32 v24;
	v18 =	vshll.u32 v33, $0x10;
	[tilespmem:s10+$0x0] =	vst v4  }
0x124: {  	v4 =	vcvt.s32.f32 v30;
	[tilespmem:s11+$0xFFFFFE10] =	vst v6;
	v6 =	vcvt.s32.f32 v15;
	v15 =	vshra.s32 v18, $0x10  }
0x125: {  	v24 =	vshra.s32 v33, $0x10;
	[tilespmem:s11+$0xFFFFFE50] =	vst v7;
	v7 =	vcvt.s32.f32 v32;
	v15 =	vcvt.s32.f32 v15  }
0x126: {  	v11 =	vcvt.s32.f32 v11;
	v12 =	vcvt.s32.f32 v12;
	[tilespmem:s11+$0xFFFFFE90] =	vst v9  }
0x127: {  	v30 =	vcvt.s32.f32 v16;
	v9 =	vcvt.s32.f32 v17;
	[tilespmem:s11+$0xFFFFFFE0] =	vst v15  }
0x128: {  	v31 =	vcvt.s32.f32 v10;
	v32 =	vcvt.s32.f32 v8;
	[tilespmem:s11+$0xFFFFFED0] =	vst v13  }
0x129: {  	v34 =	vcvt.s32.f32 v3;
	v33 =	vcvt.s32.f32 v14;
	[tilespmem:s11+$0xFFFFFF10] =	vst v4  }
0x12a: {  	v18 =	vcvt.s32.f32 v23;
	v17 =	vcvt.s32.f32 v25;
	[tilespmem:s11+$0xFFFFFF50] =	vst v6  }
0x12b: {  	v16 =	vcvt.s32.f32 v26;
	v15 =	vcvt.s32.f32 v27;
	[tilespmem:s11+$0xFFFFFF90] =	vst v7  }
0x12c: {  	v14 =	vcvt.s32.f32 v28;
	v13 =	vcvt.s32.f32 v29;
	[tilespmem:s11+$0xFFFFFE30] =	vst v12  }
0x12d: {  	v12 =	vcvt.s32.f32 v1;
	v3 =	vld [tilespmem:s14+$0xFFFFFF20];
	[tilespmem:s11+$0xFFFFFE70] =	vst v11;
	v11 =	vcvt.s32.f32 v2  }
0x12e: {  	v10 =	vcvt.s32.f32 v5;
	v8 =	vcvt.s32.f32 v19;
	v2 =	vld [tilespmem:s14+$0xFFFFFF40];
	[tilespmem:s11+$0xFFFFFEB0] =	vst v9  }
.Ltmp5:
0x12f: {  	v6 =	vcvt.s32.f32 v21;
	v7 =	vcvt.s32.f32 v20;
	v5 =	vld [tilespmem:s14+$0xFFFFFF60];
	[tilespmem:s11+$0xFFFFFEF0] =	vst v30;
	(pc) =	sbr.rel @p0 .LBB2_11-.Ltmp5, $4  }
0x130: {  	v4 =	vcvt.s32.f32 v24;
	v9 =	vcvt.s32.f32 v22;
	v19 =	vld [tilespmem:s14+$0xFFFFFF80];
	[tilespmem:s11+$0xFFFFFF30] =	vst v31  }
0x131: {  	v20 =	vld [tilespmem:s14+$0xFFFFFFA0];
	[tilespmem:s11+$0xFFFFFF70] =	vst v32  }
0x132: {  	v22 =	vshll.u32 v3, $0x10;
	v1 =	vshra.s32 v3, $0x10;
	v21 =	vld [tilespmem:s14+$0xFFFFFFC0];
	[tilespmem:s11+$0xFFFFFFB0] =	vst v33  }
0x133: {  	v3 =	vshra.s32 v22, $0x10;
	v23 =	vshll.u32 v2, $0x10;
	v2 =	vshra.s32 v2, $0x10;
	v22 =	vld [tilespmem:s14+$0xFFFFFFE0];
	s14 =	sadd.s32 $0x100, s14;
	[tilespmem:s10+$0xFFFFFE20] =	vst v34  }
0x134: {  	[tilespmem:s10+$0xFFFFFE60] =	vst v18  }
0x135: {  	[tilespmem:s10+$0xFFFFFEA0] =	vst v17  }
0x136: {  	[tilespmem:s10+$0xFFFFFEE0] =	vst v16  }
0x137: {  	[tilespmem:s10+$0xFFFFFF20] =	vst v15  }
0x138: {  	[tilespmem:s10+$0xFFFFFF60] =	vst v14  }
0x139: {  	[tilespmem:s10+$0xFFFFFFA0] =	vst v13  }
0x13a: {  	[tilespmem:s10+$0xFFFFFE40] =	vst v12  }
0x13b: {  	[tilespmem:s10+$0xFFFFFE80] =	vst v11  }
0x13c: {  	[tilespmem:s10+$0xFFFFFEC0] =	vst v10  }
0x13d: {  	[tilespmem:s10+$0xFFFFFF00] =	vst v8  }
0x13e: {  	[tilespmem:s10+$0xFFFFFF40] =	vst v7  }
0x13f: {  	[tilespmem:s10+$0xFFFFFF80] =	vst v6  }
0x140: {  	[tilespmem:s10+$0xFFFFFFC0] =	vst v9;
	v3 =	vcvt.s32.f32 v3  }
0x141: {  	[tilespmem:s12+$0x0] =	vst v4;
	v1 =	vcvt.s32.f32 v1  }
0x142: {  	v52 =	vshra.s32 v23, $0x10;
	v53 =	vshll.u32 v5, $0x10;
	v2 =	vcvt.s32.f32 v2;
	[tilespmem:s12+$0xFFFFFE20] =	vst v3  }
0x143: {  	v7 =	vshra.s32 v53, $0x10;
	v54 =	vshll.u32 v19, $0x10;
	v55 =	vcvt.s32.f32 v52;
	[tilespmem:s12+$0xFFFFFE40] =	vst v1  }
0x144: {  	v56 =	vshra.s32 v54, $0x10;
	v7 =	vcvt.s32.f32 v7;
	[tilespmem:s12+$0xFFFFFE80] =	vst v2  }
0x145: {  	v57 =	vshll.u32 v20, $0x10;
	v1 =	vshra.s32 v20, $0x10;
	v6 =	vcvt.s32.f32 v56;
	[tilespmem:s12+$0xFFFFFE60] =	vst v55  }
0x146: {  	v3 =	vshra.s32 v57, $0x10;
	v1 =	vcvt.s32.f32 v1;
	[tilespmem:s12+$0xFFFFFEA0] =	vst v7  }
0x147: {  	v58 =	vshll.u32 v21, $0x10;
	v2 =	vshra.s32 v21, $0x10;
	v3 =	vcvt.s32.f32 v3;
	[tilespmem:s12+$0xFFFFFEE0] =	vst v6  }
0x148: {  	v59 =	vshra.s32 v58, $0x10;
	v2 =	vcvt.s32.f32 v2;
	[tilespmem:s12+$0xFFFFFF40] =	vst v1  }
0x149: {  	v60 =	vshll.u32 v22, $0x10;
	v4 =	vcvt.s32.f32 v59;
	[tilespmem:s12+$0xFFFFFF20] =	vst v3;
	v3 =	vshra.s32 v5, $0x10  }
0x14a: {  	s23 =	sadd.s32 $0x1, s23;
	v61 =	vshra.s32 v60, $0x10;
	[tilespmem:s12+$0xFFFFFF80] =	vst v2;
	v3 =	vcvt.s32.f32 v3  }
0x14b: {  	v63 =	vshra.s32 v19, $0x10;
	p0 =	sne.s32 s23, $0x51;
	v62 =	vcvt.s32.f32 v61;
	[tilespmem:s12+$0xFFFFFF60] =	vst v4  }
.Ltmp6:
0x14c: {  	v4 =	vcvt.s32.f32 v63;
	[tilespmem:s12+$0xFFFFFEC0] =	vst v3;
	v3 =	vshra.s32 v22, $0x10;
	(pc) =	sbr.rel @p0 .LBB2_4-.Ltmp6, $4  }
0x14d: {  	[tilespmem:s12+$0xFFFFFFA0] =	vst v62;
	v3 =	vcvt.s32.f32 v3  }
0x14e: {  	[tilespmem:s12+$0xFFFFFF00] =	vst v4  }
0x14f: {  	[tilespmem:s12+$0xFFFFFFC0] =	vst v3  }
0x150: {  	[spmem:s3] =	stream.indirect.scatter.add.f32 [tilespmem:s31], [sflag:$0x4], $0x40, s7, s24, $0xb8;
	[tilespmem:$0x15000] =	vst v63  }
0x151: {  	_ =	swait.ge [sflag:s1], $0x2000  }
0x152: {  	[sflag:s1] =	ssyncset.done $0x0  }
0x153: {  	[sflag:s1] =	ssyncadd.s32 $0xFFFFE000  }
0x154: {  	_ =	swait.ge [sflag:s30], $0x2000  }
0x155: {  	[sflag:s30] =	ssyncset.done $0x0  }
0x156: {  	[sflag:s30] =	ssyncadd.s32 $0xFFFFE000  }
0x157: {  	[bflag:$0x0] =	sbarrier.arrive $0xFFFF  }
0x158: {  	s7 =	sshrl.u32 s9, $0x3;
	s10 =	rddreg [dreg:$0xc]  }
0x159: {  	[hbm:s10], [sflag:s8] =	dma.local [spmem:s7], $0x13C0  }
0x15a: {  	_ =	swait.ge [sflag:s20], $0x13C0  }
0x15b: {  	s0 =	sadd.s32 $0x1, s0;
	s23 =	rddreg [dreg:$0xd]  }
0x15c: {  	p0 =	sne.s32 s0, s23  }
.Ltmp7:
0x15d: {  	_ = 	snop;
	(pc) =	sbr.rel @p0 .LBB2_1-.Ltmp7, $3  }
0x15e: {  	_ =	sdelay $0x1  }
0x15f: {  	[sflag:s20] =	ssyncset.done $0x0  }
0x160: {  	[sflag:s20] =	ssyncadd.s32 $0xFFFFEC40  }
0x161: {  	_ =	sfence.sel $0x180000  }
0x162: {  	[bflag:$0x0] =	sbarrier.arrive $0xFFFF  }
0x163: {  	_ =	strace $0x9000004D  }
0x164: {  	s0 =	stileid.u32;
	[bflag:$0x2] =	sbarrier.arrive $0xFFFF  }
0x165: {  	p0 =	sne.s32 s0, $0x0;
	s0 =	rddreg [dreg:$0x4]  }
0x166: {  	s0 =	sadd.s32 @!p0 $0x100000, s0  }
0x167: {  	[sflag:s0] =	ssyncadd.tile.s32 @!p0 $0x1;
	_ =	shalt  }
.Lfunc_end2:
_tile_overlayer_lowered:
.L_overlay_start_2:
0x168: {  	(tag) =	ssettag $0x2  }
0x169: {  	s0 =	rddreg [dreg:$0x0];
	s2 =	stileid.u32  }
0x16a: {  	s1 =	rddreg [dreg:$0x1];
	p0 =	sne.s32 s2, $0x0  }
0x16b: {  	s3 =	rddreg [dreg:$0x2];
	[bflag:$0x3] =	sbarrier.arrive $0xFFFF;
	s2 =	simm.s32 @!p0 $0x1C05  }
0x16c: {  	[timem:s3], [sflag:s2] =	dma.local @!p0 [hbm:s0], s1  }
0x16d: {  	s0 =	simm.s32 @!p0 $0x5  }
0x16e: {  	_ =	swait.ge @!p0 [sflag:s0], s1  }
0x16f: {  	s1 =	ssub.s32 @!p0 $0x0, s1;
	[sflag:s0] =	ssyncset.done @!p0 $0x0  }
0x170: {  	[sflag:s0] =	ssyncadd.s32 @!p0 s1  }
0x171: {  	[bflag:$0x3] =	sbarrier.arrive $0xFFFF  }
0x172: {  	_ =	shalt  }

// kernel: kernel.8.cloned.1.call-start
scs
__scs_entry_jumppad:
0x0: {  	(pc) =	sbr.rel $0x88, $3  }
0x1: {  	(tag) =	ssettag $0x0;
	lr =	simm.s32 $0x1  }
0x2: {  	[smem:$0x3F9B] =	sst lr;
	_ =	strace $0xD0000000  }
0x3: {  	_ = 	snop  }
0x4: {  	_ = 	snop  }
0x5: {  	_ = 	snop  }
0x6: {  	_ = 	snop  }
0x7: {  	_ = 	snop  }
__scs_overlays_trampoline_lowered:
0x8: {  	[smem:$0x3FAA] =	sst s0  }
0x9: {  	[smem:$0x3FAB] =	sst s1  }
0xa: {  	[smem:$0x3FAC] =	sst s2  }
0xb: {  	[smem:$0x3FAD] =	sst s3  }
0xc: {  	[smem:$0x3FAE] =	sst s4  }
0xd: {  	[smem:$0x3FAF] =	sst s5  }
0xe: {  	[smem:$0x3FB0] =	sst s6  }
0xf: {  	[smem:$0x3FB1] =	sst s7  }
0x10: {  	[smem:$0x3FB2] =	sst s8  }
0x11: {  	[smem:$0x3FB3] =	sst s9;
	s0 =	simm.s32 @!p0 $0x0  }
0x12: {  	s1 =	sld [smem:$0x3F99];
	s0 =	simm.s32 @p0 $0x1  }
0x13: {  	[smem:$0x3FB4] =	sst s0;
	s0 =	simm.s32 @!p1 $0x0  }
0x14: {  	s2 =	sld [smem:$0x3F98];
	s0 =	simm.s32 @p1 $0x1  }
0x15: {  	[smem:$0x3FB5] =	sst s0;
	s0 =	simm.s32 @!p2 $0x0  }
0x16: {  	s3 =	sld [smem:$0x3FDB];
	s0 =	simm.s32 @p2 $0x1  }
0x17: {  	s4 =	simm.s32 $0x1BF5;
	[smem:$0x3FB7] =	sst s0  }
0x18: {  	s0 =	sld [smem:$0x3F9A];
	_ =	swait.ge [sflag:s4], $0x0  }
0x19: {  	s7 =	sld [smem:$0x3F9B]  }
0x1a: {  	s8 =	sadd.s32 $0xFFFFE003, lr  }
0x1b: {  	s9 =	sadd.s32 $0xFFFFFEF7, lr;
	s5 =	simm.s32 $0xFFFFFFFF;
	p2 =	slt.u32 s8, $0xFFFFF086  }
0x1c: {  	p1 =	slt.u32 s9, $0xF7A;
	s5 =	simm.s32 @!p2 $0x0  }
0x1d: {  	s5 =	simm.s32 @p1 $0x1;
	p0 =	seq.s32 s7, s2  }
0x1e: {  	s7 =	smul.u32 @!p0 $0xF7A, s2;
	p2 =	seq.s32 @!p0 s5, $0x0  }
0x1f: {  	s9 =	smul.u32 $0xF7A, s1;
	s8 =	simm.s32 @!p0 $0x1BF5;
	p2 =	por !p2, p0  }
0x20: {  	[sflag:s8] =	ssyncset.s32 @!p0 $0xFFFFF086;
	s6 =	sadd.s32 @!p0 s3, s7;
	s7 =	simm.s32 @!p0 $0x108  }
0x21: {  	s3 =	sadd.s32 s3, s9;
	s6 =	sadd.s32 @!p0 $0x88, s6;
	s7 =	simm.s32 @p2 $0x1082  }
0x22: {  	[simem:s7], [sflag:s8] =	dma.local @!p0 [hbm:s6], $0xF7A  }
0x23: {  	s9 =	sor.u32 $0xD0000000, s2;
	s6 =	simm.s32 $0x108;
	_ =	swait.ge @!p0 [sflag:s8], $0x0  }
0x24: {  	s3 =	sadd.s32 $0x88, s3;
	s6 =	simm.s32 @!p1 $0x1082;
	[sflag:s4] =	ssyncset.s32 $0xFFFFF086  }
0x25: {  	[simem:s6], [sflag:s4] =	dma.local [hbm:s3], $0xF7A  }
0x26: {  	[smem:$0x3F9B] =	sst s1;
	(tag) =	ssettag s2;
	_ =	strace s9  }
0x27: {  	s1 =	sld [smem:$0x3FAB]  }
0x28: {  	s2 =	sld [smem:$0x3FAC]  }
0x29: {  	s4 =	sld [smem:$0x3FAE]  }
0x2a: {  	p0 =	seq.s32 s5, $0x0;
	s5 =	sld [smem:$0x3FAF]  }
0x2b: {  	s6 =	sld [smem:$0x3FB0]  }
0x2c: {  	s7 =	sld [smem:$0x3FB1]  }
0x2d: {  	s3 =	simm.s32 $0x108;
	s8 =	sld [smem:$0x3FB2]  }
0x2e: {  	s3 =	simm.s32 @!p0 $0x1082;
	s9 =	sld [smem:$0x3FB3]  }
0x2f: {  	lr =	sadd.s32 s0, s3;
	s0 =	sld [smem:$0x3FAA]  }
0x30: {  	s3 =	sld [smem:$0x3FAD]  }
0x31: {  	[smem:$0x3FB6] =	sst s10  }
0x32: {  	s10 =	sld [smem:$0x3FB4];
	_ =	sdelay $0x3  }
0x33: {  	p0 =	seq.s32 s10, $0x1;
	s10 =	sld [smem:$0x3FB6];
	_ =	sdelay $0x3  }
0x34: {  	[smem:$0x3FB6] =	sst s10  }
0x35: {  	s10 =	sld [smem:$0x3FB5];
	_ =	sdelay $0x3  }
0x36: {  	p1 =	seq.s32 s10, $0x1;
	s10 =	sld [smem:$0x3FB6];
	_ =	sdelay $0x3  }
0x37: {  	[smem:$0x3FB6] =	sst s10  }
0x38: {  	s10 =	sld [smem:$0x3FB7]  }
0x39: {  	_ = 	snop;
	(pc) =	sbr.ind lr, $3  }
0x3a: {  	_ = 	snop  }
0x3b: {  	_ = 	snop  }
0x3c: {  	p2 =	seq.s32 s10, $0x1;
	s10 =	sld [smem:$0x3FB6]  }
0x3d: {  	_ =	shalt  }
0x3e: {  	_ =	shalt  }
0x3f: {  	_ =	shalt  }
0x40: {  	_ =	shalt  }
0x41: {  	_ =	shalt  }
0x42: {  	_ =	shalt  }
0x43: {  	_ =	shalt  }
0x44: {  	_ =	shalt  }
0x45: {  	_ =	shalt  }
0x46: {  	_ =	shalt  }
0x47: {  	_ =	shalt  }
0x48: {  	_ =	shalt  }
0x49: {  	_ =	shalt  }
0x4a: {  	_ =	shalt  }
0x4b: {  	_ =	shalt  }
0x4c: {  	_ =	shalt  }
0x4d: {  	_ =	shalt  }
0x4e: {  	_ =	shalt  }
0x4f: {  	_ =	shalt  }
0x50: {  	_ =	shalt  }
0x51: {  	_ =	shalt  }
0x52: {  	_ =	shalt  }
0x53: {  	_ =	shalt  }
0x54: {  	_ =	shalt  }
0x55: {  	_ =	shalt  }
0x56: {  	_ =	shalt  }
0x57: {  	_ =	shalt  }
0x58: {  	_ =	shalt  }
0x59: {  	_ =	shalt  }
0x5a: {  	_ =	shalt  }
0x5b: {  	_ =	shalt  }
0x5c: {  	_ =	shalt  }
0x5d: {  	_ =	shalt  }
0x5e: {  	_ =	shalt  }
0x5f: {  	_ =	shalt  }
0x60: {  	_ =	shalt  }
0x61: {  	_ =	shalt  }
0x62: {  	_ =	shalt  }
0x63: {  	_ =	shalt  }
0x64: {  	_ =	shalt  }
0x65: {  	_ =	shalt  }
0x66: {  	_ =	shalt  }
0x67: {  	_ =	shalt  }
0x68: {  	_ =	shalt  }
0x69: {  	_ =	shalt  }
0x6a: {  	_ =	shalt  }
0x6b: {  	_ =	shalt  }
0x6c: {  	_ =	shalt  }
0x6d: {  	_ =	shalt  }
0x6e: {  	_ =	shalt  }
0x6f: {  	_ =	shalt  }
0x70: {  	_ =	shalt  }
0x71: {  	_ =	shalt  }
0x72: {  	_ =	shalt  }
0x73: {  	_ =	shalt  }
0x74: {  	_ =	shalt  }
0x75: {  	_ =	shalt  }
0x76: {  	_ =	shalt  }
0x77: {  	_ =	shalt  }
0x78: {  	_ =	shalt  }
0x79: {  	_ =	shalt  }
0x7a: {  	_ =	shalt  }
0x7b: {  	_ =	shalt  }
0x7c: {  	_ =	shalt  }
0x7d: {  	_ =	shalt  }
0x7e: {  	_ =	shalt  }
0x7f: {  	_ =	shalt  }
0x80: {  	_ =	shalt  }
0x81: {  	_ =	shalt  }
0x82: {  	_ =	shalt  }
0x83: {  	_ =	shalt  }
0x84: {  	_ =	shalt  }
0x85: {  	_ =	shalt  }
0x86: {  	_ =	shalt  }
0x87: {  	_ =	shalt  }
.Lfunc_end0:
.L_simem_size_0:
called_computation_lowered:
.L_overlay_start_0:
0x88: {  	s2 =	sld [smem:$0x3FD9]  }
0x89: {  	s3 =	sld [smem:$0x3FFE];
	_ =	sdelay $0x1  }
0x8a: {  	s1 =	srdreg.scid  }
0x8b: {  	s0 =	sand.u32 $0x1, s1  }
0x8c: {  	s17 =	sshll.u32 s0, $0xA;
	s2 =	sadd.s32 s3, s2  }
0x8d: {  	s2 =	sadd.s32 s2, s17  }
0x8e: {  	[smem:$0x3FC2] =	sst s2  }
0x8f: {  	_ = 	snop  }
0x90: {  	s2 =	sld [smem:$0x3FD0];
	(tm) =	ssettm $0x1  }
0x91: {  	s18 =	sld [smem:$0x3FFB];
	_ =	sdelay $0x3  }
0x92: {  	_ =	strace s18  }
0x93: {  	s3 =	sld [smem:$0x3FFC];
	_ =	sdelay $0x3  }
0x94: {  	_ =	strace s3  }
0x95: {  	s3 =	sld [smem:$0x3FFD];
	_ =	sdelay $0x3  }
0x96: {  	_ =	strace s3  }
0x97: {  	_ =	strace $0x8FFFFFFF  }
0x98: {  	s19 =	sld [smem:$0x3FDB];
	_ =	sdelay $0x1  }
0x99: {  	s4 =	simm.s32 $_scs_section_size  }
0x9a: {  	s5 =	simm.s32 $_size__tile_overlayer_lowered;
	s6 =	simm.s32 $_tile_overlayer_lowered  }
0x9b: {  	s22 =	simm.s32 $0x1BFF;
	s21 =	sshll.u32 s6, $0x1;
	s3 =	sadd.s32 s4, s19  }
0x9c: {  	s7 =	simm.s32 $0x0;
	s20 =	sshll.u32 s5, $0x1;
	s5 =	sadd.s32 s21, s3  }
0x9d: {  	[timem:s7], [sflag:s22] =	dma.local [hbm:s5], s20  }
0x9e: {  	_ =	swait.ge [sflag:s22], s20  }
0x9f: {  	s4 =	ssub.s32 $0x0, s20;
	[sflag:s22] =	ssyncset.done $0x0  }
0xa0: {  	[sflag:s22] =	ssyncadd.s32 s4;
	_ =	sdelay $0x1  }
0xa1: {  	s23 =	simm.s32 $0x1B8B  }
0xa2: {  	_ =	swait.ge [sflag:s23], $0x1  }
0xa3: {  	[sflag:s23] =	ssyncset.done $0x0  }
0xa4: {  	s25 =	simm.s32 $0x1B8E;
	s24 =	sld [smem:$0x3FFE];
	[sflag:s23] =	ssyncadd.s32 $0xFFFFFFFF  }
0xa5: {  	s26 =	simm.s32 $execute0_lowered;
	[smem:$0x3FD2] =	sst s25  }
0xa6: {  	s5 =	sshll.u32 s26, $0x1;
	_ =	strace $0x80000046;
	[dreg:$0x1] =	wrdreg $0xFFFFFFFF  }
0xa7: {  	s28 =	simm.s32 $_size_execute0_lowered;
	s3 =	sadd.s32 s3, s5;
	[dreg:$0x0] =	wrdreg $0x0  }
0xa8: {  	s5 =	sshll.u32 s28, $0x1;
	[dreg:$0x2] =	wrdreg s3  }
0xa9: {  	[dreg:$0x3] =	wrdreg s5  }
0xaa: {  	[dreg:$0x4] =	wrdreg $0xC0  }
0xab: {  	_ =	task [dreg:s7], $0x5FFFF  }
0xac: {  	[dreg:$0x1] =	wrdreg $0xFFFFFFFF  }
0xad: {  	[dreg:$0x0] =	wrdreg $0x60  }
0xae: {  	[dreg:$0x2] =	wrdreg s24  }
0xaf: {  	[dreg:$0x3] =	wrdreg s2  }
0xb0: {  	[dreg:$0x4] =	wrdreg $0x11000  }
0xb1: {  	[dreg:$0x5] =	wrdreg $0x9  }
0xb2: {  	_ =	task.clear_ibuf [dreg:s7], $0x6FFFF;
	_ =	strace $0x90000046  }
0xb3: {  	s29 =	simm.s32 $0x9;
	_ =	strace $0x80000048  }
0xb4: {  	_ =	swait.ge [sflag:s29], $0x1  }
0xb5: {  	[sflag:s29] =	ssyncadd.s32 $0xFFFFFFFF  }
0xb6: {  	_ =	strace $0x90000048  }
0xb7: {  	_ =	sfence  }
0xb8: {  	s30 =	sld [smem:$0x0];
	_ =	sdelay $0x2  }
0xb9: {  	s31 =	sshll.u32 s1, $0xD;
	s1 =	sshrl.u32 s1, $0x2  }
0xba: {  	s3 =	sand.u32 $0x4000, s31;
	s1 =	sadd.s32 s1, s30  }
0xbb: {  	s0 =	sor.u32 s3, s0;
	s1 =	sshll.u32 s1, $0x11  }
0xbc: {  	s0 =	sor.u32 s1, s0  }
0xbd: {  	s0 =	sadd.s32 $0x8F2B, s0  }
0xbe: {  	[sflag:s0] =	ssyncadd.remote.s32 $0x1  }
0xbf: {  	_ =	sfence.sel $0xFFFF  }
0xc0: {  	[dreg:$0x0] =	wrdreg $0xFFFFFFFF;
	(pc) =	sbr.abs _section_cstart, $3  }
0xc1: {  	[dreg:$0x1] =	wrdreg $0xFFFFFFFF  }
0xc2: {  	_ =	task.clear_ibuf [dreg:s7], $0x2FFFF;
	_ =	strace $0x9FFFFFFF  }
0xc3: {  	(tm) =	ssettm $0x7FFFFFFF  }
tec
execute0_lowered:
.L_overlay_start_1:
0x0: {  	(tag) =	ssettag $0x1  }
0x1: {  	s4 =	rddreg [dreg:$0x0]  }
0x2: {  	s11 =	rddreg [dreg:$0x1]  }
0x3: {  	s1 =	rddreg [dreg:$0x2]  }
0x4: {  	s0 =	rddreg [dreg:$0x3];
	s3 =	simm.s32 $0x0;
	s5 =	srdreg.scid  }
0x5: {  	s2 =	stileid.u32;
	s18 =	simm.s32 $0x1000;
	s19 =	simm.s32 $0x1080  }
0x6: {  	s20 =	simm.s32 $0x80;
	s21 =	simm.s32 $0x1;
	s12 =	smul.u32 $0x4F00, s2  }
0x7: {  	s22 =	simm.s32 $0x2;
	s23 =	simm.s32 $0x0;
	s8 =	smul.u32 $0x9E00, s2  }
0x8: {  	[smem:$0x7FF] =	sst s3;
	s7 =	sand.u32 $0x1, s5;
	s17 =	smul.u32 $0x2900, s2  }
0x9: {  	s4 =	sadd.s32 $0x1C00, s4;
	_ =	strace $0x80000047;
	s15 =	smul.u32 $0x4F000, s7  }
0xa: {  	s5 =	sshll.u32 s7, $0x4;
	s6 =	ssub.s32 $0x2, s7;
	s16 =	smul.u32 $0x29000, s7  }
0xb: {  	s5 =	sor.u32 s2, s5;
	s9 =	sshrl.u32 s6, $0x1;
	s28 =	sshrl.u32 s8, $0x2  }
0xc: {  	s29 =	sshrl.u32 s12, $0x1;
	s10 =	smul.u32 $0x520, s5;
	s13 =	ssub.s32 s6, s9  }
0xd: {  	s14 =	smul.u32 $0x2900, s5;
	s30 =	sadd.s32 s28, s1;
	s5 =	sadd.s32 s29, s1  }
0xe: {  	s12 =	sadd.s32 s12, s15;
	s31 =	sadd.s32 s17, s16;
	s17 =	simm.s32 $0x3  }
0xf: {  	s6 =	sadd.s32 $0x800, s30;
	s7 =	sadd.s32 $0x1000, s30;
	s8 =	sadd.s32 $0x1800, s30  }
0x10: {  	s9 =	sadd.s32 $0x2000, s30;
	s12 =	sshrl.u32 s12, $0x4;
	s16 =	sshrl.u32 s31, $0x3  }
0x11: {  	s15 =	sadd.s32 $0x100, s31;
	s10 =	sadd.s32 s4, s10;
	s14 =	sshrl.u32 s14, $0x3  }
0x12: {  	s11 =	sadd.s32 s11, s12;
	s12 =	smax.u32 s13, $0x1;
	s14 =	sadd.s32 s4, s14  }
0x13: {  	v0 =	vimm.s32 $0x10001;
	v1 =	vimm.s32 $0x0;
	s13 =	sadd.s32 $0x510, s14;
	s14 =	sadd.s32 s16, s4;
	s16 =	simm.s32 $0x800  }
.LBB2_1:
0x14: {  	s24 =	simm.s32 $0x40;
	s25 =	simm.s32 $0x0  }
.LBB2_2:
0x15: {  	p0 =	sne.s32 s24, $0x1FC0;
	[tilespmem:s25+$0x0] =	vst v0;
	s26 =	smov.u32 s24;
	s24 =	sadd.s32 $0x40, s24  }
.Ltmp0:
0x16: {  	[tilespmem:s25+$0x800] =	vst v1;
	(pc) =	sbr.rel @p0 .LBB2_2-.Ltmp0, $2  }
0x17: {  	_ =	sdelay $0x2  }
0x18: {  	s25 =	sshra.s32 s26, $0x2  }
0x19: {  	[tilespmem:s25+$0x0] =	vst v0  }
0x1a: {  	[tilespmem:s25+$0x800] =	vst v1  }
0x1b: {  	[spmem:s5] =	stream.linear.scatter [tilespmem:s16], [sflag:$0x3], $0x800, $0x38;
	[tilespmem:$0x3880] =	vst v63  }
0x1c: {  	_ =	swait.ge [sflag:s17], $0x800  }
0x1d: {  	[sflag:s17] =	ssyncset.done $0x0  }
0x1e: {  	[sflag:s17] =	ssyncadd.s32 $0xFFFFF800  }
0x1f: {  	[spmem:s6] =	stream.linear.scatter [tilespmem:s16], [sflag:$0x3], $0x800, $0x38;
	[tilespmem:$0x3880] =	vst v63  }
0x20: {  	_ =	swait.ge [sflag:s17], $0x800  }
0x21: {  	[sflag:s17] =	ssyncset.done $0x0  }
0x22: {  	[sflag:s17] =	ssyncadd.s32 $0xFFFFF800  }
0x23: {  	[spmem:s7] =	stream.linear.scatter [tilespmem:s16], [sflag:$0x3], $0x800, $0x38;
	[tilespmem:$0x3880] =	vst v63  }
0x24: {  	_ =	swait.ge [sflag:s17], $0x800  }
0x25: {  	[sflag:s17] =	ssyncset.done $0x0  }
0x26: {  	[sflag:s17] =	ssyncadd.s32 $0xFFFFF800  }
0x27: {  	[spmem:s8] =	stream.linear.scatter [tilespmem:s16], [sflag:$0x3], $0x800, $0x38;
	[tilespmem:$0x3880] =	vst v63  }
0x28: {  	_ =	swait.ge [sflag:s17], $0x800  }
0x29: {  	[sflag:s17] =	ssyncset.done $0x0  }
0x2a: {  	[sflag:s17] =	ssyncadd.s32 $0xFFFFF800  }
0x2b: {  	[spmem:s9] =	stream.linear.scatter [tilespmem:s16], [sflag:$0x3], $0x780, $0x38;
	[tilespmem:$0x3880] =	vst v63  }
0x2c: {  	_ =	swait.ge [sflag:s17], $0x780  }
0x2d: {  	[sflag:s17] =	ssyncset.done $0x0  }
0x2e: {  	[sflag:s17] =	ssyncadd.s32 $0xFFFFF880  }
0x2f: {  	[bflag:$0x0] =	sbarrier.arrive $0xFFFF  }
0x30: {  	[tilespmem:s18], [sflag:$0x3] =	stream.linear.gather [hbm4b:s10+s3], $0x80, $0x38;
	[tilespmem:$0x3880] =	vst v63  }
0x31: {  	_ =	swait.ge [sflag:s17], $0x80  }
0x32: {  	[sflag:s17] =	ssyncset.done $0x0  }
0x33: {  	s24 =	sadd.s32 $0x10, s14;
	[sflag:s17] =	ssyncadd.s32 $0xFFFFFF80  }
0x34: {  	[tilespmem:s19], [sflag:$0x3] =	stream.linear.gather [hbm4b:s24+s3], $0x80, $0x38;
	[tilespmem:$0x3880] =	vst v63  }
0x35: {  	_ =	swait.ge [sflag:s17], $0x80  }
0x36: {  	[sflag:s17] =	ssyncset.done $0x0  }
0x37: {  	[sflag:s17] =	ssyncadd.s32 $0xFFFFFF80  }
0x38: {  	[spmem:s1] =	stream.indirect.scatter.add.s16 [tilespmem:s3], [sflag:$0x1], $0x10, s18, s20, $0xb8;
	[tilespmem:$0x3880] =	vst v63  }
0x39: {  	_ = 	snop  }
0x3a: {  	[spmem:s1] =	stream.indirect.scatter.add.s16 [tilespmem:s3], [sflag:$0x2], $0x10, s19, s20, $0xb8;
	[tilespmem:$0x3880] =	vst v63  }
0x3b: {  	_ =	swait.ge [sflag:s21], $0x800  }
0x3c: {  	s31 =	sshrl.u32 s15, $0x3;
	[sflag:s21] =	ssyncset.done $0x0  }
0x3d: {  	s24 =	sadd.s32 s4, s31;
	[sflag:s21] =	ssyncadd.s32 $0xFFFFF800  }
0x3e: {  	[tilespmem:s18], [sflag:$0x3] =	stream.linear.gather [hbm4b:s24+s3], $0x80, $0x38;
	[tilespmem:$0x3880] =	vst v63  }
0x3f: {  	_ =	swait.ge [sflag:s17], $0x80  }
0x40: {  	[sflag:s17] =	ssyncset.done $0x0  }
0x41: {  	[sflag:s17] =	ssyncadd.s32 $0xFFFFFF80  }
0x42: {  	s25 =	simm.s32 $0x30;
	_ =	swait.ge [sflag:s22], $0x800  }
0x43: {  	s26 =	simm.s32 $0x50;
	s24 =	sadd.s32 $0x100, s15;
	[sflag:s22] =	ssyncset.done $0x0  }
.LBB2_4:
0x44: {  	s28 =	sadd.s32 s25, s14  }
0x45: {  	[sflag:s22] =	ssyncadd.s32 $0xFFFFF800;
	s25 =	smov.u32 s26;
	s29 =	sadd.s32 $0x20, s26  }
0x46: {  	[tilespmem:s19], [sflag:$0x3] =	stream.linear.gather [hbm4b:s28+s3], $0x80, $0x38;
	[tilespmem:$0x3880] =	vst v63  }
0x47: {  	p0 =	sne.s32 s26, $0x4F0;
	_ =	swait.ge [sflag:s17], $0x80  }
0x48: {  	[sflag:s17] =	ssyncset.done $0x0  }
0x49: {  	[sflag:s17] =	ssyncadd.s32 $0xFFFFFF80  }
0x4a: {  	[spmem:s1] =	stream.indirect.scatter.add.s16 [tilespmem:s3], [sflag:$0x1], $0x10, s18, s20, $0xb8;
	[tilespmem:$0x3880] =	vst v63  }
0x4b: {  	_ = 	snop  }
0x4c: {  	[spmem:s1] =	stream.indirect.scatter.add.s16 [tilespmem:s3], [sflag:$0x2], $0x10, s19, s20, $0xb8;
	[tilespmem:$0x3880] =	vst v63  }
0x4d: {  	_ =	swait.ge [sflag:s21], $0x800  }
0x4e: {  	s26 =	sshrl.u32 s24, $0x3;
	[sflag:s21] =	ssyncset.done $0x0  }
0x4f: {  	s26 =	sadd.s32 s4, s26;
	[sflag:s21] =	ssyncadd.s32 $0xFFFFF800  }
0x50: {  	[tilespmem:s18], [sflag:$0x3] =	stream.linear.gather [hbm4b:s26+s3], $0x80, $0x38;
	[tilespmem:$0x3880] =	vst v63  }
.Ltmp1:
0x51: {  	_ =	swait.ge [sflag:s17], $0x80;
	(pc) =	sbr.rel @p0 .LBB2_4-.Ltmp1, $4  }
0x52: {  	[sflag:s17] =	ssyncset.done $0x0  }
0x53: {  	[sflag:s17] =	ssyncadd.s32 $0xFFFFFF80  }
0x54: {  	_ =	swait.ge [sflag:s22], $0x800  }
0x55: {  	s24 =	sadd.s32 $0x100, s24;
	s26 =	smov.u32 s29;
	[sflag:s22] =	ssyncset.done $0x0  }
0x56: {  	s25 =	sadd.s32 s25, s14;
	[sflag:s22] =	ssyncadd.s32 $0xFFFFF800  }
0x57: {  	[tilespmem:s19], [sflag:$0x3] =	stream.linear.gather [hbm4b:s25+s3], $0x80, $0x38;
	[tilespmem:$0x3880] =	vst v63  }
0x58: {  	_ =	swait.ge [sflag:s17], $0x80  }
0x59: {  	[sflag:s17] =	ssyncset.done $0x0  }
0x5a: {  	[sflag:s17] =	ssyncadd.s32 $0xFFFFFF80  }
0x5b: {  	[spmem:s1] =	stream.indirect.scatter.add.s16 [tilespmem:s3], [sflag:$0x1], $0x10, s18, s20, $0xb8;
	[tilespmem:$0x3880] =	vst v63  }
0x5c: {  	_ = 	snop  }
0x5d: {  	[spmem:s1] =	stream.indirect.scatter.add.s16 [tilespmem:s3], [sflag:$0x2], $0x10, s19, s20, $0xb8;
	[tilespmem:$0x3880] =	vst v63  }
0x5e: {  	_ =	swait.ge [sflag:s21], $0x800  }
0x5f: {  	s24 =	sshrl.u32 s24, $0x3;
	[sflag:s21] =	ssyncset.done $0x0  }
0x60: {  	s24 =	sadd.s32 s4, s24;
	[sflag:s21] =	ssyncadd.s32 $0xFFFFF800  }
0x61: {  	[tilespmem:s18], [sflag:$0x3] =	stream.linear.gather [hbm4b:s24+s3], $0x80, $0x38;
	[tilespmem:$0x3880] =	vst v63  }
0x62: {  	_ =	swait.ge [sflag:s17], $0x80  }
0x63: {  	[sflag:s17] =	ssyncset.done $0x0  }
0x64: {  	[sflag:s17] =	ssyncadd.s32 $0xFFFFFF80  }
0x65: {  	_ =	swait.ge [sflag:s22], $0x800  }
0x66: {  	[sflag:s22] =	ssyncset.done $0x0  }
0x67: {  	[sflag:s22] =	ssyncadd.s32 $0xFFFFF800  }
0x68: {  	[tilespmem:s19], [sflag:$0x3] =	stream.linear.gather [hbm4b:s13+s3], $0x80, $0x38;
	[tilespmem:$0x3880] =	vst v63  }
0x69: {  	_ =	swait.ge [sflag:s17], $0x80  }
0x6a: {  	[sflag:s17] =	ssyncset.done $0x0  }
0x6b: {  	[sflag:s17] =	ssyncadd.s32 $0xFFFFFF80  }
0x6c: {  	[spmem:s1] =	stream.indirect.scatter.add.s16 [tilespmem:s3], [sflag:$0x1], $0x10, s18, s20, $0xb8;
	[tilespmem:$0x3880] =	vst v63  }
0x6d: {  	_ = 	snop  }
0x6e: {  	[spmem:s1] =	stream.indirect.scatter.add.s16 [tilespmem:s3], [sflag:$0x2], $0x10, s19, s20, $0xb8;
	[tilespmem:$0x3880] =	vst v63  }
0x6f: {  	_ =	swait.ge [sflag:s21], $0x800  }
0x70: {  	[sflag:s21] =	ssyncset.done $0x0  }
0x71: {  	[sflag:s21] =	ssyncadd.s32 $0xFFFFF800  }
0x72: {  	_ =	swait.ge [sflag:s22], $0x800  }
0x73: {  	s30 =	sshll.u32 s2, $0x6;
	s23 =	sadd.s32 $0x1, s23;
	[sflag:s22] =	ssyncset.done $0x0  }
0x74: {  	s31 =	sshrl.u32 s5, $0x3;
	p0 =	sne.s32 s23, s12;
	[sflag:s22] =	ssyncadd.s32 $0xFFFFF800  }
.Ltmp2:
0x75: {  	s24 =	sor.u32 $0x1C03, s30;
	[bflag:$0x0] =	sbarrier.arrive $0xFFFF;
	(pc) =	sbr.rel @p0 .LBB2_1-.Ltmp2, $4  }
0x76: {  	[hbm:s11], [sflag:s24] =	dma.local [spmem:s31], $0x4F0  }
0x77: {  	_ =	swait.ge [sflag:s17], $0x4F0  }
0x78: {  	[sflag:s17] =	ssyncset.done $0x0  }
0x79: {  	[sflag:s17] =	ssyncadd.s32 $0xFFFFFB10  }
0x7a: {  	_ =	sfence.sel $0x180000  }
0x7b: {  	[bflag:$0x0] =	sbarrier.arrive $0xFFFF  }
0x7c: {  	p0 =	sne.s32 s2, $0x0;
	_ =	strace $0x90000047  }
0x7d: {  	s0 =	sadd.s32 @!p0 $0x100000, s0;
	[bflag:$0x2] =	sbarrier.arrive $0xFFFF  }
0x7e: {  	[sflag:s0] =	ssyncadd.tile.s32 @!p0 $0x1;
	_ =	shalt  }
.Lfunc_end2:
_tile_overlayer_lowered:
.L_overlay_start_2:
0x7f: {  	(tag) =	ssettag $0x2  }
0x80: {  	s0 =	rddreg [dreg:$0x0];
	s2 =	stileid.u32  }
0x81: {  	s1 =	rddreg [dreg:$0x1];
	p0 =	sne.s32 s2, $0x0  }
0x82: {  	s3 =	rddreg [dreg:$0x2];
	[bflag:$0x3] =	sbarrier.arrive $0xFFFF;
	s2 =	simm.s32 @!p0 $0x1C03  }
0x83: {  	[timem:s3], [sflag:s2] =	dma.local @!p0 [hbm:s0], s1  }
0x84: {  	s0 =	simm.s32 @!p0 $0x3  }
0x85: {  	_ =	swait.ge @!p0 [sflag:s0], s1  }
0x86: {  	s1 =	ssub.s32 @!p0 $0x0, s1;
	[sflag:s0] =	ssyncset.done @!p0 $0x0  }
0x87: {  	[sflag:s0] =	ssyncadd.s32 @!p0 s1  }
0x88: {  	[bflag:$0x3] =	sbarrier.arrive $0xFFFF  }
0x89: {  	_ =	shalt  }

</sc_bundles>
